<compile_context>
chip_gen: v7x
topology: tpu7x:2x2x1
jax: 0.10.2.dev20260603
libtpu: 0.0.44.dev20260713+nightly
codegen_flags: <defaults>
</compile_context>

<pallas_src>
import functools

import jax
import jax.numpy as jnp
from jax import lax
from jax.experimental import pallas as pl
from jax.experimental.pallas import tpu as pltpu
from jax.experimental.pallas import tpu_sc as plsc

NC = 2
NS = 16
NW = NC * NS
LANES = 16

BCH = 8
CHUNK = 256
SUB = 128
KSUB = CHUNK // SUB


def _prep_body(p_ref, q_ref, sig_ref, stab_ref, dtab_ref):
    p = p_ref[...]
    q = q_ref[...]
    sig = sig_ref[...]
    inv = 1.0 / (sig * sig)
    pn = jnp.sum(p * p, axis=1, keepdims=True)
    qn = jnp.sum(q * q, axis=1, keepdims=True)
    z1 = jnp.zeros_like(sig)
    z3 = jnp.zeros_like(p)
    stab_ref[...] = jnp.concatenate([2.0 * inv * p, -pn * inv, -inv, z3],
                                    axis=1)
    dtab_ref[...] = jnp.concatenate([q, z1, qn, z3], axis=1)


def _edge_body(ew, hslot, acc_per_tile, dump,
               stab, xat, dtab, edge_hbm, out_hbm,
               sidx, didx, srows0, xrows0, drows0, contrib0,
               srows1, xrows1, drows1, contrib1,
               acc, gsem0, gsem1, ssem0, ssem1):
    c = lax.axis_index("c")
    s = lax.axis_index("s")
    wid = s * NC + c

    zvec = jnp.zeros((LANES,), jnp.float32)
    ziota = lax.iota(jnp.int32, LANES)
    zrows = ziota // BCH
    zcols = ziota % BCH

    def zbody(r, _):
        plsc.store_scatter(contrib0, [zrows + 2 * r, zcols], zvec)
        return 0

    lax.fori_loop(0, CHUNK * BCH // LANES, zbody, 0)
    abase = s * acc_per_tile
    nfull = acc_per_tile // CHUNK
    for r in range(nfull):
        pltpu.sync_copy(contrib0.at[pl.ds(0, CHUNK)],
                        acc.at[pl.ds(abase + r * CHUNK, CHUNK)])
    rem = acc_per_tile - nfull * CHUNK
    if rem:
        pltpu.sync_copy(contrib0.at[pl.ds(0, rem)],
                        acc.at[pl.ds(abase + nfull * CHUNK, rem)])
    plsc.subcore_barrier()

    bufs = ((srows0, xrows0, drows0, contrib0, gsem0, ssem0),
            (srows1, xrows1, drows1, contrib1, gsem1, ssem1))

    def goff(k, j):
        return pl.multiple_of(k * CHUNK + j * SUB, SUB)

    def fire_gathers(k, b):
        srows, xrows, drows, gsem = b[0], b[1], b[2], b[4]
        for j in range(KSUB):
            si = sidx.at[pl.ds(goff(k, j), SUB)]
            pltpu.async_copy(stab.at[si], srows.at[pl.ds(j * SUB, SUB)], gsem)
            pltpu.async_copy(xat.at[si], xrows.at[pl.ds(j * SUB, SUB)], gsem)
            pltpu.async_copy(dtab.at[didx.at[pl.ds(goff(k, j), SUB)]],
                             drows.at[pl.ds(j * SUB, SUB)], gsem)

    def drain_gathers(k, b):
        srows, xrows, drows, gsem = b[0], b[1], b[2], b[4]
        for j in range(KSUB):
            si = sidx.at[pl.ds(goff(k, j), SUB)]
            pltpu.make_async_copy(stab.at[si],
                                  srows.at[pl.ds(j * SUB, SUB)], gsem).wait()
            pltpu.make_async_copy(xat.at[si],
                                  xrows.at[pl.ds(j * SUB, SUB)], gsem).wait()
            pltpu.make_async_copy(dtab.at[didx.at[pl.ds(goff(k, j), SUB)]],
                                  drows.at[pl.ds(j * SUB, SUB)], gsem).wait()

    def compute(b):
        srows, xrows, drows, contrib = b[0], b[1], b[2], b[3]

        unroll = 2

        def cbody(i, _):
            prods = []
            for u in range(unroll):
                rows = lax.iota(jnp.int32, LANES) + (i * unroll + u) * LANES

                def gs(col, rows=rows):
                    return plsc.load_gather(
                        srows, [rows, jnp.full((LANES,), col, jnp.int32)])

                def gx(col, rows=rows):
                    return plsc.load_gather(
                        xrows, [rows, jnp.full((LANES,), col, jnp.int32)])

                def gd(col, rows=rows):
                    return plsc.load_gather(
                        drows, [rows, jnp.full((LANES,), col, jnp.int32)])

                y = ((gs(0) * gd(0) + gs(1) * gd(1))
                     + (gs(2) * gd(2) + gs(3))
                     + gs(4) * gd(4))
                w = jnp.exp(y)
                prods.append((rows, [w * gx(b_) for b_ in range(BCH)]))
            for rows, vals in prods:
                for b_ in range(BCH):
                    plsc.store_scatter(
                        contrib, [rows, jnp.full((LANES,), b_, jnp.int32)],
                        vals[b_])
            return 0

        lax.fori_loop(0, CHUNK // (LANES * unroll), cbody, 0)

    def fire_scatters(k, b):
        contrib, ssem = b[3], b[5]
        for j in range(KSUB):
            pltpu.async_copy(contrib.at[pl.ds(j * SUB, SUB)],
                             acc.at[didx.at[pl.ds(goff(k, j), SUB)]],
                             ssem, add=True)

    def drain_scatters(k, b):
        contrib, ssem = b[3], b[5]
        for j in range(KSUB):
            pltpu.make_async_copy(contrib.at[pl.ds(j * SUB, SUB)],
                                  acc.at[didx.at[pl.ds(goff(k, j), SUB)]],
                                  ssem).wait()

    nchunk_h = hslot // CHUNK

    def phase(t, k, this_b, other_b):
        @pl.when(k + 1 < nchunk_h)
        def _():
            fire_gathers(k + 1, other_b)
        drain_gathers(k, this_b)

        @pl.when(t >= 1)
        def _():
            drain_scatters(k, this_b)
        compute(this_b)
        fire_scatters(k, this_b)

    for h in range(2):
        start = wid * ew + h * hslot
        real_n = min(hslot, ew - h * hslot)
        pltpu.sync_copy(edge_hbm.at[1, pl.ds(start, real_n)],
                        sidx.at[pl.ds(0, real_n)])
        pltpu.sync_copy(edge_hbm.at[0, pl.ds(start, real_n)],
                        didx.at[pl.ds(0, real_n)])
        for t_ in range((hslot - real_n) // LANES):
            off = real_n + t_ * LANES
            sidx[pl.ds(off, LANES)] = jnp.zeros((LANES,), jnp.int32)
            didx[pl.ds(off, LANES)] = jnp.full((LANES,), dump, jnp.int32)
        fire_gathers(0, bufs[0])

        def body(t, carry):
            phase(t, 2 * t, bufs[0], bufs[1])
            phase(t, 2 * t + 1, bufs[1], bufs[0])
            return carry

        lax.fori_loop(0, nchunk_h // 2, body, 0)
        drain_scatters(0, bufs[0])
        drain_scatters(0, bufs[1])

    plsc.subcore_barrier()
    pltpu.sync_copy(acc.at[pl.ds(s * acc_per_tile, acc_per_tile)],
                    out_hbm.at[c].at[pl.ds(s * acc_per_tile, acc_per_tile)])


def _merge_body(part_ref, out_ref):
    out_ref[...] = part_ref[0] + part_ref[1]


def kernel(x, inp_positions, out_positions, alpha, sigma, edge_list):
    n_in = inp_positions.shape[0]
    n_out = out_positions.shape[0]
    e = edge_list.shape[1]
    assert n_out == n_in

    xat = (alpha * x).T
    cn = 2000
    assert n_in % cn == 0
    grid = n_in // cn
    stab, dtab = pl.pallas_call(
        _prep_body,
        grid=(grid,),
        in_specs=[
            pl.BlockSpec((cn, 3), lambda i: (i, 0)),
            pl.BlockSpec((cn, 3), lambda i: (i, 0)),
            pl.BlockSpec((cn, 1), lambda i: (i, 0)),
        ],
        out_specs=[
            pl.BlockSpec((cn, BCH), lambda i: (i, 0)),
            pl.BlockSpec((cn, BCH), lambda i: (i, 0)),
        ],
        out_shape=[
            jax.ShapeDtypeStruct((n_in, BCH), jnp.float32),
            jax.ShapeDtypeStruct((n_in, BCH), jnp.float32),
        ],
    )(inp_positions, out_positions, sigma.reshape(n_in, 1))

    ew = e // NW
    assert ew * NW == e and ew % 8 == 0
    hslot = -(-ew // (2 * 2 * CHUNK)) * (2 * CHUNK)
    assert (hslot - min(hslot, ew - hslot)) % LANES == 0

    n_pad = -(-n_out // 128) * 128
    acc_per_tile = n_pad // NS
    dump = n_out

    mesh = plsc.VectorSubcoreMesh(core_axis_name="c", subcore_axis_name="s",
                                  num_cores=NC, num_subcores=NS)
    part = pl.kernel(
        functools.partial(_edge_body, ew, hslot, acc_per_tile, dump),
        out_type=jax.ShapeDtypeStruct((NC, n_pad, BCH), jnp.float32),
        mesh=mesh,
        compiler_params=pltpu.CompilerParams(needs_layout_passes=False,
                                             use_tc_tiling_on_sc=False),
        scratch_types=(
            [pltpu.VMEM((hslot,), jnp.int32),
             pltpu.VMEM((hslot,), jnp.int32)]
            + [pltpu.VMEM((CHUNK, BCH), jnp.float32)] * 8
            + [pltpu.VMEM_SHARED((n_pad, BCH), jnp.float32),
               pltpu.SemaphoreType.DMA, pltpu.SemaphoreType.DMA,
               pltpu.SemaphoreType.DMA, pltpu.SemaphoreType.DMA]),
    )(stab, xat, dtab, edge_list)

    cm = 2000
    merged = pl.pallas_call(
        _merge_body,
        grid=(n_out // cm,),
        in_specs=[pl.BlockSpec((NC, cm, BCH), lambda i: (0, i, 0))],
        out_specs=pl.BlockSpec((cm, BCH), lambda i: (i, 0)),
        out_shape=jax.ShapeDtypeStruct((n_out, BCH), jnp.float32),
    )(part)
    return merged.T

# --- scband reference (transcript-rebuilt; emitter-appended) ---
"""Pipeline reference for scband-continous-convolution-74929999446194 (READ-ONLY COPY).

The authoritative reference and input builder live on the scoring server;
editing this copy changes nothing except your own understanding.
"""

import jax, jax.numpy as jnp
import numpy as np

B = 8
N_IN = 50000
N_OUT = 50000
E = 1600000


def setup_inputs(seed: int = 0) -> dict:
    key = jax.random.key(seed)
    k1, k2, k3, k4, k5 = jax.random.split(key, 5)
    x = jax.random.normal(k1, (B, N_IN), dtype=jnp.float32)
    inp_positions = jax.random.uniform(k2, (N_IN, 3), dtype=jnp.float32)
    out_positions = jax.random.uniform(k3, (N_OUT, 3), dtype=jnp.float32)
    # xavier_uniform for alpha of shape (1, N_IN): bound = sqrt(6/(fan_in+fan_out)) = sqrt(6/(1+N_IN))
    bound = float(np.sqrt(6.0 / (1.0 + N_IN)))
    alpha = jax.random.uniform(k4, (1, N_IN), minval=-bound, maxval=bound, dtype=jnp.float32)
    sigma = jnp.ones((N_IN,), dtype=jnp.float32)
    edge_list = jax.random.randint(k5, (2, E), 0, N_IN, dtype=jnp.int32)
    return {
        "x": x,
        "inp_positions": inp_positions,
        "out_positions": out_positions,
        "alpha": alpha,
        "sigma": sigma,
        "edge_list": edge_list,
    }


def reference(x, inp_positions, out_positions, alpha, sigma, edge_list):
    dst = edge_list[0]  # indices into out_positions (rows of sparse matrix)
    src = edge_list[1]  # indices into inp_positions (cols of sparse matrix)
    # y = inp_positions[src] - out_positions[dst]
    diff = jnp.take(inp_positions, src, axis=0) - jnp.take(out_positions, dst, axis=0)
    # -||diff||^2
    y = -jnp.sum(diff * diff, axis=1)
    # / sigma[src]^2
    y = y / (jnp.take(sigma, src) ** 2)
    w = jnp.exp(y)  # [E] sparse matrix values
    # spmm(list, w, N_OUT, N_IN, (alpha*x).reshape(-1, N_IN, 1)).reshape(-1, N_OUT)
    xa = alpha * x  # [B, N_IN]
    gathered = jnp.take(xa, src, axis=1) * w[None, :]  # [B, E]
    out = jax.ops.segment_sum(gathered.T, dst, num_segments=N_OUT).T  # [B, N_OUT]
    return out

if __name__ == "__main__":
    import jax
    _d = setup_inputs()
    print(jax.jit(kernel)(*tuple(_d.values())))

</pallas_src>

<mosaic_0001>
#map = affine_map<(d0, d1) -> (0, 0)>
#map1 = affine_map<(d0, d1) -> (0, 0, 0)>
module attributes {stable_mosaic.version = 14 : i64} {
  func.func @_edge_body(%arg0: i32, %arg1: i32, %arg2: memref<50000x8xf32, #tpu.memory_space<hbm>>, %arg3: memref<50000x8xf32, #tpu.memory_space<hbm>>, %arg4: memref<50000x8xf32, #tpu.memory_space<hbm>>, %arg5: memref<2x1600000xi32, #tpu.memory_space<hbm>>, %arg6: memref<2x50048x8xf32, #tpu.memory_space<hbm>>, %arg7: memref<25088xi32, #tpu.memory_space<vmem>>, %arg8: memref<25088xi32, #tpu.memory_space<vmem>>, %arg9: memref<256x8xf32, #tpu.memory_space<vmem>>, %arg10: memref<256x8xf32, #tpu.memory_space<vmem>>, %arg11: memref<256x8xf32, #tpu.memory_space<vmem>>, %arg12: memref<256x8xf32, #tpu.memory_space<vmem>>, %arg13: memref<256x8xf32, #tpu.memory_space<vmem>>, %arg14: memref<256x8xf32, #tpu.memory_space<vmem>>, %arg15: memref<256x8xf32, #tpu.memory_space<vmem>>, %arg16: memref<256x8xf32, #tpu.memory_space<vmem>>, %arg17: memref<50048x8xf32, #tpu.memory_space<vmem_shared>>, %arg18: memref<!tpu.dma_semaphore, #tpu.memory_space<semaphore_mem>>, %arg19: memref<!tpu.dma_semaphore, #tpu.memory_space<semaphore_mem>>, %arg20: memref<!tpu.dma_semaphore, #tpu.memory_space<semaphore_mem>>, %arg21: memref<!tpu.dma_semaphore, #tpu.memory_space<semaphore_mem>>) attributes {dimension_semantics = [#tpu.dimension_semantics<core_parallel>, #tpu.dimension_semantics<subcore_parallel>], iteration_bounds = array<i64: 2, 16>, scalar_prefetch = 0 : i64, scratch_operands = 15 : i64, tpu.core_type = #tpu.core_type<sc_vector_subcore>, window_params = [{transform_indices = #map}, {transform_indices = #map}, {transform_indices = #map}, {transform_indices = #map}, {transform_indices = #map1}]} {
    %mul3A = arith.constant 2 : i32
    %mul3A_0 = arith.muli %arg1, %mul3A : i32
    %add3A = arith.addi %mul3A_0, %arg0 : i32
    %broadcast_in_dim3A = arith.constant 0.000000e+00 : f32
    %broadcast_in_dim3A_1 = vector.broadcast %broadcast_in_dim3A : f32 to vector<16xf32>
    %iota3A = tpu.iota {dimensions = array<i32: 0>} : vector<16xi32>
    %jit3A = arith.constant 8 : i32
    %div3A = vector.broadcast %jit3A : i32 to vector<16xi32>
    %div3A_2 = arith.divsi %iota3A, %div3A : vector<16xi32>
    %sign3A = arith.constant 0 : i32
    %sign3A_3 = vector.broadcast %sign3A : i32 to vector<16xi32>
    %sign3A_4 = arith.cmpi sgt, %iota3A, %sign3A_3 : vector<16xi32>
    %sign3A_5 = arith.extui %sign3A_4 : vector<16xi1> to vector<16xi32>
    %sign3A_6 = arith.constant 0 : i32
    %sign3A_7 = vector.broadcast %sign3A_6 : i32 to vector<16xi32>
    %sign3A_8 = arith.cmpi slt, %iota3A, %sign3A_7 : vector<16xi32>
    %sign3A_9 = arith.extui %sign3A_8 : vector<16xi1> to vector<16xi32>
    %sign3A_10 = arith.subi %sign3A_5, %sign3A_9 : vector<16xi32>
    %sign3A_11 = arith.constant 0 : i32
    %sign3A_12 = arith.cmpi sgt, %jit3A, %sign3A_11 : i32
    %sign3A_13 = arith.extui %sign3A_12 : i1 to i32
    %sign3A_14 = arith.constant 0 : i32
    %sign3A_15 = arith.cmpi slt, %jit3A, %sign3A_14 : i32
    %sign3A_16 = arith.extui %sign3A_15 : i1 to i32
    %sign3A_17 = arith.subi %sign3A_13, %sign3A_16 : i32
    %ne3A = vector.broadcast %sign3A_17 : i32 to vector<16xi32>
    %ne3A_18 = arith.cmpi ne, %sign3A_10, %ne3A : vector<16xi32>
    %rem3A = vector.broadcast %jit3A : i32 to vector<16xi32>
    %rem3A_19 = arith.remsi %iota3A, %rem3A : vector<16xi32>
    %ne3A_20 = arith.constant 0 : i32
    %ne3A_21 = vector.broadcast %ne3A_20 : i32 to vector<16xi32>
    %ne3A_22 = arith.cmpi ne, %rem3A_19, %ne3A_21 : vector<16xi32>
    %and3A = arith.andi %ne3A_18, %ne3A_22 : vector<16xi1>
    %sub3A = arith.constant 1 : i32
    %sub3A_23 = vector.broadcast %sub3A : i32 to vector<16xi32>
    %sub3A_24 = arith.subi %div3A_2, %sub3A_23 : vector<16xi32>
    %select_n3A = arith.select %and3A, %sub3A_24, %div3A_2 : vector<16xi1>, vector<16xi32>
    %jit3A_25 = arith.constant 8 : i32
    %eq3A = arith.constant 0 : i32
    %eq3A_26 = arith.cmpi eq, %jit3A_25, %eq3A : i32
    %jit3A_27 = arith.constant 1 : i32
    %select_n3A_28 = arith.select %eq3A_26, %jit3A_27, %jit3A_25 : i32
    %rem3A_29 = vector.broadcast %select_n3A_28 : i32 to vector<16xi32>
    %rem3A_30 = arith.remsi %iota3A, %rem3A_29 : vector<16xi32>
    %ne3A_31 = arith.constant 0 : i32
    %ne3A_32 = vector.broadcast %ne3A_31 : i32 to vector<16xi32>
    %ne3A_33 = arith.cmpi ne, %rem3A_30, %ne3A_32 : vector<16xi32>
    %lt3A = arith.constant 0 : i32
    %lt3A_34 = vector.broadcast %lt3A : i32 to vector<16xi32>
    %lt3A_35 = arith.cmpi slt, %rem3A_30, %lt3A_34 : vector<16xi32>
    %lt3A_36 = arith.constant 0 : i32
    %lt3A_37 = arith.cmpi slt, %select_n3A_28, %lt3A_36 : i32
    %ne3A_38 = vector.broadcast %lt3A_37 : i1 to vector<16xi1>
    %ne3A_39 = vector.broadcast %ne3A_38 : vector<16xi1> to vector<16xi1>
    %ne3A_40 = arith.xori %lt3A_35, %ne3A_39 : vector<16xi1>
    %and3A_41 = arith.andi %ne3A_40, %ne3A_33 : vector<16xi1>
    %add3A_42 = vector.broadcast %select_n3A_28 : i32 to vector<16xi32>
    %add3A_43 = arith.addi %rem3A_30, %add3A_42 : vector<16xi32>
    %select_n3A_44 = arith.select %and3A_41, %add3A_43, %rem3A_30 : vector<16xi1>, vector<16xi32>
    %scan3A = arith.constant 0 : i32
    %scan3A_45 = arith.constant 0 : i32
    %scan3A_46 = arith.constant 128 : i32
    %scan3A_47 = arith.addi %scan3A_45, %scan3A_46 : i32
    %scan3A_48 = arith.constant 1 : i32
    %scan3A_49 = scf.for %scan3A_363 = %scan3A_45 to %scan3A_47 step %scan3A_48 iter_args(%scan3A_364 = %scan3A) -> (i32)  : i32 {
      %mul3A_365 = arith.constant 2 : i32
      %mul3A_366 = arith.muli %mul3A_365, %scan3A_363 : i32
      %add3A_367 = vector.broadcast %mul3A_366 : i32 to vector<16xi32>
      %add3A_368 = arith.addi %select_n3A, %add3A_367 : vector<16xi32>
      tpu.vector_store_idx %arg12[%add3A_368, %select_n3A_44], %broadcast_in_dim3A_1 : memref<256x8xf32, #tpu.memory_space<vmem>>[vector<16xi32>, vector<16xi32>], vector<16xf32>,
      %scan3A_369 = arith.constant 0 : i32
      scf.yield %scan3A_369 : i32
    }
    %scan3A_50 = arith.constant 128 : i32
    %mul3A_51 = arith.constant 3128 : i32
    %mul3A_52 = arith.muli %arg1, %mul3A_51 : i32
    %add3A_53 = arith.constant 0 : i32
    %add3A_54 = arith.addi %mul3A_52, %add3A_53 : i32
    "tpu.region"() ({
      %run_scoped3A_363 = tpu.sem_alloc : memref<!tpu.dma_semaphore, #tpu.memory_space<semaphore_mem>>
      %dma_start3A_364 = arith.constant 0 : i32
      %dma_start3A_365 = arith.constant 0 : i32
      %dma_start3A_366 = tpu.memref_slice %arg12[%dma_start3A_364, %dma_start3A_365] : memref<256x8xf32, #tpu.memory_space<vmem>> -> memref<256x8xf32, #tpu.memory_space<vmem>>
      %dma_start3A_367 = arith.constant 0 : i32
      %dma_start3A_368 = tpu.memref_slice %arg17[%add3A_54, %dma_start3A_367] : memref<50048x8xf32, #tpu.memory_space<vmem_shared>> -> memref<256x8xf32, #tpu.memory_space<vmem_shared>>
      %dma_start3A_369 = arith.constant 0 : i32
      %dma_start3A_370 = tpu.memref_slice %arg17[%add3A_54, %dma_start3A_369] : memref<50048x8xf32, #tpu.memory_space<vmem_shared>> -> memref<256x8xf32, #tpu.memory_space<vmem_shared>>
      %dma_start3A_371 = arith.constant 0 : i32
      %dma_start3A_372 = arith.constant 0 : i32
      %dma_start3A_373 = tpu.memref_slice %arg12[%dma_start3A_371, %dma_start3A_372] : memref<256x8xf32, #tpu.memory_space<vmem>> -> memref<256x8xf32, #tpu.memory_space<vmem>>
      tpu.enqueue_dma source(%dma_start3A_373 : memref<256x8xf32, #tpu.memory_space<vmem>>) target(%dma_start3A_370 : memref<256x8xf32, #tpu.memory_space<vmem_shared>>) target_semaphore(%run_scoped3A_363 : memref<!tpu.dma_semaphore, #tpu.memory_space<semaphore_mem>>)
      %dma_wait3A_374 = arith.constant 0 : i32
      %dma_wait3A_375 = arith.constant 0 : i32
      %dma_wait3A_376 = tpu.memref_slice %arg12[%dma_wait3A_374, %dma_wait3A_375] : memref<256x8xf32, #tpu.memory_space<vmem>> -> memref<256x8xf32, #tpu.memory_space<vmem>>
      %dma_wait3A_377 = arith.constant 0 : i32
      %dma_wait3A_378 = tpu.memref_slice %arg17[%add3A_54, %dma_wait3A_377] : memref<50048x8xf32, #tpu.memory_space<vmem_shared>> -> memref<256x8xf32, #tpu.memory_space<vmem_shared>>
      %dma_wait3A_379 = arith.constant 0 : i32
      %dma_wait3A_380 = tpu.memref_slice %arg17[%add3A_54, %dma_wait3A_379] : memref<50048x8xf32, #tpu.memory_space<vmem_shared>> -> memref<256x8xf32, #tpu.memory_space<vmem_shared>>
      %dma_wait3A_381 = arith.constant 0 : i32
      %dma_wait3A_382 = arith.constant 0 : i32
      %dma_wait3A_383 = tpu.memref_slice %arg12[%dma_wait3A_381, %dma_wait3A_382] : memref<256x8xf32, #tpu.memory_space<vmem>> -> memref<256x8xf32, #tpu.memory_space<vmem>>
      tpu.wait_dma2 semaphore(%run_scoped3A_363 : memref<!tpu.dma_semaphore, #tpu.memory_space<semaphore_mem>>) src(%dma_wait3A_383 : memref<256x8xf32, #tpu.memory_space<vmem>>) dst(%dma_wait3A_380 : memref<256x8xf32, #tpu.memory_space<vmem_shared>>)
      tpu.yield
    }) : () -> ()
    %add3A_55 = arith.constant 256 : i32
    %add3A_56 = arith.addi %mul3A_52, %add3A_55 : i32
    "tpu.region"() ({
      %run_scoped3A_363 = tpu.sem_alloc : memref<!tpu.dma_semaphore, #tpu.memory_space<semaphore_mem>>
      %dma_start3A_364 = arith.constant 0 : i32
      %dma_start3A_365 = arith.constant 0 : i32
      %dma_start3A_366 = tpu.memref_slice %arg12[%dma_start3A_364, %dma_start3A_365] : memref<256x8xf32, #tpu.memory_space<vmem>> -> memref<256x8xf32, #tpu.memory_space<vmem>>
      %dma_start3A_367 = arith.constant 0 : i32
      %dma_start3A_368 = tpu.memref_slice %arg17[%add3A_56, %dma_start3A_367] : memref<50048x8xf32, #tpu.memory_space<vmem_shared>> -> memref<256x8xf32, #tpu.memory_space<vmem_shared>>
      %dma_start3A_369 = arith.constant 0 : i32
      %dma_start3A_370 = tpu.memref_slice %arg17[%add3A_56, %dma_start3A_369] : memref<50048x8xf32, #tpu.memory_space<vmem_shared>> -> memref<256x8xf32, #tpu.memory_space<vmem_shared>>
      %dma_start3A_371 = arith.constant 0 : i32
      %dma_start3A_372 = arith.constant 0 : i32
      %dma_start3A_373 = tpu.memref_slice %arg12[%dma_start3A_371, %dma_start3A_372] : memref<256x8xf32, #tpu.memory_space<vmem>> -> memref<256x8xf32, #tpu.memory_space<vmem>>
      tpu.enqueue_dma source(%dma_start3A_373 : memref<256x8xf32, #tpu.memory_space<vmem>>) target(%dma_start3A_370 : memref<256x8xf32, #tpu.memory_space<vmem_shared>>) target_semaphore(%run_scoped3A_363 : memref<!tpu.dma_semaphore, #tpu.memory_space<semaphore_mem>>)
      %dma_wait3A_374 = arith.constant 0 : i32
      %dma_wait3A_375 = arith.constant 0 : i32
      %dma_wait3A_376 = tpu.memref_slice %arg12[%dma_wait3A_374, %dma_wait3A_375] : memref<256x8xf32, #tpu.memory_space<vmem>> -> memref<256x8xf32, #tpu.memory_space<vmem>>
      %dma_wait3A_377 = arith.constant 0 : i32
      %dma_wait3A_378 = tpu.memref_slice %arg17[%add3A_56, %dma_wait3A_377] : memref<50048x8xf32, #tpu.memory_space<vmem_shared>> -> memref<256x8xf32, #tpu.memory_space<vmem_shared>>
      %dma_wait3A_379 = arith.constant 0 : i32
      %dma_wait3A_380 = tpu.memref_slice %arg17[%add3A_56, %dma_wait3A_379] : memref<50048x8xf32, #tpu.memory_space<vmem_shared>> -> memref<256x8xf32, #tpu.memory_space<vmem_shared>>
      %dma_wait3A_381 = arith.constant 0 : i32
      %dma_wait3A_382 = arith.constant 0 : i32
      %dma_wait3A_383 = tpu.memref_slice %arg12[%dma_wait3A_381, %dma_wait3A_382] : memref<256x8xf32, #tpu.memory_space<vmem>> -> memref<256x8xf32, #tpu.memory_space<vmem>>
      tpu.wait_dma2 semaphore(%run_scoped3A_363 : memref<!tpu.dma_semaphore, #tpu.memory_space<semaphore_mem>>) src(%dma_wait3A_383 : memref<256x8xf32, #tpu.memory_space<vmem>>) dst(%dma_wait3A_380 : memref<256x8xf32, #tpu.memory_space<vmem_shared>>)
      tpu.yield
    }) : () -> ()
    %add3A_57 = arith.constant 512 : i32
    %add3A_58 = arith.addi %mul3A_52, %add3A_57 : i32
    "tpu.region"() ({
      %run_scoped3A_363 = tpu.sem_alloc : memref<!tpu.dma_semaphore, #tpu.memory_space<semaphore_mem>>
      %dma_start3A_364 = arith.constant 0 : i32
      %dma_start3A_365 = arith.constant 0 : i32
      %dma_start3A_366 = tpu.memref_slice %arg12[%dma_start3A_364, %dma_start3A_365] : memref<256x8xf32, #tpu.memory_space<vmem>> -> memref<256x8xf32, #tpu.memory_space<vmem>>
      %dma_start3A_367 = arith.constant 0 : i32
      %dma_start3A_368 = tpu.memref_slice %arg17[%add3A_58, %dma_start3A_367] : memref<50048x8xf32, #tpu.memory_space<vmem_shared>> -> memref<256x8xf32, #tpu.memory_space<vmem_shared>>
      %dma_start3A_369 = arith.constant 0 : i32
      %dma_start3A_370 = tpu.memref_slice %arg17[%add3A_58, %dma_start3A_369] : memref<50048x8xf32, #tpu.memory_space<vmem_shared>> -> memref<256x8xf32, #tpu.memory_space<vmem_shared>>
      %dma_start3A_371 = arith.constant 0 : i32
      %dma_start3A_372 = arith.constant 0 : i32
      %dma_start3A_373 = tpu.memref_slice %arg12[%dma_start3A_371, %dma_start3A_372] : memref<256x8xf32, #tpu.memory_space<vmem>> -> memref<256x8xf32, #tpu.memory_space<vmem>>
      tpu.enqueue_dma source(%dma_start3A_373 : memref<256x8xf32, #tpu.memory_space<vmem>>) target(%dma_start3A_370 : memref<256x8xf32, #tpu.memory_space<vmem_shared>>) target_semaphore(%run_scoped3A_363 : memref<!tpu.dma_semaphore, #tpu.memory_space<semaphore_mem>>)
      %dma_wait3A_374 = arith.constant 0 : i32
      %dma_wait3A_375 = arith.constant 0 : i32
      %dma_wait3A_376 = tpu.memref_slice %arg12[%dma_wait3A_374, %dma_wait3A_375] : memref<256x8xf32, #tpu.memory_space<vmem>> -> memref<256x8xf32, #tpu.memory_space<vmem>>
      %dma_wait3A_377 = arith.constant 0 : i32
      %dma_wait3A_378 = tpu.memref_slice %arg17[%add3A_58, %dma_wait3A_377] : memref<50048x8xf32, #tpu.memory_space<vmem_shared>> -> memref<256x8xf32, #tpu.memory_space<vmem_shared>>
      %dma_wait3A_379 = arith.constant 0 : i32
      %dma_wait3A_380 = tpu.memref_slice %arg17[%add3A_58, %dma_wait3A_379] : memref<50048x8xf32, #tpu.memory_space<vmem_shared>> -> memref<256x8xf32, #tpu.memory_space<vmem_shared>>
      %dma_wait3A_381 = arith.constant 0 : i32
      %dma_wait3A_382 = arith.constant 0 : i32
      %dma_wait3A_383 = tpu.memref_slice %arg12[%dma_wait3A_381, %dma_wait3A_382] : memref<256x8xf32, #tpu.memory_space<vmem>> -> memref<256x8xf32, #tpu.memory_space<vmem>>
      tpu.wait_dma2 semaphore(%run_scoped3A_363 : memref<!tpu.dma_semaphore, #tpu.memory_space<semaphore_mem>>) src(%dma_wait3A_383 : memref<256x8xf32, #tpu.memory_space<vmem>>) dst(%dma_wait3A_380 : memref<256x8xf32, #tpu.memory_space<vmem_shared>>)
      tpu.yield
    }) : () -> ()
    %add3A_59 = arith.constant 768 : i32
    %add3A_60 = arith.addi %mul3A_52, %add3A_59 : i32
    "tpu.region"() ({
      %run_scoped3A_363 = tpu.sem_alloc : memref<!tpu.dma_semaphore, #tpu.memory_space<semaphore_mem>>
      %dma_start3A_364 = arith.constant 0 : i32
      %dma_start3A_365 = arith.constant 0 : i32
      %dma_start3A_366 = tpu.memref_slice %arg12[%dma_start3A_364, %dma_start3A_365] : memref<256x8xf32, #tpu.memory_space<vmem>> -> memref<256x8xf32, #tpu.memory_space<vmem>>
      %dma_start3A_367 = arith.constant 0 : i32
      %dma_start3A_368 = tpu.memref_slice %arg17[%add3A_60, %dma_start3A_367] : memref<50048x8xf32, #tpu.memory_space<vmem_shared>> -> memref<256x8xf32, #tpu.memory_space<vmem_shared>>
      %dma_start3A_369 = arith.constant 0 : i32
      %dma_start3A_370 = tpu.memref_slice %arg17[%add3A_60, %dma_start3A_369] : memref<50048x8xf32, #tpu.memory_space<vmem_shared>> -> memref<256x8xf32, #tpu.memory_space<vmem_shared>>
      %dma_start3A_371 = arith.constant 0 : i32
      %dma_start3A_372 = arith.constant 0 : i32
      %dma_start3A_373 = tpu.memref_slice %arg12[%dma_start3A_371, %dma_start3A_372] : memref<256x8xf32, #tpu.memory_space<vmem>> -> memref<256x8xf32, #tpu.memory_space<vmem>>
      tpu.enqueue_dma source(%dma_start3A_373 : memref<256x8xf32, #tpu.memory_space<vmem>>) target(%dma_start3A_370 : memref<256x8xf32, #tpu.memory_space<vmem_shared>>) target_semaphore(%run_scoped3A_363 : memref<!tpu.dma_semaphore, #tpu.memory_space<semaphore_mem>>)
      %dma_wait3A_374 = arith.constant 0 : i32
      %dma_wait3A_375 = arith.constant 0 : i32
      %dma_wait3A_376 = tpu.memref_slice %arg12[%dma_wait3A_374, %dma_wait3A_375] : memref<256x8xf32, #tpu.memory_space<vmem>> -> memref<256x8xf32, #tpu.memory_space<vmem>>
      %dma_wait3A_377 = arith.constant 0 : i32
      %dma_wait3A_378 = tpu.memref_slice %arg17[%add3A_60, %dma_wait3A_377] : memref<50048x8xf32, #tpu.memory_space<vmem_shared>> -> memref<256x8xf32, #tpu.memory_space<vmem_shared>>
      %dma_wait3A_379 = arith.constant 0 : i32
      %dma_wait3A_380 = tpu.memref_slice %arg17[%add3A_60, %dma_wait3A_379] : memref<50048x8xf32, #tpu.memory_space<vmem_shared>> -> memref<256x8xf32, #tpu.memory_space<vmem_shared>>
      %dma_wait3A_381 = arith.constant 0 : i32
      %dma_wait3A_382 = arith.constant 0 : i32
      %dma_wait3A_383 = tpu.memref_slice %arg12[%dma_wait3A_381, %dma_wait3A_382] : memref<256x8xf32, #tpu.memory_space<vmem>> -> memref<256x8xf32, #tpu.memory_space<vmem>>
      tpu.wait_dma2 semaphore(%run_scoped3A_363 : memref<!tpu.dma_semaphore, #tpu.memory_space<semaphore_mem>>) src(%dma_wait3A_383 : memref<256x8xf32, #tpu.memory_space<vmem>>) dst(%dma_wait3A_380 : memref<256x8xf32, #tpu.memory_space<vmem_shared>>)
      tpu.yield
    }) : () -> ()
    %add3A_61 = arith.constant 1024 : i32
    %add3A_62 = arith.addi %mul3A_52, %add3A_61 : i32
    "tpu.region"() ({
      %run_scoped3A_363 = tpu.sem_alloc : memref<!tpu.dma_semaphore, #tpu.memory_space<semaphore_mem>>
      %dma_start3A_364 = arith.constant 0 : i32
      %dma_start3A_365 = arith.constant 0 : i32
      %dma_start3A_366 = tpu.memref_slice %arg12[%dma_start3A_364, %dma_start3A_365] : memref<256x8xf32, #tpu.memory_space<vmem>> -> memref<256x8xf32, #tpu.memory_space<vmem>>
      %dma_start3A_367 = arith.constant 0 : i32
      %dma_start3A_368 = tpu.memref_slice %arg17[%add3A_62, %dma_start3A_367] : memref<50048x8xf32, #tpu.memory_space<vmem_shared>> -> memref<256x8xf32, #tpu.memory_space<vmem_shared>>
      %dma_start3A_369 = arith.constant 0 : i32
      %dma_start3A_370 = tpu.memref_slice %arg17[%add3A_62, %dma_start3A_369] : memref<50048x8xf32, #tpu.memory_space<vmem_shared>> -> memref<256x8xf32, #tpu.memory_space<vmem_shared>>
      %dma_start3A_371 = arith.constant 0 : i32
      %dma_start3A_372 = arith.constant 0 : i32
      %dma_start3A_373 = tpu.memref_slice %arg12[%dma_start3A_371, %dma_start3A_372] : memref<256x8xf32, #tpu.memory_space<vmem>> -> memref<256x8xf32, #tpu.memory_space<vmem>>
      tpu.enqueue_dma source(%dma_start3A_373 : memref<256x8xf32, #tpu.memory_space<vmem>>) target(%dma_start3A_370 : memref<256x8xf32, #tpu.memory_space<vmem_shared>>) target_semaphore(%run_scoped3A_363 : memref<!tpu.dma_semaphore, #tpu.memory_space<semaphore_mem>>)
      %dma_wait3A_374 = arith.constant 0 : i32
      %dma_wait3A_375 = arith.constant 0 : i32
      %dma_wait3A_376 = tpu.memref_slice %arg12[%dma_wait3A_374, %dma_wait3A_375] : memref<256x8xf32, #tpu.memory_space<vmem>> -> memref<256x8xf32, #tpu.memory_space<vmem>>
      %dma_wait3A_377 = arith.constant 0 : i32
      %dma_wait3A_378 = tpu.memref_slice %arg17[%add3A_62, %dma_wait3A_377] : memref<50048x8xf32, #tpu.memory_space<vmem_shared>> -> memref<256x8xf32, #tpu.memory_space<vmem_shared>>
      %dma_wait3A_379 = arith.constant 0 : i32
      %dma_wait3A_380 = tpu.memref_slice %arg17[%add3A_62, %dma_wait3A_379] : memref<50048x8xf32, #tpu.memory_space<vmem_shared>> -> memref<256x8xf32, #tpu.memory_space<vmem_shared>>
      %dma_wait3A_381 = arith.constant 0 : i32
      %dma_wait3A_382 = arith.constant 0 : i32
      %dma_wait3A_383 = tpu.memref_slice %arg12[%dma_wait3A_381, %dma_wait3A_382] : memref<256x8xf32, #tpu.memory_space<vmem>> -> memref<256x8xf32, #tpu.memory_space<vmem>>
      tpu.wait_dma2 semaphore(%run_scoped3A_363 : memref<!tpu.dma_semaphore, #tpu.memory_space<semaphore_mem>>) src(%dma_wait3A_383 : memref<256x8xf32, #tpu.memory_space<vmem>>) dst(%dma_wait3A_380 : memref<256x8xf32, #tpu.memory_space<vmem_shared>>)
      tpu.yield
    }) : () -> ()
    %add3A_63 = arith.constant 1280 : i32
    %add3A_64 = arith.addi %mul3A_52, %add3A_63 : i32
    "tpu.region"() ({
      %run_scoped3A_363 = tpu.sem_alloc : memref<!tpu.dma_semaphore, #tpu.memory_space<semaphore_mem>>
      %dma_start3A_364 = arith.constant 0 : i32
      %dma_start3A_365 = arith.constant 0 : i32
      %dma_start3A_366 = tpu.memref_slice %arg12[%dma_start3A_364, %dma_start3A_365] : memref<256x8xf32, #tpu.memory_space<vmem>> -> memref<256x8xf32, #tpu.memory_space<vmem>>
      %dma_start3A_367 = arith.constant 0 : i32
      %dma_start3A_368 = tpu.memref_slice %arg17[%add3A_64, %dma_start3A_367] : memref<50048x8xf32, #tpu.memory_space<vmem_shared>> -> memref<256x8xf32, #tpu.memory_space<vmem_shared>>
      %dma_start3A_369 = arith.constant 0 : i32
      %dma_start3A_370 = tpu.memref_slice %arg17[%add3A_64, %dma_start3A_369] : memref<50048x8xf32, #tpu.memory_space<vmem_shared>> -> memref<256x8xf32, #tpu.memory_space<vmem_shared>>
      %dma_start3A_371 = arith.constant 0 : i32
      %dma_start3A_372 = arith.constant 0 : i32
      %dma_start3A_373 = tpu.memref_slice %arg12[%dma_start3A_371, %dma_start3A_372] : memref<256x8xf32, #tpu.memory_space<vmem>> -> memref<256x8xf32, #tpu.memory_space<vmem>>
      tpu.enqueue_dma source(%dma_start3A_373 : memref<256x8xf32, #tpu.memory_space<vmem>>) target(%dma_start3A_370 : memref<256x8xf32, #tpu.memory_space<vmem_shared>>) target_semaphore(%run_scoped3A_363 : memref<!tpu.dma_semaphore, #tpu.memory_space<semaphore_mem>>)
      %dma_wait3A_374 = arith.constant 0 : i32
      %dma_wait3A_375 = arith.constant 0 : i32
      %dma_wait3A_376 = tpu.memref_slice %arg12[%dma_wait3A_374, %dma_wait3A_375] : memref<256x8xf32, #tpu.memory_space<vmem>> -> memref<256x8xf32, #tpu.memory_space<vmem>>
      %dma_wait3A_377 = arith.constant 0 : i32
      %dma_wait3A_378 = tpu.memref_slice %arg17[%add3A_64, %dma_wait3A_377] : memref<50048x8xf32, #tpu.memory_space<vmem_shared>> -> memref<256x8xf32, #tpu.memory_space<vmem_shared>>
      %dma_wait3A_379 = arith.constant 0 : i32
      %dma_wait3A_380 = tpu.memref_slice %arg17[%add3A_64, %dma_wait3A_379] : memref<50048x8xf32, #tpu.memory_space<vmem_shared>> -> memref<256x8xf32, #tpu.memory_space<vmem_shared>>
      %dma_wait3A_381 = arith.constant 0 : i32
      %dma_wait3A_382 = arith.constant 0 : i32
      %dma_wait3A_383 = tpu.memref_slice %arg12[%dma_wait3A_381, %dma_wait3A_382] : memref<256x8xf32, #tpu.memory_space<vmem>> -> memref<256x8xf32, #tpu.memory_space<vmem>>
      tpu.wait_dma2 semaphore(%run_scoped3A_363 : memref<!tpu.dma_semaphore, #tpu.memory_space<semaphore_mem>>) src(%dma_wait3A_383 : memref<256x8xf32, #tpu.memory_space<vmem>>) dst(%dma_wait3A_380 : memref<256x8xf32, #tpu.memory_space<vmem_shared>>)
      tpu.yield
    }) : () -> ()
    %add3A_65 = arith.constant 1536 : i32
    %add3A_66 = arith.addi %mul3A_52, %add3A_65 : i32
    "tpu.region"() ({
      %run_scoped3A_363 = tpu.sem_alloc : memref<!tpu.dma_semaphore, #tpu.memory_space<semaphore_mem>>
      %dma_start3A_364 = arith.constant 0 : i32
      %dma_start3A_365 = arith.constant 0 : i32
      %dma_start3A_366 = tpu.memref_slice %arg12[%dma_start3A_364, %dma_start3A_365] : memref<256x8xf32, #tpu.memory_space<vmem>> -> memref<256x8xf32, #tpu.memory_space<vmem>>
      %dma_start3A_367 = arith.constant 0 : i32
      %dma_start3A_368 = tpu.memref_slice %arg17[%add3A_66, %dma_start3A_367] : memref<50048x8xf32, #tpu.memory_space<vmem_shared>> -> memref<256x8xf32, #tpu.memory_space<vmem_shared>>
      %dma_start3A_369 = arith.constant 0 : i32
      %dma_start3A_370 = tpu.memref_slice %arg17[%add3A_66, %dma_start3A_369] : memref<50048x8xf32, #tpu.memory_space<vmem_shared>> -> memref<256x8xf32, #tpu.memory_space<vmem_shared>>
      %dma_start3A_371 = arith.constant 0 : i32
      %dma_start3A_372 = arith.constant 0 : i32
      %dma_start3A_373 = tpu.memref_slice %arg12[%dma_start3A_371, %dma_start3A_372] : memref<256x8xf32, #tpu.memory_space<vmem>> -> memref<256x8xf32, #tpu.memory_space<vmem>>
      tpu.enqueue_dma source(%dma_start3A_373 : memref<256x8xf32, #tpu.memory_space<vmem>>) target(%dma_start3A_370 : memref<256x8xf32, #tpu.memory_space<vmem_shared>>) target_semaphore(%run_scoped3A_363 : memref<!tpu.dma_semaphore, #tpu.memory_space<semaphore_mem>>)
      %dma_wait3A_374 = arith.constant 0 : i32
      %dma_wait3A_375 = arith.constant 0 : i32
      %dma_wait3A_376 = tpu.memref_slice %arg12[%dma_wait3A_374, %dma_wait3A_375] : memref<256x8xf32, #tpu.memory_space<vmem>> -> memref<256x8xf32, #tpu.memory_space<vmem>>
      %dma_wait3A_377 = arith.constant 0 : i32
      %dma_wait3A_378 = tpu.memref_slice %arg17[%add3A_66, %dma_wait3A_377] : memref<50048x8xf32, #tpu.memory_space<vmem_shared>> -> memref<256x8xf32, #tpu.memory_space<vmem_shared>>
      %dma_wait3A_379 = arith.constant 0 : i32
      %dma_wait3A_380 = tpu.memref_slice %arg17[%add3A_66, %dma_wait3A_379] : memref<50048x8xf32, #tpu.memory_space<vmem_shared>> -> memref<256x8xf32, #tpu.memory_space<vmem_shared>>
      %dma_wait3A_381 = arith.constant 0 : i32
      %dma_wait3A_382 = arith.constant 0 : i32
      %dma_wait3A_383 = tpu.memref_slice %arg12[%dma_wait3A_381, %dma_wait3A_382] : memref<256x8xf32, #tpu.memory_space<vmem>> -> memref<256x8xf32, #tpu.memory_space<vmem>>
      tpu.wait_dma2 semaphore(%run_scoped3A_363 : memref<!tpu.dma_semaphore, #tpu.memory_space<semaphore_mem>>) src(%dma_wait3A_383 : memref<256x8xf32, #tpu.memory_space<vmem>>) dst(%dma_wait3A_380 : memref<256x8xf32, #tpu.memory_space<vmem_shared>>)
      tpu.yield
    }) : () -> ()
    %add3A_67 = arith.constant 1792 : i32
    %add3A_68 = arith.addi %mul3A_52, %add3A_67 : i32
    "tpu.region"() ({
      %run_scoped3A_363 = tpu.sem_alloc : memref<!tpu.dma_semaphore, #tpu.memory_space<semaphore_mem>>
      %dma_start3A_364 = arith.constant 0 : i32
      %dma_start3A_365 = arith.constant 0 : i32
      %dma_start3A_366 = tpu.memref_slice %arg12[%dma_start3A_364, %dma_start3A_365] : memref<256x8xf32, #tpu.memory_space<vmem>> -> memref<256x8xf32, #tpu.memory_space<vmem>>
      %dma_start3A_367 = arith.constant 0 : i32
      %dma_start3A_368 = tpu.memref_slice %arg17[%add3A_68, %dma_start3A_367] : memref<50048x8xf32, #tpu.memory_space<vmem_shared>> -> memref<256x8xf32, #tpu.memory_space<vmem_shared>>
      %dma_start3A_369 = arith.constant 0 : i32
      %dma_start3A_370 = tpu.memref_slice %arg17[%add3A_68, %dma_start3A_369] : memref<50048x8xf32, #tpu.memory_space<vmem_shared>> -> memref<256x8xf32, #tpu.memory_space<vmem_shared>>
      %dma_start3A_371 = arith.constant 0 : i32
      %dma_start3A_372 = arith.constant 0 : i32
      %dma_start3A_373 = tpu.memref_slice %arg12[%dma_start3A_371, %dma_start3A_372] : memref<256x8xf32, #tpu.memory_space<vmem>> -> memref<256x8xf32, #tpu.memory_space<vmem>>
      tpu.enqueue_dma source(%dma_start3A_373 : memref<256x8xf32, #tpu.memory_space<vmem>>) target(%dma_start3A_370 : memref<256x8xf32, #tpu.memory_space<vmem_shared>>) target_semaphore(%run_scoped3A_363 : memref<!tpu.dma_semaphore, #tpu.memory_space<semaphore_mem>>)
      %dma_wait3A_374 = arith.constant 0 : i32
      %dma_wait3A_375 = arith.constant 0 : i32
      %dma_wait3A_376 = tpu.memref_slice %arg12[%dma_wait3A_374, %dma_wait3A_375] : memref<256x8xf32, #tpu.memory_space<vmem>> -> memref<256x8xf32, #tpu.memory_space<vmem>>
      %dma_wait3A_377 = arith.constant 0 : i32
      %dma_wait3A_378 = tpu.memref_slice %arg17[%add3A_68, %dma_wait3A_377] : memref<50048x8xf32, #tpu.memory_space<vmem_shared>> -> memref<256x8xf32, #tpu.memory_space<vmem_shared>>
      %dma_wait3A_379 = arith.constant 0 : i32
      %dma_wait3A_380 = tpu.memref_slice %arg17[%add3A_68, %dma_wait3A_379] : memref<50048x8xf32, #tpu.memory_space<vmem_shared>> -> memref<256x8xf32, #tpu.memory_space<vmem_shared>>
      %dma_wait3A_381 = arith.constant 0 : i32
      %dma_wait3A_382 = arith.constant 0 : i32
      %dma_wait3A_383 = tpu.memref_slice %arg12[%dma_wait3A_381, %dma_wait3A_382] : memref<256x8xf32, #tpu.memory_space<vmem>> -> memref<256x8xf32, #tpu.memory_space<vmem>>
      tpu.wait_dma2 semaphore(%run_scoped3A_363 : memref<!tpu.dma_semaphore, #tpu.memory_space<semaphore_mem>>) src(%dma_wait3A_383 : memref<256x8xf32, #tpu.memory_space<vmem>>) dst(%dma_wait3A_380 : memref<256x8xf32, #tpu.memory_space<vmem_shared>>)
      tpu.yield
    }) : () -> ()
    %add3A_69 = arith.constant 2048 : i32
    %add3A_70 = arith.addi %mul3A_52, %add3A_69 : i32
    "tpu.region"() ({
      %run_scoped3A_363 = tpu.sem_alloc : memref<!tpu.dma_semaphore, #tpu.memory_space<semaphore_mem>>
      %dma_start3A_364 = arith.constant 0 : i32
      %dma_start3A_365 = arith.constant 0 : i32
      %dma_start3A_366 = tpu.memref_slice %arg12[%dma_start3A_364, %dma_start3A_365] : memref<256x8xf32, #tpu.memory_space<vmem>> -> memref<256x8xf32, #tpu.memory_space<vmem>>
      %dma_start3A_367 = arith.constant 0 : i32
      %dma_start3A_368 = tpu.memref_slice %arg17[%add3A_70, %dma_start3A_367] : memref<50048x8xf32, #tpu.memory_space<vmem_shared>> -> memref<256x8xf32, #tpu.memory_space<vmem_shared>>
      %dma_start3A_369 = arith.constant 0 : i32
      %dma_start3A_370 = tpu.memref_slice %arg17[%add3A_70, %dma_start3A_369] : memref<50048x8xf32, #tpu.memory_space<vmem_shared>> -> memref<256x8xf32, #tpu.memory_space<vmem_shared>>
      %dma_start3A_371 = arith.constant 0 : i32
      %dma_start3A_372 = arith.constant 0 : i32
      %dma_start3A_373 = tpu.memref_slice %arg12[%dma_start3A_371, %dma_start3A_372] : memref<256x8xf32, #tpu.memory_space<vmem>> -> memref<256x8xf32, #tpu.memory_space<vmem>>
      tpu.enqueue_dma source(%dma_start3A_373 : memref<256x8xf32, #tpu.memory_space<vmem>>) target(%dma_start3A_370 : memref<256x8xf32, #tpu.memory_space<vmem_shared>>) target_semaphore(%run_scoped3A_363 : memref<!tpu.dma_semaphore, #tpu.memory_space<semaphore_mem>>)
      %dma_wait3A_374 = arith.constant 0 : i32
      %dma_wait3A_375 = arith.constant 0 : i32
      %dma_wait3A_376 = tpu.memref_slice %arg12[%dma_wait3A_374, %dma_wait3A_375] : memref<256x8xf32, #tpu.memory_space<vmem>> -> memref<256x8xf32, #tpu.memory_space<vmem>>
      %dma_wait3A_377 = arith.constant 0 : i32
      %dma_wait3A_378 = tpu.memref_slice %arg17[%add3A_70, %dma_wait3A_377] : memref<50048x8xf32, #tpu.memory_space<vmem_shared>> -> memref<256x8xf32, #tpu.memory_space<vmem_shared>>
      %dma_wait3A_379 = arith.constant 0 : i32
      %dma_wait3A_380 = tpu.memref_slice %arg17[%add3A_70, %dma_wait3A_379] : memref<50048x8xf32, #tpu.memory_space<vmem_shared>> -> memref<256x8xf32, #tpu.memory_space<vmem_shared>>
      %dma_wait3A_381 = arith.constant 0 : i32
      %dma_wait3A_382 = arith.constant 0 : i32
      %dma_wait3A_383 = tpu.memref_slice %arg12[%dma_wait3A_381, %dma_wait3A_382] : memref<256x8xf32, #tpu.memory_space<vmem>> -> memref<256x8xf32, #tpu.memory_space<vmem>>
      tpu.wait_dma2 semaphore(%run_scoped3A_363 : memref<!tpu.dma_semaphore, #tpu.memory_space<semaphore_mem>>) src(%dma_wait3A_383 : memref<256x8xf32, #tpu.memory_space<vmem>>) dst(%dma_wait3A_380 : memref<256x8xf32, #tpu.memory_space<vmem_shared>>)
      tpu.yield
    }) : () -> ()
    %add3A_71 = arith.constant 2304 : i32
    %add3A_72 = arith.addi %mul3A_52, %add3A_71 : i32
    "tpu.region"() ({
      %run_scoped3A_363 = tpu.sem_alloc : memref<!tpu.dma_semaphore, #tpu.memory_space<semaphore_mem>>
      %dma_start3A_364 = arith.constant 0 : i32
      %dma_start3A_365 = arith.constant 0 : i32
      %dma_start3A_366 = tpu.memref_slice %arg12[%dma_start3A_364, %dma_start3A_365] : memref<256x8xf32, #tpu.memory_space<vmem>> -> memref<256x8xf32, #tpu.memory_space<vmem>>
      %dma_start3A_367 = arith.constant 0 : i32
      %dma_start3A_368 = tpu.memref_slice %arg17[%add3A_72, %dma_start3A_367] : memref<50048x8xf32, #tpu.memory_space<vmem_shared>> -> memref<256x8xf32, #tpu.memory_space<vmem_shared>>
      %dma_start3A_369 = arith.constant 0 : i32
      %dma_start3A_370 = tpu.memref_slice %arg17[%add3A_72, %dma_start3A_369] : memref<50048x8xf32, #tpu.memory_space<vmem_shared>> -> memref<256x8xf32, #tpu.memory_space<vmem_shared>>
      %dma_start3A_371 = arith.constant 0 : i32
      %dma_start3A_372 = arith.constant 0 : i32
      %dma_start3A_373 = tpu.memref_slice %arg12[%dma_start3A_371, %dma_start3A_372] : memref<256x8xf32, #tpu.memory_space<vmem>> -> memref<256x8xf32, #tpu.memory_space<vmem>>
      tpu.enqueue_dma source(%dma_start3A_373 : memref<256x8xf32, #tpu.memory_space<vmem>>) target(%dma_start3A_370 : memref<256x8xf32, #tpu.memory_space<vmem_shared>>) target_semaphore(%run_scoped3A_363 : memref<!tpu.dma_semaphore, #tpu.memory_space<semaphore_mem>>)
      %dma_wait3A_374 = arith.constant 0 : i32
      %dma_wait3A_375 = arith.constant 0 : i32
      %dma_wait3A_376 = tpu.memref_slice %arg12[%dma_wait3A_374, %dma_wait3A_375] : memref<256x8xf32, #tpu.memory_space<vmem>> -> memref<256x8xf32, #tpu.memory_space<vmem>>
      %dma_wait3A_377 = arith.constant 0 : i32
      %dma_wait3A_378 = tpu.memref_slice %arg17[%add3A_72, %dma_wait3A_377] : memref<50048x8xf32, #tpu.memory_space<vmem_shared>> -> memref<256x8xf32, #tpu.memory_space<vmem_shared>>
      %dma_wait3A_379 = arith.constant 0 : i32
      %dma_wait3A_380 = tpu.memref_slice %arg17[%add3A_72, %dma_wait3A_379] : memref<50048x8xf32, #tpu.memory_space<vmem_shared>> -> memref<256x8xf32, #tpu.memory_space<vmem_shared>>
      %dma_wait3A_381 = arith.constant 0 : i32
      %dma_wait3A_382 = arith.constant 0 : i32
      %dma_wait3A_383 = tpu.memref_slice %arg12[%dma_wait3A_381, %dma_wait3A_382] : memref<256x8xf32, #tpu.memory_space<vmem>> -> memref<256x8xf32, #tpu.memory_space<vmem>>
      tpu.wait_dma2 semaphore(%run_scoped3A_363 : memref<!tpu.dma_semaphore, #tpu.memory_space<semaphore_mem>>) src(%dma_wait3A_383 : memref<256x8xf32, #tpu.memory_space<vmem>>) dst(%dma_wait3A_380 : memref<256x8xf32, #tpu.memory_space<vmem_shared>>)
      tpu.yield
    }) : () -> ()
    %add3A_73 = arith.constant 2560 : i32
    %add3A_74 = arith.addi %mul3A_52, %add3A_73 : i32
    "tpu.region"() ({
      %run_scoped3A_363 = tpu.sem_alloc : memref<!tpu.dma_semaphore, #tpu.memory_space<semaphore_mem>>
      %dma_start3A_364 = arith.constant 0 : i32
      %dma_start3A_365 = arith.constant 0 : i32
      %dma_start3A_366 = tpu.memref_slice %arg12[%dma_start3A_364, %dma_start3A_365] : memref<256x8xf32, #tpu.memory_space<vmem>> -> memref<256x8xf32, #tpu.memory_space<vmem>>
      %dma_start3A_367 = arith.constant 0 : i32
      %dma_start3A_368 = tpu.memref_slice %arg17[%add3A_74, %dma_start3A_367] : memref<50048x8xf32, #tpu.memory_space<vmem_shared>> -> memref<256x8xf32, #tpu.memory_space<vmem_shared>>
      %dma_start3A_369 = arith.constant 0 : i32
      %dma_start3A_370 = tpu.memref_slice %arg17[%add3A_74, %dma_start3A_369] : memref<50048x8xf32, #tpu.memory_space<vmem_shared>> -> memref<256x8xf32, #tpu.memory_space<vmem_shared>>
      %dma_start3A_371 = arith.constant 0 : i32
      %dma_start3A_372 = arith.constant 0 : i32
      %dma_start3A_373 = tpu.memref_slice %arg12[%dma_start3A_371, %dma_start3A_372] : memref<256x8xf32, #tpu.memory_space<vmem>> -> memref<256x8xf32, #tpu.memory_space<vmem>>
      tpu.enqueue_dma source(%dma_start3A_373 : memref<256x8xf32, #tpu.memory_space<vmem>>) target(%dma_start3A_370 : memref<256x8xf32, #tpu.memory_space<vmem_shared>>) target_semaphore(%run_scoped3A_363 : memref<!tpu.dma_semaphore, #tpu.memory_space<semaphore_mem>>)
      %dma_wait3A_374 = arith.constant 0 : i32
      %dma_wait3A_375 = arith.constant 0 : i32
      %dma_wait3A_376 = tpu.memref_slice %arg12[%dma_wait3A_374, %dma_wait3A_375] : memref<256x8xf32, #tpu.memory_space<vmem>> -> memref<256x8xf32, #tpu.memory_space<vmem>>
      %dma_wait3A_377 = arith.constant 0 : i32
      %dma_wait3A_378 = tpu.memref_slice %arg17[%add3A_74, %dma_wait3A_377] : memref<50048x8xf32, #tpu.memory_space<vmem_shared>> -> memref<256x8xf32, #tpu.memory_space<vmem_shared>>
      %dma_wait3A_379 = arith.constant 0 : i32
      %dma_wait3A_380 = tpu.memref_slice %arg17[%add3A_74, %dma_wait3A_379] : memref<50048x8xf32, #tpu.memory_space<vmem_shared>> -> memref<256x8xf32, #tpu.memory_space<vmem_shared>>
      %dma_wait3A_381 = arith.constant 0 : i32
      %dma_wait3A_382 = arith.constant 0 : i32
      %dma_wait3A_383 = tpu.memref_slice %arg12[%dma_wait3A_381, %dma_wait3A_382] : memref<256x8xf32, #tpu.memory_space<vmem>> -> memref<256x8xf32, #tpu.memory_space<vmem>>
      tpu.wait_dma2 semaphore(%run_scoped3A_363 : memref<!tpu.dma_semaphore, #tpu.memory_space<semaphore_mem>>) src(%dma_wait3A_383 : memref<256x8xf32, #tpu.memory_space<vmem>>) dst(%dma_wait3A_380 : memref<256x8xf32, #tpu.memory_space<vmem_shared>>)
      tpu.yield
    }) : () -> ()
    %add3A_75 = arith.constant 2816 : i32
    %add3A_76 = arith.addi %mul3A_52, %add3A_75 : i32
    "tpu.region"() ({
      %run_scoped3A_363 = tpu.sem_alloc : memref<!tpu.dma_semaphore, #tpu.memory_space<semaphore_mem>>
      %dma_start3A_364 = arith.constant 0 : i32
      %dma_start3A_365 = arith.constant 0 : i32
      %dma_start3A_366 = tpu.memref_slice %arg12[%dma_start3A_364, %dma_start3A_365] : memref<256x8xf32, #tpu.memory_space<vmem>> -> memref<256x8xf32, #tpu.memory_space<vmem>>
      %dma_start3A_367 = arith.constant 0 : i32
      %dma_start3A_368 = tpu.memref_slice %arg17[%add3A_76, %dma_start3A_367] : memref<50048x8xf32, #tpu.memory_space<vmem_shared>> -> memref<256x8xf32, #tpu.memory_space<vmem_shared>>
      %dma_start3A_369 = arith.constant 0 : i32
      %dma_start3A_370 = tpu.memref_slice %arg17[%add3A_76, %dma_start3A_369] : memref<50048x8xf32, #tpu.memory_space<vmem_shared>> -> memref<256x8xf32, #tpu.memory_space<vmem_shared>>
      %dma_start3A_371 = arith.constant 0 : i32
      %dma_start3A_372 = arith.constant 0 : i32
      %dma_start3A_373 = tpu.memref_slice %arg12[%dma_start3A_371, %dma_start3A_372] : memref<256x8xf32, #tpu.memory_space<vmem>> -> memref<256x8xf32, #tpu.memory_space<vmem>>
      tpu.enqueue_dma source(%dma_start3A_373 : memref<256x8xf32, #tpu.memory_space<vmem>>) target(%dma_start3A_370 : memref<256x8xf32, #tpu.memory_space<vmem_shared>>) target_semaphore(%run_scoped3A_363 : memref<!tpu.dma_semaphore, #tpu.memory_space<semaphore_mem>>)
      %dma_wait3A_374 = arith.constant 0 : i32
      %dma_wait3A_375 = arith.constant 0 : i32
      %dma_wait3A_376 = tpu.memref_slice %arg12[%dma_wait3A_374, %dma_wait3A_375] : memref<256x8xf32, #tpu.memory_space<vmem>> -> memref<256x8xf32, #tpu.memory_space<vmem>>
      %dma_wait3A_377 = arith.constant 0 : i32
      %dma_wait3A_378 = tpu.memref_slice %arg17[%add3A_76, %dma_wait3A_377] : memref<50048x8xf32, #tpu.memory_space<vmem_shared>> -> memref<256x8xf32, #tpu.memory_space<vmem_shared>>
      %dma_wait3A_379 = arith.constant 0 : i32
      %dma_wait3A_380 = tpu.memref_slice %arg17[%add3A_76, %dma_wait3A_379] : memref<50048x8xf32, #tpu.memory_space<vmem_shared>> -> memref<256x8xf32, #tpu.memory_space<vmem_shared>>
      %dma_wait3A_381 = arith.constant 0 : i32
      %dma_wait3A_382 = arith.constant 0 : i32
      %dma_wait3A_383 = tpu.memref_slice %arg12[%dma_wait3A_381, %dma_wait3A_382] : memref<256x8xf32, #tpu.memory_space<vmem>> -> memref<256x8xf32, #tpu.memory_space<vmem>>
      tpu.wait_dma2 semaphore(%run_scoped3A_363 : memref<!tpu.dma_semaphore, #tpu.memory_space<semaphore_mem>>) src(%dma_wait3A_383 : memref<256x8xf32, #tpu.memory_space<vmem>>) dst(%dma_wait3A_380 : memref<256x8xf32, #tpu.memory_space<vmem_shared>>)
      tpu.yield
    }) : () -> ()
    %add3A_77 = arith.constant 3072 : i32
    %add3A_78 = arith.addi %mul3A_52, %add3A_77 : i32
    "tpu.region"() ({
      %run_scoped3A_363 = tpu.sem_alloc : memref<!tpu.dma_semaphore, #tpu.memory_space<semaphore_mem>>
      %dma_start3A_364 = arith.constant 0 : i32
      %dma_start3A_365 = arith.constant 0 : i32
      %dma_start3A_366 = tpu.memref_slice %arg12[%dma_start3A_364, %dma_start3A_365] : memref<256x8xf32, #tpu.memory_space<vmem>> -> memref<56x8xf32, #tpu.memory_space<vmem>>
      %dma_start3A_367 = arith.constant 0 : i32
      %dma_start3A_368 = tpu.memref_slice %arg17[%add3A_78, %dma_start3A_367] : memref<50048x8xf32, #tpu.memory_space<vmem_shared>> -> memref<56x8xf32, #tpu.memory_space<vmem_shared>>
      %dma_start3A_369 = arith.constant 0 : i32
      %dma_start3A_370 = tpu.memref_slice %arg17[%add3A_78, %dma_start3A_369] : memref<50048x8xf32, #tpu.memory_space<vmem_shared>> -> memref<56x8xf32, #tpu.memory_space<vmem_shared>>
      %dma_start3A_371 = arith.constant 0 : i32
      %dma_start3A_372 = arith.constant 0 : i32
      %dma_start3A_373 = tpu.memref_slice %arg12[%dma_start3A_371, %dma_start3A_372] : memref<256x8xf32, #tpu.memory_space<vmem>> -> memref<56x8xf32, #tpu.memory_space<vmem>>
      tpu.enqueue_dma source(%dma_start3A_373 : memref<56x8xf32, #tpu.memory_space<vmem>>) target(%dma_start3A_370 : memref<56x8xf32, #tpu.memory_space<vmem_shared>>) target_semaphore(%run_scoped3A_363 : memref<!tpu.dma_semaphore, #tpu.memory_space<semaphore_mem>>)
      %dma_wait3A_374 = arith.constant 0 : i32
      %dma_wait3A_375 = arith.constant 0 : i32
      %dma_wait3A_376 = tpu.memref_slice %arg12[%dma_wait3A_374, %dma_wait3A_375] : memref<256x8xf32, #tpu.memory_space<vmem>> -> memref<56x8xf32, #tpu.memory_space<vmem>>
      %dma_wait3A_377 = arith.constant 0 : i32
      %dma_wait3A_378 = tpu.memref_slice %arg17[%add3A_78, %dma_wait3A_377] : memref<50048x8xf32, #tpu.memory_space<vmem_shared>> -> memref<56x8xf32, #tpu.memory_space<vmem_shared>>
      %dma_wait3A_379 = arith.constant 0 : i32
      %dma_wait3A_380 = tpu.memref_slice %arg17[%add3A_78, %dma_wait3A_379] : memref<50048x8xf32, #tpu.memory_space<vmem_shared>> -> memref<56x8xf32, #tpu.memory_space<vmem_shared>>
      %dma_wait3A_381 = arith.constant 0 : i32
      %dma_wait3A_382 = arith.constant 0 : i32
      %dma_wait3A_383 = tpu.memref_slice %arg12[%dma_wait3A_381, %dma_wait3A_382] : memref<256x8xf32, #tpu.memory_space<vmem>> -> memref<56x8xf32, #tpu.memory_space<vmem>>
      tpu.wait_dma2 semaphore(%run_scoped3A_363 : memref<!tpu.dma_semaphore, #tpu.memory_space<semaphore_mem>>) src(%dma_wait3A_383 : memref<56x8xf32, #tpu.memory_space<vmem>>) dst(%dma_wait3A_380 : memref<56x8xf32, #tpu.memory_space<vmem_shared>>)
      tpu.yield
    }) : () -> ()
    %barrier3A = arith.constant 0 : index
    tpu.barrier barrier_id(%barrier3A)
    %mul3A_79 = arith.constant 50000 : i32
    %mul3A_80 = arith.muli %add3A, %mul3A_79 : i32
    %add3A_81 = arith.constant 0 : i32
    %add3A_82 = arith.addi %mul3A_80, %add3A_81 : i32
    %run_scoped3A = arith.constant 1 : i32
    "tpu.region"() ({
      %run_scoped3A_363 = tpu.sem_alloc : memref<!tpu.dma_semaphore, #tpu.memory_space<semaphore_mem>>
      %dma_start3A_364 = arith.constant 0 : i32
      %dma_start3A_365 = tpu.memref_slice %arg7[%dma_start3A_364] : memref<25088xi32, #tpu.memory_space<vmem>> -> memref<25088xi32, #tpu.memory_space<vmem>>
      %dma_start3A_366 = tpu.memref_slice %arg5[%run_scoped3A, %add3A_82] : memref<2x1600000xi32, #tpu.memory_space<hbm>> -> memref<1x25088xi32, #tpu.memory_space<hbm>>
      %dma_start3A_367 = tpu.memref_squeeze %dma_start3A_366 : memref<1x25088xi32, #tpu.memory_space<hbm>> -> memref<25088xi32, #tpu.memory_space<hbm>>
      %dma_start3A_368 = arith.constant 0 : i32
      %dma_start3A_369 = tpu.memref_slice %arg7[%dma_start3A_368] : memref<25088xi32, #tpu.memory_space<vmem>> -> memref<25088xi32, #tpu.memory_space<vmem>>
      %dma_start3A_370 = tpu.memref_slice %arg5[%run_scoped3A, %add3A_82] : memref<2x1600000xi32, #tpu.memory_space<hbm>> -> memref<1x25088xi32, #tpu.memory_space<hbm>>
      %dma_start3A_371 = tpu.memref_squeeze %dma_start3A_370 : memref<1x25088xi32, #tpu.memory_space<hbm>> -> memref<25088xi32, #tpu.memory_space<hbm>>
      tpu.enqueue_dma source(%dma_start3A_371 : memref<25088xi32, #tpu.memory_space<hbm>>) target(%dma_start3A_369 : memref<25088xi32, #tpu.memory_space<vmem>>) target_semaphore(%run_scoped3A_363 : memref<!tpu.dma_semaphore, #tpu.memory_space<semaphore_mem>>)
      %dma_wait3A_372 = arith.constant 0 : i32
      %dma_wait3A_373 = tpu.memref_slice %arg7[%dma_wait3A_372] : memref<25088xi32, #tpu.memory_space<vmem>> -> memref<25088xi32, #tpu.memory_space<vmem>>
      %dma_wait3A_374 = tpu.memref_slice %arg5[%run_scoped3A, %add3A_82] : memref<2x1600000xi32, #tpu.memory_space<hbm>> -> memref<1x25088xi32, #tpu.memory_space<hbm>>
      %dma_wait3A_375 = tpu.memref_squeeze %dma_wait3A_374 : memref<1x25088xi32, #tpu.memory_space<hbm>> -> memref<25088xi32, #tpu.memory_space<hbm>>
      %dma_wait3A_376 = arith.constant 0 : i32
      %dma_wait3A_377 = tpu.memref_slice %arg7[%dma_wait3A_376] : memref<25088xi32, #tpu.memory_space<vmem>> -> memref<25088xi32, #tpu.memory_space<vmem>>
      %dma_wait3A_378 = tpu.memref_slice %arg5[%run_scoped3A, %add3A_82] : memref<2x1600000xi32, #tpu.memory_space<hbm>> -> memref<1x25088xi32, #tpu.memory_space<hbm>>
      %dma_wait3A_379 = tpu.memref_squeeze %dma_wait3A_378 : memref<1x25088xi32, #tpu.memory_space<hbm>> -> memref<25088xi32, #tpu.memory_space<hbm>>
      tpu.wait_dma2 semaphore(%run_scoped3A_363 : memref<!tpu.dma_semaphore, #tpu.memory_space<semaphore_mem>>) src(%dma_wait3A_379 : memref<25088xi32, #tpu.memory_space<hbm>>) dst(%dma_wait3A_377 : memref<25088xi32, #tpu.memory_space<vmem>>)
      tpu.yield
    }) : () -> ()
    %run_scoped3A_83 = arith.constant 0 : i32
    "tpu.region"() ({
      %run_scoped3A_363 = tpu.sem_alloc : memref<!tpu.dma_semaphore, #tpu.memory_space<semaphore_mem>>
      %dma_start3A_364 = arith.constant 0 : i32
      %dma_start3A_365 = tpu.memref_slice %arg8[%dma_start3A_364] : memref<25088xi32, #tpu.memory_space<vmem>> -> memref<25088xi32, #tpu.memory_space<vmem>>
      %dma_start3A_366 = tpu.memref_slice %arg5[%run_scoped3A_83, %add3A_82] : memref<2x1600000xi32, #tpu.memory_space<hbm>> -> memref<1x25088xi32, #tpu.memory_space<hbm>>
      %dma_start3A_367 = tpu.memref_squeeze %dma_start3A_366 : memref<1x25088xi32, #tpu.memory_space<hbm>> -> memref<25088xi32, #tpu.memory_space<hbm>>
      %dma_start3A_368 = arith.constant 0 : i32
      %dma_start3A_369 = tpu.memref_slice %arg8[%dma_start3A_368] : memref<25088xi32, #tpu.memory_space<vmem>> -> memref<25088xi32, #tpu.memory_space<vmem>>
      %dma_start3A_370 = tpu.memref_slice %arg5[%run_scoped3A_83, %add3A_82] : memref<2x1600000xi32, #tpu.memory_space<hbm>> -> memref<1x25088xi32, #tpu.memory_space<hbm>>
      %dma_start3A_371 = tpu.memref_squeeze %dma_start3A_370 : memref<1x25088xi32, #tpu.memory_space<hbm>> -> memref<25088xi32, #tpu.memory_space<hbm>>
      tpu.enqueue_dma source(%dma_start3A_371 : memref<25088xi32, #tpu.memory_space<hbm>>) target(%dma_start3A_369 : memref<25088xi32, #tpu.memory_space<vmem>>) target_semaphore(%run_scoped3A_363 : memref<!tpu.dma_semaphore, #tpu.memory_space<semaphore_mem>>)
      %dma_wait3A_372 = arith.constant 0 : i32
      %dma_wait3A_373 = tpu.memref_slice %arg8[%dma_wait3A_372] : memref<25088xi32, #tpu.memory_space<vmem>> -> memref<25088xi32, #tpu.memory_space<vmem>>
      %dma_wait3A_374 = tpu.memref_slice %arg5[%run_scoped3A_83, %add3A_82] : memref<2x1600000xi32, #tpu.memory_space<hbm>> -> memref<1x25088xi32, #tpu.memory_space<hbm>>
      %dma_wait3A_375 = tpu.memref_squeeze %dma_wait3A_374 : memref<1x25088xi32, #tpu.memory_space<hbm>> -> memref<25088xi32, #tpu.memory_space<hbm>>
      %dma_wait3A_376 = arith.constant 0 : i32
      %dma_wait3A_377 = tpu.memref_slice %arg8[%dma_wait3A_376] : memref<25088xi32, #tpu.memory_space<vmem>> -> memref<25088xi32, #tpu.memory_space<vmem>>
      %dma_wait3A_378 = tpu.memref_slice %arg5[%run_scoped3A_83, %add3A_82] : memref<2x1600000xi32, #tpu.memory_space<hbm>> -> memref<1x25088xi32, #tpu.memory_space<hbm>>
      %dma_wait3A_379 = tpu.memref_squeeze %dma_wait3A_378 : memref<1x25088xi32, #tpu.memory_space<hbm>> -> memref<25088xi32, #tpu.memory_space<hbm>>
      tpu.wait_dma2 semaphore(%run_scoped3A_363 : memref<!tpu.dma_semaphore, #tpu.memory_space<semaphore_mem>>) src(%dma_wait3A_379 : memref<25088xi32, #tpu.memory_space<hbm>>) dst(%dma_wait3A_377 : memref<25088xi32, #tpu.memory_space<vmem>>)
      tpu.yield
    }) : () -> ()
    %multiple_of3A = arith.constant 0 : i32
    %multiple_of3A_84 = tpu.assume_multiple %multiple_of3A, 128 : i32
    %dma_start3A = arith.constant 0 : i32
    %dma_start3A_85 = arith.constant 0 : i32
    %dma_start3A_86 = tpu.memref_slice %arg9[%dma_start3A, %dma_start3A_85] : memref<256x8xf32, #tpu.memory_space<vmem>> -> memref<128x8xf32, #tpu.memory_space<vmem>>
    %dma_start3A_87 = tpu.memref_slice %arg7[%multiple_of3A_84] : memref<25088xi32, #tpu.memory_space<vmem>> -> memref<128xi32, #tpu.memory_space<vmem>>
    %dma_start3A_88 = arith.constant 0 : i32
    %dma_start3A_89 = arith.constant 0 : i32
    %dma_start3A_90 = tpu.memref_slice %arg2[%dma_start3A_88, %dma_start3A_89] : memref<50000x8xf32, #tpu.memory_space<hbm>> -> memref<50000x8xf32, #tpu.memory_space<hbm>>
    tpu.enqueue_indirect_dma source(%dma_start3A_90 : memref<50000x8xf32, #tpu.memory_space<hbm>>) target(%dma_start3A_86 : memref<128x8xf32, #tpu.memory_space<vmem>>) offsets(%dma_start3A_87 : memref<128xi32, #tpu.memory_space<vmem>>) semaphore(%arg18 : memref<!tpu.dma_semaphore, #tpu.memory_space<semaphore_mem>>)
    %dma_start3A_91 = arith.constant 0 : i32
    %dma_start3A_92 = arith.constant 0 : i32
    %dma_start3A_93 = tpu.memref_slice %arg10[%dma_start3A_91, %dma_start3A_92] : memref<256x8xf32, #tpu.memory_space<vmem>> -> memref<128x8xf32, #tpu.memory_space<vmem>>
    %dma_start3A_94 = tpu.memref_slice %arg7[%multiple_of3A_84] : memref<25088xi32, #tpu.memory_space<vmem>> -> memref<128xi32, #tpu.memory_space<vmem>>
    %dma_start3A_95 = arith.constant 0 : i32
    %dma_start3A_96 = arith.constant 0 : i32
    %dma_start3A_97 = tpu.memref_slice %arg3[%dma_start3A_95, %dma_start3A_96] : memref<50000x8xf32, #tpu.memory_space<hbm>> -> memref<50000x8xf32, #tpu.memory_space<hbm>>
    tpu.enqueue_indirect_dma source(%dma_start3A_97 : memref<50000x8xf32, #tpu.memory_space<hbm>>) target(%dma_start3A_93 : memref<128x8xf32, #tpu.memory_space<vmem>>) offsets(%dma_start3A_94 : memref<128xi32, #tpu.memory_space<vmem>>) semaphore(%arg18 : memref<!tpu.dma_semaphore, #tpu.memory_space<semaphore_mem>>)
    %multiple_of3A_98 = arith.constant 0 : i32
    %multiple_of3A_99 = tpu.assume_multiple %multiple_of3A_98, 128 : i32
    %dma_start3A_100 = arith.constant 0 : i32
    %dma_start3A_101 = arith.constant 0 : i32
    %dma_start3A_102 = tpu.memref_slice %arg11[%dma_start3A_100, %dma_start3A_101] : memref<256x8xf32, #tpu.memory_space<vmem>> -> memref<128x8xf32, #tpu.memory_space<vmem>>
    %dma_start3A_103 = tpu.memref_slice %arg8[%multiple_of3A_99] : memref<25088xi32, #tpu.memory_space<vmem>> -> memref<128xi32, #tpu.memory_space<vmem>>
    %dma_start3A_104 = arith.constant 0 : i32
    %dma_start3A_105 = arith.constant 0 : i32
    %dma_start3A_106 = tpu.memref_slice %arg4[%dma_start3A_104, %dma_start3A_105] : memref<50000x8xf32, #tpu.memory_space<hbm>> -> memref<50000x8xf32, #tpu.memory_space<hbm>>
    tpu.enqueue_indirect_dma source(%dma_start3A_106 : memref<50000x8xf32, #tpu.memory_space<hbm>>) target(%dma_start3A_102 : memref<128x8xf32, #tpu.memory_space<vmem>>) offsets(%dma_start3A_103 : memref<128xi32, #tpu.memory_space<vmem>>) semaphore(%arg18 : memref<!tpu.dma_semaphore, #tpu.memory_space<semaphore_mem>>)
    %multiple_of3A_107 = arith.constant 128 : i32
    %multiple_of3A_108 = tpu.assume_multiple %multiple_of3A_107, 128 : i32
    %dma_start3A_109 = arith.constant 128 : i32
    %dma_start3A_110 = arith.constant 0 : i32
    %dma_start3A_111 = tpu.memref_slice %arg9[%dma_start3A_109, %dma_start3A_110] : memref<256x8xf32, #tpu.memory_space<vmem>> -> memref<128x8xf32, #tpu.memory_space<vmem>>
    %dma_start3A_112 = tpu.memref_slice %arg7[%multiple_of3A_108] : memref<25088xi32, #tpu.memory_space<vmem>> -> memref<128xi32, #tpu.memory_space<vmem>>
    %dma_start3A_113 = arith.constant 0 : i32
    %dma_start3A_114 = arith.constant 0 : i32
    %dma_start3A_115 = tpu.memref_slice %arg2[%dma_start3A_113, %dma_start3A_114] : memref<50000x8xf32, #tpu.memory_space<hbm>> -> memref<50000x8xf32, #tpu.memory_space<hbm>>
    tpu.enqueue_indirect_dma source(%dma_start3A_115 : memref<50000x8xf32, #tpu.memory_space<hbm>>) target(%dma_start3A_111 : memref<128x8xf32, #tpu.memory_space<vmem>>) offsets(%dma_start3A_112 : memref<128xi32, #tpu.memory_space<vmem>>) semaphore(%arg18 : memref<!tpu.dma_semaphore, #tpu.memory_space<semaphore_mem>>)
    %dma_start3A_116 = arith.constant 128 : i32
    %dma_start3A_117 = arith.constant 0 : i32
    %dma_start3A_118 = tpu.memref_slice %arg10[%dma_start3A_116, %dma_start3A_117] : memref<256x8xf32, #tpu.memory_space<vmem>> -> memref<128x8xf32, #tpu.memory_space<vmem>>
    %dma_start3A_119 = tpu.memref_slice %arg7[%multiple_of3A_108] : memref<25088xi32, #tpu.memory_space<vmem>> -> memref<128xi32, #tpu.memory_space<vmem>>
    %dma_start3A_120 = arith.constant 0 : i32
    %dma_start3A_121 = arith.constant 0 : i32
    %dma_start3A_122 = tpu.memref_slice %arg3[%dma_start3A_120, %dma_start3A_121] : memref<50000x8xf32, #tpu.memory_space<hbm>> -> memref<50000x8xf32, #tpu.memory_space<hbm>>
    tpu.enqueue_indirect_dma source(%dma_start3A_122 : memref<50000x8xf32, #tpu.memory_space<hbm>>) target(%dma_start3A_118 : memref<128x8xf32, #tpu.memory_space<vmem>>) offsets(%dma_start3A_119 : memref<128xi32, #tpu.memory_space<vmem>>) semaphore(%arg18 : memref<!tpu.dma_semaphore, #tpu.memory_space<semaphore_mem>>)
    %multiple_of3A_123 = arith.constant 128 : i32
    %multiple_of3A_124 = tpu.assume_multiple %multiple_of3A_123, 128 : i32
    %dma_start3A_125 = arith.constant 128 : i32
    %dma_start3A_126 = arith.constant 0 : i32
    %dma_start3A_127 = tpu.memref_slice %arg11[%dma_start3A_125, %dma_start3A_126] : memref<256x8xf32, #tpu.memory_space<vmem>> -> memref<128x8xf32, #tpu.memory_space<vmem>>
    %dma_start3A_128 = tpu.memref_slice %arg8[%multiple_of3A_124] : memref<25088xi32, #tpu.memory_space<vmem>> -> memref<128xi32, #tpu.memory_space<vmem>>
    %dma_start3A_129 = arith.constant 0 : i32
    %dma_start3A_130 = arith.constant 0 : i32
    %dma_start3A_131 = tpu.memref_slice %arg4[%dma_start3A_129, %dma_start3A_130] : memref<50000x8xf32, #tpu.memory_space<hbm>> -> memref<50000x8xf32, #tpu.memory_space<hbm>>
    tpu.enqueue_indirect_dma source(%dma_start3A_131 : memref<50000x8xf32, #tpu.memory_space<hbm>>) target(%dma_start3A_127 : memref<128x8xf32, #tpu.memory_space<vmem>>) offsets(%dma_start3A_128 : memref<128xi32, #tpu.memory_space<vmem>>) semaphore(%arg18 : memref<!tpu.dma_semaphore, #tpu.memory_space<semaphore_mem>>)
    %scan3A_132 = arith.constant 0 : i32
    %scan3A_133 = arith.constant 0 : i32
    %scan3A_134 = arith.constant 49 : i32
    %scan3A_135 = arith.addi %scan3A_133, %scan3A_134 : i32
    %scan3A_136 = arith.constant 1 : i32
    scf.for %scan3A_363 = %scan3A_133 to %scan3A_135 step %scan3A_136  : i32 {
      %mul3A_364 = arith.constant 2 : i32
      %mul3A_365 = arith.muli %mul3A_364, %scan3A_363 : i32
      %add3A_366 = arith.constant 1 : i32
      %add3A_367 = arith.addi %mul3A_365, %add3A_366 : i32
      %lt3A_368 = arith.constant 98 : i32
      %lt3A_369 = arith.cmpi slt, %add3A_367, %lt3A_368 : i32
      %convert_element_type3A = arith.extui %lt3A_369 : i1 to i32
      %cond3A = arith.constant 0 : i32
      %cond3A_370 = arith.cmpi ne, %convert_element_type3A, %cond3A : i32
      scf.if %cond3A_370 {
        %add3A_577 = arith.constant 1 : i32
        %add3A_578 = arith.addi %mul3A_365, %add3A_577 : i32
        %mul3A_579 = arith.constant 256 : i32
        %mul3A_580 = arith.muli %add3A_578, %mul3A_579 : i32
        %add3A_581 = arith.constant 0 : i32
        %add3A_582 = arith.addi %mul3A_580, %add3A_581 : i32
        %multiple_of3A_583 = tpu.assume_multiple %add3A_582, 128 : i32
        %dma_start3A_584 = arith.constant 0 : i32
        %dma_start3A_585 = arith.constant 0 : i32
        %dma_start3A_586 = tpu.memref_slice %arg13[%dma_start3A_584, %dma_start3A_585] : memref<256x8xf32, #tpu.memory_space<vmem>> -> memref<128x8xf32, #tpu.memory_space<vmem>>
        %dma_start3A_587 = tpu.memref_slice %arg7[%multiple_of3A_583] : memref<25088xi32, #tpu.memory_space<vmem>> -> memref<128xi32, #tpu.memory_space<vmem>>
        %dma_start3A_588 = arith.constant 0 : i32
        %dma_start3A_589 = arith.constant 0 : i32
        %dma_start3A_590 = tpu.memref_slice %arg2[%dma_start3A_588, %dma_start3A_589] : memref<50000x8xf32, #tpu.memory_space<hbm>> -> memref<50000x8xf32, #tpu.memory_space<hbm>>
        tpu.enqueue_indirect_dma source(%dma_start3A_590 : memref<50000x8xf32, #tpu.memory_space<hbm>>) target(%dma_start3A_586 : memref<128x8xf32, #tpu.memory_space<vmem>>) offsets(%dma_start3A_587 : memref<128xi32, #tpu.memory_space<vmem>>) semaphore(%arg19 : memref<!tpu.dma_semaphore, #tpu.memory_space<semaphore_mem>>)
        %dma_start3A_591 = arith.constant 0 : i32
        %dma_start3A_592 = arith.constant 0 : i32
        %dma_start3A_593 = tpu.memref_slice %arg14[%dma_start3A_591, %dma_start3A_592] : memref<256x8xf32, #tpu.memory_space<vmem>> -> memref<128x8xf32, #tpu.memory_space<vmem>>
        %dma_start3A_594 = tpu.memref_slice %arg7[%multiple_of3A_583] : memref<25088xi32, #tpu.memory_space<vmem>> -> memref<128xi32, #tpu.memory_space<vmem>>
        %dma_start3A_595 = arith.constant 0 : i32
        %dma_start3A_596 = arith.constant 0 : i32
        %dma_start3A_597 = tpu.memref_slice %arg3[%dma_start3A_595, %dma_start3A_596] : memref<50000x8xf32, #tpu.memory_space<hbm>> -> memref<50000x8xf32, #tpu.memory_space<hbm>>
        tpu.enqueue_indirect_dma source(%dma_start3A_597 : memref<50000x8xf32, #tpu.memory_space<hbm>>) target(%dma_start3A_593 : memref<128x8xf32, #tpu.memory_space<vmem>>) offsets(%dma_start3A_594 : memref<128xi32, #tpu.memory_space<vmem>>) semaphore(%arg19 : memref<!tpu.dma_semaphore, #tpu.memory_space<semaphore_mem>>)
        %mul3A_598 = arith.constant 256 : i32
        %mul3A_599 = arith.muli %add3A_578, %mul3A_598 : i32
        %add3A_600 = arith.constant 0 : i32
        %add3A_601 = arith.addi %mul3A_599, %add3A_600 : i32
        %multiple_of3A_602 = tpu.assume_multiple %add3A_601, 128 : i32
        %dma_start3A_603 = arith.constant 0 : i32
        %dma_start3A_604 = arith.constant 0 : i32
        %dma_start3A_605 = tpu.memref_slice %arg15[%dma_start3A_603, %dma_start3A_604] : memref<256x8xf32, #tpu.memory_space<vmem>> -> memref<128x8xf32, #tpu.memory_space<vmem>>
        %dma_start3A_606 = tpu.memref_slice %arg8[%multiple_of3A_602] : memref<25088xi32, #tpu.memory_space<vmem>> -> memref<128xi32, #tpu.memory_space<vmem>>
        %dma_start3A_607 = arith.constant 0 : i32
        %dma_start3A_608 = arith.constant 0 : i32
        %dma_start3A_609 = tpu.memref_slice %arg4[%dma_start3A_607, %dma_start3A_608] : memref<50000x8xf32, #tpu.memory_space<hbm>> -> memref<50000x8xf32, #tpu.memory_space<hbm>>
        tpu.enqueue_indirect_dma source(%dma_start3A_609 : memref<50000x8xf32, #tpu.memory_space<hbm>>) target(%dma_start3A_605 : memref<128x8xf32, #tpu.memory_space<vmem>>) offsets(%dma_start3A_606 : memref<128xi32, #tpu.memory_space<vmem>>) semaphore(%arg19 : memref<!tpu.dma_semaphore, #tpu.memory_space<semaphore_mem>>)
        %mul3A_610 = arith.constant 256 : i32
        %mul3A_611 = arith.muli %add3A_578, %mul3A_610 : i32
        %add3A_612 = arith.constant 128 : i32
        %add3A_613 = arith.addi %mul3A_611, %add3A_612 : i32
        %multiple_of3A_614 = tpu.assume_multiple %add3A_613, 128 : i32
        %dma_start3A_615 = arith.constant 128 : i32
        %dma_start3A_616 = arith.constant 0 : i32
        %dma_start3A_617 = tpu.memref_slice %arg13[%dma_start3A_615, %dma_start3A_616] : memref<256x8xf32, #tpu.memory_space<vmem>> -> memref<128x8xf32, #tpu.memory_space<vmem>>
        %dma_start3A_618 = tpu.memref_slice %arg7[%multiple_of3A_614] : memref<25088xi32, #tpu.memory_space<vmem>> -> memref<128xi32, #tpu.memory_space<vmem>>
        %dma_start3A_619 = arith.constant 0 : i32
        %dma_start3A_620 = arith.constant 0 : i32
        %dma_start3A_621 = tpu.memref_slice %arg2[%dma_start3A_619, %dma_start3A_620] : memref<50000x8xf32, #tpu.memory_space<hbm>> -> memref<50000x8xf32, #tpu.memory_space<hbm>>
        tpu.enqueue_indirect_dma source(%dma_start3A_621 : memref<50000x8xf32, #tpu.memory_space<hbm>>) target(%dma_start3A_617 : memref<128x8xf32, #tpu.memory_space<vmem>>) offsets(%dma_start3A_618 : memref<128xi32, #tpu.memory_space<vmem>>) semaphore(%arg19 : memref<!tpu.dma_semaphore, #tpu.memory_space<semaphore_mem>>)
        %dma_start3A_622 = arith.constant 128 : i32
        %dma_start3A_623 = arith.constant 0 : i32
        %dma_start3A_624 = tpu.memref_slice %arg14[%dma_start3A_622, %dma_start3A_623] : memref<256x8xf32, #tpu.memory_space<vmem>> -> memref<128x8xf32, #tpu.memory_space<vmem>>
        %dma_start3A_625 = tpu.memref_slice %arg7[%multiple_of3A_614] : memref<25088xi32, #tpu.memory_space<vmem>> -> memref<128xi32, #tpu.memory_space<vmem>>
        %dma_start3A_626 = arith.constant 0 : i32
        %dma_start3A_627 = arith.constant 0 : i32
        %dma_start3A_628 = tpu.memref_slice %arg3[%dma_start3A_626, %dma_start3A_627] : memref<50000x8xf32, #tpu.memory_space<hbm>> -> memref<50000x8xf32, #tpu.memory_space<hbm>>
        tpu.enqueue_indirect_dma source(%dma_start3A_628 : memref<50000x8xf32, #tpu.memory_space<hbm>>) target(%dma_start3A_624 : memref<128x8xf32, #tpu.memory_space<vmem>>) offsets(%dma_start3A_625 : memref<128xi32, #tpu.memory_space<vmem>>) semaphore(%arg19 : memref<!tpu.dma_semaphore, #tpu.memory_space<semaphore_mem>>)
        %mul3A_629 = arith.constant 256 : i32
        %mul3A_630 = arith.muli %add3A_578, %mul3A_629 : i32
        %add3A_631 = arith.constant 128 : i32
        %add3A_632 = arith.addi %mul3A_630, %add3A_631 : i32
        %multiple_of3A_633 = tpu.assume_multiple %add3A_632, 128 : i32
        %dma_start3A_634 = arith.constant 128 : i32
        %dma_start3A_635 = arith.constant 0 : i32
        %dma_start3A_636 = tpu.memref_slice %arg15[%dma_start3A_634, %dma_start3A_635] : memref<256x8xf32, #tpu.memory_space<vmem>> -> memref<128x8xf32, #tpu.memory_space<vmem>>
        %dma_start3A_637 = tpu.memref_slice %arg8[%multiple_of3A_633] : memref<25088xi32, #tpu.memory_space<vmem>> -> memref<128xi32, #tpu.memory_space<vmem>>
        %dma_start3A_638 = arith.constant 0 : i32
        %dma_start3A_639 = arith.constant 0 : i32
        %dma_start3A_640 = tpu.memref_slice %arg4[%dma_start3A_638, %dma_start3A_639] : memref<50000x8xf32, #tpu.memory_space<hbm>> -> memref<50000x8xf32, #tpu.memory_space<hbm>>
        tpu.enqueue_indirect_dma source(%dma_start3A_640 : memref<50000x8xf32, #tpu.memory_space<hbm>>) target(%dma_start3A_636 : memref<128x8xf32, #tpu.memory_space<vmem>>) offsets(%dma_start3A_637 : memref<128xi32, #tpu.memory_space<vmem>>) semaphore(%arg19 : memref<!tpu.dma_semaphore, #tpu.memory_space<semaphore_mem>>)
      } else {
      }
      %mul3A_371 = arith.constant 256 : i32
      %mul3A_372 = arith.muli %mul3A_365, %mul3A_371 : i32
      %add3A_373 = arith.constant 0 : i32
      %add3A_374 = arith.addi %mul3A_372, %add3A_373 : i32
      %multiple_of3A_375 = tpu.assume_multiple %add3A_374, 128 : i32
      %dma_wait3A_376 = arith.constant 0 : i32
      %dma_wait3A_377 = arith.constant 0 : i32
      %dma_wait3A_378 = tpu.memref_slice %arg9[%dma_wait3A_376, %dma_wait3A_377] : memref<256x8xf32, #tpu.memory_space<vmem>> -> memref<128x8xf32, #tpu.memory_space<vmem>>
      %dma_wait3A_379 = tpu.memref_slice %arg7[%multiple_of3A_375] : memref<25088xi32, #tpu.memory_space<vmem>> -> memref<128xi32, #tpu.memory_space<vmem>>
      %dma_wait3A_380 = arith.constant 0 : i32
      %dma_wait3A_381 = arith.constant 0 : i32
      %dma_wait3A_382 = tpu.memref_slice %arg2[%dma_wait3A_380, %dma_wait3A_381] : memref<50000x8xf32, #tpu.memory_space<hbm>> -> memref<50000x8xf32, #tpu.memory_space<hbm>>
      tpu.wait_indirect_dma semaphore(%arg18 : memref<!tpu.dma_semaphore, #tpu.memory_space<semaphore_mem>>) src(%dma_wait3A_382 : memref<50000x8xf32, #tpu.memory_space<hbm>>) dst(%dma_wait3A_378 : memref<128x8xf32, #tpu.memory_space<vmem>>)
      %dma_wait3A_383 = arith.constant 0 : i32
      %dma_wait3A_384 = arith.constant 0 : i32
      %dma_wait3A_385 = tpu.memref_slice %arg10[%dma_wait3A_383, %dma_wait3A_384] : memref<256x8xf32, #tpu.memory_space<vmem>> -> memref<128x8xf32, #tpu.memory_space<vmem>>
      %dma_wait3A_386 = tpu.memref_slice %arg7[%multiple_of3A_375] : memref<25088xi32, #tpu.memory_space<vmem>> -> memref<128xi32, #tpu.memory_space<vmem>>
      %dma_wait3A_387 = arith.constant 0 : i32
      %dma_wait3A_388 = arith.constant 0 : i32
      %dma_wait3A_389 = tpu.memref_slice %arg3[%dma_wait3A_387, %dma_wait3A_388] : memref<50000x8xf32, #tpu.memory_space<hbm>> -> memref<50000x8xf32, #tpu.memory_space<hbm>>
      tpu.wait_indirect_dma semaphore(%arg18 : memref<!tpu.dma_semaphore, #tpu.memory_space<semaphore_mem>>) src(%dma_wait3A_389 : memref<50000x8xf32, #tpu.memory_space<hbm>>) dst(%dma_wait3A_385 : memref<128x8xf32, #tpu.memory_space<vmem>>)
      %mul3A_390 = arith.constant 256 : i32
      %mul3A_391 = arith.muli %mul3A_365, %mul3A_390 : i32
      %add3A_392 = arith.constant 0 : i32
      %add3A_393 = arith.addi %mul3A_391, %add3A_392 : i32
      %multiple_of3A_394 = tpu.assume_multiple %add3A_393, 128 : i32
      %dma_wait3A_395 = arith.constant 0 : i32
      %dma_wait3A_396 = arith.constant 0 : i32
      %dma_wait3A_397 = tpu.memref_slice %arg11[%dma_wait3A_395, %dma_wait3A_396] : memref<256x8xf32, #tpu.memory_space<vmem>> -> memref<128x8xf32, #tpu.memory_space<vmem>>
      %dma_wait3A_398 = tpu.memref_slice %arg8[%multiple_of3A_394] : memref<25088xi32, #tpu.memory_space<vmem>> -> memref<128xi32, #tpu.memory_space<vmem>>
      %dma_wait3A_399 = arith.constant 0 : i32
      %dma_wait3A_400 = arith.constant 0 : i32
      %dma_wait3A_401 = tpu.memref_slice %arg4[%dma_wait3A_399, %dma_wait3A_400] : memref<50000x8xf32, #tpu.memory_space<hbm>> -> memref<50000x8xf32, #tpu.memory_space<hbm>>
      tpu.wait_indirect_dma semaphore(%arg18 : memref<!tpu.dma_semaphore, #tpu.memory_space<semaphore_mem>>) src(%dma_wait3A_401 : memref<50000x8xf32, #tpu.memory_space<hbm>>) dst(%dma_wait3A_397 : memref<128x8xf32, #tpu.memory_space<vmem>>)
      %mul3A_402 = arith.constant 256 : i32
      %mul3A_403 = arith.muli %mul3A_365, %mul3A_402 : i32
      %add3A_404 = arith.constant 128 : i32
      %add3A_405 = arith.addi %mul3A_403, %add3A_404 : i32
      %multiple_of3A_406 = tpu.assume_multiple %add3A_405, 128 : i32
      %dma_wait3A_407 = arith.constant 128 : i32
      %dma_wait3A_408 = arith.constant 0 : i32
      %dma_wait3A_409 = tpu.memref_slice %arg9[%dma_wait3A_407, %dma_wait3A_408] : memref<256x8xf32, #tpu.memory_space<vmem>> -> memref<128x8xf32, #tpu.memory_space<vmem>>
      %dma_wait3A_410 = tpu.memref_slice %arg7[%multiple_of3A_406] : memref<25088xi32, #tpu.memory_space<vmem>> -> memref<128xi32, #tpu.memory_space<vmem>>
      %dma_wait3A_411 = arith.constant 0 : i32
      %dma_wait3A_412 = arith.constant 0 : i32
      %dma_wait3A_413 = tpu.memref_slice %arg2[%dma_wait3A_411, %dma_wait3A_412] : memref<50000x8xf32, #tpu.memory_space<hbm>> -> memref<50000x8xf32, #tpu.memory_space<hbm>>
      tpu.wait_indirect_dma semaphore(%arg18 : memref<!tpu.dma_semaphore, #tpu.memory_space<semaphore_mem>>) src(%dma_wait3A_413 : memref<50000x8xf32, #tpu.memory_space<hbm>>) dst(%dma_wait3A_409 : memref<128x8xf32, #tpu.memory_space<vmem>>)
      %dma_wait3A_414 = arith.constant 128 : i32
      %dma_wait3A_415 = arith.constant 0 : i32
      %dma_wait3A_416 = tpu.memref_slice %arg10[%dma_wait3A_414, %dma_wait3A_415] : memref<256x8xf32, #tpu.memory_space<vmem>> -> memref<128x8xf32, #tpu.memory_space<vmem>>
      %dma_wait3A_417 = tpu.memref_slice %arg7[%multiple_of3A_406] : memref<25088xi32, #tpu.memory_space<vmem>> -> memref<128xi32, #tpu.memory_space<vmem>>
      %dma_wait3A_418 = arith.constant 0 : i32
      %dma_wait3A_419 = arith.constant 0 : i32
      %dma_wait3A_420 = tpu.memref_slice %arg3[%dma_wait3A_418, %dma_wait3A_419] : memref<50000x8xf32, #tpu.memory_space<hbm>> -> memref<50000x8xf32, #tpu.memory_space<hbm>>
      tpu.wait_indirect_dma semaphore(%arg18 : memref<!tpu.dma_semaphore, #tpu.memory_space<semaphore_mem>>) src(%dma_wait3A_420 : memref<50000x8xf32, #tpu.memory_space<hbm>>) dst(%dma_wait3A_416 : memref<128x8xf32, #tpu.memory_space<vmem>>)
      %mul3A_421 = arith.constant 256 : i32
      %mul3A_422 = arith.muli %mul3A_365, %mul3A_421 : i32
      %add3A_423 = arith.constant 128 : i32
      %add3A_424 = arith.addi %mul3A_422, %add3A_423 : i32
      %multiple_of3A_425 = tpu.assume_multiple %add3A_424, 128 : i32
      %dma_wait3A_426 = arith.constant 128 : i32
      %dma_wait3A_427 = arith.constant 0 : i32
      %dma_wait3A_428 = tpu.memref_slice %arg11[%dma_wait3A_426, %dma_wait3A_427] : memref<256x8xf32, #tpu.memory_space<vmem>> -> memref<128x8xf32, #tpu.memory_space<vmem>>
      %dma_wait3A_429 = tpu.memref_slice %arg8[%multiple_of3A_425] : memref<25088xi32, #tpu.memory_space<vmem>> -> memref<128xi32, #tpu.memory_space<vmem>>
      %dma_wait3A_430 = arith.constant 0 : i32
      %dma_wait3A_431 = arith.constant 0 : i32
      %dma_wait3A_432 = tpu.memref_slice %arg4[%dma_wait3A_430, %dma_wait3A_431] : memref<50000x8xf32, #tpu.memory_space<hbm>> -> memref<50000x8xf32, #tpu.memory_space<hbm>>
      tpu.wait_indirect_dma semaphore(%arg18 : memref<!tpu.dma_semaphore, #tpu.memory_space<semaphore_mem>>) src(%dma_wait3A_432 : memref<50000x8xf32, #tpu.memory_space<hbm>>) dst(%dma_wait3A_428 : memref<128x8xf32, #tpu.memory_space<vmem>>)
      %ge3A = arith.constant 1 : i32
      %ge3A_433 = arith.cmpi sge, %scan3A_363, %ge3A : i32
      %convert_element_type3A_434 = arith.extui %ge3A_433 : i1 to i32
      %cond3A_435 = arith.constant 0 : i32
      %cond3A_436 = arith.cmpi ne, %convert_element_type3A_434, %cond3A_435 : i32
      scf.if %cond3A_436 {
        %mul3A_577 = arith.constant 256 : i32
        %mul3A_578 = arith.muli %mul3A_365, %mul3A_577 : i32
        %add3A_579 = arith.constant 0 : i32
        %add3A_580 = arith.addi %mul3A_578, %add3A_579 : i32
        %multiple_of3A_581 = tpu.assume_multiple %add3A_580, 128 : i32
        %dma_wait3A_582 = arith.constant 0 : i32
        %dma_wait3A_583 = arith.constant 0 : i32
        %dma_wait3A_584 = tpu.memref_slice %arg12[%dma_wait3A_582, %dma_wait3A_583] : memref<256x8xf32, #tpu.memory_space<vmem>> -> memref<128x8xf32, #tpu.memory_space<vmem>>
        %dma_wait3A_585 = tpu.memref_slice %arg8[%multiple_of3A_581] : memref<25088xi32, #tpu.memory_space<vmem>> -> memref<128xi32, #tpu.memory_space<vmem>>
        %dma_wait3A_586 = arith.constant 0 : i32
        %dma_wait3A_587 = arith.constant 0 : i32
        %dma_wait3A_588 = tpu.memref_slice %arg17[%dma_wait3A_586, %dma_wait3A_587] : memref<50048x8xf32, #tpu.memory_space<vmem_shared>> -> memref<50048x8xf32, #tpu.memory_space<vmem_shared>>
        tpu.wait_indirect_dma semaphore(%arg20 : memref<!tpu.dma_semaphore, #tpu.memory_space<semaphore_mem>>) src(%dma_wait3A_584 : memref<128x8xf32, #tpu.memory_space<vmem>>) dst(%dma_wait3A_588 : memref<50048x8xf32, #tpu.memory_space<vmem_shared>>)
        %mul3A_589 = arith.constant 256 : i32
        %mul3A_590 = arith.muli %mul3A_365, %mul3A_589 : i32
        %add3A_591 = arith.constant 128 : i32
        %add3A_592 = arith.addi %mul3A_590, %add3A_591 : i32
        %multiple_of3A_593 = tpu.assume_multiple %add3A_592, 128 : i32
        %dma_wait3A_594 = arith.constant 128 : i32
        %dma_wait3A_595 = arith.constant 0 : i32
        %dma_wait3A_596 = tpu.memref_slice %arg12[%dma_wait3A_594, %dma_wait3A_595] : memref<256x8xf32, #tpu.memory_space<vmem>> -> memref<128x8xf32, #tpu.memory_space<vmem>>
        %dma_wait3A_597 = tpu.memref_slice %arg8[%multiple_of3A_593] : memref<25088xi32, #tpu.memory_space<vmem>> -> memref<128xi32, #tpu.memory_space<vmem>>
        %dma_wait3A_598 = arith.constant 0 : i32
        %dma_wait3A_599 = arith.constant 0 : i32
        %dma_wait3A_600 = tpu.memref_slice %arg17[%dma_wait3A_598, %dma_wait3A_599] : memref<50048x8xf32, #tpu.memory_space<vmem_shared>> -> memref<50048x8xf32, #tpu.memory_space<vmem_shared>>
        tpu.wait_indirect_dma semaphore(%arg20 : memref<!tpu.dma_semaphore, #tpu.memory_space<semaphore_mem>>) src(%dma_wait3A_596 : memref<128x8xf32, #tpu.memory_space<vmem>>) dst(%dma_wait3A_600 : memref<50048x8xf32, #tpu.memory_space<vmem_shared>>)
      } else {
      }
      %scan3A_437 = arith.constant 0 : i32
      %scan3A_438 = arith.constant 0 : i32
      %scan3A_439 = arith.constant 8 : i32
      %scan3A_440 = arith.addi %scan3A_438, %scan3A_439 : i32
      %scan3A_441 = arith.constant 1 : i32
      %scan3A_442 = scf.for %scan3A_577 = %scan3A_438 to %scan3A_440 step %scan3A_441 iter_args(%scan3A_578 = %scan3A_437) -> (i32)  : i32 {
        %iota3A_579 = tpu.iota {dimensions = array<i32: 0>} : vector<16xi32>
        %mul3A_580 = arith.constant 2 : i32
        %mul3A_581 = arith.muli %scan3A_577, %mul3A_580 : i32
        %add3A_582 = arith.constant 0 : i32
        %add3A_583 = arith.addi %mul3A_581, %add3A_582 : i32
        %mul3A_584 = arith.constant 16 : i32
        %mul3A_585 = arith.muli %add3A_583, %mul3A_584 : i32
        %add3A_586 = vector.broadcast %mul3A_585 : i32 to vector<16xi32>
        %add3A_587 = arith.addi %iota3A_579, %add3A_586 : vector<16xi32>
        %broadcast_in_dim3A_588 = arith.constant 0 : i32
        %broadcast_in_dim3A_589 = vector.broadcast %broadcast_in_dim3A_588 : i32 to vector<16xi32>
        %gather3A = tpu.vector_load_idx %arg9[%add3A_587, %broadcast_in_dim3A_589] : memref<256x8xf32, #tpu.memory_space<vmem>>[vector<16xi32>, vector<16xi32>], vector<16xf32>,
        %broadcast_in_dim3A_590 = arith.constant 0 : i32
        %broadcast_in_dim3A_591 = vector.broadcast %broadcast_in_dim3A_590 : i32 to vector<16xi32>
        %gather3A_592 = tpu.vector_load_idx %arg11[%add3A_587, %broadcast_in_dim3A_591] : memref<256x8xf32, #tpu.memory_space<vmem>>[vector<16xi32>, vector<16xi32>], vector<16xf32>,
        %mul3A_593 = arith.mulf %gather3A, %gather3A_592 : vector<16xf32>
        %broadcast_in_dim3A_594 = arith.constant 1 : i32
        %broadcast_in_dim3A_595 = vector.broadcast %broadcast_in_dim3A_594 : i32 to vector<16xi32>
        %gather3A_596 = tpu.vector_load_idx %arg9[%add3A_587, %broadcast_in_dim3A_595] : memref<256x8xf32, #tpu.memory_space<vmem>>[vector<16xi32>, vector<16xi32>], vector<16xf32>,
        %broadcast_in_dim3A_597 = arith.constant 1 : i32
        %broadcast_in_dim3A_598 = vector.broadcast %broadcast_in_dim3A_597 : i32 to vector<16xi32>
        %gather3A_599 = tpu.vector_load_idx %arg11[%add3A_587, %broadcast_in_dim3A_598] : memref<256x8xf32, #tpu.memory_space<vmem>>[vector<16xi32>, vector<16xi32>], vector<16xf32>,
        %mul3A_600 = arith.mulf %gather3A_596, %gather3A_599 : vector<16xf32>
        %add3A_601 = arith.addf %mul3A_593, %mul3A_600 : vector<16xf32>
        %broadcast_in_dim3A_602 = arith.constant 2 : i32
        %broadcast_in_dim3A_603 = vector.broadcast %broadcast_in_dim3A_602 : i32 to vector<16xi32>
        %gather3A_604 = tpu.vector_load_idx %arg9[%add3A_587, %broadcast_in_dim3A_603] : memref<256x8xf32, #tpu.memory_space<vmem>>[vector<16xi32>, vector<16xi32>], vector<16xf32>,
        %broadcast_in_dim3A_605 = arith.constant 2 : i32
        %broadcast_in_dim3A_606 = vector.broadcast %broadcast_in_dim3A_605 : i32 to vector<16xi32>
        %gather3A_607 = tpu.vector_load_idx %arg11[%add3A_587, %broadcast_in_dim3A_606] : memref<256x8xf32, #tpu.memory_space<vmem>>[vector<16xi32>, vector<16xi32>], vector<16xf32>,
        %mul3A_608 = arith.mulf %gather3A_604, %gather3A_607 : vector<16xf32>
        %broadcast_in_dim3A_609 = arith.constant 3 : i32
        %broadcast_in_dim3A_610 = vector.broadcast %broadcast_in_dim3A_609 : i32 to vector<16xi32>
        %gather3A_611 = tpu.vector_load_idx %arg9[%add3A_587, %broadcast_in_dim3A_610] : memref<256x8xf32, #tpu.memory_space<vmem>>[vector<16xi32>, vector<16xi32>], vector<16xf32>,
        %add3A_612 = arith.addf %mul3A_608, %gather3A_611 : vector<16xf32>
        %add3A_613 = arith.addf %add3A_601, %add3A_612 : vector<16xf32>
        %broadcast_in_dim3A_614 = arith.constant 4 : i32
        %broadcast_in_dim3A_615 = vector.broadcast %broadcast_in_dim3A_614 : i32 to vector<16xi32>
        %gather3A_616 = tpu.vector_load_idx %arg9[%add3A_587, %broadcast_in_dim3A_615] : memref<256x8xf32, #tpu.memory_space<vmem>>[vector<16xi32>, vector<16xi32>], vector<16xf32>,
        %broadcast_in_dim3A_617 = arith.constant 4 : i32
        %broadcast_in_dim3A_618 = vector.broadcast %broadcast_in_dim3A_617 : i32 to vector<16xi32>
        %gather3A_619 = tpu.vector_load_idx %arg11[%add3A_587, %broadcast_in_dim3A_618] : memref<256x8xf32, #tpu.memory_space<vmem>>[vector<16xi32>, vector<16xi32>], vector<16xf32>,
        %mul3A_620 = arith.mulf %gather3A_616, %gather3A_619 : vector<16xf32>
        %add3A_621 = arith.addf %add3A_613, %mul3A_620 : vector<16xf32>
        %exp3A = math.exp %add3A_621 : vector<16xf32>
        %broadcast_in_dim3A_622 = arith.constant 0 : i32
        %broadcast_in_dim3A_623 = vector.broadcast %broadcast_in_dim3A_622 : i32 to vector<16xi32>
        %gather3A_624 = tpu.vector_load_idx %arg10[%add3A_587, %broadcast_in_dim3A_623] : memref<256x8xf32, #tpu.memory_space<vmem>>[vector<16xi32>, vector<16xi32>], vector<16xf32>,
        %mul3A_625 = arith.mulf %exp3A, %gather3A_624 : vector<16xf32>
        %broadcast_in_dim3A_626 = arith.constant 1 : i32
        %broadcast_in_dim3A_627 = vector.broadcast %broadcast_in_dim3A_626 : i32 to vector<16xi32>
        %gather3A_628 = tpu.vector_load_idx %arg10[%add3A_587, %broadcast_in_dim3A_627] : memref<256x8xf32, #tpu.memory_space<vmem>>[vector<16xi32>, vector<16xi32>], vector<16xf32>,
        %mul3A_629 = arith.mulf %exp3A, %gather3A_628 : vector<16xf32>
        %broadcast_in_dim3A_630 = arith.constant 2 : i32
        %broadcast_in_dim3A_631 = vector.broadcast %broadcast_in_dim3A_630 : i32 to vector<16xi32>
        %gather3A_632 = tpu.vector_load_idx %arg10[%add3A_587, %broadcast_in_dim3A_631] : memref<256x8xf32, #tpu.memory_space<vmem>>[vector<16xi32>, vector<16xi32>], vector<16xf32>,
        %mul3A_633 = arith.mulf %exp3A, %gather3A_632 : vector<16xf32>
        %broadcast_in_dim3A_634 = arith.constant 3 : i32
        %broadcast_in_dim3A_635 = vector.broadcast %broadcast_in_dim3A_634 : i32 to vector<16xi32>
        %gather3A_636 = tpu.vector_load_idx %arg10[%add3A_587, %broadcast_in_dim3A_635] : memref<256x8xf32, #tpu.memory_space<vmem>>[vector<16xi32>, vector<16xi32>], vector<16xf32>,
        %mul3A_637 = arith.mulf %exp3A, %gather3A_636 : vector<16xf32>
        %broadcast_in_dim3A_638 = arith.constant 4 : i32
        %broadcast_in_dim3A_639 = vector.broadcast %broadcast_in_dim3A_638 : i32 to vector<16xi32>
        %gather3A_640 = tpu.vector_load_idx %arg10[%add3A_587, %broadcast_in_dim3A_639] : memref<256x8xf32, #tpu.memory_space<vmem>>[vector<16xi32>, vector<16xi32>], vector<16xf32>,
        %mul3A_641 = arith.mulf %exp3A, %gather3A_640 : vector<16xf32>
        %broadcast_in_dim3A_642 = arith.constant 5 : i32
        %broadcast_in_dim3A_643 = vector.broadcast %broadcast_in_dim3A_642 : i32 to vector<16xi32>
        %gather3A_644 = tpu.vector_load_idx %arg10[%add3A_587, %broadcast_in_dim3A_643] : memref<256x8xf32, #tpu.memory_space<vmem>>[vector<16xi32>, vector<16xi32>], vector<16xf32>,
        %mul3A_645 = arith.mulf %exp3A, %gather3A_644 : vector<16xf32>
        %broadcast_in_dim3A_646 = arith.constant 6 : i32
        %broadcast_in_dim3A_647 = vector.broadcast %broadcast_in_dim3A_646 : i32 to vector<16xi32>
        %gather3A_648 = tpu.vector_load_idx %arg10[%add3A_587, %broadcast_in_dim3A_647] : memref<256x8xf32, #tpu.memory_space<vmem>>[vector<16xi32>, vector<16xi32>], vector<16xf32>,
        %mul3A_649 = arith.mulf %exp3A, %gather3A_648 : vector<16xf32>
        %broadcast_in_dim3A_650 = arith.constant 7 : i32
        %broadcast_in_dim3A_651 = vector.broadcast %broadcast_in_dim3A_650 : i32 to vector<16xi32>
        %gather3A_652 = tpu.vector_load_idx %arg10[%add3A_587, %broadcast_in_dim3A_651] : memref<256x8xf32, #tpu.memory_space<vmem>>[vector<16xi32>, vector<16xi32>], vector<16xf32>,
        %mul3A_653 = arith.mulf %exp3A, %gather3A_652 : vector<16xf32>
        %iota3A_654 = tpu.iota {dimensions = array<i32: 0>} : vector<16xi32>
        %mul3A_655 = arith.constant 2 : i32
        %mul3A_656 = arith.muli %scan3A_577, %mul3A_655 : i32
        %add3A_657 = arith.constant 1 : i32
        %add3A_658 = arith.addi %mul3A_656, %add3A_657 : i32
        %mul3A_659 = arith.constant 16 : i32
        %mul3A_660 = arith.muli %add3A_658, %mul3A_659 : i32
        %add3A_661 = vector.broadcast %mul3A_660 : i32 to vector<16xi32>
        %add3A_662 = arith.addi %iota3A_654, %add3A_661 : vector<16xi32>
        %broadcast_in_dim3A_663 = arith.constant 0 : i32
        %broadcast_in_dim3A_664 = vector.broadcast %broadcast_in_dim3A_663 : i32 to vector<16xi32>
        %gather3A_665 = tpu.vector_load_idx %arg9[%add3A_662, %broadcast_in_dim3A_664] : memref<256x8xf32, #tpu.memory_space<vmem>>[vector<16xi32>, vector<16xi32>], vector<16xf32>,
        %broadcast_in_dim3A_666 = arith.constant 0 : i32
        %broadcast_in_dim3A_667 = vector.broadcast %broadcast_in_dim3A_666 : i32 to vector<16xi32>
        %gather3A_668 = tpu.vector_load_idx %arg11[%add3A_662, %broadcast_in_dim3A_667] : memref<256x8xf32, #tpu.memory_space<vmem>>[vector<16xi32>, vector<16xi32>], vector<16xf32>,
        %mul3A_669 = arith.mulf %gather3A_665, %gather3A_668 : vector<16xf32>
        %broadcast_in_dim3A_670 = arith.constant 1 : i32
        %broadcast_in_dim3A_671 = vector.broadcast %broadcast_in_dim3A_670 : i32 to vector<16xi32>
        %gather3A_672 = tpu.vector_load_idx %arg9[%add3A_662, %broadcast_in_dim3A_671] : memref<256x8xf32, #tpu.memory_space<vmem>>[vector<16xi32>, vector<16xi32>], vector<16xf32>,
        %broadcast_in_dim3A_673 = arith.constant 1 : i32
        %broadcast_in_dim3A_674 = vector.broadcast %broadcast_in_dim3A_673 : i32 to vector<16xi32>
        %gather3A_675 = tpu.vector_load_idx %arg11[%add3A_662, %broadcast_in_dim3A_674] : memref<256x8xf32, #tpu.memory_space<vmem>>[vector<16xi32>, vector<16xi32>], vector<16xf32>,
        %mul3A_676 = arith.mulf %gather3A_672, %gather3A_675 : vector<16xf32>
        %add3A_677 = arith.addf %mul3A_669, %mul3A_676 : vector<16xf32>
        %broadcast_in_dim3A_678 = arith.constant 2 : i32
        %broadcast_in_dim3A_679 = vector.broadcast %broadcast_in_dim3A_678 : i32 to vector<16xi32>
        %gather3A_680 = tpu.vector_load_idx %arg9[%add3A_662, %broadcast_in_dim3A_679] : memref<256x8xf32, #tpu.memory_space<vmem>>[vector<16xi32>, vector<16xi32>], vector<16xf32>,
        %broadcast_in_dim3A_681 = arith.constant 2 : i32
        %broadcast_in_dim3A_682 = vector.broadcast %broadcast_in_dim3A_681 : i32 to vector<16xi32>
        %gather3A_683 = tpu.vector_load_idx %arg11[%add3A_662, %broadcast_in_dim3A_682] : memref<256x8xf32, #tpu.memory_space<vmem>>[vector<16xi32>, vector<16xi32>], vector<16xf32>,
        %mul3A_684 = arith.mulf %gather3A_680, %gather3A_683 : vector<16xf32>
        %broadcast_in_dim3A_685 = arith.constant 3 : i32
        %broadcast_in_dim3A_686 = vector.broadcast %broadcast_in_dim3A_685 : i32 to vector<16xi32>
        %gather3A_687 = tpu.vector_load_idx %arg9[%add3A_662, %broadcast_in_dim3A_686] : memref<256x8xf32, #tpu.memory_space<vmem>>[vector<16xi32>, vector<16xi32>], vector<16xf32>,
        %add3A_688 = arith.addf %mul3A_684, %gather3A_687 : vector<16xf32>
        %add3A_689 = arith.addf %add3A_677, %add3A_688 : vector<16xf32>
        %broadcast_in_dim3A_690 = arith.constant 4 : i32
        %broadcast_in_dim3A_691 = vector.broadcast %broadcast_in_dim3A_690 : i32 to vector<16xi32>
        %gather3A_692 = tpu.vector_load_idx %arg9[%add3A_662, %broadcast_in_dim3A_691] : memref<256x8xf32, #tpu.memory_space<vmem>>[vector<16xi32>, vector<16xi32>], vector<16xf32>,
        %broadcast_in_dim3A_693 = arith.constant 4 : i32
        %broadcast_in_dim3A_694 = vector.broadcast %broadcast_in_dim3A_693 : i32 to vector<16xi32>
        %gather3A_695 = tpu.vector_load_idx %arg11[%add3A_662, %broadcast_in_dim3A_694] : memref<256x8xf32, #tpu.memory_space<vmem>>[vector<16xi32>, vector<16xi32>], vector<16xf32>,
        %mul3A_696 = arith.mulf %gather3A_692, %gather3A_695 : vector<16xf32>
        %add3A_697 = arith.addf %add3A_689, %mul3A_696 : vector<16xf32>
        %exp3A_698 = math.exp %add3A_697 : vector<16xf32>
        %broadcast_in_dim3A_699 = arith.constant 0 : i32
        %broadcast_in_dim3A_700 = vector.broadcast %broadcast_in_dim3A_699 : i32 to vector<16xi32>
        %gather3A_701 = tpu.vector_load_idx %arg10[%add3A_662, %broadcast_in_dim3A_700] : memref<256x8xf32, #tpu.memory_space<vmem>>[vector<16xi32>, vector<16xi32>], vector<16xf32>,
        %mul3A_702 = arith.mulf %exp3A_698, %gather3A_701 : vector<16xf32>
        %broadcast_in_dim3A_703 = arith.constant 1 : i32
        %broadcast_in_dim3A_704 = vector.broadcast %broadcast_in_dim3A_703 : i32 to vector<16xi32>
        %gather3A_705 = tpu.vector_load_idx %arg10[%add3A_662, %broadcast_in_dim3A_704] : memref<256x8xf32, #tpu.memory_space<vmem>>[vector<16xi32>, vector<16xi32>], vector<16xf32>,
        %mul3A_706 = arith.mulf %exp3A_698, %gather3A_705 : vector<16xf32>
        %broadcast_in_dim3A_707 = arith.constant 2 : i32
        %broadcast_in_dim3A_708 = vector.broadcast %broadcast_in_dim3A_707 : i32 to vector<16xi32>
        %gather3A_709 = tpu.vector_load_idx %arg10[%add3A_662, %broadcast_in_dim3A_708] : memref<256x8xf32, #tpu.memory_space<vmem>>[vector<16xi32>, vector<16xi32>], vector<16xf32>,
        %mul3A_710 = arith.mulf %exp3A_698, %gather3A_709 : vector<16xf32>
        %broadcast_in_dim3A_711 = arith.constant 3 : i32
        %broadcast_in_dim3A_712 = vector.broadcast %broadcast_in_dim3A_711 : i32 to vector<16xi32>
        %gather3A_713 = tpu.vector_load_idx %arg10[%add3A_662, %broadcast_in_dim3A_712] : memref<256x8xf32, #tpu.memory_space<vmem>>[vector<16xi32>, vector<16xi32>], vector<16xf32>,
        %mul3A_714 = arith.mulf %exp3A_698, %gather3A_713 : vector<16xf32>
        %broadcast_in_dim3A_715 = arith.constant 4 : i32
        %broadcast_in_dim3A_716 = vector.broadcast %broadcast_in_dim3A_715 : i32 to vector<16xi32>
        %gather3A_717 = tpu.vector_load_idx %arg10[%add3A_662, %broadcast_in_dim3A_716] : memref<256x8xf32, #tpu.memory_space<vmem>>[vector<16xi32>, vector<16xi32>], vector<16xf32>,
        %mul3A_718 = arith.mulf %exp3A_698, %gather3A_717 : vector<16xf32>
        %broadcast_in_dim3A_719 = arith.constant 5 : i32
        %broadcast_in_dim3A_720 = vector.broadcast %broadcast_in_dim3A_719 : i32 to vector<16xi32>
        %gather3A_721 = tpu.vector_load_idx %arg10[%add3A_662, %broadcast_in_dim3A_720] : memref<256x8xf32, #tpu.memory_space<vmem>>[vector<16xi32>, vector<16xi32>], vector<16xf32>,
        %mul3A_722 = arith.mulf %exp3A_698, %gather3A_721 : vector<16xf32>
        %broadcast_in_dim3A_723 = arith.constant 6 : i32
        %broadcast_in_dim3A_724 = vector.broadcast %broadcast_in_dim3A_723 : i32 to vector<16xi32>
        %gather3A_725 = tpu.vector_load_idx %arg10[%add3A_662, %broadcast_in_dim3A_724] : memref<256x8xf32, #tpu.memory_space<vmem>>[vector<16xi32>, vector<16xi32>], vector<16xf32>,
        %mul3A_726 = arith.mulf %exp3A_698, %gather3A_725 : vector<16xf32>
        %broadcast_in_dim3A_727 = arith.constant 7 : i32
        %broadcast_in_dim3A_728 = vector.broadcast %broadcast_in_dim3A_727 : i32 to vector<16xi32>
        %gather3A_729 = tpu.vector_load_idx %arg10[%add3A_662, %broadcast_in_dim3A_728] : memref<256x8xf32, #tpu.memory_space<vmem>>[vector<16xi32>, vector<16xi32>], vector<16xf32>,
        %mul3A_730 = arith.mulf %exp3A_698, %gather3A_729 : vector<16xf32>
        %broadcast_in_dim3A_731 = arith.constant 0 : i32
        %broadcast_in_dim3A_732 = vector.broadcast %broadcast_in_dim3A_731 : i32 to vector<16xi32>
        tpu.vector_store_idx %arg12[%add3A_587, %broadcast_in_dim3A_732], %mul3A_625 : memref<256x8xf32, #tpu.memory_space<vmem>>[vector<16xi32>, vector<16xi32>], vector<16xf32>,
        %broadcast_in_dim3A_733 = arith.constant 1 : i32
        %broadcast_in_dim3A_734 = vector.broadcast %broadcast_in_dim3A_733 : i32 to vector<16xi32>
        tpu.vector_store_idx %arg12[%add3A_587, %broadcast_in_dim3A_734], %mul3A_629 : memref<256x8xf32, #tpu.memory_space<vmem>>[vector<16xi32>, vector<16xi32>], vector<16xf32>,
        %broadcast_in_dim3A_735 = arith.constant 2 : i32
        %broadcast_in_dim3A_736 = vector.broadcast %broadcast_in_dim3A_735 : i32 to vector<16xi32>
        tpu.vector_store_idx %arg12[%add3A_587, %broadcast_in_dim3A_736], %mul3A_633 : memref<256x8xf32, #tpu.memory_space<vmem>>[vector<16xi32>, vector<16xi32>], vector<16xf32>,
        %broadcast_in_dim3A_737 = arith.constant 3 : i32
        %broadcast_in_dim3A_738 = vector.broadcast %broadcast_in_dim3A_737 : i32 to vector<16xi32>
        tpu.vector_store_idx %arg12[%add3A_587, %broadcast_in_dim3A_738], %mul3A_637 : memref<256x8xf32, #tpu.memory_space<vmem>>[vector<16xi32>, vector<16xi32>], vector<16xf32>,
        %broadcast_in_dim3A_739 = arith.constant 4 : i32
        %broadcast_in_dim3A_740 = vector.broadcast %broadcast_in_dim3A_739 : i32 to vector<16xi32>
        tpu.vector_store_idx %arg12[%add3A_587, %broadcast_in_dim3A_740], %mul3A_641 : memref<256x8xf32, #tpu.memory_space<vmem>>[vector<16xi32>, vector<16xi32>], vector<16xf32>,
        %broadcast_in_dim3A_741 = arith.constant 5 : i32
        %broadcast_in_dim3A_742 = vector.broadcast %broadcast_in_dim3A_741 : i32 to vector<16xi32>
        tpu.vector_store_idx %arg12[%add3A_587, %broadcast_in_dim3A_742], %mul3A_645 : memref<256x8xf32, #tpu.memory_space<vmem>>[vector<16xi32>, vector<16xi32>], vector<16xf32>,
        %broadcast_in_dim3A_743 = arith.constant 6 : i32
        %broadcast_in_dim3A_744 = vector.broadcast %broadcast_in_dim3A_743 : i32 to vector<16xi32>
        tpu.vector_store_idx %arg12[%add3A_587, %broadcast_in_dim3A_744], %mul3A_649 : memref<256x8xf32, #tpu.memory_space<vmem>>[vector<16xi32>, vector<16xi32>], vector<16xf32>,
        %broadcast_in_dim3A_745 = arith.constant 7 : i32
        %broadcast_in_dim3A_746 = vector.broadcast %broadcast_in_dim3A_745 : i32 to vector<16xi32>
        tpu.vector_store_idx %arg12[%add3A_587, %broadcast_in_dim3A_746], %mul3A_653 : memref<256x8xf32, #tpu.memory_space<vmem>>[vector<16xi32>, vector<16xi32>], vector<16xf32>,
        %broadcast_in_dim3A_747 = arith.constant 0 : i32
        %broadcast_in_dim3A_748 = vector.broadcast %broadcast_in_dim3A_747 : i32 to vector<16xi32>
        tpu.vector_store_idx %arg12[%add3A_662, %broadcast_in_dim3A_748], %mul3A_702 : memref<256x8xf32, #tpu.memory_space<vmem>>[vector<16xi32>, vector<16xi32>], vector<16xf32>,
        %broadcast_in_dim3A_749 = arith.constant 1 : i32
        %broadcast_in_dim3A_750 = vector.broadcast %broadcast_in_dim3A_749 : i32 to vector<16xi32>
        tpu.vector_store_idx %arg12[%add3A_662, %broadcast_in_dim3A_750], %mul3A_706 : memref<256x8xf32, #tpu.memory_space<vmem>>[vector<16xi32>, vector<16xi32>], vector<16xf32>,
        %broadcast_in_dim3A_751 = arith.constant 2 : i32
        %broadcast_in_dim3A_752 = vector.broadcast %broadcast_in_dim3A_751 : i32 to vector<16xi32>
        tpu.vector_store_idx %arg12[%add3A_662, %broadcast_in_dim3A_752], %mul3A_710 : memref<256x8xf32, #tpu.memory_space<vmem>>[vector<16xi32>, vector<16xi32>], vector<16xf32>,
        %broadcast_in_dim3A_753 = arith.constant 3 : i32
        %broadcast_in_dim3A_754 = vector.broadcast %broadcast_in_dim3A_753 : i32 to vector<16xi32>
        tpu.vector_store_idx %arg12[%add3A_662, %broadcast_in_dim3A_754], %mul3A_714 : memref<256x8xf32, #tpu.memory_space<vmem>>[vector<16xi32>, vector<16xi32>], vector<16xf32>,
        %broadcast_in_dim3A_755 = arith.constant 4 : i32
        %broadcast_in_dim3A_756 = vector.broadcast %broadcast_in_dim3A_755 : i32 to vector<16xi32>
        tpu.vector_store_idx %arg12[%add3A_662, %broadcast_in_dim3A_756], %mul3A_718 : memref<256x8xf32, #tpu.memory_space<vmem>>[vector<16xi32>, vector<16xi32>], vector<16xf32>,
        %broadcast_in_dim3A_757 = arith.constant 5 : i32
        %broadcast_in_dim3A_758 = vector.broadcast %broadcast_in_dim3A_757 : i32 to vector<16xi32>
        tpu.vector_store_idx %arg12[%add3A_662, %broadcast_in_dim3A_758], %mul3A_722 : memref<256x8xf32, #tpu.memory_space<vmem>>[vector<16xi32>, vector<16xi32>], vector<16xf32>,
        %broadcast_in_dim3A_759 = arith.constant 6 : i32
        %broadcast_in_dim3A_760 = vector.broadcast %broadcast_in_dim3A_759 : i32 to vector<16xi32>
        tpu.vector_store_idx %arg12[%add3A_662, %broadcast_in_dim3A_760], %mul3A_726 : memref<256x8xf32, #tpu.memory_space<vmem>>[vector<16xi32>, vector<16xi32>], vector<16xf32>,
        %broadcast_in_dim3A_761 = arith.constant 7 : i32
        %broadcast_in_dim3A_762 = vector.broadcast %broadcast_in_dim3A_761 : i32 to vector<16xi32>
        tpu.vector_store_idx %arg12[%add3A_662, %broadcast_in_dim3A_762], %mul3A_730 : memref<256x8xf32, #tpu.memory_space<vmem>>[vector<16xi32>, vector<16xi32>], vector<16xf32>,
        %scan3A_763 = arith.constant 0 : i32
        scf.yield %scan3A_763 : i32
      }
      %scan3A_443 = arith.constant 8 : i32
      %mul3A_444 = arith.constant 256 : i32
      %mul3A_445 = arith.muli %mul3A_365, %mul3A_444 : i32
      %add3A_446 = arith.constant 0 : i32
      %add3A_447 = arith.addi %mul3A_445, %add3A_446 : i32
      %multiple_of3A_448 = tpu.assume_multiple %add3A_447, 128 : i32
      %dma_start3A_449 = arith.constant 0 : i32
      %dma_start3A_450 = arith.constant 0 : i32
      %dma_start3A_451 = tpu.memref_slice %arg12[%dma_start3A_449, %dma_start3A_450] : memref<256x8xf32, #tpu.memory_space<vmem>> -> memref<128x8xf32, #tpu.memory_space<vmem>>
      %dma_start3A_452 = tpu.memref_slice %arg8[%multiple_of3A_448] : memref<25088xi32, #tpu.memory_space<vmem>> -> memref<128xi32, #tpu.memory_space<vmem>>
      %dma_start3A_453 = arith.constant 0 : i32
      %dma_start3A_454 = arith.constant 0 : i32
      %dma_start3A_455 = tpu.memref_slice %arg17[%dma_start3A_453, %dma_start3A_454] : memref<50048x8xf32, #tpu.memory_space<vmem_shared>> -> memref<50048x8xf32, #tpu.memory_space<vmem_shared>>
      tpu.enqueue_indirect_dma source(%dma_start3A_451 : memref<128x8xf32, #tpu.memory_space<vmem>>) target(%dma_start3A_455 : memref<50048x8xf32, #tpu.memory_space<vmem_shared>>) offsets(%dma_start3A_452 : memref<128xi32, #tpu.memory_space<vmem>>) semaphore(%arg20 : memref<!tpu.dma_semaphore, #tpu.memory_space<semaphore_mem>>) {add = true}
      %mul3A_456 = arith.constant 256 : i32
      %mul3A_457 = arith.muli %mul3A_365, %mul3A_456 : i32
      %add3A_458 = arith.constant 128 : i32
      %add3A_459 = arith.addi %mul3A_457, %add3A_458 : i32
      %multiple_of3A_460 = tpu.assume_multiple %add3A_459, 128 : i32
      %dma_start3A_461 = arith.constant 128 : i32
      %dma_start3A_462 = arith.constant 0 : i32
      %dma_start3A_463 = tpu.memref_slice %arg12[%dma_start3A_461, %dma_start3A_462] : memref<256x8xf32, #tpu.memory_space<vmem>> -> memref<128x8xf32, #tpu.memory_space<vmem>>
      %dma_start3A_464 = tpu.memref_slice %arg8[%multiple_of3A_460] : memref<25088xi32, #tpu.memory_space<vmem>> -> memref<128xi32, #tpu.memory_space<vmem>>
      %dma_start3A_465 = arith.constant 0 : i32
      %dma_start3A_466 = arith.constant 0 : i32
      %dma_start3A_467 = tpu.memref_slice %arg17[%dma_start3A_465, %dma_start3A_466] : memref<50048x8xf32, #tpu.memory_space<vmem_shared>> -> memref<50048x8xf32, #tpu.memory_space<vmem_shared>>
      tpu.enqueue_indirect_dma source(%dma_start3A_463 : memref<128x8xf32, #tpu.memory_space<vmem>>) target(%dma_start3A_467 : memref<50048x8xf32, #tpu.memory_space<vmem_shared>>) offsets(%dma_start3A_464 : memref<128xi32, #tpu.memory_space<vmem>>) semaphore(%arg20 : memref<!tpu.dma_semaphore, #tpu.memory_space<semaphore_mem>>) {add = true}
      %mul3A_468 = arith.constant 2 : i32
      %mul3A_469 = arith.muli %mul3A_468, %scan3A_363 : i32
      %add3A_470 = arith.constant 1 : i32
      %add3A_471 = arith.addi %mul3A_469, %add3A_470 : i32
      %add3A_472 = arith.constant 1 : i32
      %add3A_473 = arith.addi %add3A_471, %add3A_472 : i32
      %lt3A_474 = arith.constant 98 : i32
      %lt3A_475 = arith.cmpi slt, %add3A_473, %lt3A_474 : i32
      %convert_element_type3A_476 = arith.extui %lt3A_475 : i1 to i32
      %cond3A_477 = arith.constant 0 : i32
      %cond3A_478 = arith.cmpi ne, %convert_element_type3A_476, %cond3A_477 : i32
      scf.if %cond3A_478 {
        %add3A_577 = arith.constant 1 : i32
        %add3A_578 = arith.addi %add3A_471, %add3A_577 : i32
        %mul3A_579 = arith.constant 256 : i32
        %mul3A_580 = arith.muli %add3A_578, %mul3A_579 : i32
        %add3A_581 = arith.constant 0 : i32
        %add3A_582 = arith.addi %mul3A_580, %add3A_581 : i32
        %multiple_of3A_583 = tpu.assume_multiple %add3A_582, 128 : i32
        %dma_start3A_584 = arith.constant 0 : i32
        %dma_start3A_585 = arith.constant 0 : i32
        %dma_start3A_586 = tpu.memref_slice %arg9[%dma_start3A_584, %dma_start3A_585] : memref<256x8xf32, #tpu.memory_space<vmem>> -> memref<128x8xf32, #tpu.memory_space<vmem>>
        %dma_start3A_587 = tpu.memref_slice %arg7[%multiple_of3A_583] : memref<25088xi32, #tpu.memory_space<vmem>> -> memref<128xi32, #tpu.memory_space<vmem>>
        %dma_start3A_588 = arith.constant 0 : i32
        %dma_start3A_589 = arith.constant 0 : i32
        %dma_start3A_590 = tpu.memref_slice %arg2[%dma_start3A_588, %dma_start3A_589] : memref<50000x8xf32, #tpu.memory_space<hbm>> -> memref<50000x8xf32, #tpu.memory_space<hbm>>
        tpu.enqueue_indirect_dma source(%dma_start3A_590 : memref<50000x8xf32, #tpu.memory_space<hbm>>) target(%dma_start3A_586 : memref<128x8xf32, #tpu.memory_space<vmem>>) offsets(%dma_start3A_587 : memref<128xi32, #tpu.memory_space<vmem>>) semaphore(%arg18 : memref<!tpu.dma_semaphore, #tpu.memory_space<semaphore_mem>>)
        %dma_start3A_591 = arith.constant 0 : i32
        %dma_start3A_592 = arith.constant 0 : i32
        %dma_start3A_593 = tpu.memref_slice %arg10[%dma_start3A_591, %dma_start3A_592] : memref<256x8xf32, #tpu.memory_space<vmem>> -> memref<128x8xf32, #tpu.memory_space<vmem>>
        %dma_start3A_594 = tpu.memref_slice %arg7[%multiple_of3A_583] : memref<25088xi32, #tpu.memory_space<vmem>> -> memref<128xi32, #tpu.memory_space<vmem>>
        %dma_start3A_595 = arith.constant 0 : i32
        %dma_start3A_596 = arith.constant 0 : i32
        %dma_start3A_597 = tpu.memref_slice %arg3[%dma_start3A_595, %dma_start3A_596] : memref<50000x8xf32, #tpu.memory_space<hbm>> -> memref<50000x8xf32, #tpu.memory_space<hbm>>
        tpu.enqueue_indirect_dma source(%dma_start3A_597 : memref<50000x8xf32, #tpu.memory_space<hbm>>) target(%dma_start3A_593 : memref<128x8xf32, #tpu.memory_space<vmem>>) offsets(%dma_start3A_594 : memref<128xi32, #tpu.memory_space<vmem>>) semaphore(%arg18 : memref<!tpu.dma_semaphore, #tpu.memory_space<semaphore_mem>>)
        %mul3A_598 = arith.constant 256 : i32
        %mul3A_599 = arith.muli %add3A_578, %mul3A_598 : i32
        %add3A_600 = arith.constant 0 : i32
        %add3A_601 = arith.addi %mul3A_599, %add3A_600 : i32
        %multiple_of3A_602 = tpu.assume_multiple %add3A_601, 128 : i32
        %dma_start3A_603 = arith.constant 0 : i32
        %dma_start3A_604 = arith.constant 0 : i32
        %dma_start3A_605 = tpu.memref_slice %arg11[%dma_start3A_603, %dma_start3A_604] : memref<256x8xf32, #tpu.memory_space<vmem>> -> memref<128x8xf32, #tpu.memory_space<vmem>>
        %dma_start3A_606 = tpu.memref_slice %arg8[%multiple_of3A_602] : memref<25088xi32, #tpu.memory_space<vmem>> -> memref<128xi32, #tpu.memory_space<vmem>>
        %dma_start3A_607 = arith.constant 0 : i32
        %dma_start3A_608 = arith.constant 0 : i32
        %dma_start3A_609 = tpu.memref_slice %arg4[%dma_start3A_607, %dma_start3A_608] : memref<50000x8xf32, #tpu.memory_space<hbm>> -> memref<50000x8xf32, #tpu.memory_space<hbm>>
        tpu.enqueue_indirect_dma source(%dma_start3A_609 : memref<50000x8xf32, #tpu.memory_space<hbm>>) target(%dma_start3A_605 : memref<128x8xf32, #tpu.memory_space<vmem>>) offsets(%dma_start3A_606 : memref<128xi32, #tpu.memory_space<vmem>>) semaphore(%arg18 : memref<!tpu.dma_semaphore, #tpu.memory_space<semaphore_mem>>)
        %mul3A_610 = arith.constant 256 : i32
        %mul3A_611 = arith.muli %add3A_578, %mul3A_610 : i32
        %add3A_612 = arith.constant 128 : i32
        %add3A_613 = arith.addi %mul3A_611, %add3A_612 : i32
        %multiple_of3A_614 = tpu.assume_multiple %add3A_613, 128 : i32
        %dma_start3A_615 = arith.constant 128 : i32
        %dma_start3A_616 = arith.constant 0 : i32
        %dma_start3A_617 = tpu.memref_slice %arg9[%dma_start3A_615, %dma_start3A_616] : memref<256x8xf32, #tpu.memory_space<vmem>> -> memref<128x8xf32, #tpu.memory_space<vmem>>
        %dma_start3A_618 = tpu.memref_slice %arg7[%multiple_of3A_614] : memref<25088xi32, #tpu.memory_space<vmem>> -> memref<128xi32, #tpu.memory_space<vmem>>
        %dma_start3A_619 = arith.constant 0 : i32
        %dma_start3A_620 = arith.constant 0 : i32
        %dma_start3A_621 = tpu.memref_slice %arg2[%dma_start3A_619, %dma_start3A_620] : memref<50000x8xf32, #tpu.memory_space<hbm>> -> memref<50000x8xf32, #tpu.memory_space<hbm>>
        tpu.enqueue_indirect_dma source(%dma_start3A_621 : memref<50000x8xf32, #tpu.memory_space<hbm>>) target(%dma_start3A_617 : memref<128x8xf32, #tpu.memory_space<vmem>>) offsets(%dma_start3A_618 : memref<128xi32, #tpu.memory_space<vmem>>) semaphore(%arg18 : memref<!tpu.dma_semaphore, #tpu.memory_space<semaphore_mem>>)
        %dma_start3A_622 = arith.constant 128 : i32
        %dma_start3A_623 = arith.constant 0 : i32
        %dma_start3A_624 = tpu.memref_slice %arg10[%dma_start3A_622, %dma_start3A_623] : memref<256x8xf32, #tpu.memory_space<vmem>> -> memref<128x8xf32, #tpu.memory_space<vmem>>
        %dma_start3A_625 = tpu.memref_slice %arg7[%multiple_of3A_614] : memref<25088xi32, #tpu.memory_space<vmem>> -> memref<128xi32, #tpu.memory_space<vmem>>
        %dma_start3A_626 = arith.constant 0 : i32
        %dma_start3A_627 = arith.constant 0 : i32
        %dma_start3A_628 = tpu.memref_slice %arg3[%dma_start3A_626, %dma_start3A_627] : memref<50000x8xf32, #tpu.memory_space<hbm>> -> memref<50000x8xf32, #tpu.memory_space<hbm>>
        tpu.enqueue_indirect_dma source(%dma_start3A_628 : memref<50000x8xf32, #tpu.memory_space<hbm>>) target(%dma_start3A_624 : memref<128x8xf32, #tpu.memory_space<vmem>>) offsets(%dma_start3A_625 : memref<128xi32, #tpu.memory_space<vmem>>) semaphore(%arg18 : memref<!tpu.dma_semaphore, #tpu.memory_space<semaphore_mem>>)
        %mul3A_629 = arith.constant 256 : i32
        %mul3A_630 = arith.muli %add3A_578, %mul3A_629 : i32
        %add3A_631 = arith.constant 128 : i32
        %add3A_632 = arith.addi %mul3A_630, %add3A_631 : i32
        %multiple_of3A_633 = tpu.assume_multiple %add3A_632, 128 : i32
        %dma_start3A_634 = arith.constant 128 : i32
        %dma_start3A_635 = arith.constant 0 : i32
        %dma_start3A_636 = tpu.memref_slice %arg11[%dma_start3A_634, %dma_start3A_635] : memref<256x8xf32, #tpu.memory_space<vmem>> -> memref<128x8xf32, #tpu.memory_space<vmem>>
        %dma_start3A_637 = tpu.memref_slice %arg8[%multiple_of3A_633] : memref<25088xi32, #tpu.memory_space<vmem>> -> memref<128xi32, #tpu.memory_space<vmem>>
        %dma_start3A_638 = arith.constant 0 : i32
        %dma_start3A_639 = arith.constant 0 : i32
        %dma_start3A_640 = tpu.memref_slice %arg4[%dma_start3A_638, %dma_start3A_639] : memref<50000x8xf32, #tpu.memory_space<hbm>> -> memref<50000x8xf32, #tpu.memory_space<hbm>>
        tpu.enqueue_indirect_dma source(%dma_start3A_640 : memref<50000x8xf32, #tpu.memory_space<hbm>>) target(%dma_start3A_636 : memref<128x8xf32, #tpu.memory_space<vmem>>) offsets(%dma_start3A_637 : memref<128xi32, #tpu.memory_space<vmem>>) semaphore(%arg18 : memref<!tpu.dma_semaphore, #tpu.memory_space<semaphore_mem>>)
      } else {
      }
      %mul3A_479 = arith.constant 256 : i32
      %mul3A_480 = arith.muli %add3A_471, %mul3A_479 : i32
      %add3A_481 = arith.constant 0 : i32
      %add3A_482 = arith.addi %mul3A_480, %add3A_481 : i32
      %multiple_of3A_483 = tpu.assume_multiple %add3A_482, 128 : i32
      %dma_wait3A_484 = arith.constant 0 : i32
      %dma_wait3A_485 = arith.constant 0 : i32
      %dma_wait3A_486 = tpu.memref_slice %arg13[%dma_wait3A_484, %dma_wait3A_485] : memref<256x8xf32, #tpu.memory_space<vmem>> -> memref<128x8xf32, #tpu.memory_space<vmem>>
      %dma_wait3A_487 = tpu.memref_slice %arg7[%multiple_of3A_483] : memref<25088xi32, #tpu.memory_space<vmem>> -> memref<128xi32, #tpu.memory_space<vmem>>
      %dma_wait3A_488 = arith.constant 0 : i32
      %dma_wait3A_489 = arith.constant 0 : i32
      %dma_wait3A_490 = tpu.memref_slice %arg2[%dma_wait3A_488, %dma_wait3A_489] : memref<50000x8xf32, #tpu.memory_space<hbm>> -> memref<50000x8xf32, #tpu.memory_space<hbm>>
      tpu.wait_indirect_dma semaphore(%arg19 : memref<!tpu.dma_semaphore, #tpu.memory_space<semaphore_mem>>) src(%dma_wait3A_490 : memref<50000x8xf32, #tpu.memory_space<hbm>>) dst(%dma_wait3A_486 : memref<128x8xf32, #tpu.memory_space<vmem>>)
      %dma_wait3A_491 = arith.constant 0 : i32
      %dma_wait3A_492 = arith.constant 0 : i32
      %dma_wait3A_493 = tpu.memref_slice %arg14[%dma_wait3A_491, %dma_wait3A_492] : memref<256x8xf32, #tpu.memory_space<vmem>> -> memref<128x8xf32, #tpu.memory_space<vmem>>
      %dma_wait3A_494 = tpu.memref_slice %arg7[%multiple_of3A_483] : memref<25088xi32, #tpu.memory_space<vmem>> -> memref<128xi32, #tpu.memory_space<vmem>>
      %dma_wait3A_495 = arith.constant 0 : i32
      %dma_wait3A_496 = arith.constant 0 : i32
      %dma_wait3A_497 = tpu.memref_slice %arg3[%dma_wait3A_495, %dma_wait3A_496] : memref<50000x8xf32, #tpu.memory_space<hbm>> -> memref<50000x8xf32, #tpu.memory_space<hbm>>
      tpu.wait_indirect_dma semaphore(%arg19 : memref<!tpu.dma_semaphore, #tpu.memory_space<semaphore_mem>>) src(%dma_wait3A_497 : memref<50000x8xf32, #tpu.memory_space<hbm>>) dst(%dma_wait3A_493 : memref<128x8xf32, #tpu.memory_space<vmem>>)
      %mul3A_498 = arith.constant 256 : i32
      %mul3A_499 = arith.muli %add3A_471, %mul3A_498 : i32
      %add3A_500 = arith.constant 0 : i32
      %add3A_501 = arith.addi %mul3A_499, %add3A_500 : i32
      %multiple_of3A_502 = tpu.assume_multiple %add3A_501, 128 : i32
      %dma_wait3A_503 = arith.constant 0 : i32
      %dma_wait3A_504 = arith.constant 0 : i32
      %dma_wait3A_505 = tpu.memref_slice %arg15[%dma_wait3A_503, %dma_wait3A_504] : memref<256x8xf32, #tpu.memory_space<vmem>> -> memref<128x8xf32, #tpu.memory_space<vmem>>
      %dma_wait3A_506 = tpu.memref_slice %arg8[%multiple_of3A_502] : memref<25088xi32, #tpu.memory_space<vmem>> -> memref<128xi32, #tpu.memory_space<vmem>>
      %dma_wait3A_507 = arith.constant 0 : i32
      %dma_wait3A_508 = arith.constant 0 : i32
      %dma_wait3A_509 = tpu.memref_slice %arg4[%dma_wait3A_507, %dma_wait3A_508] : memref<50000x8xf32, #tpu.memory_space<hbm>> -> memref<50000x8xf32, #tpu.memory_space<hbm>>
      tpu.wait_indirect_dma semaphore(%arg19 : memref<!tpu.dma_semaphore, #tpu.memory_space<semaphore_mem>>) src(%dma_wait3A_509 : memref<50000x8xf32, #tpu.memory_space<hbm>>) dst(%dma_wait3A_505 : memref<128x8xf32, #tpu.memory_space<vmem>>)
      %mul3A_510 = arith.constant 256 : i32
      %mul3A_511 = arith.muli %add3A_471, %mul3A_510 : i32
      %add3A_512 = arith.constant 128 : i32
      %add3A_513 = arith.addi %mul3A_511, %add3A_512 : i32
      %multiple_of3A_514 = tpu.assume_multiple %add3A_513, 128 : i32
      %dma_wait3A_515 = arith.constant 128 : i32
      %dma_wait3A_516 = arith.constant 0 : i32
      %dma_wait3A_517 = tpu.memref_slice %arg13[%dma_wait3A_515, %dma_wait3A_516] : memref<256x8xf32, #tpu.memory_space<vmem>> -> memref<128x8xf32, #tpu.memory_space<vmem>>
      %dma_wait3A_518 = tpu.memref_slice %arg7[%multiple_of3A_514] : memref<25088xi32, #tpu.memory_space<vmem>> -> memref<128xi32, #tpu.memory_space<vmem>>
      %dma_wait3A_519 = arith.constant 0 : i32
      %dma_wait3A_520 = arith.constant 0 : i32
      %dma_wait3A_521 = tpu.memref_slice %arg2[%dma_wait3A_519, %dma_wait3A_520] : memref<50000x8xf32, #tpu.memory_space<hbm>> -> memref<50000x8xf32, #tpu.memory_space<hbm>>
      tpu.wait_indirect_dma semaphore(%arg19 : memref<!tpu.dma_semaphore, #tpu.memory_space<semaphore_mem>>) src(%dma_wait3A_521 : memref<50000x8xf32, #tpu.memory_space<hbm>>) dst(%dma_wait3A_517 : memref<128x8xf32, #tpu.memory_space<vmem>>)
      %dma_wait3A_522 = arith.constant 128 : i32
      %dma_wait3A_523 = arith.constant 0 : i32
      %dma_wait3A_524 = tpu.memref_slice %arg14[%dma_wait3A_522, %dma_wait3A_523] : memref<256x8xf32, #tpu.memory_space<vmem>> -> memref<128x8xf32, #tpu.memory_space<vmem>>
      %dma_wait3A_525 = tpu.memref_slice %arg7[%multiple_of3A_514] : memref<25088xi32, #tpu.memory_space<vmem>> -> memref<128xi32, #tpu.memory_space<vmem>>
      %dma_wait3A_526 = arith.constant 0 : i32
      %dma_wait3A_527 = arith.constant 0 : i32
      %dma_wait3A_528 = tpu.memref_slice %arg3[%dma_wait3A_526, %dma_wait3A_527] : memref<50000x8xf32, #tpu.memory_space<hbm>> -> memref<50000x8xf32, #tpu.memory_space<hbm>>
      tpu.wait_indirect_dma semaphore(%arg19 : memref<!tpu.dma_semaphore, #tpu.memory_space<semaphore_mem>>) src(%dma_wait3A_528 : memref<50000x8xf32, #tpu.memory_space<hbm>>) dst(%dma_wait3A_524 : memref<128x8xf32, #tpu.memory_space<vmem>>)
      %mul3A_529 = arith.constant 256 : i32
      %mul3A_530 = arith.muli %add3A_471, %mul3A_529 : i32
      %add3A_531 = arith.constant 128 : i32
      %add3A_532 = arith.addi %mul3A_530, %add3A_531 : i32
      %multiple_of3A_533 = tpu.assume_multiple %add3A_532, 128 : i32
      %dma_wait3A_534 = arith.constant 128 : i32
      %dma_wait3A_535 = arith.constant 0 : i32
      %dma_wait3A_536 = tpu.memref_slice %arg15[%dma_wait3A_534, %dma_wait3A_535] : memref<256x8xf32, #tpu.memory_space<vmem>> -> memref<128x8xf32, #tpu.memory_space<vmem>>
      %dma_wait3A_537 = tpu.memref_slice %arg8[%multiple_of3A_533] : memref<25088xi32, #tpu.memory_space<vmem>> -> memref<128xi32, #tpu.memory_space<vmem>>
      %dma_wait3A_538 = arith.constant 0 : i32
      %dma_wait3A_539 = arith.constant 0 : i32
      %dma_wait3A_540 = tpu.memref_slice %arg4[%dma_wait3A_538, %dma_wait3A_539] : memref<50000x8xf32, #tpu.memory_space<hbm>> -> memref<50000x8xf32, #tpu.memory_space<hbm>>
      tpu.wait_indirect_dma semaphore(%arg19 : memref<!tpu.dma_semaphore, #tpu.memory_space<semaphore_mem>>) src(%dma_wait3A_540 : memref<50000x8xf32, #tpu.memory_space<hbm>>) dst(%dma_wait3A_536 : memref<128x8xf32, #tpu.memory_space<vmem>>)
      %ge3A_541 = arith.constant 1 : i32
      %ge3A_542 = arith.cmpi sge, %scan3A_363, %ge3A_541 : i32
      %convert_element_type3A_543 = arith.extui %ge3A_542 : i1 to i32
      %cond3A_544 = arith.constant 0 : i32
      %cond3A_545 = arith.cmpi ne, %convert_element_type3A_543, %cond3A_544 : i32
      scf.if %cond3A_545 {
        %mul3A_577 = arith.constant 256 : i32
        %mul3A_578 = arith.muli %add3A_471, %mul3A_577 : i32
        %add3A_579 = arith.constant 0 : i32
        %add3A_580 = arith.addi %mul3A_578, %add3A_579 : i32
        %multiple_of3A_581 = tpu.assume_multiple %add3A_580, 128 : i32
        %dma_wait3A_582 = arith.constant 0 : i32
        %dma_wait3A_583 = arith.constant 0 : i32
        %dma_wait3A_584 = tpu.memref_slice %arg16[%dma_wait3A_582, %dma_wait3A_583] : memref<256x8xf32, #tpu.memory_space<vmem>> -> memref<128x8xf32, #tpu.memory_space<vmem>>
        %dma_wait3A_585 = tpu.memref_slice %arg8[%multiple_of3A_581] : memref<25088xi32, #tpu.memory_space<vmem>> -> memref<128xi32, #tpu.memory_space<vmem>>
        %dma_wait3A_586 = arith.constant 0 : i32
        %dma_wait3A_587 = arith.constant 0 : i32
        %dma_wait3A_588 = tpu.memref_slice %arg17[%dma_wait3A_586, %dma_wait3A_587] : memref<50048x8xf32, #tpu.memory_space<vmem_shared>> -> memref<50048x8xf32, #tpu.memory_space<vmem_shared>>
        tpu.wait_indirect_dma semaphore(%arg21 : memref<!tpu.dma_semaphore, #tpu.memory_space<semaphore_mem>>) src(%dma_wait3A_584 : memref<128x8xf32, #tpu.memory_space<vmem>>) dst(%dma_wait3A_588 : memref<50048x8xf32, #tpu.memory_space<vmem_shared>>)
        %mul3A_589 = arith.constant 256 : i32
        %mul3A_590 = arith.muli %add3A_471, %mul3A_589 : i32
        %add3A_591 = arith.constant 128 : i32
        %add3A_592 = arith.addi %mul3A_590, %add3A_591 : i32
        %multiple_of3A_593 = tpu.assume_multiple %add3A_592, 128 : i32
        %dma_wait3A_594 = arith.constant 128 : i32
        %dma_wait3A_595 = arith.constant 0 : i32
        %dma_wait3A_596 = tpu.memref_slice %arg16[%dma_wait3A_594, %dma_wait3A_595] : memref<256x8xf32, #tpu.memory_space<vmem>> -> memref<128x8xf32, #tpu.memory_space<vmem>>
        %dma_wait3A_597 = tpu.memref_slice %arg8[%multiple_of3A_593] : memref<25088xi32, #tpu.memory_space<vmem>> -> memref<128xi32, #tpu.memory_space<vmem>>
        %dma_wait3A_598 = arith.constant 0 : i32
        %dma_wait3A_599 = arith.constant 0 : i32
        %dma_wait3A_600 = tpu.memref_slice %arg17[%dma_wait3A_598, %dma_wait3A_599] : memref<50048x8xf32, #tpu.memory_space<vmem_shared>> -> memref<50048x8xf32, #tpu.memory_space<vmem_shared>>
        tpu.wait_indirect_dma semaphore(%arg21 : memref<!tpu.dma_semaphore, #tpu.memory_space<semaphore_mem>>) src(%dma_wait3A_596 : memref<128x8xf32, #tpu.memory_space<vmem>>) dst(%dma_wait3A_600 : memref<50048x8xf32, #tpu.memory_space<vmem_shared>>)
      } else {
      }
      %scan3A_546 = arith.constant 0 : i32
      %scan3A_547 = arith.constant 0 : i32
      %scan3A_548 = arith.constant 8 : i32
      %scan3A_549 = arith.addi %scan3A_547, %scan3A_548 : i32
      %scan3A_550 = arith.constant 1 : i32
      %scan3A_551 = scf.for %scan3A_577 = %scan3A_547 to %scan3A_549 step %scan3A_550 iter_args(%scan3A_578 = %scan3A_546) -> (i32)  : i32 {
        %iota3A_579 = tpu.iota {dimensions = array<i32: 0>} : vector<16xi32>
        %mul3A_580 = arith.constant 2 : i32
        %mul3A_581 = arith.muli %scan3A_577, %mul3A_580 : i32
        %add3A_582 = arith.constant 0 : i32
        %add3A_583 = arith.addi %mul3A_581, %add3A_582 : i32
        %mul3A_584 = arith.constant 16 : i32
        %mul3A_585 = arith.muli %add3A_583, %mul3A_584 : i32
        %add3A_586 = vector.broadcast %mul3A_585 : i32 to vector<16xi32>
        %add3A_587 = arith.addi %iota3A_579, %add3A_586 : vector<16xi32>
        %broadcast_in_dim3A_588 = arith.constant 0 : i32
        %broadcast_in_dim3A_589 = vector.broadcast %broadcast_in_dim3A_588 : i32 to vector<16xi32>
        %gather3A = tpu.vector_load_idx %arg13[%add3A_587, %broadcast_in_dim3A_589] : memref<256x8xf32, #tpu.memory_space<vmem>>[vector<16xi32>, vector<16xi32>], vector<16xf32>,
        %broadcast_in_dim3A_590 = arith.constant 0 : i32
        %broadcast_in_dim3A_591 = vector.broadcast %broadcast_in_dim3A_590 : i32 to vector<16xi32>
        %gather3A_592 = tpu.vector_load_idx %arg15[%add3A_587, %broadcast_in_dim3A_591] : memref<256x8xf32, #tpu.memory_space<vmem>>[vector<16xi32>, vector<16xi32>], vector<16xf32>,
        %mul3A_593 = arith.mulf %gather3A, %gather3A_592 : vector<16xf32>
        %broadcast_in_dim3A_594 = arith.constant 1 : i32
        %broadcast_in_dim3A_595 = vector.broadcast %broadcast_in_dim3A_594 : i32 to vector<16xi32>
        %gather3A_596 = tpu.vector_load_idx %arg13[%add3A_587, %broadcast_in_dim3A_595] : memref<256x8xf32, #tpu.memory_space<vmem>>[vector<16xi32>, vector<16xi32>], vector<16xf32>,
        %broadcast_in_dim3A_597 = arith.constant 1 : i32
        %broadcast_in_dim3A_598 = vector.broadcast %broadcast_in_dim3A_597 : i32 to vector<16xi32>
        %gather3A_599 = tpu.vector_load_idx %arg15[%add3A_587, %broadcast_in_dim3A_598] : memref<256x8xf32, #tpu.memory_space<vmem>>[vector<16xi32>, vector<16xi32>], vector<16xf32>,
        %mul3A_600 = arith.mulf %gather3A_596, %gather3A_599 : vector<16xf32>
        %add3A_601 = arith.addf %mul3A_593, %mul3A_600 : vector<16xf32>
        %broadcast_in_dim3A_602 = arith.constant 2 : i32
        %broadcast_in_dim3A_603 = vector.broadcast %broadcast_in_dim3A_602 : i32 to vector<16xi32>
        %gather3A_604 = tpu.vector_load_idx %arg13[%add3A_587, %broadcast_in_dim3A_603] : memref<256x8xf32, #tpu.memory_space<vmem>>[vector<16xi32>, vector<16xi32>], vector<16xf32>,
        %broadcast_in_dim3A_605 = arith.constant 2 : i32
        %broadcast_in_dim3A_606 = vector.broadcast %broadcast_in_dim3A_605 : i32 to vector<16xi32>
        %gather3A_607 = tpu.vector_load_idx %arg15[%add3A_587, %broadcast_in_dim3A_606] : memref<256x8xf32, #tpu.memory_space<vmem>>[vector<16xi32>, vector<16xi32>], vector<16xf32>,
        %mul3A_608 = arith.mulf %gather3A_604, %gather3A_607 : vector<16xf32>
        %broadcast_in_dim3A_609 = arith.constant 3 : i32
        %broadcast_in_dim3A_610 = vector.broadcast %broadcast_in_dim3A_609 : i32 to vector<16xi32>
        %gather3A_611 = tpu.vector_load_idx %arg13[%add3A_587, %broadcast_in_dim3A_610] : memref<256x8xf32, #tpu.memory_space<vmem>>[vector<16xi32>, vector<16xi32>], vector<16xf32>,
        %add3A_612 = arith.addf %mul3A_608, %gather3A_611 : vector<16xf32>
        %add3A_613 = arith.addf %add3A_601, %add3A_612 : vector<16xf32>
        %broadcast_in_dim3A_614 = arith.constant 4 : i32
        %broadcast_in_dim3A_615 = vector.broadcast %broadcast_in_dim3A_614 : i32 to vector<16xi32>
        %gather3A_616 = tpu.vector_load_idx %arg13[%add3A_587, %broadcast_in_dim3A_615] : memref<256x8xf32, #tpu.memory_space<vmem>>[vector<16xi32>, vector<16xi32>], vector<16xf32>,
        %broadcast_in_dim3A_617 = arith.constant 4 : i32
        %broadcast_in_dim3A_618 = vector.broadcast %broadcast_in_dim3A_617 : i32 to vector<16xi32>
        %gather3A_619 = tpu.vector_load_idx %arg15[%add3A_587, %broadcast_in_dim3A_618] : memref<256x8xf32, #tpu.memory_space<vmem>>[vector<16xi32>, vector<16xi32>], vector<16xf32>,
        %mul3A_620 = arith.mulf %gather3A_616, %gather3A_619 : vector<16xf32>
        %add3A_621 = arith.addf %add3A_613, %mul3A_620 : vector<16xf32>
        %exp3A = math.exp %add3A_621 : vector<16xf32>
        %broadcast_in_dim3A_622 = arith.constant 0 : i32
        %broadcast_in_dim3A_623 = vector.broadcast %broadcast_in_dim3A_622 : i32 to vector<16xi32>
        %gather3A_624 = tpu.vector_load_idx %arg14[%add3A_587, %broadcast_in_dim3A_623] : memref<256x8xf32, #tpu.memory_space<vmem>>[vector<16xi32>, vector<16xi32>], vector<16xf32>,
        %mul3A_625 = arith.mulf %exp3A, %gather3A_624 : vector<16xf32>
        %broadcast_in_dim3A_626 = arith.constant 1 : i32
        %broadcast_in_dim3A_627 = vector.broadcast %broadcast_in_dim3A_626 : i32 to vector<16xi32>
        %gather3A_628 = tpu.vector_load_idx %arg14[%add3A_587, %broadcast_in_dim3A_627] : memref<256x8xf32, #tpu.memory_space<vmem>>[vector<16xi32>, vector<16xi32>], vector<16xf32>,
        %mul3A_629 = arith.mulf %exp3A, %gather3A_628 : vector<16xf32>
        %broadcast_in_dim3A_630 = arith.constant 2 : i32
        %broadcast_in_dim3A_631 = vector.broadcast %broadcast_in_dim3A_630 : i32 to vector<16xi32>
        %gather3A_632 = tpu.vector_load_idx %arg14[%add3A_587, %broadcast_in_dim3A_631] : memref<256x8xf32, #tpu.memory_space<vmem>>[vector<16xi32>, vector<16xi32>], vector<16xf32>,
        %mul3A_633 = arith.mulf %exp3A, %gather3A_632 : vector<16xf32>
        %broadcast_in_dim3A_634 = arith.constant 3 : i32
        %broadcast_in_dim3A_635 = vector.broadcast %broadcast_in_dim3A_634 : i32 to vector<16xi32>
        %gather3A_636 = tpu.vector_load_idx %arg14[%add3A_587, %broadcast_in_dim3A_635] : memref<256x8xf32, #tpu.memory_space<vmem>>[vector<16xi32>, vector<16xi32>], vector<16xf32>,
        %mul3A_637 = arith.mulf %exp3A, %gather3A_636 : vector<16xf32>
        %broadcast_in_dim3A_638 = arith.constant 4 : i32
        %broadcast_in_dim3A_639 = vector.broadcast %broadcast_in_dim3A_638 : i32 to vector<16xi32>
        %gather3A_640 = tpu.vector_load_idx %arg14[%add3A_587, %broadcast_in_dim3A_639] : memref<256x8xf32, #tpu.memory_space<vmem>>[vector<16xi32>, vector<16xi32>], vector<16xf32>,
        %mul3A_641 = arith.mulf %exp3A, %gather3A_640 : vector<16xf32>
        %broadcast_in_dim3A_642 = arith.constant 5 : i32
        %broadcast_in_dim3A_643 = vector.broadcast %broadcast_in_dim3A_642 : i32 to vector<16xi32>
        %gather3A_644 = tpu.vector_load_idx %arg14[%add3A_587, %broadcast_in_dim3A_643] : memref<256x8xf32, #tpu.memory_space<vmem>>[vector<16xi32>, vector<16xi32>], vector<16xf32>,
        %mul3A_645 = arith.mulf %exp3A, %gather3A_644 : vector<16xf32>
        %broadcast_in_dim3A_646 = arith.constant 6 : i32
        %broadcast_in_dim3A_647 = vector.broadcast %broadcast_in_dim3A_646 : i32 to vector<16xi32>
        %gather3A_648 = tpu.vector_load_idx %arg14[%add3A_587, %broadcast_in_dim3A_647] : memref<256x8xf32, #tpu.memory_space<vmem>>[vector<16xi32>, vector<16xi32>], vector<16xf32>,
        %mul3A_649 = arith.mulf %exp3A, %gather3A_648 : vector<16xf32>
        %broadcast_in_dim3A_650 = arith.constant 7 : i32
        %broadcast_in_dim3A_651 = vector.broadcast %broadcast_in_dim3A_650 : i32 to vector<16xi32>
        %gather3A_652 = tpu.vector_load_idx %arg14[%add3A_587, %broadcast_in_dim3A_651] : memref<256x8xf32, #tpu.memory_space<vmem>>[vector<16xi32>, vector<16xi32>], vector<16xf32>,
        %mul3A_653 = arith.mulf %exp3A, %gather3A_652 : vector<16xf32>
        %iota3A_654 = tpu.iota {dimensions = array<i32: 0>} : vector<16xi32>
        %mul3A_655 = arith.constant 2 : i32
        %mul3A_656 = arith.muli %scan3A_577, %mul3A_655 : i32
        %add3A_657 = arith.constant 1 : i32
        %add3A_658 = arith.addi %mul3A_656, %add3A_657 : i32
        %mul3A_659 = arith.constant 16 : i32
        %mul3A_660 = arith.muli %add3A_658, %mul3A_659 : i32
        %add3A_661 = vector.broadcast %mul3A_660 : i32 to vector<16xi32>
        %add3A_662 = arith.addi %iota3A_654, %add3A_661 : vector<16xi32>
        %broadcast_in_dim3A_663 = arith.constant 0 : i32
        %broadcast_in_dim3A_664 = vector.broadcast %broadcast_in_dim3A_663 : i32 to vector<16xi32>
        %gather3A_665 = tpu.vector_load_idx %arg13[%add3A_662, %broadcast_in_dim3A_664] : memref<256x8xf32, #tpu.memory_space<vmem>>[vector<16xi32>, vector<16xi32>], vector<16xf32>,
        %broadcast_in_dim3A_666 = arith.constant 0 : i32
        %broadcast_in_dim3A_667 = vector.broadcast %broadcast_in_dim3A_666 : i32 to vector<16xi32>
        %gather3A_668 = tpu.vector_load_idx %arg15[%add3A_662, %broadcast_in_dim3A_667] : memref<256x8xf32, #tpu.memory_space<vmem>>[vector<16xi32>, vector<16xi32>], vector<16xf32>,
        %mul3A_669 = arith.mulf %gather3A_665, %gather3A_668 : vector<16xf32>
        %broadcast_in_dim3A_670 = arith.constant 1 : i32
        %broadcast_in_dim3A_671 = vector.broadcast %broadcast_in_dim3A_670 : i32 to vector<16xi32>
        %gather3A_672 = tpu.vector_load_idx %arg13[%add3A_662, %broadcast_in_dim3A_671] : memref<256x8xf32, #tpu.memory_space<vmem>>[vector<16xi32>, vector<16xi32>], vector<16xf32>,
        %broadcast_in_dim3A_673 = arith.constant 1 : i32
        %broadcast_in_dim3A_674 = vector.broadcast %broadcast_in_dim3A_673 : i32 to vector<16xi32>
        %gather3A_675 = tpu.vector_load_idx %arg15[%add3A_662, %broadcast_in_dim3A_674] : memref<256x8xf32, #tpu.memory_space<vmem>>[vector<16xi32>, vector<16xi32>], vector<16xf32>,
        %mul3A_676 = arith.mulf %gather3A_672, %gather3A_675 : vector<16xf32>
        %add3A_677 = arith.addf %mul3A_669, %mul3A_676 : vector<16xf32>
        %broadcast_in_dim3A_678 = arith.constant 2 : i32
        %broadcast_in_dim3A_679 = vector.broadcast %broadcast_in_dim3A_678 : i32 to vector<16xi32>
        %gather3A_680 = tpu.vector_load_idx %arg13[%add3A_662, %broadcast_in_dim3A_679] : memref<256x8xf32, #tpu.memory_space<vmem>>[vector<16xi32>, vector<16xi32>], vector<16xf32>,
        %broadcast_in_dim3A_681 = arith.constant 2 : i32
        %broadcast_in_dim3A_682 = vector.broadcast %broadcast_in_dim3A_681 : i32 to vector<16xi32>
        %gather3A_683 = tpu.vector_load_idx %arg15[%add3A_662, %broadcast_in_dim3A_682] : memref<256x8xf32, #tpu.memory_space<vmem>>[vector<16xi32>, vector<16xi32>], vector<16xf32>,
        %mul3A_684 = arith.mulf %gather3A_680, %gather3A_683 : vector<16xf32>
        %broadcast_in_dim3A_685 = arith.constant 3 : i32
        %broadcast_in_dim3A_686 = vector.broadcast %broadcast_in_dim3A_685 : i32 to vector<16xi32>
        %gather3A_687 = tpu.vector_load_idx %arg13[%add3A_662, %broadcast_in_dim3A_686] : memref<256x8xf32, #tpu.memory_space<vmem>>[vector<16xi32>, vector<16xi32>], vector<16xf32>,
        %add3A_688 = arith.addf %mul3A_684, %gather3A_687 : vector<16xf32>
        %add3A_689 = arith.addf %add3A_677, %add3A_688 : vector<16xf32>
        %broadcast_in_dim3A_690 = arith.constant 4 : i32
        %broadcast_in_dim3A_691 = vector.broadcast %broadcast_in_dim3A_690 : i32 to vector<16xi32>
        %gather3A_692 = tpu.vector_load_idx %arg13[%add3A_662, %broadcast_in_dim3A_691] : memref<256x8xf32, #tpu.memory_space<vmem>>[vector<16xi32>, vector<16xi32>], vector<16xf32>,
        %broadcast_in_dim3A_693 = arith.constant 4 : i32
        %broadcast_in_dim3A_694 = vector.broadcast %broadcast_in_dim3A_693 : i32 to vector<16xi32>
        %gather3A_695 = tpu.vector_load_idx %arg15[%add3A_662, %broadcast_in_dim3A_694] : memref<256x8xf32, #tpu.memory_space<vmem>>[vector<16xi32>, vector<16xi32>], vector<16xf32>,
        %mul3A_696 = arith.mulf %gather3A_692, %gather3A_695 : vector<16xf32>
        %add3A_697 = arith.addf %add3A_689, %mul3A_696 : vector<16xf32>
        %exp3A_698 = math.exp %add3A_697 : vector<16xf32>
        %broadcast_in_dim3A_699 = arith.constant 0 : i32
        %broadcast_in_dim3A_700 = vector.broadcast %broadcast_in_dim3A_699 : i32 to vector<16xi32>
        %gather3A_701 = tpu.vector_load_idx %arg14[%add3A_662, %broadcast_in_dim3A_700] : memref<256x8xf32, #tpu.memory_space<vmem>>[vector<16xi32>, vector<16xi32>], vector<16xf32>,
        %mul3A_702 = arith.mulf %exp3A_698, %gather3A_701 : vector<16xf32>
        %broadcast_in_dim3A_703 = arith.constant 1 : i32
        %broadcast_in_dim3A_704 = vector.broadcast %broadcast_in_dim3A_703 : i32 to vector<16xi32>
        %gather3A_705 = tpu.vector_load_idx %arg14[%add3A_662, %broadcast_in_dim3A_704] : memref<256x8xf32, #tpu.memory_space<vmem>>[vector<16xi32>, vector<16xi32>], vector<16xf32>,
        %mul3A_706 = arith.mulf %exp3A_698, %gather3A_705 : vector<16xf32>
        %broadcast_in_dim3A_707 = arith.constant 2 : i32
        %broadcast_in_dim3A_708 = vector.broadcast %broadcast_in_dim3A_707 : i32 to vector<16xi32>
        %gather3A_709 = tpu.vector_load_idx %arg14[%add3A_662, %broadcast_in_dim3A_708] : memref<256x8xf32, #tpu.memory_space<vmem>>[vector<16xi32>, vector<16xi32>], vector<16xf32>,
        %mul3A_710 = arith.mulf %exp3A_698, %gather3A_709 : vector<16xf32>
        %broadcast_in_dim3A_711 = arith.constant 3 : i32
        %broadcast_in_dim3A_712 = vector.broadcast %broadcast_in_dim3A_711 : i32 to vector<16xi32>
        %gather3A_713 = tpu.vector_load_idx %arg14[%add3A_662, %broadcast_in_dim3A_712] : memref<256x8xf32, #tpu.memory_space<vmem>>[vector<16xi32>, vector<16xi32>], vector<16xf32>,
        %mul3A_714 = arith.mulf %exp3A_698, %gather3A_713 : vector<16xf32>
        %broadcast_in_dim3A_715 = arith.constant 4 : i32
        %broadcast_in_dim3A_716 = vector.broadcast %broadcast_in_dim3A_715 : i32 to vector<16xi32>
        %gather3A_717 = tpu.vector_load_idx %arg14[%add3A_662, %broadcast_in_dim3A_716] : memref<256x8xf32, #tpu.memory_space<vmem>>[vector<16xi32>, vector<16xi32>], vector<16xf32>,
        %mul3A_718 = arith.mulf %exp3A_698, %gather3A_717 : vector<16xf32>
        %broadcast_in_dim3A_719 = arith.constant 5 : i32
        %broadcast_in_dim3A_720 = vector.broadcast %broadcast_in_dim3A_719 : i32 to vector<16xi32>
        %gather3A_721 = tpu.vector_load_idx %arg14[%add3A_662, %broadcast_in_dim3A_720] : memref<256x8xf32, #tpu.memory_space<vmem>>[vector<16xi32>, vector<16xi32>], vector<16xf32>,
        %mul3A_722 = arith.mulf %exp3A_698, %gather3A_721 : vector<16xf32>
        %broadcast_in_dim3A_723 = arith.constant 6 : i32
        %broadcast_in_dim3A_724 = vector.broadcast %broadcast_in_dim3A_723 : i32 to vector<16xi32>
        %gather3A_725 = tpu.vector_load_idx %arg14[%add3A_662, %broadcast_in_dim3A_724] : memref<256x8xf32, #tpu.memory_space<vmem>>[vector<16xi32>, vector<16xi32>], vector<16xf32>,
        %mul3A_726 = arith.mulf %exp3A_698, %gather3A_725 : vector<16xf32>
        %broadcast_in_dim3A_727 = arith.constant 7 : i32
        %broadcast_in_dim3A_728 = vector.broadcast %broadcast_in_dim3A_727 : i32 to vector<16xi32>
        %gather3A_729 = tpu.vector_load_idx %arg14[%add3A_662, %broadcast_in_dim3A_728] : memref<256x8xf32, #tpu.memory_space<vmem>>[vector<16xi32>, vector<16xi32>], vector<16xf32>,
        %mul3A_730 = arith.mulf %exp3A_698, %gather3A_729 : vector<16xf32>
        %broadcast_in_dim3A_731 = arith.constant 0 : i32
        %broadcast_in_dim3A_732 = vector.broadcast %broadcast_in_dim3A_731 : i32 to vector<16xi32>
        tpu.vector_store_idx %arg16[%add3A_587, %broadcast_in_dim3A_732], %mul3A_625 : memref<256x8xf32, #tpu.memory_space<vmem>>[vector<16xi32>, vector<16xi32>], vector<16xf32>,
        %broadcast_in_dim3A_733 = arith.constant 1 : i32
        %broadcast_in_dim3A_734 = vector.broadcast %broadcast_in_dim3A_733 : i32 to vector<16xi32>
        tpu.vector_store_idx %arg16[%add3A_587, %broadcast_in_dim3A_734], %mul3A_629 : memref<256x8xf32, #tpu.memory_space<vmem>>[vector<16xi32>, vector<16xi32>], vector<16xf32>,
        %broadcast_in_dim3A_735 = arith.constant 2 : i32
        %broadcast_in_dim3A_736 = vector.broadcast %broadcast_in_dim3A_735 : i32 to vector<16xi32>
        tpu.vector_store_idx %arg16[%add3A_587, %broadcast_in_dim3A_736], %mul3A_633 : memref<256x8xf32, #tpu.memory_space<vmem>>[vector<16xi32>, vector<16xi32>], vector<16xf32>,
        %broadcast_in_dim3A_737 = arith.constant 3 : i32
        %broadcast_in_dim3A_738 = vector.broadcast %broadcast_in_dim3A_737 : i32 to vector<16xi32>
        tpu.vector_store_idx %arg16[%add3A_587, %broadcast_in_dim3A_738], %mul3A_637 : memref<256x8xf32, #tpu.memory_space<vmem>>[vector<16xi32>, vector<16xi32>], vector<16xf32>,
        %broadcast_in_dim3A_739 = arith.constant 4 : i32
        %broadcast_in_dim3A_740 = vector.broadcast %broadcast_in_dim3A_739 : i32 to vector<16xi32>
        tpu.vector_store_idx %arg16[%add3A_587, %broadcast_in_dim3A_740], %mul3A_641 : memref<256x8xf32, #tpu.memory_space<vmem>>[vector<16xi32>, vector<16xi32>], vector<16xf32>,
        %broadcast_in_dim3A_741 = arith.constant 5 : i32
        %broadcast_in_dim3A_742 = vector.broadcast %broadcast_in_dim3A_741 : i32 to vector<16xi32>
        tpu.vector_store_idx %arg16[%add3A_587, %broadcast_in_dim3A_742], %mul3A_645 : memref<256x8xf32, #tpu.memory_space<vmem>>[vector<16xi32>, vector<16xi32>], vector<16xf32>,
        %broadcast_in_dim3A_743 = arith.constant 6 : i32
        %broadcast_in_dim3A_744 = vector.broadcast %broadcast_in_dim3A_743 : i32 to vector<16xi32>
        tpu.vector_store_idx %arg16[%add3A_587, %broadcast_in_dim3A_744], %mul3A_649 : memref<256x8xf32, #tpu.memory_space<vmem>>[vector<16xi32>, vector<16xi32>], vector<16xf32>,
        %broadcast_in_dim3A_745 = arith.constant 7 : i32
        %broadcast_in_dim3A_746 = vector.broadcast %broadcast_in_dim3A_745 : i32 to vector<16xi32>
        tpu.vector_store_idx %arg16[%add3A_587, %broadcast_in_dim3A_746], %mul3A_653 : memref<256x8xf32, #tpu.memory_space<vmem>>[vector<16xi32>, vector<16xi32>], vector<16xf32>,
        %broadcast_in_dim3A_747 = arith.constant 0 : i32
        %broadcast_in_dim3A_748 = vector.broadcast %broadcast_in_dim3A_747 : i32 to vector<16xi32>
        tpu.vector_store_idx %arg16[%add3A_662, %broadcast_in_dim3A_748], %mul3A_702 : memref<256x8xf32, #tpu.memory_space<vmem>>[vector<16xi32>, vector<16xi32>], vector<16xf32>,
        %broadcast_in_dim3A_749 = arith.constant 1 : i32
        %broadcast_in_dim3A_750 = vector.broadcast %broadcast_in_dim3A_749 : i32 to vector<16xi32>
        tpu.vector_store_idx %arg16[%add3A_662, %broadcast_in_dim3A_750], %mul3A_706 : memref<256x8xf32, #tpu.memory_space<vmem>>[vector<16xi32>, vector<16xi32>], vector<16xf32>,
        %broadcast_in_dim3A_751 = arith.constant 2 : i32
        %broadcast_in_dim3A_752 = vector.broadcast %broadcast_in_dim3A_751 : i32 to vector<16xi32>
        tpu.vector_store_idx %arg16[%add3A_662, %broadcast_in_dim3A_752], %mul3A_710 : memref<256x8xf32, #tpu.memory_space<vmem>>[vector<16xi32>, vector<16xi32>], vector<16xf32>,
        %broadcast_in_dim3A_753 = arith.constant 3 : i32
        %broadcast_in_dim3A_754 = vector.broadcast %broadcast_in_dim3A_753 : i32 to vector<16xi32>
        tpu.vector_store_idx %arg16[%add3A_662, %broadcast_in_dim3A_754], %mul3A_714 : memref<256x8xf32, #tpu.memory_space<vmem>>[vector<16xi32>, vector<16xi32>], vector<16xf32>,
        %broadcast_in_dim3A_755 = arith.constant 4 : i32
        %broadcast_in_dim3A_756 = vector.broadcast %broadcast_in_dim3A_755 : i32 to vector<16xi32>
        tpu.vector_store_idx %arg16[%add3A_662, %broadcast_in_dim3A_756], %mul3A_718 : memref<256x8xf32, #tpu.memory_space<vmem>>[vector<16xi32>, vector<16xi32>], vector<16xf32>,
        %broadcast_in_dim3A_757 = arith.constant 5 : i32
        %broadcast_in_dim3A_758 = vector.broadcast %broadcast_in_dim3A_757 : i32 to vector<16xi32>
        tpu.vector_store_idx %arg16[%add3A_662, %broadcast_in_dim3A_758], %mul3A_722 : memref<256x8xf32, #tpu.memory_space<vmem>>[vector<16xi32>, vector<16xi32>], vector<16xf32>,
        %broadcast_in_dim3A_759 = arith.constant 6 : i32
        %broadcast_in_dim3A_760 = vector.broadcast %broadcast_in_dim3A_759 : i32 to vector<16xi32>
        tpu.vector_store_idx %arg16[%add3A_662, %broadcast_in_dim3A_760], %mul3A_726 : memref<256x8xf32, #tpu.memory_space<vmem>>[vector<16xi32>, vector<16xi32>], vector<16xf32>,
        %broadcast_in_dim3A_761 = arith.constant 7 : i32
        %broadcast_in_dim3A_762 = vector.broadcast %broadcast_in_dim3A_761 : i32 to vector<16xi32>
        tpu.vector_store_idx %arg16[%add3A_662, %broadcast_in_dim3A_762], %mul3A_730 : memref<256x8xf32, #tpu.memory_space<vmem>>[vector<16xi32>, vector<16xi32>], vector<16xf32>,
        %scan3A_763 = arith.constant 0 : i32
        scf.yield %scan3A_763 : i32
      }
      %scan3A_552 = arith.constant 8 : i32
      %mul3A_553 = arith.constant 256 : i32
      %mul3A_554 = arith.muli %add3A_471, %mul3A_553 : i32
      %add3A_555 = arith.constant 0 : i32
      %add3A_556 = arith.addi %mul3A_554, %add3A_555 : i32
      %multiple_of3A_557 = tpu.assume_multiple %add3A_556, 128 : i32
      %dma_start3A_558 = arith.constant 0 : i32
      %dma_start3A_559 = arith.constant 0 : i32
      %dma_start3A_560 = tpu.memref_slice %arg16[%dma_start3A_558, %dma_start3A_559] : memref<256x8xf32, #tpu.memory_space<vmem>> -> memref<128x8xf32, #tpu.memory_space<vmem>>
      %dma_start3A_561 = tpu.memref_slice %arg8[%multiple_of3A_557] : memref<25088xi32, #tpu.memory_space<vmem>> -> memref<128xi32, #tpu.memory_space<vmem>>
      %dma_start3A_562 = arith.constant 0 : i32
      %dma_start3A_563 = arith.constant 0 : i32
      %dma_start3A_564 = tpu.memref_slice %arg17[%dma_start3A_562, %dma_start3A_563] : memref<50048x8xf32, #tpu.memory_space<vmem_shared>> -> memref<50048x8xf32, #tpu.memory_space<vmem_shared>>
      tpu.enqueue_indirect_dma source(%dma_start3A_560 : memref<128x8xf32, #tpu.memory_space<vmem>>) target(%dma_start3A_564 : memref<50048x8xf32, #tpu.memory_space<vmem_shared>>) offsets(%dma_start3A_561 : memref<128xi32, #tpu.memory_space<vmem>>) semaphore(%arg21 : memref<!tpu.dma_semaphore, #tpu.memory_space<semaphore_mem>>) {add = true}
      %mul3A_565 = arith.constant 256 : i32
      %mul3A_566 = arith.muli %add3A_471, %mul3A_565 : i32
      %add3A_567 = arith.constant 128 : i32
      %add3A_568 = arith.addi %mul3A_566, %add3A_567 : i32
      %multiple_of3A_569 = tpu.assume_multiple %add3A_568, 128 : i32
      %dma_start3A_570 = arith.constant 128 : i32
      %dma_start3A_571 = arith.constant 0 : i32
      %dma_start3A_572 = tpu.memref_slice %arg16[%dma_start3A_570, %dma_start3A_571] : memref<256x8xf32, #tpu.memory_space<vmem>> -> memref<128x8xf32, #tpu.memory_space<vmem>>
      %dma_start3A_573 = tpu.memref_slice %arg8[%multiple_of3A_569] : memref<25088xi32, #tpu.memory_space<vmem>> -> memref<128xi32, #tpu.memory_space<vmem>>
      %dma_start3A_574 = arith.constant 0 : i32
      %dma_start3A_575 = arith.constant 0 : i32
      %dma_start3A_576 = tpu.memref_slice %arg17[%dma_start3A_574, %dma_start3A_575] : memref<50048x8xf32, #tpu.memory_space<vmem_shared>> -> memref<50048x8xf32, #tpu.memory_space<vmem_shared>>
      tpu.enqueue_indirect_dma source(%dma_start3A_572 : memref<128x8xf32, #tpu.memory_space<vmem>>) target(%dma_start3A_576 : memref<50048x8xf32, #tpu.memory_space<vmem_shared>>) offsets(%dma_start3A_573 : memref<128xi32, #tpu.memory_space<vmem>>) semaphore(%arg21 : memref<!tpu.dma_semaphore, #tpu.memory_space<semaphore_mem>>) {add = true}
    }
    %scan3A_137 = arith.constant 49 : i32
    %multiple_of3A_138 = arith.constant 0 : i32
    %multiple_of3A_139 = tpu.assume_multiple %multiple_of3A_138, 128 : i32
    %dma_wait3A = arith.constant 0 : i32
    %dma_wait3A_140 = arith.constant 0 : i32
    %dma_wait3A_141 = tpu.memref_slice %arg12[%dma_wait3A, %dma_wait3A_140] : memref<256x8xf32, #tpu.memory_space<vmem>> -> memref<128x8xf32, #tpu.memory_space<vmem>>
    %dma_wait3A_142 = tpu.memref_slice %arg8[%multiple_of3A_139] : memref<25088xi32, #tpu.memory_space<vmem>> -> memref<128xi32, #tpu.memory_space<vmem>>
    %dma_wait3A_143 = arith.constant 0 : i32
    %dma_wait3A_144 = arith.constant 0 : i32
    %dma_wait3A_145 = tpu.memref_slice %arg17[%dma_wait3A_143, %dma_wait3A_144] : memref<50048x8xf32, #tpu.memory_space<vmem_shared>> -> memref<50048x8xf32, #tpu.memory_space<vmem_shared>>
    tpu.wait_indirect_dma semaphore(%arg20 : memref<!tpu.dma_semaphore, #tpu.memory_space<semaphore_mem>>) src(%dma_wait3A_141 : memref<128x8xf32, #tpu.memory_space<vmem>>) dst(%dma_wait3A_145 : memref<50048x8xf32, #tpu.memory_space<vmem_shared>>)
    %multiple_of3A_146 = arith.constant 128 : i32
    %multiple_of3A_147 = tpu.assume_multiple %multiple_of3A_146, 128 : i32
    %dma_wait3A_148 = arith.constant 128 : i32
    %dma_wait3A_149 = arith.constant 0 : i32
    %dma_wait3A_150 = tpu.memref_slice %arg12[%dma_wait3A_148, %dma_wait3A_149] : memref<256x8xf32, #tpu.memory_space<vmem>> -> memref<128x8xf32, #tpu.memory_space<vmem>>
    %dma_wait3A_151 = tpu.memref_slice %arg8[%multiple_of3A_147] : memref<25088xi32, #tpu.memory_space<vmem>> -> memref<128xi32, #tpu.memory_space<vmem>>
    %dma_wait3A_152 = arith.constant 0 : i32
    %dma_wait3A_153 = arith.constant 0 : i32
    %dma_wait3A_154 = tpu.memref_slice %arg17[%dma_wait3A_152, %dma_wait3A_153] : memref<50048x8xf32, #tpu.memory_space<vmem_shared>> -> memref<50048x8xf32, #tpu.memory_space<vmem_shared>>
    tpu.wait_indirect_dma semaphore(%arg20 : memref<!tpu.dma_semaphore, #tpu.memory_space<semaphore_mem>>) src(%dma_wait3A_150 : memref<128x8xf32, #tpu.memory_space<vmem>>) dst(%dma_wait3A_154 : memref<50048x8xf32, #tpu.memory_space<vmem_shared>>)
    %multiple_of3A_155 = arith.constant 0 : i32
    %multiple_of3A_156 = tpu.assume_multiple %multiple_of3A_155, 128 : i32
    %dma_wait3A_157 = arith.constant 0 : i32
    %dma_wait3A_158 = arith.constant 0 : i32
    %dma_wait3A_159 = tpu.memref_slice %arg16[%dma_wait3A_157, %dma_wait3A_158] : memref<256x8xf32, #tpu.memory_space<vmem>> -> memref<128x8xf32, #tpu.memory_space<vmem>>
    %dma_wait3A_160 = tpu.memref_slice %arg8[%multiple_of3A_156] : memref<25088xi32, #tpu.memory_space<vmem>> -> memref<128xi32, #tpu.memory_space<vmem>>
    %dma_wait3A_161 = arith.constant 0 : i32
    %dma_wait3A_162 = arith.constant 0 : i32
    %dma_wait3A_163 = tpu.memref_slice %arg17[%dma_wait3A_161, %dma_wait3A_162] : memref<50048x8xf32, #tpu.memory_space<vmem_shared>> -> memref<50048x8xf32, #tpu.memory_space<vmem_shared>>
    tpu.wait_indirect_dma semaphore(%arg21 : memref<!tpu.dma_semaphore, #tpu.memory_space<semaphore_mem>>) src(%dma_wait3A_159 : memref<128x8xf32, #tpu.memory_space<vmem>>) dst(%dma_wait3A_163 : memref<50048x8xf32, #tpu.memory_space<vmem_shared>>)
    %multiple_of3A_164 = arith.constant 128 : i32
    %multiple_of3A_165 = tpu.assume_multiple %multiple_of3A_164, 128 : i32
    %dma_wait3A_166 = arith.constant 128 : i32
    %dma_wait3A_167 = arith.constant 0 : i32
    %dma_wait3A_168 = tpu.memref_slice %arg16[%dma_wait3A_166, %dma_wait3A_167] : memref<256x8xf32, #tpu.memory_space<vmem>> -> memref<128x8xf32, #tpu.memory_space<vmem>>
    %dma_wait3A_169 = tpu.memref_slice %arg8[%multiple_of3A_165] : memref<25088xi32, #tpu.memory_space<vmem>> -> memref<128xi32, #tpu.memory_space<vmem>>
    %dma_wait3A_170 = arith.constant 0 : i32
    %dma_wait3A_171 = arith.constant 0 : i32
    %dma_wait3A_172 = tpu.memref_slice %arg17[%dma_wait3A_170, %dma_wait3A_171] : memref<50048x8xf32, #tpu.memory_space<vmem_shared>> -> memref<50048x8xf32, #tpu.memory_space<vmem_shared>>
    tpu.wait_indirect_dma semaphore(%arg21 : memref<!tpu.dma_semaphore, #tpu.memory_space<semaphore_mem>>) src(%dma_wait3A_168 : memref<128x8xf32, #tpu.memory_space<vmem>>) dst(%dma_wait3A_172 : memref<50048x8xf32, #tpu.memory_space<vmem_shared>>)
    %mul3A_173 = arith.constant 50000 : i32
    %mul3A_174 = arith.muli %add3A, %mul3A_173 : i32
    %add3A_175 = arith.constant 25088 : i32
    %add3A_176 = arith.addi %mul3A_174, %add3A_175 : i32
    %run_scoped3A_177 = arith.constant 1 : i32
    "tpu.region"() ({
      %run_scoped3A_363 = tpu.sem_alloc : memref<!tpu.dma_semaphore, #tpu.memory_space<semaphore_mem>>
      %dma_start3A_364 = arith.constant 0 : i32
      %dma_start3A_365 = tpu.memref_slice %arg7[%dma_start3A_364] : memref<25088xi32, #tpu.memory_space<vmem>> -> memref<24912xi32, #tpu.memory_space<vmem>>
      %dma_start3A_366 = tpu.memref_slice %arg5[%run_scoped3A_177, %add3A_176] : memref<2x1600000xi32, #tpu.memory_space<hbm>> -> memref<1x24912xi32, #tpu.memory_space<hbm>>
      %dma_start3A_367 = tpu.memref_squeeze %dma_start3A_366 : memref<1x24912xi32, #tpu.memory_space<hbm>> -> memref<24912xi32, #tpu.memory_space<hbm>>
      %dma_start3A_368 = arith.constant 0 : i32
      %dma_start3A_369 = tpu.memref_slice %arg7[%dma_start3A_368] : memref<25088xi32, #tpu.memory_space<vmem>> -> memref<24912xi32, #tpu.memory_space<vmem>>
      %dma_start3A_370 = tpu.memref_slice %arg5[%run_scoped3A_177, %add3A_176] : memref<2x1600000xi32, #tpu.memory_space<hbm>> -> memref<1x24912xi32, #tpu.memory_space<hbm>>
      %dma_start3A_371 = tpu.memref_squeeze %dma_start3A_370 : memref<1x24912xi32, #tpu.memory_space<hbm>> -> memref<24912xi32, #tpu.memory_space<hbm>>
      tpu.enqueue_dma source(%dma_start3A_371 : memref<24912xi32, #tpu.memory_space<hbm>>) target(%dma_start3A_369 : memref<24912xi32, #tpu.memory_space<vmem>>) target_semaphore(%run_scoped3A_363 : memref<!tpu.dma_semaphore, #tpu.memory_space<semaphore_mem>>)
      %dma_wait3A_372 = arith.constant 0 : i32
      %dma_wait3A_373 = tpu.memref_slice %arg7[%dma_wait3A_372] : memref<25088xi32, #tpu.memory_space<vmem>> -> memref<24912xi32, #tpu.memory_space<vmem>>
      %dma_wait3A_374 = tpu.memref_slice %arg5[%run_scoped3A_177, %add3A_176] : memref<2x1600000xi32, #tpu.memory_space<hbm>> -> memref<1x24912xi32, #tpu.memory_space<hbm>>
      %dma_wait3A_375 = tpu.memref_squeeze %dma_wait3A_374 : memref<1x24912xi32, #tpu.memory_space<hbm>> -> memref<24912xi32, #tpu.memory_space<hbm>>
      %dma_wait3A_376 = arith.constant 0 : i32
      %dma_wait3A_377 = tpu.memref_slice %arg7[%dma_wait3A_376] : memref<25088xi32, #tpu.memory_space<vmem>> -> memref<24912xi32, #tpu.memory_space<vmem>>
      %dma_wait3A_378 = tpu.memref_slice %arg5[%run_scoped3A_177, %add3A_176] : memref<2x1600000xi32, #tpu.memory_space<hbm>> -> memref<1x24912xi32, #tpu.memory_space<hbm>>
      %dma_wait3A_379 = tpu.memref_squeeze %dma_wait3A_378 : memref<1x24912xi32, #tpu.memory_space<hbm>> -> memref<24912xi32, #tpu.memory_space<hbm>>
      tpu.wait_dma2 semaphore(%run_scoped3A_363 : memref<!tpu.dma_semaphore, #tpu.memory_space<semaphore_mem>>) src(%dma_wait3A_379 : memref<24912xi32, #tpu.memory_space<hbm>>) dst(%dma_wait3A_377 : memref<24912xi32, #tpu.memory_space<vmem>>)
      tpu.yield
    }) : () -> ()
    %run_scoped3A_178 = arith.constant 0 : i32
    "tpu.region"() ({
      %run_scoped3A_363 = tpu.sem_alloc : memref<!tpu.dma_semaphore, #tpu.memory_space<semaphore_mem>>
      %dma_start3A_364 = arith.constant 0 : i32
      %dma_start3A_365 = tpu.memref_slice %arg8[%dma_start3A_364] : memref<25088xi32, #tpu.memory_space<vmem>> -> memref<24912xi32, #tpu.memory_space<vmem>>
      %dma_start3A_366 = tpu.memref_slice %arg5[%run_scoped3A_178, %add3A_176] : memref<2x1600000xi32, #tpu.memory_space<hbm>> -> memref<1x24912xi32, #tpu.memory_space<hbm>>
      %dma_start3A_367 = tpu.memref_squeeze %dma_start3A_366 : memref<1x24912xi32, #tpu.memory_space<hbm>> -> memref<24912xi32, #tpu.memory_space<hbm>>
      %dma_start3A_368 = arith.constant 0 : i32
      %dma_start3A_369 = tpu.memref_slice %arg8[%dma_start3A_368] : memref<25088xi32, #tpu.memory_space<vmem>> -> memref<24912xi32, #tpu.memory_space<vmem>>
      %dma_start3A_370 = tpu.memref_slice %arg5[%run_scoped3A_178, %add3A_176] : memref<2x1600000xi32, #tpu.memory_space<hbm>> -> memref<1x24912xi32, #tpu.memory_space<hbm>>
      %dma_start3A_371 = tpu.memref_squeeze %dma_start3A_370 : memref<1x24912xi32, #tpu.memory_space<hbm>> -> memref<24912xi32, #tpu.memory_space<hbm>>
      tpu.enqueue_dma source(%dma_start3A_371 : memref<24912xi32, #tpu.memory_space<hbm>>) target(%dma_start3A_369 : memref<24912xi32, #tpu.memory_space<vmem>>) target_semaphore(%run_scoped3A_363 : memref<!tpu.dma_semaphore, #tpu.memory_space<semaphore_mem>>)
      %dma_wait3A_372 = arith.constant 0 : i32
      %dma_wait3A_373 = tpu.memref_slice %arg8[%dma_wait3A_372] : memref<25088xi32, #tpu.memory_space<vmem>> -> memref<24912xi32, #tpu.memory_space<vmem>>
      %dma_wait3A_374 = tpu.memref_slice %arg5[%run_scoped3A_178, %add3A_176] : memref<2x1600000xi32, #tpu.memory_space<hbm>> -> memref<1x24912xi32, #tpu.memory_space<hbm>>
      %dma_wait3A_375 = tpu.memref_squeeze %dma_wait3A_374 : memref<1x24912xi32, #tpu.memory_space<hbm>> -> memref<24912xi32, #tpu.memory_space<hbm>>
      %dma_wait3A_376 = arith.constant 0 : i32
      %dma_wait3A_377 = tpu.memref_slice %arg8[%dma_wait3A_376] : memref<25088xi32, #tpu.memory_space<vmem>> -> memref<24912xi32, #tpu.memory_space<vmem>>
      %dma_wait3A_378 = tpu.memref_slice %arg5[%run_scoped3A_178, %add3A_176] : memref<2x1600000xi32, #tpu.memory_space<hbm>> -> memref<1x24912xi32, #tpu.memory_space<hbm>>
      %dma_wait3A_379 = tpu.memref_squeeze %dma_wait3A_378 : memref<1x24912xi32, #tpu.memory_space<hbm>> -> memref<24912xi32, #tpu.memory_space<hbm>>
      tpu.wait_dma2 semaphore(%run_scoped3A_363 : memref<!tpu.dma_semaphore, #tpu.memory_space<semaphore_mem>>) src(%dma_wait3A_379 : memref<24912xi32, #tpu.memory_space<hbm>>) dst(%dma_wait3A_377 : memref<24912xi32, #tpu.memory_space<vmem>>)
      tpu.yield
    }) : () -> ()
    %broadcast_in_dim3A_179 = arith.constant 0 : i32
    %broadcast_in_dim3A_180 = vector.broadcast %broadcast_in_dim3A_179 : i32 to vector<16xi32>
    %swap3A = arith.constant 24912 : index
    %swap3A_181 = tpu.vector_load %arg7[%swap3A] {strides = array<i32>} : memref<25088xi32, #tpu.memory_space<vmem>>, vector<16xi32>,
    tpu.vector_store %arg7[%swap3A], %broadcast_in_dim3A_180 {strides = array<i32>} : memref<25088xi32, #tpu.memory_space<vmem>>, vector<16xi32>,
    %broadcast_in_dim3A_182 = arith.constant 50000 : i32
    %broadcast_in_dim3A_183 = vector.broadcast %broadcast_in_dim3A_182 : i32 to vector<16xi32>
    %swap3A_184 = arith.constant 24912 : index
    %swap3A_185 = tpu.vector_load %arg8[%swap3A_184] {strides = array<i32>} : memref<25088xi32, #tpu.memory_space<vmem>>, vector<16xi32>,
    tpu.vector_store %arg8[%swap3A_184], %broadcast_in_dim3A_183 {strides = array<i32>} : memref<25088xi32, #tpu.memory_space<vmem>>, vector<16xi32>,
    %broadcast_in_dim3A_186 = arith.constant 0 : i32
    %broadcast_in_dim3A_187 = vector.broadcast %broadcast_in_dim3A_186 : i32 to vector<16xi32>
    %swap3A_188 = arith.constant 24928 : index
    %swap3A_189 = tpu.vector_load %arg7[%swap3A_188] {strides = array<i32>} : memref<25088xi32, #tpu.memory_space<vmem>>, vector<16xi32>,
    tpu.vector_store %arg7[%swap3A_188], %broadcast_in_dim3A_187 {strides = array<i32>} : memref<25088xi32, #tpu.memory_space<vmem>>, vector<16xi32>,
    %broadcast_in_dim3A_190 = arith.constant 50000 : i32
    %broadcast_in_dim3A_191 = vector.broadcast %broadcast_in_dim3A_190 : i32 to vector<16xi32>
    %swap3A_192 = arith.constant 24928 : index
    %swap3A_193 = tpu.vector_load %arg8[%swap3A_192] {strides = array<i32>} : memref<25088xi32, #tpu.memory_space<vmem>>, vector<16xi32>,
    tpu.vector_store %arg8[%swap3A_192], %broadcast_in_dim3A_191 {strides = array<i32>} : memref<25088xi32, #tpu.memory_space<vmem>>, vector<16xi32>,
    %broadcast_in_dim3A_194 = arith.constant 0 : i32
    %broadcast_in_dim3A_195 = vector.broadcast %broadcast_in_dim3A_194 : i32 to vector<16xi32>
    %swap3A_196 = arith.constant 24944 : index
    %swap3A_197 = tpu.vector_load %arg7[%swap3A_196] {strides = array<i32>} : memref<25088xi32, #tpu.memory_space<vmem>>, vector<16xi32>,
    tpu.vector_store %arg7[%swap3A_196], %broadcast_in_dim3A_195 {strides = array<i32>} : memref<25088xi32, #tpu.memory_space<vmem>>, vector<16xi32>,
    %broadcast_in_dim3A_198 = arith.constant 50000 : i32
    %broadcast_in_dim3A_199 = vector.broadcast %broadcast_in_dim3A_198 : i32 to vector<16xi32>
    %swap3A_200 = arith.constant 24944 : index
    %swap3A_201 = tpu.vector_load %arg8[%swap3A_200] {strides = array<i32>} : memref<25088xi32, #tpu.memory_space<vmem>>, vector<16xi32>,
    tpu.vector_store %arg8[%swap3A_200], %broadcast_in_dim3A_199 {strides = array<i32>} : memref<25088xi32, #tpu.memory_space<vmem>>, vector<16xi32>,
    %broadcast_in_dim3A_202 = arith.constant 0 : i32
    %broadcast_in_dim3A_203 = vector.broadcast %broadcast_in_dim3A_202 : i32 to vector<16xi32>
    %swap3A_204 = arith.constant 24960 : index
    %swap3A_205 = tpu.vector_load %arg7[%swap3A_204] {strides = array<i32>} : memref<25088xi32, #tpu.memory_space<vmem>>, vector<16xi32>,
    tpu.vector_store %arg7[%swap3A_204], %broadcast_in_dim3A_203 {strides = array<i32>} : memref<25088xi32, #tpu.memory_space<vmem>>, vector<16xi32>,
    %broadcast_in_dim3A_206 = arith.constant 50000 : i32
    %broadcast_in_dim3A_207 = vector.broadcast %broadcast_in_dim3A_206 : i32 to vector<16xi32>
    %swap3A_208 = arith.constant 24960 : index
    %swap3A_209 = tpu.vector_load %arg8[%swap3A_208] {strides = array<i32>} : memref<25088xi32, #tpu.memory_space<vmem>>, vector<16xi32>,
    tpu.vector_store %arg8[%swap3A_208], %broadcast_in_dim3A_207 {strides = array<i32>} : memref<25088xi32, #tpu.memory_space<vmem>>, vector<16xi32>,
    %broadcast_in_dim3A_210 = arith.constant 0 : i32
    %broadcast_in_dim3A_211 = vector.broadcast %broadcast_in_dim3A_210 : i32 to vector<16xi32>
    %swap3A_212 = arith.constant 24976 : index
    %swap3A_213 = tpu.vector_load %arg7[%swap3A_212] {strides = array<i32>} : memref<25088xi32, #tpu.memory_space<vmem>>, vector<16xi32>,
    tpu.vector_store %arg7[%swap3A_212], %broadcast_in_dim3A_211 {strides = array<i32>} : memref<25088xi32, #tpu.memory_space<vmem>>, vector<16xi32>,
    %broadcast_in_dim3A_214 = arith.constant 50000 : i32
    %broadcast_in_dim3A_215 = vector.broadcast %broadcast_in_dim3A_214 : i32 to vector<16xi32>
    %swap3A_216 = arith.constant 24976 : index
    %swap3A_217 = tpu.vector_load %arg8[%swap3A_216] {strides = array<i32>} : memref<25088xi32, #tpu.memory_space<vmem>>, vector<16xi32>,
    tpu.vector_store %arg8[%swap3A_216], %broadcast_in_dim3A_215 {strides = array<i32>} : memref<25088xi32, #tpu.memory_space<vmem>>, vector<16xi32>,
    %broadcast_in_dim3A_218 = arith.constant 0 : i32
    %broadcast_in_dim3A_219 = vector.broadcast %broadcast_in_dim3A_218 : i32 to vector<16xi32>
    %swap3A_220 = arith.constant 24992 : index
    %swap3A_221 = tpu.vector_load %arg7[%swap3A_220] {strides = array<i32>} : memref<25088xi32, #tpu.memory_space<vmem>>, vector<16xi32>,
    tpu.vector_store %arg7[%swap3A_220], %broadcast_in_dim3A_219 {strides = array<i32>} : memref<25088xi32, #tpu.memory_space<vmem>>, vector<16xi32>,
    %broadcast_in_dim3A_222 = arith.constant 50000 : i32
    %broadcast_in_dim3A_223 = vector.broadcast %broadcast_in_dim3A_222 : i32 to vector<16xi32>
    %swap3A_224 = arith.constant 24992 : index
    %swap3A_225 = tpu.vector_load %arg8[%swap3A_224] {strides = array<i32>} : memref<25088xi32, #tpu.memory_space<vmem>>, vector<16xi32>,
    tpu.vector_store %arg8[%swap3A_224], %broadcast_in_dim3A_223 {strides = array<i32>} : memref<25088xi32, #tpu.memory_space<vmem>>, vector<16xi32>,
    %broadcast_in_dim3A_226 = arith.constant 0 : i32
    %broadcast_in_dim3A_227 = vector.broadcast %broadcast_in_dim3A_226 : i32 to vector<16xi32>
    %swap3A_228 = arith.constant 25008 : index
    %swap3A_229 = tpu.vector_load %arg7[%swap3A_228] {strides = array<i32>} : memref<25088xi32, #tpu.memory_space<vmem>>, vector<16xi32>,
    tpu.vector_store %arg7[%swap3A_228], %broadcast_in_dim3A_227 {strides = array<i32>} : memref<25088xi32, #tpu.memory_space<vmem>>, vector<16xi32>,
    %broadcast_in_dim3A_230 = arith.constant 50000 : i32
    %broadcast_in_dim3A_231 = vector.broadcast %broadcast_in_dim3A_230 : i32 to vector<16xi32>
    %swap3A_232 = arith.constant 25008 : index
    %swap3A_233 = tpu.vector_load %arg8[%swap3A_232] {strides = array<i32>} : memref<25088xi32, #tpu.memory_space<vmem>>, vector<16xi32>,
    tpu.vector_store %arg8[%swap3A_232], %broadcast_in_dim3A_231 {strides = array<i32>} : memref<25088xi32, #tpu.memory_space<vmem>>, vector<16xi32>,
    %broadcast_in_dim3A_234 = arith.constant 0 : i32
    %broadcast_in_dim3A_235 = vector.broadcast %broadcast_in_dim3A_234 : i32 to vector<16xi32>
    %swap3A_236 = arith.constant 25024 : index
    %swap3A_237 = tpu.vector_load %arg7[%swap3A_236] {strides = array<i32>} : memref<25088xi32, #tpu.memory_space<vmem>>, vector<16xi32>,
    tpu.vector_store %arg7[%swap3A_236], %broadcast_in_dim3A_235 {strides = array<i32>} : memref<25088xi32, #tpu.memory_space<vmem>>, vector<16xi32>,
    %broadcast_in_dim3A_238 = arith.constant 50000 : i32
    %broadcast_in_dim3A_239 = vector.broadcast %broadcast_in_dim3A_238 : i32 to vector<16xi32>
    %swap3A_240 = arith.constant 25024 : index
    %swap3A_241 = tpu.vector_load %arg8[%swap3A_240] {strides = array<i32>} : memref<25088xi32, #tpu.memory_space<vmem>>, vector<16xi32>,
    tpu.vector_store %arg8[%swap3A_240], %broadcast_in_dim3A_239 {strides = array<i32>} : memref<25088xi32, #tpu.memory_space<vmem>>, vector<16xi32>,
    %broadcast_in_dim3A_242 = arith.constant 0 : i32
    %broadcast_in_dim3A_243 = vector.broadcast %broadcast_in_dim3A_242 : i32 to vector<16xi32>
    %swap3A_244 = arith.constant 25040 : index
    %swap3A_245 = tpu.vector_load %arg7[%swap3A_244] {strides = array<i32>} : memref<25088xi32, #tpu.memory_space<vmem>>, vector<16xi32>,
    tpu.vector_store %arg7[%swap3A_244], %broadcast_in_dim3A_243 {strides = array<i32>} : memref<25088xi32, #tpu.memory_space<vmem>>, vector<16xi32>,
    %broadcast_in_dim3A_246 = arith.constant 50000 : i32
    %broadcast_in_dim3A_247 = vector.broadcast %broadcast_in_dim3A_246 : i32 to vector<16xi32>
    %swap3A_248 = arith.constant 25040 : index
    %swap3A_249 = tpu.vector_load %arg8[%swap3A_248] {strides = array<i32>} : memref<25088xi32, #tpu.memory_space<vmem>>, vector<16xi32>,
    tpu.vector_store %arg8[%swap3A_248], %broadcast_in_dim3A_247 {strides = array<i32>} : memref<25088xi32, #tpu.memory_space<vmem>>, vector<16xi32>,
    %broadcast_in_dim3A_250 = arith.constant 0 : i32
    %broadcast_in_dim3A_251 = vector.broadcast %broadcast_in_dim3A_250 : i32 to vector<16xi32>
    %swap3A_252 = arith.constant 25056 : index
    %swap3A_253 = tpu.vector_load %arg7[%swap3A_252] {strides = array<i32>} : memref<25088xi32, #tpu.memory_space<vmem>>, vector<16xi32>,
    tpu.vector_store %arg7[%swap3A_252], %broadcast_in_dim3A_251 {strides = array<i32>} : memref<25088xi32, #tpu.memory_space<vmem>>, vector<16xi32>,
    %broadcast_in_dim3A_254 = arith.constant 50000 : i32
    %broadcast_in_dim3A_255 = vector.broadcast %broadcast_in_dim3A_254 : i32 to vector<16xi32>
    %swap3A_256 = arith.constant 25056 : index
    %swap3A_257 = tpu.vector_load %arg8[%swap3A_256] {strides = array<i32>} : memref<25088xi32, #tpu.memory_space<vmem>>, vector<16xi32>,
    tpu.vector_store %arg8[%swap3A_256], %broadcast_in_dim3A_255 {strides = array<i32>} : memref<25088xi32, #tpu.memory_space<vmem>>, vector<16xi32>,
    %broadcast_in_dim3A_258 = arith.constant 0 : i32
    %broadcast_in_dim3A_259 = vector.broadcast %broadcast_in_dim3A_258 : i32 to vector<16xi32>
    %swap3A_260 = arith.constant 25072 : index
    %swap3A_261 = tpu.vector_load %arg7[%swap3A_260] {strides = array<i32>} : memref<25088xi32, #tpu.memory_space<vmem>>, vector<16xi32>,
    tpu.vector_store %arg7[%swap3A_260], %broadcast_in_dim3A_259 {strides = array<i32>} : memref<25088xi32, #tpu.memory_space<vmem>>, vector<16xi32>,
    %broadcast_in_dim3A_262 = arith.constant 50000 : i32
    %broadcast_in_dim3A_263 = vector.broadcast %broadcast_in_dim3A_262 : i32 to vector<16xi32>
    %swap3A_264 = arith.constant 25072 : index
    %swap3A_265 = tpu.vector_load %arg8[%swap3A_264] {strides = array<i32>} : memref<25088xi32, #tpu.memory_space<vmem>>, vector<16xi32>,
    tpu.vector_store %arg8[%swap3A_264], %broadcast_in_dim3A_263 {strides = array<i32>} : memref<25088xi32, #tpu.memory_space<vmem>>, vector<16xi32>,
    %multiple_of3A_266 = arith.constant 0 : i32
    %multiple_of3A_267 = tpu.assume_multiple %multiple_of3A_266, 128 : i32
    %dma_start3A_268 = arith.constant 0 : i32
    %dma_start3A_269 = arith.constant 0 : i32
    %dma_start3A_270 = tpu.memref_slice %arg9[%dma_start3A_268, %dma_start3A_269] : memref<256x8xf32, #tpu.memory_space<vmem>> -> memref<128x8xf32, #tpu.memory_space<vmem>>
    %dma_start3A_271 = tpu.memref_slice %arg7[%multiple_of3A_267] : memref<25088xi32, #tpu.memory_space<vmem>> -> memref<128xi32, #tpu.memory_space<vmem>>
    %dma_start3A_272 = arith.constant 0 : i32
    %dma_start3A_273 = arith.constant 0 : i32
    %dma_start3A_274 = tpu.memref_slice %arg2[%dma_start3A_272, %dma_start3A_273] : memref<50000x8xf32, #tpu.memory_space<hbm>> -> memref<50000x8xf32, #tpu.memory_space<hbm>>
    tpu.enqueue_indirect_dma source(%dma_start3A_274 : memref<50000x8xf32, #tpu.memory_space<hbm>>) target(%dma_start3A_270 : memref<128x8xf32, #tpu.memory_space<vmem>>) offsets(%dma_start3A_271 : memref<128xi32, #tpu.memory_space<vmem>>) semaphore(%arg18 : memref<!tpu.dma_semaphore, #tpu.memory_space<semaphore_mem>>)
    %dma_start3A_275 = arith.constant 0 : i32
    %dma_start3A_276 = arith.constant 0 : i32
    %dma_start3A_277 = tpu.memref_slice %arg10[%dma_start3A_275, %dma_start3A_276] : memref<256x8xf32, #tpu.memory_space<vmem>> -> memref<128x8xf32, #tpu.memory_space<vmem>>
    %dma_start3A_278 = tpu.memref_slice %arg7[%multiple_of3A_267] : memref<25088xi32, #tpu.memory_space<vmem>> -> memref<128xi32, #tpu.memory_space<vmem>>
    %dma_start3A_279 = arith.constant 0 : i32
    %dma_start3A_280 = arith.constant 0 : i32
    %dma_start3A_281 = tpu.memref_slice %arg3[%dma_start3A_279, %dma_start3A_280] : memref<50000x8xf32, #tpu.memory_space<hbm>> -> memref<50000x8xf32, #tpu.memory_space<hbm>>
    tpu.enqueue_indirect_dma source(%dma_start3A_281 : memref<50000x8xf32, #tpu.memory_space<hbm>>) target(%dma_start3A_277 : memref<128x8xf32, #tpu.memory_space<vmem>>) offsets(%dma_start3A_278 : memref<128xi32, #tpu.memory_space<vmem>>) semaphore(%arg18 : memref<!tpu.dma_semaphore, #tpu.memory_space<semaphore_mem>>)
    %multiple_of3A_282 = arith.constant 0 : i32
    %multiple_of3A_283 = tpu.assume_multiple %multiple_of3A_282, 128 : i32
    %dma_start3A_284 = arith.constant 0 : i32
    %dma_start3A_285 = arith.constant 0 : i32
    %dma_start3A_286 = tpu.memref_slice %arg11[%dma_start3A_284, %dma_start3A_285] : memref<256x8xf32, #tpu.memory_space<vmem>> -> memref<128x8xf32, #tpu.memory_space<vmem>>
    %dma_start3A_287 = tpu.memref_slice %arg8[%multiple_of3A_283] : memref<25088xi32, #tpu.memory_space<vmem>> -> memref<128xi32, #tpu.memory_space<vmem>>
    %dma_start3A_288 = arith.constant 0 : i32
    %dma_start3A_289 = arith.constant 0 : i32
    %dma_start3A_290 = tpu.memref_slice %arg4[%dma_start3A_288, %dma_start3A_289] : memref<50000x8xf32, #tpu.memory_space<hbm>> -> memref<50000x8xf32, #tpu.memory_space<hbm>>
    tpu.enqueue_indirect_dma source(%dma_start3A_290 : memref<50000x8xf32, #tpu.memory_space<hbm>>) target(%dma_start3A_286 : memref<128x8xf32, #tpu.memory_space<vmem>>) offsets(%dma_start3A_287 : memref<128xi32, #tpu.memory_space<vmem>>) semaphore(%arg18 : memref<!tpu.dma_semaphore, #tpu.memory_space<semaphore_mem>>)
    %multiple_of3A_291 = arith.constant 128 : i32
    %multiple_of3A_292 = tpu.assume_multiple %multiple_of3A_291, 128 : i32
    %dma_start3A_293 = arith.constant 128 : i32
    %dma_start3A_294 = arith.constant 0 : i32
    %dma_start3A_295 = tpu.memref_slice %arg9[%dma_start3A_293, %dma_start3A_294] : memref<256x8xf32, #tpu.memory_space<vmem>> -> memref<128x8xf32, #tpu.memory_space<vmem>>
    %dma_start3A_296 = tpu.memref_slice %arg7[%multiple_of3A_292] : memref<25088xi32, #tpu.memory_space<vmem>> -> memref<128xi32, #tpu.memory_space<vmem>>
    %dma_start3A_297 = arith.constant 0 : i32
    %dma_start3A_298 = arith.constant 0 : i32
    %dma_start3A_299 = tpu.memref_slice %arg2[%dma_start3A_297, %dma_start3A_298] : memref<50000x8xf32, #tpu.memory_space<hbm>> -> memref<50000x8xf32, #tpu.memory_space<hbm>>
    tpu.enqueue_indirect_dma source(%dma_start3A_299 : memref<50000x8xf32, #tpu.memory_space<hbm>>) target(%dma_start3A_295 : memref<128x8xf32, #tpu.memory_space<vmem>>) offsets(%dma_start3A_296 : memref<128xi32, #tpu.memory_space<vmem>>) semaphore(%arg18 : memref<!tpu.dma_semaphore, #tpu.memory_space<semaphore_mem>>)
    %dma_start3A_300 = arith.constant 128 : i32
    %dma_start3A_301 = arith.constant 0 : i32
    %dma_start3A_302 = tpu.memref_slice %arg10[%dma_start3A_300, %dma_start3A_301] : memref<256x8xf32, #tpu.memory_space<vmem>> -> memref<128x8xf32, #tpu.memory_space<vmem>>
    %dma_start3A_303 = tpu.memref_slice %arg7[%multiple_of3A_292] : memref<25088xi32, #tpu.memory_space<vmem>> -> memref<128xi32, #tpu.memory_space<vmem>>
    %dma_start3A_304 = arith.constant 0 : i32
    %dma_start3A_305 = arith.constant 0 : i32
    %dma_start3A_306 = tpu.memref_slice %arg3[%dma_start3A_304, %dma_start3A_305] : memref<50000x8xf32, #tpu.memory_space<hbm>> -> memref<50000x8xf32, #tpu.memory_space<hbm>>
    tpu.enqueue_indirect_dma source(%dma_start3A_306 : memref<50000x8xf32, #tpu.memory_space<hbm>>) target(%dma_start3A_302 : memref<128x8xf32, #tpu.memory_space<vmem>>) offsets(%dma_start3A_303 : memref<128xi32, #tpu.memory_space<vmem>>) semaphore(%arg18 : memref<!tpu.dma_semaphore, #tpu.memory_space<semaphore_mem>>)
    %multiple_of3A_307 = arith.constant 128 : i32
    %multiple_of3A_308 = tpu.assume_multiple %multiple_of3A_307, 128 : i32
    %dma_start3A_309 = arith.constant 128 : i32
    %dma_start3A_310 = arith.constant 0 : i32
    %dma_start3A_311 = tpu.memref_slice %arg11[%dma_start3A_309, %dma_start3A_310] : memref<256x8xf32, #tpu.memory_space<vmem>> -> memref<128x8xf32, #tpu.memory_space<vmem>>
    %dma_start3A_312 = tpu.memref_slice %arg8[%multiple_of3A_308] : memref<25088xi32, #tpu.memory_space<vmem>> -> memref<128xi32, #tpu.memory_space<vmem>>
    %dma_start3A_313 = arith.constant 0 : i32
    %dma_start3A_314 = arith.constant 0 : i32
    %dma_start3A_315 = tpu.memref_slice %arg4[%dma_start3A_313, %dma_start3A_314] : memref<50000x8xf32, #tpu.memory_space<hbm>> -> memref<50000x8xf32, #tpu.memory_space<hbm>>
    tpu.enqueue_indirect_dma source(%dma_start3A_315 : memref<50000x8xf32, #tpu.memory_space<hbm>>) target(%dma_start3A_311 : memref<128x8xf32, #tpu.memory_space<vmem>>) offsets(%dma_start3A_312 : memref<128xi32, #tpu.memory_space<vmem>>) semaphore(%arg18 : memref<!tpu.dma_semaphore, #tpu.memory_space<semaphore_mem>>)
    %scan3A_316 = arith.constant 0 : i32
    %scan3A_317 = arith.constant 0 : i32
    %scan3A_318 = arith.constant 49 : i32
    %scan3A_319 = arith.addi %scan3A_317, %scan3A_318 : i32
    %scan3A_320 = arith.constant 1 : i32
    scf.for %scan3A_363 = %scan3A_317 to %scan3A_319 step %scan3A_320  : i32 {
      %mul3A_364 = arith.constant 2 : i32
      %mul3A_365 = arith.muli %mul3A_364, %scan3A_363 : i32
      %add3A_366 = arith.constant 1 : i32
      %add3A_367 = arith.addi %mul3A_365, %add3A_366 : i32
      %lt3A_368 = arith.constant 98 : i32
      %lt3A_369 = arith.cmpi slt, %add3A_367, %lt3A_368 : i32
      %convert_element_type3A = arith.extui %lt3A_369 : i1 to i32
      %cond3A = arith.constant 0 : i32
      %cond3A_370 = arith.cmpi ne, %convert_element_type3A, %cond3A : i32
      scf.if %cond3A_370 {
        %add3A_577 = arith.constant 1 : i32
        %add3A_578 = arith.addi %mul3A_365, %add3A_577 : i32
        %mul3A_579 = arith.constant 256 : i32
        %mul3A_580 = arith.muli %add3A_578, %mul3A_579 : i32
        %add3A_581 = arith.constant 0 : i32
        %add3A_582 = arith.addi %mul3A_580, %add3A_581 : i32
        %multiple_of3A_583 = tpu.assume_multiple %add3A_582, 128 : i32
        %dma_start3A_584 = arith.constant 0 : i32
        %dma_start3A_585 = arith.constant 0 : i32
        %dma_start3A_586 = tpu.memref_slice %arg13[%dma_start3A_584, %dma_start3A_585] : memref<256x8xf32, #tpu.memory_space<vmem>> -> memref<128x8xf32, #tpu.memory_space<vmem>>
        %dma_start3A_587 = tpu.memref_slice %arg7[%multiple_of3A_583] : memref<25088xi32, #tpu.memory_space<vmem>> -> memref<128xi32, #tpu.memory_space<vmem>>
        %dma_start3A_588 = arith.constant 0 : i32
        %dma_start3A_589 = arith.constant 0 : i32
        %dma_start3A_590 = tpu.memref_slice %arg2[%dma_start3A_588, %dma_start3A_589] : memref<50000x8xf32, #tpu.memory_space<hbm>> -> memref<50000x8xf32, #tpu.memory_space<hbm>>
        tpu.enqueue_indirect_dma source(%dma_start3A_590 : memref<50000x8xf32, #tpu.memory_space<hbm>>) target(%dma_start3A_586 : memref<128x8xf32, #tpu.memory_space<vmem>>) offsets(%dma_start3A_587 : memref<128xi32, #tpu.memory_space<vmem>>) semaphore(%arg19 : memref<!tpu.dma_semaphore, #tpu.memory_space<semaphore_mem>>)
        %dma_start3A_591 = arith.constant 0 : i32
        %dma_start3A_592 = arith.constant 0 : i32
        %dma_start3A_593 = tpu.memref_slice %arg14[%dma_start3A_591, %dma_start3A_592] : memref<256x8xf32, #tpu.memory_space<vmem>> -> memref<128x8xf32, #tpu.memory_space<vmem>>
        %dma_start3A_594 = tpu.memref_slice %arg7[%multiple_of3A_583] : memref<25088xi32, #tpu.memory_space<vmem>> -> memref<128xi32, #tpu.memory_space<vmem>>
        %dma_start3A_595 = arith.constant 0 : i32
        %dma_start3A_596 = arith.constant 0 : i32
        %dma_start3A_597 = tpu.memref_slice %arg3[%dma_start3A_595, %dma_start3A_596] : memref<50000x8xf32, #tpu.memory_space<hbm>> -> memref<50000x8xf32, #tpu.memory_space<hbm>>
        tpu.enqueue_indirect_dma source(%dma_start3A_597 : memref<50000x8xf32, #tpu.memory_space<hbm>>) target(%dma_start3A_593 : memref<128x8xf32, #tpu.memory_space<vmem>>) offsets(%dma_start3A_594 : memref<128xi32, #tpu.memory_space<vmem>>) semaphore(%arg19 : memref<!tpu.dma_semaphore, #tpu.memory_space<semaphore_mem>>)
        %mul3A_598 = arith.constant 256 : i32
        %mul3A_599 = arith.muli %add3A_578, %mul3A_598 : i32
        %add3A_600 = arith.constant 0 : i32
        %add3A_601 = arith.addi %mul3A_599, %add3A_600 : i32
        %multiple_of3A_602 = tpu.assume_multiple %add3A_601, 128 : i32
        %dma_start3A_603 = arith.constant 0 : i32
        %dma_start3A_604 = arith.constant 0 : i32
        %dma_start3A_605 = tpu.memref_slice %arg15[%dma_start3A_603, %dma_start3A_604] : memref<256x8xf32, #tpu.memory_space<vmem>> -> memref<128x8xf32, #tpu.memory_space<vmem>>
        %dma_start3A_606 = tpu.memref_slice %arg8[%multiple_of3A_602] : memref<25088xi32, #tpu.memory_space<vmem>> -> memref<128xi32, #tpu.memory_space<vmem>>
        %dma_start3A_607 = arith.constant 0 : i32
        %dma_start3A_608 = arith.constant 0 : i32
        %dma_start3A_609 = tpu.memref_slice %arg4[%dma_start3A_607, %dma_start3A_608] : memref<50000x8xf32, #tpu.memory_space<hbm>> -> memref<50000x8xf32, #tpu.memory_space<hbm>>
        tpu.enqueue_indirect_dma source(%dma_start3A_609 : memref<50000x8xf32, #tpu.memory_space<hbm>>) target(%dma_start3A_605 : memref<128x8xf32, #tpu.memory_space<vmem>>) offsets(%dma_start3A_606 : memref<128xi32, #tpu.memory_space<vmem>>) semaphore(%arg19 : memref<!tpu.dma_semaphore, #tpu.memory_space<semaphore_mem>>)
        %mul3A_610 = arith.constant 256 : i32
        %mul3A_611 = arith.muli %add3A_578, %mul3A_610 : i32
        %add3A_612 = arith.constant 128 : i32
        %add3A_613 = arith.addi %mul3A_611, %add3A_612 : i32
        %multiple_of3A_614 = tpu.assume_multiple %add3A_613, 128 : i32
        %dma_start3A_615 = arith.constant 128 : i32
        %dma_start3A_616 = arith.constant 0 : i32
        %dma_start3A_617 = tpu.memref_slice %arg13[%dma_start3A_615, %dma_start3A_616] : memref<256x8xf32, #tpu.memory_space<vmem>> -> memref<128x8xf32, #tpu.memory_space<vmem>>
        %dma_start3A_618 = tpu.memref_slice %arg7[%multiple_of3A_614] : memref<25088xi32, #tpu.memory_space<vmem>> -> memref<128xi32, #tpu.memory_space<vmem>>
        %dma_start3A_619 = arith.constant 0 : i32
        %dma_start3A_620 = arith.constant 0 : i32
        %dma_start3A_621 = tpu.memref_slice %arg2[%dma_start3A_619, %dma_start3A_620] : memref<50000x8xf32, #tpu.memory_space<hbm>> -> memref<50000x8xf32, #tpu.memory_space<hbm>>
        tpu.enqueue_indirect_dma source(%dma_start3A_621 : memref<50000x8xf32, #tpu.memory_space<hbm>>) target(%dma_start3A_617 : memref<128x8xf32, #tpu.memory_space<vmem>>) offsets(%dma_start3A_618 : memref<128xi32, #tpu.memory_space<vmem>>) semaphore(%arg19 : memref<!tpu.dma_semaphore, #tpu.memory_space<semaphore_mem>>)
        %dma_start3A_622 = arith.constant 128 : i32
        %dma_start3A_623 = arith.constant 0 : i32
        %dma_start3A_624 = tpu.memref_slice %arg14[%dma_start3A_622, %dma_start3A_623] : memref<256x8xf32, #tpu.memory_space<vmem>> -> memref<128x8xf32, #tpu.memory_space<vmem>>
        %dma_start3A_625 = tpu.memref_slice %arg7[%multiple_of3A_614] : memref<25088xi32, #tpu.memory_space<vmem>> -> memref<128xi32, #tpu.memory_space<vmem>>
        %dma_start3A_626 = arith.constant 0 : i32
        %dma_start3A_627 = arith.constant 0 : i32
        %dma_start3A_628 = tpu.memref_slice %arg3[%dma_start3A_626, %dma_start3A_627] : memref<50000x8xf32, #tpu.memory_space<hbm>> -> memref<50000x8xf32, #tpu.memory_space<hbm>>
        tpu.enqueue_indirect_dma source(%dma_start3A_628 : memref<50000x8xf32, #tpu.memory_space<hbm>>) target(%dma_start3A_624 : memref<128x8xf32, #tpu.memory_space<vmem>>) offsets(%dma_start3A_625 : memref<128xi32, #tpu.memory_space<vmem>>) semaphore(%arg19 : memref<!tpu.dma_semaphore, #tpu.memory_space<semaphore_mem>>)
        %mul3A_629 = arith.constant 256 : i32
        %mul3A_630 = arith.muli %add3A_578, %mul3A_629 : i32
        %add3A_631 = arith.constant 128 : i32
        %add3A_632 = arith.addi %mul3A_630, %add3A_631 : i32
        %multiple_of3A_633 = tpu.assume_multiple %add3A_632, 128 : i32
        %dma_start3A_634 = arith.constant 128 : i32
        %dma_start3A_635 = arith.constant 0 : i32
        %dma_start3A_636 = tpu.memref_slice %arg15[%dma_start3A_634, %dma_start3A_635] : memref<256x8xf32, #tpu.memory_space<vmem>> -> memref<128x8xf32, #tpu.memory_space<vmem>>
        %dma_start3A_637 = tpu.memref_slice %arg8[%multiple_of3A_633] : memref<25088xi32, #tpu.memory_space<vmem>> -> memref<128xi32, #tpu.memory_space<vmem>>
        %dma_start3A_638 = arith.constant 0 : i32
        %dma_start3A_639 = arith.constant 0 : i32
        %dma_start3A_640 = tpu.memref_slice %arg4[%dma_start3A_638, %dma_start3A_639] : memref<50000x8xf32, #tpu.memory_space<hbm>> -> memref<50000x8xf32, #tpu.memory_space<hbm>>
        tpu.enqueue_indirect_dma source(%dma_start3A_640 : memref<50000x8xf32, #tpu.memory_space<hbm>>) target(%dma_start3A_636 : memref<128x8xf32, #tpu.memory_space<vmem>>) offsets(%dma_start3A_637 : memref<128xi32, #tpu.memory_space<vmem>>) semaphore(%arg19 : memref<!tpu.dma_semaphore, #tpu.memory_space<semaphore_mem>>)
      } else {
      }
      %mul3A_371 = arith.constant 256 : i32
      %mul3A_372 = arith.muli %mul3A_365, %mul3A_371 : i32
      %add3A_373 = arith.constant 0 : i32
      %add3A_374 = arith.addi %mul3A_372, %add3A_373 : i32
      %multiple_of3A_375 = tpu.assume_multiple %add3A_374, 128 : i32
      %dma_wait3A_376 = arith.constant 0 : i32
      %dma_wait3A_377 = arith.constant 0 : i32
      %dma_wait3A_378 = tpu.memref_slice %arg9[%dma_wait3A_376, %dma_wait3A_377] : memref<256x8xf32, #tpu.memory_space<vmem>> -> memref<128x8xf32, #tpu.memory_space<vmem>>
      %dma_wait3A_379 = tpu.memref_slice %arg7[%multiple_of3A_375] : memref<25088xi32, #tpu.memory_space<vmem>> -> memref<128xi32, #tpu.memory_space<vmem>>
      %dma_wait3A_380 = arith.constant 0 : i32
      %dma_wait3A_381 = arith.constant 0 : i32
      %dma_wait3A_382 = tpu.memref_slice %arg2[%dma_wait3A_380, %dma_wait3A_381] : memref<50000x8xf32, #tpu.memory_space<hbm>> -> memref<50000x8xf32, #tpu.memory_space<hbm>>
      tpu.wait_indirect_dma semaphore(%arg18 : memref<!tpu.dma_semaphore, #tpu.memory_space<semaphore_mem>>) src(%dma_wait3A_382 : memref<50000x8xf32, #tpu.memory_space<hbm>>) dst(%dma_wait3A_378 : memref<128x8xf32, #tpu.memory_space<vmem>>)
      %dma_wait3A_383 = arith.constant 0 : i32
      %dma_wait3A_384 = arith.constant 0 : i32
      %dma_wait3A_385 = tpu.memref_slice %arg10[%dma_wait3A_383, %dma_wait3A_384] : memref<256x8xf32, #tpu.memory_space<vmem>> -> memref<128x8xf32, #tpu.memory_space<vmem>>
      %dma_wait3A_386 = tpu.memref_slice %arg7[%multiple_of3A_375] : memref<25088xi32, #tpu.memory_space<vmem>> -> memref<128xi32, #tpu.memory_space<vmem>>
      %dma_wait3A_387 = arith.constant 0 : i32
      %dma_wait3A_388 = arith.constant 0 : i32
      %dma_wait3A_389 = tpu.memref_slice %arg3[%dma_wait3A_387, %dma_wait3A_388] : memref<50000x8xf32, #tpu.memory_space<hbm>> -> memref<50000x8xf32, #tpu.memory_space<hbm>>
      tpu.wait_indirect_dma semaphore(%arg18 : memref<!tpu.dma_semaphore, #tpu.memory_space<semaphore_mem>>) src(%dma_wait3A_389 : memref<50000x8xf32, #tpu.memory_space<hbm>>) dst(%dma_wait3A_385 : memref<128x8xf32, #tpu.memory_space<vmem>>)
      %mul3A_390 = arith.constant 256 : i32
      %mul3A_391 = arith.muli %mul3A_365, %mul3A_390 : i32
      %add3A_392 = arith.constant 0 : i32
      %add3A_393 = arith.addi %mul3A_391, %add3A_392 : i32
      %multiple_of3A_394 = tpu.assume_multiple %add3A_393, 128 : i32
      %dma_wait3A_395 = arith.constant 0 : i32
      %dma_wait3A_396 = arith.constant 0 : i32
      %dma_wait3A_397 = tpu.memref_slice %arg11[%dma_wait3A_395, %dma_wait3A_396] : memref<256x8xf32, #tpu.memory_space<vmem>> -> memref<128x8xf32, #tpu.memory_space<vmem>>
      %dma_wait3A_398 = tpu.memref_slice %arg8[%multiple_of3A_394] : memref<25088xi32, #tpu.memory_space<vmem>> -> memref<128xi32, #tpu.memory_space<vmem>>
      %dma_wait3A_399 = arith.constant 0 : i32
      %dma_wait3A_400 = arith.constant 0 : i32
      %dma_wait3A_401 = tpu.memref_slice %arg4[%dma_wait3A_399, %dma_wait3A_400] : memref<50000x8xf32, #tpu.memory_space<hbm>> -> memref<50000x8xf32, #tpu.memory_space<hbm>>
      tpu.wait_indirect_dma semaphore(%arg18 : memref<!tpu.dma_semaphore, #tpu.memory_space<semaphore_mem>>) src(%dma_wait3A_401 : memref<50000x8xf32, #tpu.memory_space<hbm>>) dst(%dma_wait3A_397 : memref<128x8xf32, #tpu.memory_space<vmem>>)
      %mul3A_402 = arith.constant 256 : i32
      %mul3A_403 = arith.muli %mul3A_365, %mul3A_402 : i32
      %add3A_404 = arith.constant 128 : i32
      %add3A_405 = arith.addi %mul3A_403, %add3A_404 : i32
      %multiple_of3A_406 = tpu.assume_multiple %add3A_405, 128 : i32
      %dma_wait3A_407 = arith.constant 128 : i32
      %dma_wait3A_408 = arith.constant 0 : i32
      %dma_wait3A_409 = tpu.memref_slice %arg9[%dma_wait3A_407, %dma_wait3A_408] : memref<256x8xf32, #tpu.memory_space<vmem>> -> memref<128x8xf32, #tpu.memory_space<vmem>>
      %dma_wait3A_410 = tpu.memref_slice %arg7[%multiple_of3A_406] : memref<25088xi32, #tpu.memory_space<vmem>> -> memref<128xi32, #tpu.memory_space<vmem>>
      %dma_wait3A_411 = arith.constant 0 : i32
      %dma_wait3A_412 = arith.constant 0 : i32
      %dma_wait3A_413 = tpu.memref_slice %arg2[%dma_wait3A_411, %dma_wait3A_412] : memref<50000x8xf32, #tpu.memory_space<hbm>> -> memref<50000x8xf32, #tpu.memory_space<hbm>>
      tpu.wait_indirect_dma semaphore(%arg18 : memref<!tpu.dma_semaphore, #tpu.memory_space<semaphore_mem>>) src(%dma_wait3A_413 : memref<50000x8xf32, #tpu.memory_space<hbm>>) dst(%dma_wait3A_409 : memref<128x8xf32, #tpu.memory_space<vmem>>)
      %dma_wait3A_414 = arith.constant 128 : i32
      %dma_wait3A_415 = arith.constant 0 : i32
      %dma_wait3A_416 = tpu.memref_slice %arg10[%dma_wait3A_414, %dma_wait3A_415] : memref<256x8xf32, #tpu.memory_space<vmem>> -> memref<128x8xf32, #tpu.memory_space<vmem>>
      %dma_wait3A_417 = tpu.memref_slice %arg7[%multiple_of3A_406] : memref<25088xi32, #tpu.memory_space<vmem>> -> memref<128xi32, #tpu.memory_space<vmem>>
      %dma_wait3A_418 = arith.constant 0 : i32
      %dma_wait3A_419 = arith.constant 0 : i32
      %dma_wait3A_420 = tpu.memref_slice %arg3[%dma_wait3A_418, %dma_wait3A_419] : memref<50000x8xf32, #tpu.memory_space<hbm>> -> memref<50000x8xf32, #tpu.memory_space<hbm>>
      tpu.wait_indirect_dma semaphore(%arg18 : memref<!tpu.dma_semaphore, #tpu.memory_space<semaphore_mem>>) src(%dma_wait3A_420 : memref<50000x8xf32, #tpu.memory_space<hbm>>) dst(%dma_wait3A_416 : memref<128x8xf32, #tpu.memory_space<vmem>>)
      %mul3A_421 = arith.constant 256 : i32
      %mul3A_422 = arith.muli %mul3A_365, %mul3A_421 : i32
      %add3A_423 = arith.constant 128 : i32
      %add3A_424 = arith.addi %mul3A_422, %add3A_423 : i32
      %multiple_of3A_425 = tpu.assume_multiple %add3A_424, 128 : i32
      %dma_wait3A_426 = arith.constant 128 : i32
      %dma_wait3A_427 = arith.constant 0 : i32
      %dma_wait3A_428 = tpu.memref_slice %arg11[%dma_wait3A_426, %dma_wait3A_427] : memref<256x8xf32, #tpu.memory_space<vmem>> -> memref<128x8xf32, #tpu.memory_space<vmem>>
      %dma_wait3A_429 = tpu.memref_slice %arg8[%multiple_of3A_425] : memref<25088xi32, #tpu.memory_space<vmem>> -> memref<128xi32, #tpu.memory_space<vmem>>
      %dma_wait3A_430 = arith.constant 0 : i32
      %dma_wait3A_431 = arith.constant 0 : i32
      %dma_wait3A_432 = tpu.memref_slice %arg4[%dma_wait3A_430, %dma_wait3A_431] : memref<50000x8xf32, #tpu.memory_space<hbm>> -> memref<50000x8xf32, #tpu.memory_space<hbm>>
      tpu.wait_indirect_dma semaphore(%arg18 : memref<!tpu.dma_semaphore, #tpu.memory_space<semaphore_mem>>) src(%dma_wait3A_432 : memref<50000x8xf32, #tpu.memory_space<hbm>>) dst(%dma_wait3A_428 : memref<128x8xf32, #tpu.memory_space<vmem>>)
      %ge3A = arith.constant 1 : i32
      %ge3A_433 = arith.cmpi sge, %scan3A_363, %ge3A : i32
      %convert_element_type3A_434 = arith.extui %ge3A_433 : i1 to i32
      %cond3A_435 = arith.constant 0 : i32
      %cond3A_436 = arith.cmpi ne, %convert_element_type3A_434, %cond3A_435 : i32
      scf.if %cond3A_436 {
        %mul3A_577 = arith.constant 256 : i32
        %mul3A_578 = arith.muli %mul3A_365, %mul3A_577 : i32
        %add3A_579 = arith.constant 0 : i32
        %add3A_580 = arith.addi %mul3A_578, %add3A_579 : i32
        %multiple_of3A_581 = tpu.assume_multiple %add3A_580, 128 : i32
        %dma_wait3A_582 = arith.constant 0 : i32
        %dma_wait3A_583 = arith.constant 0 : i32
        %dma_wait3A_584 = tpu.memref_slice %arg12[%dma_wait3A_582, %dma_wait3A_583] : memref<256x8xf32, #tpu.memory_space<vmem>> -> memref<128x8xf32, #tpu.memory_space<vmem>>
        %dma_wait3A_585 = tpu.memref_slice %arg8[%multiple_of3A_581] : memref<25088xi32, #tpu.memory_space<vmem>> -> memref<128xi32, #tpu.memory_space<vmem>>
        %dma_wait3A_586 = arith.constant 0 : i32
        %dma_wait3A_587 = arith.constant 0 : i32
        %dma_wait3A_588 = tpu.memref_slice %arg17[%dma_wait3A_586, %dma_wait3A_587] : memref<50048x8xf32, #tpu.memory_space<vmem_shared>> -> memref<50048x8xf32, #tpu.memory_space<vmem_shared>>
        tpu.wait_indirect_dma semaphore(%arg20 : memref<!tpu.dma_semaphore, #tpu.memory_space<semaphore_mem>>) src(%dma_wait3A_584 : memref<128x8xf32, #tpu.memory_space<vmem>>) dst(%dma_wait3A_588 : memref<50048x8xf32, #tpu.memory_space<vmem_shared>>)
        %mul3A_589 = arith.constant 256 : i32
        %mul3A_590 = arith.muli %mul3A_365, %mul3A_589 : i32
        %add3A_591 = arith.constant 128 : i32
        %add3A_592 = arith.addi %mul3A_590, %add3A_591 : i32
        %multiple_of3A_593 = tpu.assume_multiple %add3A_592, 128 : i32
        %dma_wait3A_594 = arith.constant 128 : i32
        %dma_wait3A_595 = arith.constant 0 : i32
        %dma_wait3A_596 = tpu.memref_slice %arg12[%dma_wait3A_594, %dma_wait3A_595] : memref<256x8xf32, #tpu.memory_space<vmem>> -> memref<128x8xf32, #tpu.memory_space<vmem>>
        %dma_wait3A_597 = tpu.memref_slice %arg8[%multiple_of3A_593] : memref<25088xi32, #tpu.memory_space<vmem>> -> memref<128xi32, #tpu.memory_space<vmem>>
        %dma_wait3A_598 = arith.constant 0 : i32
        %dma_wait3A_599 = arith.constant 0 : i32
        %dma_wait3A_600 = tpu.memref_slice %arg17[%dma_wait3A_598, %dma_wait3A_599] : memref<50048x8xf32, #tpu.memory_space<vmem_shared>> -> memref<50048x8xf32, #tpu.memory_space<vmem_shared>>
        tpu.wait_indirect_dma semaphore(%arg20 : memref<!tpu.dma_semaphore, #tpu.memory_space<semaphore_mem>>) src(%dma_wait3A_596 : memref<128x8xf32, #tpu.memory_space<vmem>>) dst(%dma_wait3A_600 : memref<50048x8xf32, #tpu.memory_space<vmem_shared>>)
      } else {
      }
      %scan3A_437 = arith.constant 0 : i32
      %scan3A_438 = arith.constant 0 : i32
      %scan3A_439 = arith.constant 8 : i32
      %scan3A_440 = arith.addi %scan3A_438, %scan3A_439 : i32
      %scan3A_441 = arith.constant 1 : i32
      %scan3A_442 = scf.for %scan3A_577 = %scan3A_438 to %scan3A_440 step %scan3A_441 iter_args(%scan3A_578 = %scan3A_437) -> (i32)  : i32 {
        %iota3A_579 = tpu.iota {dimensions = array<i32: 0>} : vector<16xi32>
        %mul3A_580 = arith.constant 2 : i32
        %mul3A_581 = arith.muli %scan3A_577, %mul3A_580 : i32
        %add3A_582 = arith.constant 0 : i32
        %add3A_583 = arith.addi %mul3A_581, %add3A_582 : i32
        %mul3A_584 = arith.constant 16 : i32
        %mul3A_585 = arith.muli %add3A_583, %mul3A_584 : i32
        %add3A_586 = vector.broadcast %mul3A_585 : i32 to vector<16xi32>
        %add3A_587 = arith.addi %iota3A_579, %add3A_586 : vector<16xi32>
        %broadcast_in_dim3A_588 = arith.constant 0 : i32
        %broadcast_in_dim3A_589 = vector.broadcast %broadcast_in_dim3A_588 : i32 to vector<16xi32>
        %gather3A = tpu.vector_load_idx %arg9[%add3A_587, %broadcast_in_dim3A_589] : memref<256x8xf32, #tpu.memory_space<vmem>>[vector<16xi32>, vector<16xi32>], vector<16xf32>,
        %broadcast_in_dim3A_590 = arith.constant 0 : i32
        %broadcast_in_dim3A_591 = vector.broadcast %broadcast_in_dim3A_590 : i32 to vector<16xi32>
        %gather3A_592 = tpu.vector_load_idx %arg11[%add3A_587, %broadcast_in_dim3A_591] : memref<256x8xf32, #tpu.memory_space<vmem>>[vector<16xi32>, vector<16xi32>], vector<16xf32>,
        %mul3A_593 = arith.mulf %gather3A, %gather3A_592 : vector<16xf32>
        %broadcast_in_dim3A_594 = arith.constant 1 : i32
        %broadcast_in_dim3A_595 = vector.broadcast %broadcast_in_dim3A_594 : i32 to vector<16xi32>
        %gather3A_596 = tpu.vector_load_idx %arg9[%add3A_587, %broadcast_in_dim3A_595] : memref<256x8xf32, #tpu.memory_space<vmem>>[vector<16xi32>, vector<16xi32>], vector<16xf32>,
        %broadcast_in_dim3A_597 = arith.constant 1 : i32
        %broadcast_in_dim3A_598 = vector.broadcast %broadcast_in_dim3A_597 : i32 to vector<16xi32>
        %gather3A_599 = tpu.vector_load_idx %arg11[%add3A_587, %broadcast_in_dim3A_598] : memref<256x8xf32, #tpu.memory_space<vmem>>[vector<16xi32>, vector<16xi32>], vector<16xf32>,
        %mul3A_600 = arith.mulf %gather3A_596, %gather3A_599 : vector<16xf32>
        %add3A_601 = arith.addf %mul3A_593, %mul3A_600 : vector<16xf32>
        %broadcast_in_dim3A_602 = arith.constant 2 : i32
        %broadcast_in_dim3A_603 = vector.broadcast %broadcast_in_dim3A_602 : i32 to vector<16xi32>
        %gather3A_604 = tpu.vector_load_idx %arg9[%add3A_587, %broadcast_in_dim3A_603] : memref<256x8xf32, #tpu.memory_space<vmem>>[vector<16xi32>, vector<16xi32>], vector<16xf32>,
        %broadcast_in_dim3A_605 = arith.constant 2 : i32
        %broadcast_in_dim3A_606 = vector.broadcast %broadcast_in_dim3A_605 : i32 to vector<16xi32>
        %gather3A_607 = tpu.vector_load_idx %arg11[%add3A_587, %broadcast_in_dim3A_606] : memref<256x8xf32, #tpu.memory_space<vmem>>[vector<16xi32>, vector<16xi32>], vector<16xf32>,
        %mul3A_608 = arith.mulf %gather3A_604, %gather3A_607 : vector<16xf32>
        %broadcast_in_dim3A_609 = arith.constant 3 : i32
        %broadcast_in_dim3A_610 = vector.broadcast %broadcast_in_dim3A_609 : i32 to vector<16xi32>
        %gather3A_611 = tpu.vector_load_idx %arg9[%add3A_587, %broadcast_in_dim3A_610] : memref<256x8xf32, #tpu.memory_space<vmem>>[vector<16xi32>, vector<16xi32>], vector<16xf32>,
        %add3A_612 = arith.addf %mul3A_608, %gather3A_611 : vector<16xf32>
        %add3A_613 = arith.addf %add3A_601, %add3A_612 : vector<16xf32>
        %broadcast_in_dim3A_614 = arith.constant 4 : i32
        %broadcast_in_dim3A_615 = vector.broadcast %broadcast_in_dim3A_614 : i32 to vector<16xi32>
        %gather3A_616 = tpu.vector_load_idx %arg9[%add3A_587, %broadcast_in_dim3A_615] : memref<256x8xf32, #tpu.memory_space<vmem>>[vector<16xi32>, vector<16xi32>], vector<16xf32>,
        %broadcast_in_dim3A_617 = arith.constant 4 : i32
        %broadcast_in_dim3A_618 = vector.broadcast %broadcast_in_dim3A_617 : i32 to vector<16xi32>
        %gather3A_619 = tpu.vector_load_idx %arg11[%add3A_587, %broadcast_in_dim3A_618] : memref<256x8xf32, #tpu.memory_space<vmem>>[vector<16xi32>, vector<16xi32>], vector<16xf32>,
        %mul3A_620 = arith.mulf %gather3A_616, %gather3A_619 : vector<16xf32>
        %add3A_621 = arith.addf %add3A_613, %mul3A_620 : vector<16xf32>
        %exp3A = math.exp %add3A_621 : vector<16xf32>
        %broadcast_in_dim3A_622 = arith.constant 0 : i32
        %broadcast_in_dim3A_623 = vector.broadcast %broadcast_in_dim3A_622 : i32 to vector<16xi32>
        %gather3A_624 = tpu.vector_load_idx %arg10[%add3A_587, %broadcast_in_dim3A_623] : memref<256x8xf32, #tpu.memory_space<vmem>>[vector<16xi32>, vector<16xi32>], vector<16xf32>,
        %mul3A_625 = arith.mulf %exp3A, %gather3A_624 : vector<16xf32>
        %broadcast_in_dim3A_626 = arith.constant 1 : i32
        %broadcast_in_dim3A_627 = vector.broadcast %broadcast_in_dim3A_626 : i32 to vector<16xi32>
        %gather3A_628 = tpu.vector_load_idx %arg10[%add3A_587, %broadcast_in_dim3A_627] : memref<256x8xf32, #tpu.memory_space<vmem>>[vector<16xi32>, vector<16xi32>], vector<16xf32>,
        %mul3A_629 = arith.mulf %exp3A, %gather3A_628 : vector<16xf32>
        %broadcast_in_dim3A_630 = arith.constant 2 : i32
        %broadcast_in_dim3A_631 = vector.broadcast %broadcast_in_dim3A_630 : i32 to vector<16xi32>
        %gather3A_632 = tpu.vector_load_idx %arg10[%add3A_587, %broadcast_in_dim3A_631] : memref<256x8xf32, #tpu.memory_space<vmem>>[vector<16xi32>, vector<16xi32>], vector<16xf32>,
        %mul3A_633 = arith.mulf %exp3A, %gather3A_632 : vector<16xf32>
        %broadcast_in_dim3A_634 = arith.constant 3 : i32
        %broadcast_in_dim3A_635 = vector.broadcast %broadcast_in_dim3A_634 : i32 to vector<16xi32>
        %gather3A_636 = tpu.vector_load_idx %arg10[%add3A_587, %broadcast_in_dim3A_635] : memref<256x8xf32, #tpu.memory_space<vmem>>[vector<16xi32>, vector<16xi32>], vector<16xf32>,
        %mul3A_637 = arith.mulf %exp3A, %gather3A_636 : vector<16xf32>
        %broadcast_in_dim3A_638 = arith.constant 4 : i32
        %broadcast_in_dim3A_639 = vector.broadcast %broadcast_in_dim3A_638 : i32 to vector<16xi32>
        %gather3A_640 = tpu.vector_load_idx %arg10[%add3A_587, %broadcast_in_dim3A_639] : memref<256x8xf32, #tpu.memory_space<vmem>>[vector<16xi32>, vector<16xi32>], vector<16xf32>,
        %mul3A_641 = arith.mulf %exp3A, %gather3A_640 : vector<16xf32>
        %broadcast_in_dim3A_642 = arith.constant 5 : i32
        %broadcast_in_dim3A_643 = vector.broadcast %broadcast_in_dim3A_642 : i32 to vector<16xi32>
        %gather3A_644 = tpu.vector_load_idx %arg10[%add3A_587, %broadcast_in_dim3A_643] : memref<256x8xf32, #tpu.memory_space<vmem>>[vector<16xi32>, vector<16xi32>], vector<16xf32>,
        %mul3A_645 = arith.mulf %exp3A, %gather3A_644 : vector<16xf32>
        %broadcast_in_dim3A_646 = arith.constant 6 : i32
        %broadcast_in_dim3A_647 = vector.broadcast %broadcast_in_dim3A_646 : i32 to vector<16xi32>
        %gather3A_648 = tpu.vector_load_idx %arg10[%add3A_587, %broadcast_in_dim3A_647] : memref<256x8xf32, #tpu.memory_space<vmem>>[vector<16xi32>, vector<16xi32>], vector<16xf32>,
        %mul3A_649 = arith.mulf %exp3A, %gather3A_648 : vector<16xf32>
        %broadcast_in_dim3A_650 = arith.constant 7 : i32
        %broadcast_in_dim3A_651 = vector.broadcast %broadcast_in_dim3A_650 : i32 to vector<16xi32>
        %gather3A_652 = tpu.vector_load_idx %arg10[%add3A_587, %broadcast_in_dim3A_651] : memref<256x8xf32, #tpu.memory_space<vmem>>[vector<16xi32>, vector<16xi32>], vector<16xf32>,
        %mul3A_653 = arith.mulf %exp3A, %gather3A_652 : vector<16xf32>
        %iota3A_654 = tpu.iota {dimensions = array<i32: 0>} : vector<16xi32>
        %mul3A_655 = arith.constant 2 : i32
        %mul3A_656 = arith.muli %scan3A_577, %mul3A_655 : i32
        %add3A_657 = arith.constant 1 : i32
        %add3A_658 = arith.addi %mul3A_656, %add3A_657 : i32
        %mul3A_659 = arith.constant 16 : i32
        %mul3A_660 = arith.muli %add3A_658, %mul3A_659 : i32
        %add3A_661 = vector.broadcast %mul3A_660 : i32 to vector<16xi32>
        %add3A_662 = arith.addi %iota3A_654, %add3A_661 : vector<16xi32>
        %broadcast_in_dim3A_663 = arith.constant 0 : i32
        %broadcast_in_dim3A_664 = vector.broadcast %broadcast_in_dim3A_663 : i32 to vector<16xi32>
        %gather3A_665 = tpu.vector_load_idx %arg9[%add3A_662, %broadcast_in_dim3A_664] : memref<256x8xf32, #tpu.memory_space<vmem>>[vector<16xi32>, vector<16xi32>], vector<16xf32>,
        %broadcast_in_dim3A_666 = arith.constant 0 : i32
        %broadcast_in_dim3A_667 = vector.broadcast %broadcast_in_dim3A_666 : i32 to vector<16xi32>
        %gather3A_668 = tpu.vector_load_idx %arg11[%add3A_662, %broadcast_in_dim3A_667] : memref<256x8xf32, #tpu.memory_space<vmem>>[vector<16xi32>, vector<16xi32>], vector<16xf32>,
        %mul3A_669 = arith.mulf %gather3A_665, %gather3A_668 : vector<16xf32>
        %broadcast_in_dim3A_670 = arith.constant 1 : i32
        %broadcast_in_dim3A_671 = vector.broadcast %broadcast_in_dim3A_670 : i32 to vector<16xi32>
        %gather3A_672 = tpu.vector_load_idx %arg9[%add3A_662, %broadcast_in_dim3A_671] : memref<256x8xf32, #tpu.memory_space<vmem>>[vector<16xi32>, vector<16xi32>], vector<16xf32>,
        %broadcast_in_dim3A_673 = arith.constant 1 : i32
        %broadcast_in_dim3A_674 = vector.broadcast %broadcast_in_dim3A_673 : i32 to vector<16xi32>
        %gather3A_675 = tpu.vector_load_idx %arg11[%add3A_662, %broadcast_in_dim3A_674] : memref<256x8xf32, #tpu.memory_space<vmem>>[vector<16xi32>, vector<16xi32>], vector<16xf32>,
        %mul3A_676 = arith.mulf %gather3A_672, %gather3A_675 : vector<16xf32>
        %add3A_677 = arith.addf %mul3A_669, %mul3A_676 : vector<16xf32>
        %broadcast_in_dim3A_678 = arith.constant 2 : i32
        %broadcast_in_dim3A_679 = vector.broadcast %broadcast_in_dim3A_678 : i32 to vector<16xi32>
        %gather3A_680 = tpu.vector_load_idx %arg9[%add3A_662, %broadcast_in_dim3A_679] : memref<256x8xf32, #tpu.memory_space<vmem>>[vector<16xi32>, vector<16xi32>], vector<16xf32>,
        %broadcast_in_dim3A_681 = arith.constant 2 : i32
        %broadcast_in_dim3A_682 = vector.broadcast %broadcast_in_dim3A_681 : i32 to vector<16xi32>
        %gather3A_683 = tpu.vector_load_idx %arg11[%add3A_662, %broadcast_in_dim3A_682] : memref<256x8xf32, #tpu.memory_space<vmem>>[vector<16xi32>, vector<16xi32>], vector<16xf32>,
        %mul3A_684 = arith.mulf %gather3A_680, %gather3A_683 : vector<16xf32>
        %broadcast_in_dim3A_685 = arith.constant 3 : i32
        %broadcast_in_dim3A_686 = vector.broadcast %broadcast_in_dim3A_685 : i32 to vector<16xi32>
        %gather3A_687 = tpu.vector_load_idx %arg9[%add3A_662, %broadcast_in_dim3A_686] : memref<256x8xf32, #tpu.memory_space<vmem>>[vector<16xi32>, vector<16xi32>], vector<16xf32>,
        %add3A_688 = arith.addf %mul3A_684, %gather3A_687 : vector<16xf32>
        %add3A_689 = arith.addf %add3A_677, %add3A_688 : vector<16xf32>
        %broadcast_in_dim3A_690 = arith.constant 4 : i32
        %broadcast_in_dim3A_691 = vector.broadcast %broadcast_in_dim3A_690 : i32 to vector<16xi32>
        %gather3A_692 = tpu.vector_load_idx %arg9[%add3A_662, %broadcast_in_dim3A_691] : memref<256x8xf32, #tpu.memory_space<vmem>>[vector<16xi32>, vector<16xi32>], vector<16xf32>,
        %broadcast_in_dim3A_693 = arith.constant 4 : i32
        %broadcast_in_dim3A_694 = vector.broadcast %broadcast_in_dim3A_693 : i32 to vector<16xi32>
        %gather3A_695 = tpu.vector_load_idx %arg11[%add3A_662, %broadcast_in_dim3A_694] : memref<256x8xf32, #tpu.memory_space<vmem>>[vector<16xi32>, vector<16xi32>], vector<16xf32>,
        %mul3A_696 = arith.mulf %gather3A_692, %gather3A_695 : vector<16xf32>
        %add3A_697 = arith.addf %add3A_689, %mul3A_696 : vector<16xf32>
        %exp3A_698 = math.exp %add3A_697 : vector<16xf32>
        %broadcast_in_dim3A_699 = arith.constant 0 : i32
        %broadcast_in_dim3A_700 = vector.broadcast %broadcast_in_dim3A_699 : i32 to vector<16xi32>
        %gather3A_701 = tpu.vector_load_idx %arg10[%add3A_662, %broadcast_in_dim3A_700] : memref<256x8xf32, #tpu.memory_space<vmem>>[vector<16xi32>, vector<16xi32>], vector<16xf32>,
        %mul3A_702 = arith.mulf %exp3A_698, %gather3A_701 : vector<16xf32>
        %broadcast_in_dim3A_703 = arith.constant 1 : i32
        %broadcast_in_dim3A_704 = vector.broadcast %broadcast_in_dim3A_703 : i32 to vector<16xi32>
        %gather3A_705 = tpu.vector_load_idx %arg10[%add3A_662, %broadcast_in_dim3A_704] : memref<256x8xf32, #tpu.memory_space<vmem>>[vector<16xi32>, vector<16xi32>], vector<16xf32>,
        %mul3A_706 = arith.mulf %exp3A_698, %gather3A_705 : vector<16xf32>
        %broadcast_in_dim3A_707 = arith.constant 2 : i32
        %broadcast_in_dim3A_708 = vector.broadcast %broadcast_in_dim3A_707 : i32 to vector<16xi32>
        %gather3A_709 = tpu.vector_load_idx %arg10[%add3A_662, %broadcast_in_dim3A_708] : memref<256x8xf32, #tpu.memory_space<vmem>>[vector<16xi32>, vector<16xi32>], vector<16xf32>,
        %mul3A_710 = arith.mulf %exp3A_698, %gather3A_709 : vector<16xf32>
        %broadcast_in_dim3A_711 = arith.constant 3 : i32
        %broadcast_in_dim3A_712 = vector.broadcast %broadcast_in_dim3A_711 : i32 to vector<16xi32>
        %gather3A_713 = tpu.vector_load_idx %arg10[%add3A_662, %broadcast_in_dim3A_712] : memref<256x8xf32, #tpu.memory_space<vmem>>[vector<16xi32>, vector<16xi32>], vector<16xf32>,
        %mul3A_714 = arith.mulf %exp3A_698, %gather3A_713 : vector<16xf32>
        %broadcast_in_dim3A_715 = arith.constant 4 : i32
        %broadcast_in_dim3A_716 = vector.broadcast %broadcast_in_dim3A_715 : i32 to vector<16xi32>
        %gather3A_717 = tpu.vector_load_idx %arg10[%add3A_662, %broadcast_in_dim3A_716] : memref<256x8xf32, #tpu.memory_space<vmem>>[vector<16xi32>, vector<16xi32>], vector<16xf32>,
        %mul3A_718 = arith.mulf %exp3A_698, %gather3A_717 : vector<16xf32>
        %broadcast_in_dim3A_719 = arith.constant 5 : i32
        %broadcast_in_dim3A_720 = vector.broadcast %broadcast_in_dim3A_719 : i32 to vector<16xi32>
        %gather3A_721 = tpu.vector_load_idx %arg10[%add3A_662, %broadcast_in_dim3A_720] : memref<256x8xf32, #tpu.memory_space<vmem>>[vector<16xi32>, vector<16xi32>], vector<16xf32>,
        %mul3A_722 = arith.mulf %exp3A_698, %gather3A_721 : vector<16xf32>
        %broadcast_in_dim3A_723 = arith.constant 6 : i32
        %broadcast_in_dim3A_724 = vector.broadcast %broadcast_in_dim3A_723 : i32 to vector<16xi32>
        %gather3A_725 = tpu.vector_load_idx %arg10[%add3A_662, %broadcast_in_dim3A_724] : memref<256x8xf32, #tpu.memory_space<vmem>>[vector<16xi32>, vector<16xi32>], vector<16xf32>,
        %mul3A_726 = arith.mulf %exp3A_698, %gather3A_725 : vector<16xf32>
        %broadcast_in_dim3A_727 = arith.constant 7 : i32
        %broadcast_in_dim3A_728 = vector.broadcast %broadcast_in_dim3A_727 : i32 to vector<16xi32>
        %gather3A_729 = tpu.vector_load_idx %arg10[%add3A_662, %broadcast_in_dim3A_728] : memref<256x8xf32, #tpu.memory_space<vmem>>[vector<16xi32>, vector<16xi32>], vector<16xf32>,
        %mul3A_730 = arith.mulf %exp3A_698, %gather3A_729 : vector<16xf32>
        %broadcast_in_dim3A_731 = arith.constant 0 : i32
        %broadcast_in_dim3A_732 = vector.broadcast %broadcast_in_dim3A_731 : i32 to vector<16xi32>
        tpu.vector_store_idx %arg12[%add3A_587, %broadcast_in_dim3A_732], %mul3A_625 : memref<256x8xf32, #tpu.memory_space<vmem>>[vector<16xi32>, vector<16xi32>], vector<16xf32>,
        %broadcast_in_dim3A_733 = arith.constant 1 : i32
        %broadcast_in_dim3A_734 = vector.broadcast %broadcast_in_dim3A_733 : i32 to vector<16xi32>
        tpu.vector_store_idx %arg12[%add3A_587, %broadcast_in_dim3A_734], %mul3A_629 : memref<256x8xf32, #tpu.memory_space<vmem>>[vector<16xi32>, vector<16xi32>], vector<16xf32>,
        %broadcast_in_dim3A_735 = arith.constant 2 : i32
        %broadcast_in_dim3A_736 = vector.broadcast %broadcast_in_dim3A_735 : i32 to vector<16xi32>
        tpu.vector_store_idx %arg12[%add3A_587, %broadcast_in_dim3A_736], %mul3A_633 : memref<256x8xf32, #tpu.memory_space<vmem>>[vector<16xi32>, vector<16xi32>], vector<16xf32>,
        %broadcast_in_dim3A_737 = arith.constant 3 : i32
        %broadcast_in_dim3A_738 = vector.broadcast %broadcast_in_dim3A_737 : i32 to vector<16xi32>
        tpu.vector_store_idx %arg12[%add3A_587, %broadcast_in_dim3A_738], %mul3A_637 : memref<256x8xf32, #tpu.memory_space<vmem>>[vector<16xi32>, vector<16xi32>], vector<16xf32>,
        %broadcast_in_dim3A_739 = arith.constant 4 : i32
        %broadcast_in_dim3A_740 = vector.broadcast %broadcast_in_dim3A_739 : i32 to vector<16xi32>
        tpu.vector_store_idx %arg12[%add3A_587, %broadcast_in_dim3A_740], %mul3A_641 : memref<256x8xf32, #tpu.memory_space<vmem>>[vector<16xi32>, vector<16xi32>], vector<16xf32>,
        %broadcast_in_dim3A_741 = arith.constant 5 : i32
        %broadcast_in_dim3A_742 = vector.broadcast %broadcast_in_dim3A_741 : i32 to vector<16xi32>
        tpu.vector_store_idx %arg12[%add3A_587, %broadcast_in_dim3A_742], %mul3A_645 : memref<256x8xf32, #tpu.memory_space<vmem>>[vector<16xi32>, vector<16xi32>], vector<16xf32>,
        %broadcast_in_dim3A_743 = arith.constant 6 : i32
        %broadcast_in_dim3A_744 = vector.broadcast %broadcast_in_dim3A_743 : i32 to vector<16xi32>
        tpu.vector_store_idx %arg12[%add3A_587, %broadcast_in_dim3A_744], %mul3A_649 : memref<256x8xf32, #tpu.memory_space<vmem>>[vector<16xi32>, vector<16xi32>], vector<16xf32>,
        %broadcast_in_dim3A_745 = arith.constant 7 : i32
        %broadcast_in_dim3A_746 = vector.broadcast %broadcast_in_dim3A_745 : i32 to vector<16xi32>
        tpu.vector_store_idx %arg12[%add3A_587, %broadcast_in_dim3A_746], %mul3A_653 : memref<256x8xf32, #tpu.memory_space<vmem>>[vector<16xi32>, vector<16xi32>], vector<16xf32>,
        %broadcast_in_dim3A_747 = arith.constant 0 : i32
        %broadcast_in_dim3A_748 = vector.broadcast %broadcast_in_dim3A_747 : i32 to vector<16xi32>
        tpu.vector_store_idx %arg12[%add3A_662, %broadcast_in_dim3A_748], %mul3A_702 : memref<256x8xf32, #tpu.memory_space<vmem>>[vector<16xi32>, vector<16xi32>], vector<16xf32>,
        %broadcast_in_dim3A_749 = arith.constant 1 : i32
        %broadcast_in_dim3A_750 = vector.broadcast %broadcast_in_dim3A_749 : i32 to vector<16xi32>
        tpu.vector_store_idx %arg12[%add3A_662, %broadcast_in_dim3A_750], %mul3A_706 : memref<256x8xf32, #tpu.memory_space<vmem>>[vector<16xi32>, vector<16xi32>], vector<16xf32>,
        %broadcast_in_dim3A_751 = arith.constant 2 : i32
        %broadcast_in_dim3A_752 = vector.broadcast %broadcast_in_dim3A_751 : i32 to vector<16xi32>
        tpu.vector_store_idx %arg12[%add3A_662, %broadcast_in_dim3A_752], %mul3A_710 : memref<256x8xf32, #tpu.memory_space<vmem>>[vector<16xi32>, vector<16xi32>], vector<16xf32>,
        %broadcast_in_dim3A_753 = arith.constant 3 : i32
        %broadcast_in_dim3A_754 = vector.broadcast %broadcast_in_dim3A_753 : i32 to vector<16xi32>
        tpu.vector_store_idx %arg12[%add3A_662, %broadcast_in_dim3A_754], %mul3A_714 : memref<256x8xf32, #tpu.memory_space<vmem>>[vector<16xi32>, vector<16xi32>], vector<16xf32>,
        %broadcast_in_dim3A_755 = arith.constant 4 : i32
        %broadcast_in_dim3A_756 = vector.broadcast %broadcast_in_dim3A_755 : i32 to vector<16xi32>
        tpu.vector_store_idx %arg12[%add3A_662, %broadcast_in_dim3A_756], %mul3A_718 : memref<256x8xf32, #tpu.memory_space<vmem>>[vector<16xi32>, vector<16xi32>], vector<16xf32>,
        %broadcast_in_dim3A_757 = arith.constant 5 : i32
        %broadcast_in_dim3A_758 = vector.broadcast %broadcast_in_dim3A_757 : i32 to vector<16xi32>
        tpu.vector_store_idx %arg12[%add3A_662, %broadcast_in_dim3A_758], %mul3A_722 : memref<256x8xf32, #tpu.memory_space<vmem>>[vector<16xi32>, vector<16xi32>], vector<16xf32>,
        %broadcast_in_dim3A_759 = arith.constant 6 : i32
        %broadcast_in_dim3A_760 = vector.broadcast %broadcast_in_dim3A_759 : i32 to vector<16xi32>
        tpu.vector_store_idx %arg12[%add3A_662, %broadcast_in_dim3A_760], %mul3A_726 : memref<256x8xf32, #tpu.memory_space<vmem>>[vector<16xi32>, vector<16xi32>], vector<16xf32>,
        %broadcast_in_dim3A_761 = arith.constant 7 : i32
        %broadcast_in_dim3A_762 = vector.broadcast %broadcast_in_dim3A_761 : i32 to vector<16xi32>
        tpu.vector_store_idx %arg12[%add3A_662, %broadcast_in_dim3A_762], %mul3A_730 : memref<256x8xf32, #tpu.memory_space<vmem>>[vector<16xi32>, vector<16xi32>], vector<16xf32>,
        %scan3A_763 = arith.constant 0 : i32
        scf.yield %scan3A_763 : i32
      }
      %scan3A_443 = arith.constant 8 : i32
      %mul3A_444 = arith.constant 256 : i32
      %mul3A_445 = arith.muli %mul3A_365, %mul3A_444 : i32
      %add3A_446 = arith.constant 0 : i32
      %add3A_447 = arith.addi %mul3A_445, %add3A_446 : i32
      %multiple_of3A_448 = tpu.assume_multiple %add3A_447, 128 : i32
      %dma_start3A_449 = arith.constant 0 : i32
      %dma_start3A_450 = arith.constant 0 : i32
      %dma_start3A_451 = tpu.memref_slice %arg12[%dma_start3A_449, %dma_start3A_450] : memref<256x8xf32, #tpu.memory_space<vmem>> -> memref<128x8xf32, #tpu.memory_space<vmem>>
      %dma_start3A_452 = tpu.memref_slice %arg8[%multiple_of3A_448] : memref<25088xi32, #tpu.memory_space<vmem>> -> memref<128xi32, #tpu.memory_space<vmem>>
      %dma_start3A_453 = arith.constant 0 : i32
      %dma_start3A_454 = arith.constant 0 : i32
      %dma_start3A_455 = tpu.memref_slice %arg17[%dma_start3A_453, %dma_start3A_454] : memref<50048x8xf32, #tpu.memory_space<vmem_shared>> -> memref<50048x8xf32, #tpu.memory_space<vmem_shared>>
      tpu.enqueue_indirect_dma source(%dma_start3A_451 : memref<128x8xf32, #tpu.memory_space<vmem>>) target(%dma_start3A_455 : memref<50048x8xf32, #tpu.memory_space<vmem_shared>>) offsets(%dma_start3A_452 : memref<128xi32, #tpu.memory_space<vmem>>) semaphore(%arg20 : memref<!tpu.dma_semaphore, #tpu.memory_space<semaphore_mem>>) {add = true}
      %mul3A_456 = arith.constant 256 : i32
      %mul3A_457 = arith.muli %mul3A_365, %mul3A_456 : i32
      %add3A_458 = arith.constant 128 : i32
      %add3A_459 = arith.addi %mul3A_457, %add3A_458 : i32
      %multiple_of3A_460 = tpu.assume_multiple %add3A_459, 128 : i32
      %dma_start3A_461 = arith.constant 128 : i32
      %dma_start3A_462 = arith.constant 0 : i32
      %dma_start3A_463 = tpu.memref_slice %arg12[%dma_start3A_461, %dma_start3A_462] : memref<256x8xf32, #tpu.memory_space<vmem>> -> memref<128x8xf32, #tpu.memory_space<vmem>>
      %dma_start3A_464 = tpu.memref_slice %arg8[%multiple_of3A_460] : memref<25088xi32, #tpu.memory_space<vmem>> -> memref<128xi32, #tpu.memory_space<vmem>>
      %dma_start3A_465 = arith.constant 0 : i32
      %dma_start3A_466 = arith.constant 0 : i32
      %dma_start3A_467 = tpu.memref_slice %arg17[%dma_start3A_465, %dma_start3A_466] : memref<50048x8xf32, #tpu.memory_space<vmem_shared>> -> memref<50048x8xf32, #tpu.memory_space<vmem_shared>>
      tpu.enqueue_indirect_dma source(%dma_start3A_463 : memref<128x8xf32, #tpu.memory_space<vmem>>) target(%dma_start3A_467 : memref<50048x8xf32, #tpu.memory_space<vmem_shared>>) offsets(%dma_start3A_464 : memref<128xi32, #tpu.memory_space<vmem>>) semaphore(%arg20 : memref<!tpu.dma_semaphore, #tpu.memory_space<semaphore_mem>>) {add = true}
      %mul3A_468 = arith.constant 2 : i32
      %mul3A_469 = arith.muli %mul3A_468, %scan3A_363 : i32
      %add3A_470 = arith.constant 1 : i32
      %add3A_471 = arith.addi %mul3A_469, %add3A_470 : i32
      %add3A_472 = arith.constant 1 : i32
      %add3A_473 = arith.addi %add3A_471, %add3A_472 : i32
      %lt3A_474 = arith.constant 98 : i32
      %lt3A_475 = arith.cmpi slt, %add3A_473, %lt3A_474 : i32
      %convert_element_type3A_476 = arith.extui %lt3A_475 : i1 to i32
      %cond3A_477 = arith.constant 0 : i32
      %cond3A_478 = arith.cmpi ne, %convert_element_type3A_476, %cond3A_477 : i32
      scf.if %cond3A_478 {
        %add3A_577 = arith.constant 1 : i32
        %add3A_578 = arith.addi %add3A_471, %add3A_577 : i32
        %mul3A_579 = arith.constant 256 : i32
        %mul3A_580 = arith.muli %add3A_578, %mul3A_579 : i32
        %add3A_581 = arith.constant 0 : i32
        %add3A_582 = arith.addi %mul3A_580, %add3A_581 : i32
        %multiple_of3A_583 = tpu.assume_multiple %add3A_582, 128 : i32
        %dma_start3A_584 = arith.constant 0 : i32
        %dma_start3A_585 = arith.constant 0 : i32
        %dma_start3A_586 = tpu.memref_slice %arg9[%dma_start3A_584, %dma_start3A_585] : memref<256x8xf32, #tpu.memory_space<vmem>> -> memref<128x8xf32, #tpu.memory_space<vmem>>
        %dma_start3A_587 = tpu.memref_slice %arg7[%multiple_of3A_583] : memref<25088xi32, #tpu.memory_space<vmem>> -> memref<128xi32, #tpu.memory_space<vmem>>
        %dma_start3A_588 = arith.constant 0 : i32
        %dma_start3A_589 = arith.constant 0 : i32
        %dma_start3A_590 = tpu.memref_slice %arg2[%dma_start3A_588, %dma_start3A_589] : memref<50000x8xf32, #tpu.memory_space<hbm>> -> memref<50000x8xf32, #tpu.memory_space<hbm>>
        tpu.enqueue_indirect_dma source(%dma_start3A_590 : memref<50000x8xf32, #tpu.memory_space<hbm>>) target(%dma_start3A_586 : memref<128x8xf32, #tpu.memory_space<vmem>>) offsets(%dma_start3A_587 : memref<128xi32, #tpu.memory_space<vmem>>) semaphore(%arg18 : memref<!tpu.dma_semaphore, #tpu.memory_space<semaphore_mem>>)
        %dma_start3A_591 = arith.constant 0 : i32
        %dma_start3A_592 = arith.constant 0 : i32
        %dma_start3A_593 = tpu.memref_slice %arg10[%dma_start3A_591, %dma_start3A_592] : memref<256x8xf32, #tpu.memory_space<vmem>> -> memref<128x8xf32, #tpu.memory_space<vmem>>
        %dma_start3A_594 = tpu.memref_slice %arg7[%multiple_of3A_583] : memref<25088xi32, #tpu.memory_space<vmem>> -> memref<128xi32, #tpu.memory_space<vmem>>
        %dma_start3A_595 = arith.constant 0 : i32
        %dma_start3A_596 = arith.constant 0 : i32
        %dma_start3A_597 = tpu.memref_slice %arg3[%dma_start3A_595, %dma_start3A_596] : memref<50000x8xf32, #tpu.memory_space<hbm>> -> memref<50000x8xf32, #tpu.memory_space<hbm>>
        tpu.enqueue_indirect_dma source(%dma_start3A_597 : memref<50000x8xf32, #tpu.memory_space<hbm>>) target(%dma_start3A_593 : memref<128x8xf32, #tpu.memory_space<vmem>>) offsets(%dma_start3A_594 : memref<128xi32, #tpu.memory_space<vmem>>) semaphore(%arg18 : memref<!tpu.dma_semaphore, #tpu.memory_space<semaphore_mem>>)
        %mul3A_598 = arith.constant 256 : i32
        %mul3A_599 = arith.muli %add3A_578, %mul3A_598 : i32
        %add3A_600 = arith.constant 0 : i32
        %add3A_601 = arith.addi %mul3A_599, %add3A_600 : i32
        %multiple_of3A_602 = tpu.assume_multiple %add3A_601, 128 : i32
        %dma_start3A_603 = arith.constant 0 : i32
        %dma_start3A_604 = arith.constant 0 : i32
        %dma_start3A_605 = tpu.memref_slice %arg11[%dma_start3A_603, %dma_start3A_604] : memref<256x8xf32, #tpu.memory_space<vmem>> -> memref<128x8xf32, #tpu.memory_space<vmem>>
        %dma_start3A_606 = tpu.memref_slice %arg8[%multiple_of3A_602] : memref<25088xi32, #tpu.memory_space<vmem>> -> memref<128xi32, #tpu.memory_space<vmem>>
        %dma_start3A_607 = arith.constant 0 : i32
        %dma_start3A_608 = arith.constant 0 : i32
        %dma_start3A_609 = tpu.memref_slice %arg4[%dma_start3A_607, %dma_start3A_608] : memref<50000x8xf32, #tpu.memory_space<hbm>> -> memref<50000x8xf32, #tpu.memory_space<hbm>>
        tpu.enqueue_indirect_dma source(%dma_start3A_609 : memref<50000x8xf32, #tpu.memory_space<hbm>>) target(%dma_start3A_605 : memref<128x8xf32, #tpu.memory_space<vmem>>) offsets(%dma_start3A_606 : memref<128xi32, #tpu.memory_space<vmem>>) semaphore(%arg18 : memref<!tpu.dma_semaphore, #tpu.memory_space<semaphore_mem>>)
        %mul3A_610 = arith.constant 256 : i32
        %mul3A_611 = arith.muli %add3A_578, %mul3A_610 : i32
        %add3A_612 = arith.constant 128 : i32
        %add3A_613 = arith.addi %mul3A_611, %add3A_612 : i32
        %multiple_of3A_614 = tpu.assume_multiple %add3A_613, 128 : i32
        %dma_start3A_615 = arith.constant 128 : i32
        %dma_start3A_616 = arith.constant 0 : i32
        %dma_start3A_617 = tpu.memref_slice %arg9[%dma_start3A_615, %dma_start3A_616] : memref<256x8xf32, #tpu.memory_space<vmem>> -> memref<128x8xf32, #tpu.memory_space<vmem>>
        %dma_start3A_618 = tpu.memref_slice %arg7[%multiple_of3A_614] : memref<25088xi32, #tpu.memory_space<vmem>> -> memref<128xi32, #tpu.memory_space<vmem>>
        %dma_start3A_619 = arith.constant 0 : i32
        %dma_start3A_620 = arith.constant 0 : i32
        %dma_start3A_621 = tpu.memref_slice %arg2[%dma_start3A_619, %dma_start3A_620] : memref<50000x8xf32, #tpu.memory_space<hbm>> -> memref<50000x8xf32, #tpu.memory_space<hbm>>
        tpu.enqueue_indirect_dma source(%dma_start3A_621 : memref<50000x8xf32, #tpu.memory_space<hbm>>) target(%dma_start3A_617 : memref<128x8xf32, #tpu.memory_space<vmem>>) offsets(%dma_start3A_618 : memref<128xi32, #tpu.memory_space<vmem>>) semaphore(%arg18 : memref<!tpu.dma_semaphore, #tpu.memory_space<semaphore_mem>>)
        %dma_start3A_622 = arith.constant 128 : i32
        %dma_start3A_623 = arith.constant 0 : i32
        %dma_start3A_624 = tpu.memref_slice %arg10[%dma_start3A_622, %dma_start3A_623] : memref<256x8xf32, #tpu.memory_space<vmem>> -> memref<128x8xf32, #tpu.memory_space<vmem>>
        %dma_start3A_625 = tpu.memref_slice %arg7[%multiple_of3A_614] : memref<25088xi32, #tpu.memory_space<vmem>> -> memref<128xi32, #tpu.memory_space<vmem>>
        %dma_start3A_626 = arith.constant 0 : i32
        %dma_start3A_627 = arith.constant 0 : i32
        %dma_start3A_628 = tpu.memref_slice %arg3[%dma_start3A_626, %dma_start3A_627] : memref<50000x8xf32, #tpu.memory_space<hbm>> -> memref<50000x8xf32, #tpu.memory_space<hbm>>
        tpu.enqueue_indirect_dma source(%dma_start3A_628 : memref<50000x8xf32, #tpu.memory_space<hbm>>) target(%dma_start3A_624 : memref<128x8xf32, #tpu.memory_space<vmem>>) offsets(%dma_start3A_625 : memref<128xi32, #tpu.memory_space<vmem>>) semaphore(%arg18 : memref<!tpu.dma_semaphore, #tpu.memory_space<semaphore_mem>>)
        %mul3A_629 = arith.constant 256 : i32
        %mul3A_630 = arith.muli %add3A_578, %mul3A_629 : i32
        %add3A_631 = arith.constant 128 : i32
        %add3A_632 = arith.addi %mul3A_630, %add3A_631 : i32
        %multiple_of3A_633 = tpu.assume_multiple %add3A_632, 128 : i32
        %dma_start3A_634 = arith.constant 128 : i32
        %dma_start3A_635 = arith.constant 0 : i32
        %dma_start3A_636 = tpu.memref_slice %arg11[%dma_start3A_634, %dma_start3A_635] : memref<256x8xf32, #tpu.memory_space<vmem>> -> memref<128x8xf32, #tpu.memory_space<vmem>>
        %dma_start3A_637 = tpu.memref_slice %arg8[%multiple_of3A_633] : memref<25088xi32, #tpu.memory_space<vmem>> -> memref<128xi32, #tpu.memory_space<vmem>>
        %dma_start3A_638 = arith.constant 0 : i32
        %dma_start3A_639 = arith.constant 0 : i32
        %dma_start3A_640 = tpu.memref_slice %arg4[%dma_start3A_638, %dma_start3A_639] : memref<50000x8xf32, #tpu.memory_space<hbm>> -> memref<50000x8xf32, #tpu.memory_space<hbm>>
        tpu.enqueue_indirect_dma source(%dma_start3A_640 : memref<50000x8xf32, #tpu.memory_space<hbm>>) target(%dma_start3A_636 : memref<128x8xf32, #tpu.memory_space<vmem>>) offsets(%dma_start3A_637 : memref<128xi32, #tpu.memory_space<vmem>>) semaphore(%arg18 : memref<!tpu.dma_semaphore, #tpu.memory_space<semaphore_mem>>)
      } else {
      }
      %mul3A_479 = arith.constant 256 : i32
      %mul3A_480 = arith.muli %add3A_471, %mul3A_479 : i32
      %add3A_481 = arith.constant 0 : i32
      %add3A_482 = arith.addi %mul3A_480, %add3A_481 : i32
      %multiple_of3A_483 = tpu.assume_multiple %add3A_482, 128 : i32
      %dma_wait3A_484 = arith.constant 0 : i32
      %dma_wait3A_485 = arith.constant 0 : i32
      %dma_wait3A_486 = tpu.memref_slice %arg13[%dma_wait3A_484, %dma_wait3A_485] : memref<256x8xf32, #tpu.memory_space<vmem>> -> memref<128x8xf32, #tpu.memory_space<vmem>>
      %dma_wait3A_487 = tpu.memref_slice %arg7[%multiple_of3A_483] : memref<25088xi32, #tpu.memory_space<vmem>> -> memref<128xi32, #tpu.memory_space<vmem>>
      %dma_wait3A_488 = arith.constant 0 : i32
      %dma_wait3A_489 = arith.constant 0 : i32
      %dma_wait3A_490 = tpu.memref_slice %arg2[%dma_wait3A_488, %dma_wait3A_489] : memref<50000x8xf32, #tpu.memory_space<hbm>> -> memref<50000x8xf32, #tpu.memory_space<hbm>>
      tpu.wait_indirect_dma semaphore(%arg19 : memref<!tpu.dma_semaphore, #tpu.memory_space<semaphore_mem>>) src(%dma_wait3A_490 : memref<50000x8xf32, #tpu.memory_space<hbm>>) dst(%dma_wait3A_486 : memref<128x8xf32, #tpu.memory_space<vmem>>)
      %dma_wait3A_491 = arith.constant 0 : i32
      %dma_wait3A_492 = arith.constant 0 : i32
      %dma_wait3A_493 = tpu.memref_slice %arg14[%dma_wait3A_491, %dma_wait3A_492] : memref<256x8xf32, #tpu.memory_space<vmem>> -> memref<128x8xf32, #tpu.memory_space<vmem>>
      %dma_wait3A_494 = tpu.memref_slice %arg7[%multiple_of3A_483] : memref<25088xi32, #tpu.memory_space<vmem>> -> memref<128xi32, #tpu.memory_space<vmem>>
      %dma_wait3A_495 = arith.constant 0 : i32
      %dma_wait3A_496 = arith.constant 0 : i32
      %dma_wait3A_497 = tpu.memref_slice %arg3[%dma_wait3A_495, %dma_wait3A_496] : memref<50000x8xf32, #tpu.memory_space<hbm>> -> memref<50000x8xf32, #tpu.memory_space<hbm>>
      tpu.wait_indirect_dma semaphore(%arg19 : memref<!tpu.dma_semaphore, #tpu.memory_space<semaphore_mem>>) src(%dma_wait3A_497 : memref<50000x8xf32, #tpu.memory_space<hbm>>) dst(%dma_wait3A_493 : memref<128x8xf32, #tpu.memory_space<vmem>>)
      %mul3A_498 = arith.constant 256 : i32
      %mul3A_499 = arith.muli %add3A_471, %mul3A_498 : i32
      %add3A_500 = arith.constant 0 : i32
      %add3A_501 = arith.addi %mul3A_499, %add3A_500 : i32
      %multiple_of3A_502 = tpu.assume_multiple %add3A_501, 128 : i32
      %dma_wait3A_503 = arith.constant 0 : i32
      %dma_wait3A_504 = arith.constant 0 : i32
      %dma_wait3A_505 = tpu.memref_slice %arg15[%dma_wait3A_503, %dma_wait3A_504] : memref<256x8xf32, #tpu.memory_space<vmem>> -> memref<128x8xf32, #tpu.memory_space<vmem>>
      %dma_wait3A_506 = tpu.memref_slice %arg8[%multiple_of3A_502] : memref<25088xi32, #tpu.memory_space<vmem>> -> memref<128xi32, #tpu.memory_space<vmem>>
      %dma_wait3A_507 = arith.constant 0 : i32
      %dma_wait3A_508 = arith.constant 0 : i32
      %dma_wait3A_509 = tpu.memref_slice %arg4[%dma_wait3A_507, %dma_wait3A_508] : memref<50000x8xf32, #tpu.memory_space<hbm>> -> memref<50000x8xf32, #tpu.memory_space<hbm>>
      tpu.wait_indirect_dma semaphore(%arg19 : memref<!tpu.dma_semaphore, #tpu.memory_space<semaphore_mem>>) src(%dma_wait3A_509 : memref<50000x8xf32, #tpu.memory_space<hbm>>) dst(%dma_wait3A_505 : memref<128x8xf32, #tpu.memory_space<vmem>>)
      %mul3A_510 = arith.constant 256 : i32
      %mul3A_511 = arith.muli %add3A_471, %mul3A_510 : i32
      %add3A_512 = arith.constant 128 : i32
      %add3A_513 = arith.addi %mul3A_511, %add3A_512 : i32
      %multiple_of3A_514 = tpu.assume_multiple %add3A_513, 128 : i32
      %dma_wait3A_515 = arith.constant 128 : i32
      %dma_wait3A_516 = arith.constant 0 : i32
      %dma_wait3A_517 = tpu.memref_slice %arg13[%dma_wait3A_515, %dma_wait3A_516] : memref<256x8xf32, #tpu.memory_space<vmem>> -> memref<128x8xf32, #tpu.memory_space<vmem>>
      %dma_wait3A_518 = tpu.memref_slice %arg7[%multiple_of3A_514] : memref<25088xi32, #tpu.memory_space<vmem>> -> memref<128xi32, #tpu.memory_space<vmem>>
      %dma_wait3A_519 = arith.constant 0 : i32
      %dma_wait3A_520 = arith.constant 0 : i32
      %dma_wait3A_521 = tpu.memref_slice %arg2[%dma_wait3A_519, %dma_wait3A_520] : memref<50000x8xf32, #tpu.memory_space<hbm>> -> memref<50000x8xf32, #tpu.memory_space<hbm>>
      tpu.wait_indirect_dma semaphore(%arg19 : memref<!tpu.dma_semaphore, #tpu.memory_space<semaphore_mem>>) src(%dma_wait3A_521 : memref<50000x8xf32, #tpu.memory_space<hbm>>) dst(%dma_wait3A_517 : memref<128x8xf32, #tpu.memory_space<vmem>>)
      %dma_wait3A_522 = arith.constant 128 : i32
      %dma_wait3A_523 = arith.constant 0 : i32
      %dma_wait3A_524 = tpu.memref_slice %arg14[%dma_wait3A_522, %dma_wait3A_523] : memref<256x8xf32, #tpu.memory_space<vmem>> -> memref<128x8xf32, #tpu.memory_space<vmem>>
      %dma_wait3A_525 = tpu.memref_slice %arg7[%multiple_of3A_514] : memref<25088xi32, #tpu.memory_space<vmem>> -> memref<128xi32, #tpu.memory_space<vmem>>
      %dma_wait3A_526 = arith.constant 0 : i32
      %dma_wait3A_527 = arith.constant 0 : i32
      %dma_wait3A_528 = tpu.memref_slice %arg3[%dma_wait3A_526, %dma_wait3A_527] : memref<50000x8xf32, #tpu.memory_space<hbm>> -> memref<50000x8xf32, #tpu.memory_space<hbm>>
      tpu.wait_indirect_dma semaphore(%arg19 : memref<!tpu.dma_semaphore, #tpu.memory_space<semaphore_mem>>) src(%dma_wait3A_528 : memref<50000x8xf32, #tpu.memory_space<hbm>>) dst(%dma_wait3A_524 : memref<128x8xf32, #tpu.memory_space<vmem>>)
      %mul3A_529 = arith.constant 256 : i32
      %mul3A_530 = arith.muli %add3A_471, %mul3A_529 : i32
      %add3A_531 = arith.constant 128 : i32
      %add3A_532 = arith.addi %mul3A_530, %add3A_531 : i32
      %multiple_of3A_533 = tpu.assume_multiple %add3A_532, 128 : i32
      %dma_wait3A_534 = arith.constant 128 : i32
      %dma_wait3A_535 = arith.constant 0 : i32
      %dma_wait3A_536 = tpu.memref_slice %arg15[%dma_wait3A_534, %dma_wait3A_535] : memref<256x8xf32, #tpu.memory_space<vmem>> -> memref<128x8xf32, #tpu.memory_space<vmem>>
      %dma_wait3A_537 = tpu.memref_slice %arg8[%multiple_of3A_533] : memref<25088xi32, #tpu.memory_space<vmem>> -> memref<128xi32, #tpu.memory_space<vmem>>
      %dma_wait3A_538 = arith.constant 0 : i32
      %dma_wait3A_539 = arith.constant 0 : i32
      %dma_wait3A_540 = tpu.memref_slice %arg4[%dma_wait3A_538, %dma_wait3A_539] : memref<50000x8xf32, #tpu.memory_space<hbm>> -> memref<50000x8xf32, #tpu.memory_space<hbm>>
      tpu.wait_indirect_dma semaphore(%arg19 : memref<!tpu.dma_semaphore, #tpu.memory_space<semaphore_mem>>) src(%dma_wait3A_540 : memref<50000x8xf32, #tpu.memory_space<hbm>>) dst(%dma_wait3A_536 : memref<128x8xf32, #tpu.memory_space<vmem>>)
      %ge3A_541 = arith.constant 1 : i32
      %ge3A_542 = arith.cmpi sge, %scan3A_363, %ge3A_541 : i32
      %convert_element_type3A_543 = arith.extui %ge3A_542 : i1 to i32
      %cond3A_544 = arith.constant 0 : i32
      %cond3A_545 = arith.cmpi ne, %convert_element_type3A_543, %cond3A_544 : i32
      scf.if %cond3A_545 {
        %mul3A_577 = arith.constant 256 : i32
        %mul3A_578 = arith.muli %add3A_471, %mul3A_577 : i32
        %add3A_579 = arith.constant 0 : i32
        %add3A_580 = arith.addi %mul3A_578, %add3A_579 : i32
        %multiple_of3A_581 = tpu.assume_multiple %add3A_580, 128 : i32
        %dma_wait3A_582 = arith.constant 0 : i32
        %dma_wait3A_583 = arith.constant 0 : i32
        %dma_wait3A_584 = tpu.memref_slice %arg16[%dma_wait3A_582, %dma_wait3A_583] : memref<256x8xf32, #tpu.memory_space<vmem>> -> memref<128x8xf32, #tpu.memory_space<vmem>>
        %dma_wait3A_585 = tpu.memref_slice %arg8[%multiple_of3A_581] : memref<25088xi32, #tpu.memory_space<vmem>> -> memref<128xi32, #tpu.memory_space<vmem>>
        %dma_wait3A_586 = arith.constant 0 : i32
        %dma_wait3A_587 = arith.constant 0 : i32
        %dma_wait3A_588 = tpu.memref_slice %arg17[%dma_wait3A_586, %dma_wait3A_587] : memref<50048x8xf32, #tpu.memory_space<vmem_shared>> -> memref<50048x8xf32, #tpu.memory_space<vmem_shared>>
        tpu.wait_indirect_dma semaphore(%arg21 : memref<!tpu.dma_semaphore, #tpu.memory_space<semaphore_mem>>) src(%dma_wait3A_584 : memref<128x8xf32, #tpu.memory_space<vmem>>) dst(%dma_wait3A_588 : memref<50048x8xf32, #tpu.memory_space<vmem_shared>>)
        %mul3A_589 = arith.constant 256 : i32
        %mul3A_590 = arith.muli %add3A_471, %mul3A_589 : i32
        %add3A_591 = arith.constant 128 : i32
        %add3A_592 = arith.addi %mul3A_590, %add3A_591 : i32
        %multiple_of3A_593 = tpu.assume_multiple %add3A_592, 128 : i32
        %dma_wait3A_594 = arith.constant 128 : i32
        %dma_wait3A_595 = arith.constant 0 : i32
        %dma_wait3A_596 = tpu.memref_slice %arg16[%dma_wait3A_594, %dma_wait3A_595] : memref<256x8xf32, #tpu.memory_space<vmem>> -> memref<128x8xf32, #tpu.memory_space<vmem>>
        %dma_wait3A_597 = tpu.memref_slice %arg8[%multiple_of3A_593] : memref<25088xi32, #tpu.memory_space<vmem>> -> memref<128xi32, #tpu.memory_space<vmem>>
        %dma_wait3A_598 = arith.constant 0 : i32
        %dma_wait3A_599 = arith.constant 0 : i32
        %dma_wait3A_600 = tpu.memref_slice %arg17[%dma_wait3A_598, %dma_wait3A_599] : memref<50048x8xf32, #tpu.memory_space<vmem_shared>> -> memref<50048x8xf32, #tpu.memory_space<vmem_shared>>
        tpu.wait_indirect_dma semaphore(%arg21 : memref<!tpu.dma_semaphore, #tpu.memory_space<semaphore_mem>>) src(%dma_wait3A_596 : memref<128x8xf32, #tpu.memory_space<vmem>>) dst(%dma_wait3A_600 : memref<50048x8xf32, #tpu.memory_space<vmem_shared>>)
      } else {
      }
      %scan3A_546 = arith.constant 0 : i32
      %scan3A_547 = arith.constant 0 : i32
      %scan3A_548 = arith.constant 8 : i32
      %scan3A_549 = arith.addi %scan3A_547, %scan3A_548 : i32
      %scan3A_550 = arith.constant 1 : i32
      %scan3A_551 = scf.for %scan3A_577 = %scan3A_547 to %scan3A_549 step %scan3A_550 iter_args(%scan3A_578 = %scan3A_546) -> (i32)  : i32 {
        %iota3A_579 = tpu.iota {dimensions = array<i32: 0>} : vector<16xi32>
        %mul3A_580 = arith.constant 2 : i32
        %mul3A_581 = arith.muli %scan3A_577, %mul3A_580 : i32
        %add3A_582 = arith.constant 0 : i32
        %add3A_583 = arith.addi %mul3A_581, %add3A_582 : i32
        %mul3A_584 = arith.constant 16 : i32
        %mul3A_585 = arith.muli %add3A_583, %mul3A_584 : i32
        %add3A_586 = vector.broadcast %mul3A_585 : i32 to vector<16xi32>
        %add3A_587 = arith.addi %iota3A_579, %add3A_586 : vector<16xi32>
        %broadcast_in_dim3A_588 = arith.constant 0 : i32
        %broadcast_in_dim3A_589 = vector.broadcast %broadcast_in_dim3A_588 : i32 to vector<16xi32>
        %gather3A = tpu.vector_load_idx %arg13[%add3A_587, %broadcast_in_dim3A_589] : memref<256x8xf32, #tpu.memory_space<vmem>>[vector<16xi32>, vector<16xi32>], vector<16xf32>,
        %broadcast_in_dim3A_590 = arith.constant 0 : i32
        %broadcast_in_dim3A_591 = vector.broadcast %broadcast_in_dim3A_590 : i32 to vector<16xi32>
        %gather3A_592 = tpu.vector_load_idx %arg15[%add3A_587, %broadcast_in_dim3A_591] : memref<256x8xf32, #tpu.memory_space<vmem>>[vector<16xi32>, vector<16xi32>], vector<16xf32>,
        %mul3A_593 = arith.mulf %gather3A, %gather3A_592 : vector<16xf32>
        %broadcast_in_dim3A_594 = arith.constant 1 : i32
        %broadcast_in_dim3A_595 = vector.broadcast %broadcast_in_dim3A_594 : i32 to vector<16xi32>
        %gather3A_596 = tpu.vector_load_idx %arg13[%add3A_587, %broadcast_in_dim3A_595] : memref<256x8xf32, #tpu.memory_space<vmem>>[vector<16xi32>, vector<16xi32>], vector<16xf32>,
        %broadcast_in_dim3A_597 = arith.constant 1 : i32
        %broadcast_in_dim3A_598 = vector.broadcast %broadcast_in_dim3A_597 : i32 to vector<16xi32>
        %gather3A_599 = tpu.vector_load_idx %arg15[%add3A_587, %broadcast_in_dim3A_598] : memref<256x8xf32, #tpu.memory_space<vmem>>[vector<16xi32>, vector<16xi32>], vector<16xf32>,
        %mul3A_600 = arith.mulf %gather3A_596, %gather3A_599 : vector<16xf32>
        %add3A_601 = arith.addf %mul3A_593, %mul3A_600 : vector<16xf32>
        %broadcast_in_dim3A_602 = arith.constant 2 : i32
        %broadcast_in_dim3A_603 = vector.broadcast %broadcast_in_dim3A_602 : i32 to vector<16xi32>
        %gather3A_604 = tpu.vector_load_idx %arg13[%add3A_587, %broadcast_in_dim3A_603] : memref<256x8xf32, #tpu.memory_space<vmem>>[vector<16xi32>, vector<16xi32>], vector<16xf32>,
        %broadcast_in_dim3A_605 = arith.constant 2 : i32
        %broadcast_in_dim3A_606 = vector.broadcast %broadcast_in_dim3A_605 : i32 to vector<16xi32>
        %gather3A_607 = tpu.vector_load_idx %arg15[%add3A_587, %broadcast_in_dim3A_606] : memref<256x8xf32, #tpu.memory_space<vmem>>[vector<16xi32>, vector<16xi32>], vector<16xf32>,
        %mul3A_608 = arith.mulf %gather3A_604, %gather3A_607 : vector<16xf32>
        %broadcast_in_dim3A_609 = arith.constant 3 : i32
        %broadcast_in_dim3A_610 = vector.broadcast %broadcast_in_dim3A_609 : i32 to vector<16xi32>
        %gather3A_611 = tpu.vector_load_idx %arg13[%add3A_587, %broadcast_in_dim3A_610] : memref<256x8xf32, #tpu.memory_space<vmem>>[vector<16xi32>, vector<16xi32>], vector<16xf32>,
        %add3A_612 = arith.addf %mul3A_608, %gather3A_611 : vector<16xf32>
        %add3A_613 = arith.addf %add3A_601, %add3A_612 : vector<16xf32>
        %broadcast_in_dim3A_614 = arith.constant 4 : i32
        %broadcast_in_dim3A_615 = vector.broadcast %broadcast_in_dim3A_614 : i32 to vector<16xi32>
        %gather3A_616 = tpu.vector_load_idx %arg13[%add3A_587, %broadcast_in_dim3A_615] : memref<256x8xf32, #tpu.memory_space<vmem>>[vector<16xi32>, vector<16xi32>], vector<16xf32>,
        %broadcast_in_dim3A_617 = arith.constant 4 : i32
        %broadcast_in_dim3A_618 = vector.broadcast %broadcast_in_dim3A_617 : i32 to vector<16xi32>
        %gather3A_619 = tpu.vector_load_idx %arg15[%add3A_587, %broadcast_in_dim3A_618] : memref<256x8xf32, #tpu.memory_space<vmem>>[vector<16xi32>, vector<16xi32>], vector<16xf32>,
        %mul3A_620 = arith.mulf %gather3A_616, %gather3A_619 : vector<16xf32>
        %add3A_621 = arith.addf %add3A_613, %mul3A_620 : vector<16xf32>
        %exp3A = math.exp %add3A_621 : vector<16xf32>
        %broadcast_in_dim3A_622 = arith.constant 0 : i32
        %broadcast_in_dim3A_623 = vector.broadcast %broadcast_in_dim3A_622 : i32 to vector<16xi32>
        %gather3A_624 = tpu.vector_load_idx %arg14[%add3A_587, %broadcast_in_dim3A_623] : memref<256x8xf32, #tpu.memory_space<vmem>>[vector<16xi32>, vector<16xi32>], vector<16xf32>,
        %mul3A_625 = arith.mulf %exp3A, %gather3A_624 : vector<16xf32>
        %broadcast_in_dim3A_626 = arith.constant 1 : i32
        %broadcast_in_dim3A_627 = vector.broadcast %broadcast_in_dim3A_626 : i32 to vector<16xi32>
        %gather3A_628 = tpu.vector_load_idx %arg14[%add3A_587, %broadcast_in_dim3A_627] : memref<256x8xf32, #tpu.memory_space<vmem>>[vector<16xi32>, vector<16xi32>], vector<16xf32>,
        %mul3A_629 = arith.mulf %exp3A, %gather3A_628 : vector<16xf32>
        %broadcast_in_dim3A_630 = arith.constant 2 : i32
        %broadcast_in_dim3A_631 = vector.broadcast %broadcast_in_dim3A_630 : i32 to vector<16xi32>
        %gather3A_632 = tpu.vector_load_idx %arg14[%add3A_587, %broadcast_in_dim3A_631] : memref<256x8xf32, #tpu.memory_space<vmem>>[vector<16xi32>, vector<16xi32>], vector<16xf32>,
        %mul3A_633 = arith.mulf %exp3A, %gather3A_632 : vector<16xf32>
        %broadcast_in_dim3A_634 = arith.constant 3 : i32
        %broadcast_in_dim3A_635 = vector.broadcast %broadcast_in_dim3A_634 : i32 to vector<16xi32>
        %gather3A_636 = tpu.vector_load_idx %arg14[%add3A_587, %broadcast_in_dim3A_635] : memref<256x8xf32, #tpu.memory_space<vmem>>[vector<16xi32>, vector<16xi32>], vector<16xf32>,
        %mul3A_637 = arith.mulf %exp3A, %gather3A_636 : vector<16xf32>
        %broadcast_in_dim3A_638 = arith.constant 4 : i32
        %broadcast_in_dim3A_639 = vector.broadcast %broadcast_in_dim3A_638 : i32 to vector<16xi32>
        %gather3A_640 = tpu.vector_load_idx %arg14[%add3A_587, %broadcast_in_dim3A_639] : memref<256x8xf32, #tpu.memory_space<vmem>>[vector<16xi32>, vector<16xi32>], vector<16xf32>,
        %mul3A_641 = arith.mulf %exp3A, %gather3A_640 : vector<16xf32>
        %broadcast_in_dim3A_642 = arith.constant 5 : i32
        %broadcast_in_dim3A_643 = vector.broadcast %broadcast_in_dim3A_642 : i32 to vector<16xi32>
        %gather3A_644 = tpu.vector_load_idx %arg14[%add3A_587, %broadcast_in_dim3A_643] : memref<256x8xf32, #tpu.memory_space<vmem>>[vector<16xi32>, vector<16xi32>], vector<16xf32>,
        %mul3A_645 = arith.mulf %exp3A, %gather3A_644 : vector<16xf32>
        %broadcast_in_dim3A_646 = arith.constant 6 : i32
        %broadcast_in_dim3A_647 = vector.broadcast %broadcast_in_dim3A_646 : i32 to vector<16xi32>
        %gather3A_648 = tpu.vector_load_idx %arg14[%add3A_587, %broadcast_in_dim3A_647] : memref<256x8xf32, #tpu.memory_space<vmem>>[vector<16xi32>, vector<16xi32>], vector<16xf32>,
        %mul3A_649 = arith.mulf %exp3A, %gather3A_648 : vector<16xf32>
        %broadcast_in_dim3A_650 = arith.constant 7 : i32
        %broadcast_in_dim3A_651 = vector.broadcast %broadcast_in_dim3A_650 : i32 to vector<16xi32>
        %gather3A_652 = tpu.vector_load_idx %arg14[%add3A_587, %broadcast_in_dim3A_651] : memref<256x8xf32, #tpu.memory_space<vmem>>[vector<16xi32>, vector<16xi32>], vector<16xf32>,
        %mul3A_653 = arith.mulf %exp3A, %gather3A_652 : vector<16xf32>
        %iota3A_654 = tpu.iota {dimensions = array<i32: 0>} : vector<16xi32>
        %mul3A_655 = arith.constant 2 : i32
        %mul3A_656 = arith.muli %scan3A_577, %mul3A_655 : i32
        %add3A_657 = arith.constant 1 : i32
        %add3A_658 = arith.addi %mul3A_656, %add3A_657 : i32
        %mul3A_659 = arith.constant 16 : i32
        %mul3A_660 = arith.muli %add3A_658, %mul3A_659 : i32
        %add3A_661 = vector.broadcast %mul3A_660 : i32 to vector<16xi32>
        %add3A_662 = arith.addi %iota3A_654, %add3A_661 : vector<16xi32>
        %broadcast_in_dim3A_663 = arith.constant 0 : i32
        %broadcast_in_dim3A_664 = vector.broadcast %broadcast_in_dim3A_663 : i32 to vector<16xi32>
        %gather3A_665 = tpu.vector_load_idx %arg13[%add3A_662, %broadcast_in_dim3A_664] : memref<256x8xf32, #tpu.memory_space<vmem>>[vector<16xi32>, vector<16xi32>], vector<16xf32>,
        %broadcast_in_dim3A_666 = arith.constant 0 : i32
        %broadcast_in_dim3A_667 = vector.broadcast %broadcast_in_dim3A_666 : i32 to vector<16xi32>
        %gather3A_668 = tpu.vector_load_idx %arg15[%add3A_662, %broadcast_in_dim3A_667] : memref<256x8xf32, #tpu.memory_space<vmem>>[vector<16xi32>, vector<16xi32>], vector<16xf32>,
        %mul3A_669 = arith.mulf %gather3A_665, %gather3A_668 : vector<16xf32>
        %broadcast_in_dim3A_670 = arith.constant 1 : i32
        %broadcast_in_dim3A_671 = vector.broadcast %broadcast_in_dim3A_670 : i32 to vector<16xi32>
        %gather3A_672 = tpu.vector_load_idx %arg13[%add3A_662, %broadcast_in_dim3A_671] : memref<256x8xf32, #tpu.memory_space<vmem>>[vector<16xi32>, vector<16xi32>], vector<16xf32>,
        %broadcast_in_dim3A_673 = arith.constant 1 : i32
        %broadcast_in_dim3A_674 = vector.broadcast %broadcast_in_dim3A_673 : i32 to vector<16xi32>
        %gather3A_675 = tpu.vector_load_idx %arg15[%add3A_662, %broadcast_in_dim3A_674] : memref<256x8xf32, #tpu.memory_space<vmem>>[vector<16xi32>, vector<16xi32>], vector<16xf32>,
        %mul3A_676 = arith.mulf %gather3A_672, %gather3A_675 : vector<16xf32>
        %add3A_677 = arith.addf %mul3A_669, %mul3A_676 : vector<16xf32>
        %broadcast_in_dim3A_678 = arith.constant 2 : i32
        %broadcast_in_dim3A_679 = vector.broadcast %broadcast_in_dim3A_678 : i32 to vector<16xi32>
        %gather3A_680 = tpu.vector_load_idx %arg13[%add3A_662, %broadcast_in_dim3A_679] : memref<256x8xf32, #tpu.memory_space<vmem>>[vector<16xi32>, vector<16xi32>], vector<16xf32>,
        %broadcast_in_dim3A_681 = arith.constant 2 : i32
        %broadcast_in_dim3A_682 = vector.broadcast %broadcast_in_dim3A_681 : i32 to vector<16xi32>
        %gather3A_683 = tpu.vector_load_idx %arg15[%add3A_662, %broadcast_in_dim3A_682] : memref<256x8xf32, #tpu.memory_space<vmem>>[vector<16xi32>, vector<16xi32>], vector<16xf32>,
        %mul3A_684 = arith.mulf %gather3A_680, %gather3A_683 : vector<16xf32>
        %broadcast_in_dim3A_685 = arith.constant 3 : i32
        %broadcast_in_dim3A_686 = vector.broadcast %broadcast_in_dim3A_685 : i32 to vector<16xi32>
        %gather3A_687 = tpu.vector_load_idx %arg13[%add3A_662, %broadcast_in_dim3A_686] : memref<256x8xf32, #tpu.memory_space<vmem>>[vector<16xi32>, vector<16xi32>], vector<16xf32>,
        %add3A_688 = arith.addf %mul3A_684, %gather3A_687 : vector<16xf32>
        %add3A_689 = arith.addf %add3A_677, %add3A_688 : vector<16xf32>
        %broadcast_in_dim3A_690 = arith.constant 4 : i32
        %broadcast_in_dim3A_691 = vector.broadcast %broadcast_in_dim3A_690 : i32 to vector<16xi32>
        %gather3A_692 = tpu.vector_load_idx %arg13[%add3A_662, %broadcast_in_dim3A_691] : memref<256x8xf32, #tpu.memory_space<vmem>>[vector<16xi32>, vector<16xi32>], vector<16xf32>,
        %broadcast_in_dim3A_693 = arith.constant 4 : i32
        %broadcast_in_dim3A_694 = vector.broadcast %broadcast_in_dim3A_693 : i32 to vector<16xi32>
        %gather3A_695 = tpu.vector_load_idx %arg15[%add3A_662, %broadcast_in_dim3A_694] : memref<256x8xf32, #tpu.memory_space<vmem>>[vector<16xi32>, vector<16xi32>], vector<16xf32>,
        %mul3A_696 = arith.mulf %gather3A_692, %gather3A_695 : vector<16xf32>
        %add3A_697 = arith.addf %add3A_689, %mul3A_696 : vector<16xf32>
        %exp3A_698 = math.exp %add3A_697 : vector<16xf32>
        %broadcast_in_dim3A_699 = arith.constant 0 : i32
        %broadcast_in_dim3A_700 = vector.broadcast %broadcast_in_dim3A_699 : i32 to vector<16xi32>
        %gather3A_701 = tpu.vector_load_idx %arg14[%add3A_662, %broadcast_in_dim3A_700] : memref<256x8xf32, #tpu.memory_space<vmem>>[vector<16xi32>, vector<16xi32>], vector<16xf32>,
        %mul3A_702 = arith.mulf %exp3A_698, %gather3A_701 : vector<16xf32>
        %broadcast_in_dim3A_703 = arith.constant 1 : i32
        %broadcast_in_dim3A_704 = vector.broadcast %broadcast_in_dim3A_703 : i32 to vector<16xi32>
        %gather3A_705 = tpu.vector_load_idx %arg14[%add3A_662, %broadcast_in_dim3A_704] : memref<256x8xf32, #tpu.memory_space<vmem>>[vector<16xi32>, vector<16xi32>], vector<16xf32>,
        %mul3A_706 = arith.mulf %exp3A_698, %gather3A_705 : vector<16xf32>
        %broadcast_in_dim3A_707 = arith.constant 2 : i32
        %broadcast_in_dim3A_708 = vector.broadcast %broadcast_in_dim3A_707 : i32 to vector<16xi32>
        %gather3A_709 = tpu.vector_load_idx %arg14[%add3A_662, %broadcast_in_dim3A_708] : memref<256x8xf32, #tpu.memory_space<vmem>>[vector<16xi32>, vector<16xi32>], vector<16xf32>,
        %mul3A_710 = arith.mulf %exp3A_698, %gather3A_709 : vector<16xf32>
        %broadcast_in_dim3A_711 = arith.constant 3 : i32
        %broadcast_in_dim3A_712 = vector.broadcast %broadcast_in_dim3A_711 : i32 to vector<16xi32>
        %gather3A_713 = tpu.vector_load_idx %arg14[%add3A_662, %broadcast_in_dim3A_712] : memref<256x8xf32, #tpu.memory_space<vmem>>[vector<16xi32>, vector<16xi32>], vector<16xf32>,
        %mul3A_714 = arith.mulf %exp3A_698, %gather3A_713 : vector<16xf32>
        %broadcast_in_dim3A_715 = arith.constant 4 : i32
        %broadcast_in_dim3A_716 = vector.broadcast %broadcast_in_dim3A_715 : i32 to vector<16xi32>
        %gather3A_717 = tpu.vector_load_idx %arg14[%add3A_662, %broadcast_in_dim3A_716] : memref<256x8xf32, #tpu.memory_space<vmem>>[vector<16xi32>, vector<16xi32>], vector<16xf32>,
        %mul3A_718 = arith.mulf %exp3A_698, %gather3A_717 : vector<16xf32>
        %broadcast_in_dim3A_719 = arith.constant 5 : i32
        %broadcast_in_dim3A_720 = vector.broadcast %broadcast_in_dim3A_719 : i32 to vector<16xi32>
        %gather3A_721 = tpu.vector_load_idx %arg14[%add3A_662, %broadcast_in_dim3A_720] : memref<256x8xf32, #tpu.memory_space<vmem>>[vector<16xi32>, vector<16xi32>], vector<16xf32>,
        %mul3A_722 = arith.mulf %exp3A_698, %gather3A_721 : vector<16xf32>
        %broadcast_in_dim3A_723 = arith.constant 6 : i32
        %broadcast_in_dim3A_724 = vector.broadcast %broadcast_in_dim3A_723 : i32 to vector<16xi32>
        %gather3A_725 = tpu.vector_load_idx %arg14[%add3A_662, %broadcast_in_dim3A_724] : memref<256x8xf32, #tpu.memory_space<vmem>>[vector<16xi32>, vector<16xi32>], vector<16xf32>,
        %mul3A_726 = arith.mulf %exp3A_698, %gather3A_725 : vector<16xf32>
        %broadcast_in_dim3A_727 = arith.constant 7 : i32
        %broadcast_in_dim3A_728 = vector.broadcast %broadcast_in_dim3A_727 : i32 to vector<16xi32>
        %gather3A_729 = tpu.vector_load_idx %arg14[%add3A_662, %broadcast_in_dim3A_728] : memref<256x8xf32, #tpu.memory_space<vmem>>[vector<16xi32>, vector<16xi32>], vector<16xf32>,
        %mul3A_730 = arith.mulf %exp3A_698, %gather3A_729 : vector<16xf32>
        %broadcast_in_dim3A_731 = arith.constant 0 : i32
        %broadcast_in_dim3A_732 = vector.broadcast %broadcast_in_dim3A_731 : i32 to vector<16xi32>
        tpu.vector_store_idx %arg16[%add3A_587, %broadcast_in_dim3A_732], %mul3A_625 : memref<256x8xf32, #tpu.memory_space<vmem>>[vector<16xi32>, vector<16xi32>], vector<16xf32>,
        %broadcast_in_dim3A_733 = arith.constant 1 : i32
        %broadcast_in_dim3A_734 = vector.broadcast %broadcast_in_dim3A_733 : i32 to vector<16xi32>
        tpu.vector_store_idx %arg16[%add3A_587, %broadcast_in_dim3A_734], %mul3A_629 : memref<256x8xf32, #tpu.memory_space<vmem>>[vector<16xi32>, vector<16xi32>], vector<16xf32>,
        %broadcast_in_dim3A_735 = arith.constant 2 : i32
        %broadcast_in_dim3A_736 = vector.broadcast %broadcast_in_dim3A_735 : i32 to vector<16xi32>
        tpu.vector_store_idx %arg16[%add3A_587, %broadcast_in_dim3A_736], %mul3A_633 : memref<256x8xf32, #tpu.memory_space<vmem>>[vector<16xi32>, vector<16xi32>], vector<16xf32>,
        %broadcast_in_dim3A_737 = arith.constant 3 : i32
        %broadcast_in_dim3A_738 = vector.broadcast %broadcast_in_dim3A_737 : i32 to vector<16xi32>
        tpu.vector_store_idx %arg16[%add3A_587, %broadcast_in_dim3A_738], %mul3A_637 : memref<256x8xf32, #tpu.memory_space<vmem>>[vector<16xi32>, vector<16xi32>], vector<16xf32>,
        %broadcast_in_dim3A_739 = arith.constant 4 : i32
        %broadcast_in_dim3A_740 = vector.broadcast %broadcast_in_dim3A_739 : i32 to vector<16xi32>
        tpu.vector_store_idx %arg16[%add3A_587, %broadcast_in_dim3A_740], %mul3A_641 : memref<256x8xf32, #tpu.memory_space<vmem>>[vector<16xi32>, vector<16xi32>], vector<16xf32>,
        %broadcast_in_dim3A_741 = arith.constant 5 : i32
        %broadcast_in_dim3A_742 = vector.broadcast %broadcast_in_dim3A_741 : i32 to vector<16xi32>
        tpu.vector_store_idx %arg16[%add3A_587, %broadcast_in_dim3A_742], %mul3A_645 : memref<256x8xf32, #tpu.memory_space<vmem>>[vector<16xi32>, vector<16xi32>], vector<16xf32>,
        %broadcast_in_dim3A_743 = arith.constant 6 : i32
        %broadcast_in_dim3A_744 = vector.broadcast %broadcast_in_dim3A_743 : i32 to vector<16xi32>
        tpu.vector_store_idx %arg16[%add3A_587, %broadcast_in_dim3A_744], %mul3A_649 : memref<256x8xf32, #tpu.memory_space<vmem>>[vector<16xi32>, vector<16xi32>], vector<16xf32>,
        %broadcast_in_dim3A_745 = arith.constant 7 : i32
        %broadcast_in_dim3A_746 = vector.broadcast %broadcast_in_dim3A_745 : i32 to vector<16xi32>
        tpu.vector_store_idx %arg16[%add3A_587, %broadcast_in_dim3A_746], %mul3A_653 : memref<256x8xf32, #tpu.memory_space<vmem>>[vector<16xi32>, vector<16xi32>], vector<16xf32>,
        %broadcast_in_dim3A_747 = arith.constant 0 : i32
        %broadcast_in_dim3A_748 = vector.broadcast %broadcast_in_dim3A_747 : i32 to vector<16xi32>
        tpu.vector_store_idx %arg16[%add3A_662, %broadcast_in_dim3A_748], %mul3A_702 : memref<256x8xf32, #tpu.memory_space<vmem>>[vector<16xi32>, vector<16xi32>], vector<16xf32>,
        %broadcast_in_dim3A_749 = arith.constant 1 : i32
        %broadcast_in_dim3A_750 = vector.broadcast %broadcast_in_dim3A_749 : i32 to vector<16xi32>
        tpu.vector_store_idx %arg16[%add3A_662, %broadcast_in_dim3A_750], %mul3A_706 : memref<256x8xf32, #tpu.memory_space<vmem>>[vector<16xi32>, vector<16xi32>], vector<16xf32>,
        %broadcast_in_dim3A_751 = arith.constant 2 : i32
        %broadcast_in_dim3A_752 = vector.broadcast %broadcast_in_dim3A_751 : i32 to vector<16xi32>
        tpu.vector_store_idx %arg16[%add3A_662, %broadcast_in_dim3A_752], %mul3A_710 : memref<256x8xf32, #tpu.memory_space<vmem>>[vector<16xi32>, vector<16xi32>], vector<16xf32>,
        %broadcast_in_dim3A_753 = arith.constant 3 : i32
        %broadcast_in_dim3A_754 = vector.broadcast %broadcast_in_dim3A_753 : i32 to vector<16xi32>
        tpu.vector_store_idx %arg16[%add3A_662, %broadcast_in_dim3A_754], %mul3A_714 : memref<256x8xf32, #tpu.memory_space<vmem>>[vector<16xi32>, vector<16xi32>], vector<16xf32>,
        %broadcast_in_dim3A_755 = arith.constant 4 : i32
        %broadcast_in_dim3A_756 = vector.broadcast %broadcast_in_dim3A_755 : i32 to vector<16xi32>
        tpu.vector_store_idx %arg16[%add3A_662, %broadcast_in_dim3A_756], %mul3A_718 : memref<256x8xf32, #tpu.memory_space<vmem>>[vector<16xi32>, vector<16xi32>], vector<16xf32>,
        %broadcast_in_dim3A_757 = arith.constant 5 : i32
        %broadcast_in_dim3A_758 = vector.broadcast %broadcast_in_dim3A_757 : i32 to vector<16xi32>
        tpu.vector_store_idx %arg16[%add3A_662, %broadcast_in_dim3A_758], %mul3A_722 : memref<256x8xf32, #tpu.memory_space<vmem>>[vector<16xi32>, vector<16xi32>], vector<16xf32>,
        %broadcast_in_dim3A_759 = arith.constant 6 : i32
        %broadcast_in_dim3A_760 = vector.broadcast %broadcast_in_dim3A_759 : i32 to vector<16xi32>
        tpu.vector_store_idx %arg16[%add3A_662, %broadcast_in_dim3A_760], %mul3A_726 : memref<256x8xf32, #tpu.memory_space<vmem>>[vector<16xi32>, vector<16xi32>], vector<16xf32>,
        %broadcast_in_dim3A_761 = arith.constant 7 : i32
        %broadcast_in_dim3A_762 = vector.broadcast %broadcast_in_dim3A_761 : i32 to vector<16xi32>
        tpu.vector_store_idx %arg16[%add3A_662, %broadcast_in_dim3A_762], %mul3A_730 : memref<256x8xf32, #tpu.memory_space<vmem>>[vector<16xi32>, vector<16xi32>], vector<16xf32>,
        %scan3A_763 = arith.constant 0 : i32
        scf.yield %scan3A_763 : i32
      }
      %scan3A_552 = arith.constant 8 : i32
      %mul3A_553 = arith.constant 256 : i32
      %mul3A_554 = arith.muli %add3A_471, %mul3A_553 : i32
      %add3A_555 = arith.constant 0 : i32
      %add3A_556 = arith.addi %mul3A_554, %add3A_555 : i32
      %multiple_of3A_557 = tpu.assume_multiple %add3A_556, 128 : i32
      %dma_start3A_558 = arith.constant 0 : i32
      %dma_start3A_559 = arith.constant 0 : i32
      %dma_start3A_560 = tpu.memref_slice %arg16[%dma_start3A_558, %dma_start3A_559] : memref<256x8xf32, #tpu.memory_space<vmem>> -> memref<128x8xf32, #tpu.memory_space<vmem>>
      %dma_start3A_561 = tpu.memref_slice %arg8[%multiple_of3A_557] : memref<25088xi32, #tpu.memory_space<vmem>> -> memref<128xi32, #tpu.memory_space<vmem>>
      %dma_start3A_562 = arith.constant 0 : i32
      %dma_start3A_563 = arith.constant 0 : i32
      %dma_start3A_564 = tpu.memref_slice %arg17[%dma_start3A_562, %dma_start3A_563] : memref<50048x8xf32, #tpu.memory_space<vmem_shared>> -> memref<50048x8xf32, #tpu.memory_space<vmem_shared>>
      tpu.enqueue_indirect_dma source(%dma_start3A_560 : memref<128x8xf32, #tpu.memory_space<vmem>>) target(%dma_start3A_564 : memref<50048x8xf32, #tpu.memory_space<vmem_shared>>) offsets(%dma_start3A_561 : memref<128xi32, #tpu.memory_space<vmem>>) semaphore(%arg21 : memref<!tpu.dma_semaphore, #tpu.memory_space<semaphore_mem>>) {add = true}
      %mul3A_565 = arith.constant 256 : i32
      %mul3A_566 = arith.muli %add3A_471, %mul3A_565 : i32
      %add3A_567 = arith.constant 128 : i32
      %add3A_568 = arith.addi %mul3A_566, %add3A_567 : i32
      %multiple_of3A_569 = tpu.assume_multiple %add3A_568, 128 : i32
      %dma_start3A_570 = arith.constant 128 : i32
      %dma_start3A_571 = arith.constant 0 : i32
      %dma_start3A_572 = tpu.memref_slice %arg16[%dma_start3A_570, %dma_start3A_571] : memref<256x8xf32, #tpu.memory_space<vmem>> -> memref<128x8xf32, #tpu.memory_space<vmem>>
      %dma_start3A_573 = tpu.memref_slice %arg8[%multiple_of3A_569] : memref<25088xi32, #tpu.memory_space<vmem>> -> memref<128xi32, #tpu.memory_space<vmem>>
      %dma_start3A_574 = arith.constant 0 : i32
      %dma_start3A_575 = arith.constant 0 : i32
      %dma_start3A_576 = tpu.memref_slice %arg17[%dma_start3A_574, %dma_start3A_575] : memref<50048x8xf32, #tpu.memory_space<vmem_shared>> -> memref<50048x8xf32, #tpu.memory_space<vmem_shared>>
      tpu.enqueue_indirect_dma source(%dma_start3A_572 : memref<128x8xf32, #tpu.memory_space<vmem>>) target(%dma_start3A_576 : memref<50048x8xf32, #tpu.memory_space<vmem_shared>>) offsets(%dma_start3A_573 : memref<128xi32, #tpu.memory_space<vmem>>) semaphore(%arg21 : memref<!tpu.dma_semaphore, #tpu.memory_space<semaphore_mem>>) {add = true}
    }
    %scan3A_321 = arith.constant 49 : i32
    %multiple_of3A_322 = arith.constant 0 : i32
    %multiple_of3A_323 = tpu.assume_multiple %multiple_of3A_322, 128 : i32
    %dma_wait3A_324 = arith.constant 0 : i32
    %dma_wait3A_325 = arith.constant 0 : i32
    %dma_wait3A_326 = tpu.memref_slice %arg12[%dma_wait3A_324, %dma_wait3A_325] : memref<256x8xf32, #tpu.memory_space<vmem>> -> memref<128x8xf32, #tpu.memory_space<vmem>>
    %dma_wait3A_327 = tpu.memref_slice %arg8[%multiple_of3A_323] : memref<25088xi32, #tpu.memory_space<vmem>> -> memref<128xi32, #tpu.memory_space<vmem>>
    %dma_wait3A_328 = arith.constant 0 : i32
    %dma_wait3A_329 = arith.constant 0 : i32
    %dma_wait3A_330 = tpu.memref_slice %arg17[%dma_wait3A_328, %dma_wait3A_329] : memref<50048x8xf32, #tpu.memory_space<vmem_shared>> -> memref<50048x8xf32, #tpu.memory_space<vmem_shared>>
    tpu.wait_indirect_dma semaphore(%arg20 : memref<!tpu.dma_semaphore, #tpu.memory_space<semaphore_mem>>) src(%dma_wait3A_326 : memref<128x8xf32, #tpu.memory_space<vmem>>) dst(%dma_wait3A_330 : memref<50048x8xf32, #tpu.memory_space<vmem_shared>>)
    %multiple_of3A_331 = arith.constant 128 : i32
    %multiple_of3A_332 = tpu.assume_multiple %multiple_of3A_331, 128 : i32
    %dma_wait3A_333 = arith.constant 128 : i32
    %dma_wait3A_334 = arith.constant 0 : i32
    %dma_wait3A_335 = tpu.memref_slice %arg12[%dma_wait3A_333, %dma_wait3A_334] : memref<256x8xf32, #tpu.memory_space<vmem>> -> memref<128x8xf32, #tpu.memory_space<vmem>>
    %dma_wait3A_336 = tpu.memref_slice %arg8[%multiple_of3A_332] : memref<25088xi32, #tpu.memory_space<vmem>> -> memref<128xi32, #tpu.memory_space<vmem>>
    %dma_wait3A_337 = arith.constant 0 : i32
    %dma_wait3A_338 = arith.constant 0 : i32
    %dma_wait3A_339 = tpu.memref_slice %arg17[%dma_wait3A_337, %dma_wait3A_338] : memref<50048x8xf32, #tpu.memory_space<vmem_shared>> -> memref<50048x8xf32, #tpu.memory_space<vmem_shared>>
    tpu.wait_indirect_dma semaphore(%arg20 : memref<!tpu.dma_semaphore, #tpu.memory_space<semaphore_mem>>) src(%dma_wait3A_335 : memref<128x8xf32, #tpu.memory_space<vmem>>) dst(%dma_wait3A_339 : memref<50048x8xf32, #tpu.memory_space<vmem_shared>>)
    %multiple_of3A_340 = arith.constant 0 : i32
    %multiple_of3A_341 = tpu.assume_multiple %multiple_of3A_340, 128 : i32
    %dma_wait3A_342 = arith.constant 0 : i32
    %dma_wait3A_343 = arith.constant 0 : i32
    %dma_wait3A_344 = tpu.memref_slice %arg16[%dma_wait3A_342, %dma_wait3A_343] : memref<256x8xf32, #tpu.memory_space<vmem>> -> memref<128x8xf32, #tpu.memory_space<vmem>>
    %dma_wait3A_345 = tpu.memref_slice %arg8[%multiple_of3A_341] : memref<25088xi32, #tpu.memory_space<vmem>> -> memref<128xi32, #tpu.memory_space<vmem>>
    %dma_wait3A_346 = arith.constant 0 : i32
    %dma_wait3A_347 = arith.constant 0 : i32
    %dma_wait3A_348 = tpu.memref_slice %arg17[%dma_wait3A_346, %dma_wait3A_347] : memref<50048x8xf32, #tpu.memory_space<vmem_shared>> -> memref<50048x8xf32, #tpu.memory_space<vmem_shared>>
    tpu.wait_indirect_dma semaphore(%arg21 : memref<!tpu.dma_semaphore, #tpu.memory_space<semaphore_mem>>) src(%dma_wait3A_344 : memref<128x8xf32, #tpu.memory_space<vmem>>) dst(%dma_wait3A_348 : memref<50048x8xf32, #tpu.memory_space<vmem_shared>>)
    %multiple_of3A_349 = arith.constant 128 : i32
    %multiple_of3A_350 = tpu.assume_multiple %multiple_of3A_349, 128 : i32
    %dma_wait3A_351 = arith.constant 128 : i32
    %dma_wait3A_352 = arith.constant 0 : i32
    %dma_wait3A_353 = tpu.memref_slice %arg16[%dma_wait3A_351, %dma_wait3A_352] : memref<256x8xf32, #tpu.memory_space<vmem>> -> memref<128x8xf32, #tpu.memory_space<vmem>>
    %dma_wait3A_354 = tpu.memref_slice %arg8[%multiple_of3A_350] : memref<25088xi32, #tpu.memory_space<vmem>> -> memref<128xi32, #tpu.memory_space<vmem>>
    %dma_wait3A_355 = arith.constant 0 : i32
    %dma_wait3A_356 = arith.constant 0 : i32
    %dma_wait3A_357 = tpu.memref_slice %arg17[%dma_wait3A_355, %dma_wait3A_356] : memref<50048x8xf32, #tpu.memory_space<vmem_shared>> -> memref<50048x8xf32, #tpu.memory_space<vmem_shared>>
    tpu.wait_indirect_dma semaphore(%arg21 : memref<!tpu.dma_semaphore, #tpu.memory_space<semaphore_mem>>) src(%dma_wait3A_353 : memref<128x8xf32, #tpu.memory_space<vmem>>) dst(%dma_wait3A_357 : memref<50048x8xf32, #tpu.memory_space<vmem_shared>>)
    %barrier3A_358 = arith.constant 0 : index
    tpu.barrier barrier_id(%barrier3A_358)
    %mul3A_359 = arith.constant 3128 : i32
    %mul3A_360 = arith.muli %arg1, %mul3A_359 : i32
    %mul3A_361 = arith.constant 3128 : i32
    %mul3A_362 = arith.muli %arg1, %mul3A_361 : i32
    "tpu.region"() ({
      %run_scoped3A_363 = tpu.sem_alloc : memref<!tpu.dma_semaphore, #tpu.memory_space<semaphore_mem>>
      %dma_start3A_364 = arith.constant 0 : i32
      %dma_start3A_365 = arith.constant 0 : i32
      %dma_start3A_366 = tpu.memref_slice %arg6[%arg0, %dma_start3A_364, %dma_start3A_365] : memref<2x50048x8xf32, #tpu.memory_space<hbm>> -> memref<1x50048x8xf32, #tpu.memory_space<hbm>>
      %dma_start3A_367 = tpu.memref_squeeze %dma_start3A_366 : memref<1x50048x8xf32, #tpu.memory_space<hbm>> -> memref<50048x8xf32, #tpu.memory_space<hbm>>
      %dma_start3A_368 = arith.constant 0 : i32
      %dma_start3A_369 = tpu.memref_slice %dma_start3A_367[%mul3A_362, %dma_start3A_368] : memref<50048x8xf32, #tpu.memory_space<hbm>> -> memref<3128x8xf32, #tpu.memory_space<hbm>>
      %dma_start3A_370 = arith.constant 0 : i32
      %dma_start3A_371 = tpu.memref_slice %arg17[%mul3A_360, %dma_start3A_370] : memref<50048x8xf32, #tpu.memory_space<vmem_shared>> -> memref<3128x8xf32, #tpu.memory_space<vmem_shared>>
      tpu.enqueue_dma source(%dma_start3A_371 : memref<3128x8xf32, #tpu.memory_space<vmem_shared>>) target(%dma_start3A_369 : memref<3128x8xf32, #tpu.memory_space<hbm>>) target_semaphore(%run_scoped3A_363 : memref<!tpu.dma_semaphore, #tpu.memory_space<semaphore_mem>>)
      %dma_wait3A_372 = arith.constant 0 : i32
      %dma_wait3A_373 = arith.constant 0 : i32
      %dma_wait3A_374 = tpu.memref_slice %arg6[%arg0, %dma_wait3A_372, %dma_wait3A_373] : memref<2x50048x8xf32, #tpu.memory_space<hbm>> -> memref<1x50048x8xf32, #tpu.memory_space<hbm>>
      %dma_wait3A_375 = tpu.memref_squeeze %dma_wait3A_374 : memref<1x50048x8xf32, #tpu.memory_space<hbm>> -> memref<50048x8xf32, #tpu.memory_space<hbm>>
      %dma_wait3A_376 = arith.constant 0 : i32
      %dma_wait3A_377 = tpu.memref_slice %dma_wait3A_375[%mul3A_362, %dma_wait3A_376] : memref<50048x8xf32, #tpu.memory_space<hbm>> -> memref<3128x8xf32, #tpu.memory_space<hbm>>
      %dma_wait3A_378 = arith.constant 0 : i32
      %dma_wait3A_379 = tpu.memref_slice %arg17[%mul3A_360, %dma_wait3A_378] : memref<50048x8xf32, #tpu.memory_space<vmem_shared>> -> memref<3128x8xf32, #tpu.memory_space<vmem_shared>>
      tpu.wait_dma2 semaphore(%run_scoped3A_363 : memref<!tpu.dma_semaphore, #tpu.memory_space<semaphore_mem>>) src(%dma_wait3A_379 : memref<3128x8xf32, #tpu.memory_space<vmem_shared>>) dst(%dma_wait3A_377 : memref<3128x8xf32, #tpu.memory_space<hbm>>)
      tpu.yield
    }) : () -> ()
    return
  }
}

module attributes {stable_mosaic.version = 14 : i64} {
  func.func @_prep_body(%arg0: i32, %arg1: memref<2000x3xf32, #tpu.memory_space<vmem>>, %arg2: memref<2000x3xf32, #tpu.memory_space<vmem>>, %arg3: memref<2000x1xf32, #tpu.memory_space<vmem>>, %arg4: memref<2000x8xf32, #tpu.memory_space<vmem>>, %arg5: memref<2000x8xf32, #tpu.memory_space<vmem>>) attributes {dimension_semantics = [#tpu.dimension_semantics<arbitrary>], iteration_bounds = array<i64: 25>, scalar_prefetch = 0 : i64, scratch_operands = 0 : i64, tpu.core_type = #tpu.core_type<tc>, window_params = [{transform_indices = @transform_0, window_bounds = array<i64: 2000, 3>}, {transform_indices = @transform_1, window_bounds = array<i64: 2000, 3>}, {transform_indices = @transform_2, window_bounds = array<i64: 2000, 1>}, {transform_indices = @transform_3, window_bounds = array<i64: 2000, 8>}, {transform_indices = @transform_4, window_bounds = array<i64: 2000, 8>}]} {
    %get3A = arith.constant 0 : index
    %get3A_0 = arith.constant 0 : index
    %get3A_1 = vector.load %arg1[%get3A, %get3A_0] : memref<2000x3xf32, #tpu.memory_space<vmem>>, vector<2000x3xf32>
    %get3A_2 = arith.constant 0 : index
    %get3A_3 = arith.constant 0 : index
    %get3A_4 = vector.load %arg2[%get3A_2, %get3A_3] : memref<2000x3xf32, #tpu.memory_space<vmem>>, vector<2000x3xf32>
    %get3A_5 = arith.constant 0 : index
    %get3A_6 = arith.constant 0 : index
    %get3A_7 = vector.load %arg3[%get3A_5, %get3A_6] : memref<2000x1xf32, #tpu.memory_space<vmem>>, vector<2000x1xf32>
    %mul3A = arith.mulf %get3A_7, %get3A_7 : vector<2000x1xf32>
    %div3A = arith.constant 1.000000e+00 : f32
    %div3A_8 = vector.broadcast %div3A : f32 to vector<2000x1xf32>
    %div3A_9 = arith.divf %div3A_8, %mul3A : vector<2000x1xf32>
    %mul3A_10 = arith.mulf %get3A_1, %get3A_1 : vector<2000x3xf32>
    %reduce_sum3A = arith.constant dense<0.000000e+00> : vector<2000xf32>
    %reduce_sum3A_11 = vector.multi_reduction <add>, %mul3A_10, %reduce_sum3A [1] : vector<2000x3xf32> to vector<2000xf32>
    %broadcast_in_dim3A = vector.shape_cast %reduce_sum3A_11 : vector<2000xf32> to vector<2000x1xf32>
    %mul3A_12 = arith.mulf %get3A_4, %get3A_4 : vector<2000x3xf32>
    %reduce_sum3A_13 = arith.constant dense<0.000000e+00> : vector<2000xf32>
    %reduce_sum3A_14 = vector.multi_reduction <add>, %mul3A_12, %reduce_sum3A_13 [1] : vector<2000x3xf32> to vector<2000xf32>
    %broadcast_in_dim3A_15 = vector.shape_cast %reduce_sum3A_14 : vector<2000xf32> to vector<2000x1xf32>
    %broadcast_in_dim3A_16 = arith.constant 0.000000e+00 : f32
    %broadcast_in_dim3A_17 = vector.broadcast %broadcast_in_dim3A_16 : f32 to vector<2000x1xf32>
    %broadcast_in_dim3A_18 = arith.constant 0.000000e+00 : f32
    %broadcast_in_dim3A_19 = vector.broadcast %broadcast_in_dim3A_18 : f32 to vector<2000x3xf32>
    %mul3A_20 = arith.constant 2.000000e+00 : f32
    %mul3A_21 = vector.broadcast %mul3A_20 : f32 to vector<2000x1xf32>
    %mul3A_22 = arith.mulf %mul3A_21, %div3A_9 : vector<2000x1xf32>
    %mul3A_23 = vector.broadcast %mul3A_22 : vector<2000x1xf32> to vector<2000x3xf32>
    %mul3A_24 = arith.mulf %mul3A_23, %get3A_1 : vector<2000x3xf32>
    %neg3A = arith.constant 0.000000e+00 : f32
    %neg3A_25 = vector.broadcast %neg3A : f32 to vector<2000x1xf32>
    %neg3A_26 = arith.subf %neg3A_25, %broadcast_in_dim3A : vector<2000x1xf32>
    %mul3A_27 = arith.mulf %neg3A_26, %div3A_9 : vector<2000x1xf32>
    %neg3A_28 = arith.constant 0.000000e+00 : f32
    %neg3A_29 = vector.broadcast %neg3A_28 : f32 to vector<2000x1xf32>
    %neg3A_30 = arith.subf %neg3A_29, %div3A_9 : vector<2000x1xf32>
    %concatenate3A = tpu.concatenate %mul3A_24, %mul3A_27, %neg3A_30, %broadcast_in_dim3A_19 in 1 : vector<2000x3xf32>, vector<2000x1xf32>, vector<2000x1xf32>, vector<2000x3xf32> -> vector<2000x8xf32>
    %swap3A = arith.constant 0 : index
    %swap3A_31 = arith.constant 0 : index
    %swap3A_32 = vector.load %arg4[%swap3A, %swap3A_31] : memref<2000x8xf32, #tpu.memory_space<vmem>>, vector<2000x8xf32>
    tpu.vector_store %arg4[%swap3A, %swap3A_31], %concatenate3A {strides = array<i32>} : memref<2000x8xf32, #tpu.memory_space<vmem>>, vector<2000x8xf32>,
    %concatenate3A_33 = tpu.concatenate %get3A_4, %broadcast_in_dim3A_17, %broadcast_in_dim3A_15, %broadcast_in_dim3A_19 in 1 : vector<2000x3xf32>, vector<2000x1xf32>, vector<2000x1xf32>, vector<2000x3xf32> -> vector<2000x8xf32>
    %swap3A_34 = arith.constant 0 : index
    %swap3A_35 = arith.constant 0 : index
    %swap3A_36 = vector.load %arg5[%swap3A_34, %swap3A_35] : memref<2000x8xf32, #tpu.memory_space<vmem>>, vector<2000x8xf32>
    tpu.vector_store %arg5[%swap3A_34, %swap3A_35], %concatenate3A_33 {strides = array<i32>} : memref<2000x8xf32, #tpu.memory_space<vmem>>, vector<2000x8xf32>,
    return
  }
  func.func @transform_0(%arg0: i32) -> (i32, i32) {
    %c0_i32 = arith.constant 0 : i32
    %c0_i32_0 = arith.constant 0 : i32
    return %arg0, %c0_i32 : i32, i32
  }
  func.func @transform_1(%arg0: i32) -> (i32, i32) {
    %c0_i32 = arith.constant 0 : i32
    %c0_i32_0 = arith.constant 0 : i32
    return %arg0, %c0_i32 : i32, i32
  }
  func.func @transform_2(%arg0: i32) -> (i32, i32) {
    %c0_i32 = arith.constant 0 : i32
    %c0_i32_0 = arith.constant 0 : i32
    return %arg0, %c0_i32 : i32, i32
  }
  func.func @transform_3(%arg0: i32) -> (i32, i32) {
    %c0_i32 = arith.constant 0 : i32
    %c0_i32_0 = arith.constant 0 : i32
    return %arg0, %c0_i32 : i32, i32
  }
  func.func @transform_4(%arg0: i32) -> (i32, i32) {
    %c0_i32 = arith.constant 0 : i32
    %c0_i32_0 = arith.constant 0 : i32
    return %arg0, %c0_i32 : i32, i32
  }
}

module attributes {stable_mosaic.version = 14 : i64} {
  func.func @_merge_body(%arg0: i32, %arg1: memref<2x2000x8xf32, #tpu.memory_space<vmem>>, %arg2: memref<2000x8xf32, #tpu.memory_space<vmem>>) attributes {dimension_semantics = [#tpu.dimension_semantics<arbitrary>], iteration_bounds = array<i64: 25>, scalar_prefetch = 0 : i64, scratch_operands = 0 : i64, tpu.core_type = #tpu.core_type<tc>, window_params = [{transform_indices = @transform_0, window_bounds = array<i64: 2, 2000, 8>}, {transform_indices = @transform_1, window_bounds = array<i64: 2000, 8>}]} {
    %get3A = arith.constant 0 : index
    %get3A_0 = arith.constant 0 : index
    %get3A_1 = arith.constant 0 : index
    %get3A_2 = vector.load %arg1[%get3A, %get3A_0, %get3A_1] : memref<2x2000x8xf32, #tpu.memory_space<vmem>>, vector<1x2000x8xf32>
    %get3A_3 = vector.shape_cast %get3A_2 : vector<1x2000x8xf32> to vector<2000x8xf32>
    %get3A_4 = arith.constant 1 : index
    %get3A_5 = arith.constant 0 : index
    %get3A_6 = arith.constant 0 : index
    %get3A_7 = vector.load %arg1[%get3A_4, %get3A_5, %get3A_6] : memref<2x2000x8xf32, #tpu.memory_space<vmem>>, vector<1x2000x8xf32>
    %get3A_8 = vector.shape_cast %get3A_7 : vector<1x2000x8xf32> to vector<2000x8xf32>
    %add3A = arith.addf %get3A_3, %get3A_8 : vector<2000x8xf32>
    %swap3A = arith.constant 0 : index
    %swap3A_9 = arith.constant 0 : index
    %swap3A_10 = vector.load %arg2[%swap3A, %swap3A_9] : memref<2000x8xf32, #tpu.memory_space<vmem>>, vector<2000x8xf32>
    tpu.vector_store %arg2[%swap3A, %swap3A_9], %add3A {strides = array<i32>} : memref<2000x8xf32, #tpu.memory_space<vmem>>, vector<2000x8xf32>,
    return
  }
  func.func @transform_0(%arg0: i32) -> (i32, i32, i32) {
    %c0_i32 = arith.constant 0 : i32
    %c0_i32_0 = arith.constant 0 : i32
    %c0_i32_1 = arith.constant 0 : i32
    return %c0_i32, %arg0, %c0_i32_0 : i32, i32, i32
  }
  func.func @transform_1(%arg0: i32) -> (i32, i32) {
    %c0_i32 = arith.constant 0 : i32
    %c0_i32_0 = arith.constant 0 : i32
    return %arg0, %c0_i32 : i32, i32
  }
}

</mosaic_0001>

<sc_bundles>
// kernel: kernel.5.cloned.1.call-start
scs
__scs_entry_jumppad:
0x0: {  	(pc) =	sbr.rel $0x88, $3  }
0x1: {  	(tag) =	ssettag $0x0;
	lr =	simm.s32 $0x1  }
0x2: {  	[smem:$0x3F9B] =	sst lr;
	_ =	strace $0xD0000000  }
0x3: {  	_ = 	snop  }
0x4: {  	_ = 	snop  }
0x5: {  	_ = 	snop  }
0x6: {  	_ = 	snop  }
0x7: {  	_ = 	snop  }
__scs_overlays_trampoline_lowered:
0x8: {  	[smem:$0x3FAA] =	sst s0  }
0x9: {  	[smem:$0x3FAB] =	sst s1  }
0xa: {  	[smem:$0x3FAC] =	sst s2  }
0xb: {  	[smem:$0x3FAD] =	sst s3  }
0xc: {  	[smem:$0x3FAE] =	sst s4  }
0xd: {  	[smem:$0x3FAF] =	sst s5  }
0xe: {  	[smem:$0x3FB0] =	sst s6  }
0xf: {  	[smem:$0x3FB1] =	sst s7  }
0x10: {  	[smem:$0x3FB2] =	sst s8  }
0x11: {  	[smem:$0x3FB3] =	sst s9;
	s0 =	simm.s32 @!p0 $0x0  }
0x12: {  	s1 =	sld [smem:$0x3F99];
	s0 =	simm.s32 @p0 $0x1  }
0x13: {  	[smem:$0x3FB4] =	sst s0;
	s0 =	simm.s32 @!p1 $0x0  }
0x14: {  	s2 =	sld [smem:$0x3F98];
	s0 =	simm.s32 @p1 $0x1  }
0x15: {  	[smem:$0x3FB5] =	sst s0;
	s0 =	simm.s32 @!p2 $0x0  }
0x16: {  	s3 =	sld [smem:$0x3FDB];
	s0 =	simm.s32 @p2 $0x1  }
0x17: {  	s4 =	simm.s32 $0x1BF5;
	[smem:$0x3FB7] =	sst s0  }
0x18: {  	s0 =	sld [smem:$0x3F9A];
	_ =	swait.ge [sflag:s4], $0x0  }
0x19: {  	s7 =	sld [smem:$0x3F9B]  }
0x1a: {  	s8 =	sadd.s32 $0xFFFFE003, lr  }
0x1b: {  	s9 =	sadd.s32 $0xFFFFFEF7, lr;
	s5 =	simm.s32 $0xFFFFFFFF;
	p2 =	slt.u32 s8, $0xFFFFF086  }
0x1c: {  	p1 =	slt.u32 s9, $0xF7A;
	s5 =	simm.s32 @!p2 $0x0  }
0x1d: {  	s5 =	simm.s32 @p1 $0x1;
	p0 =	seq.s32 s7, s2  }
0x1e: {  	s7 =	smul.u32 @!p0 $0xF7A, s2;
	p2 =	seq.s32 @!p0 s5, $0x0  }
0x1f: {  	s9 =	smul.u32 $0xF7A, s1;
	s8 =	simm.s32 @!p0 $0x1BF5;
	p2 =	por !p2, p0  }
0x20: {  	[sflag:s8] =	ssyncset.s32 @!p0 $0xFFFFF086;
	s6 =	sadd.s32 @!p0 s3, s7;
	s7 =	simm.s32 @!p0 $0x108  }
0x21: {  	s3 =	sadd.s32 s3, s9;
	s6 =	sadd.s32 @!p0 $0x88, s6;
	s7 =	simm.s32 @p2 $0x1082  }
0x22: {  	[simem:s7], [sflag:s8] =	dma.local @!p0 [hbm:s6], $0xF7A  }
0x23: {  	s9 =	sor.u32 $0xD0000000, s2;
	s6 =	simm.s32 $0x108;
	_ =	swait.ge @!p0 [sflag:s8], $0x0  }
0x24: {  	s3 =	sadd.s32 $0x88, s3;
	s6 =	simm.s32 @!p1 $0x1082;
	[sflag:s4] =	ssyncset.s32 $0xFFFFF086  }
0x25: {  	[simem:s6], [sflag:s4] =	dma.local [hbm:s3], $0xF7A  }
0x26: {  	[smem:$0x3F9B] =	sst s1;
	(tag) =	ssettag s2;
	_ =	strace s9  }
0x27: {  	s1 =	sld [smem:$0x3FAB]  }
0x28: {  	s2 =	sld [smem:$0x3FAC]  }
0x29: {  	s4 =	sld [smem:$0x3FAE]  }
0x2a: {  	p0 =	seq.s32 s5, $0x0;
	s5 =	sld [smem:$0x3FAF]  }
0x2b: {  	s6 =	sld [smem:$0x3FB0]  }
0x2c: {  	s7 =	sld [smem:$0x3FB1]  }
0x2d: {  	s3 =	simm.s32 $0x108;
	s8 =	sld [smem:$0x3FB2]  }
0x2e: {  	s3 =	simm.s32 @!p0 $0x1082;
	s9 =	sld [smem:$0x3FB3]  }
0x2f: {  	lr =	sadd.s32 s0, s3;
	s0 =	sld [smem:$0x3FAA]  }
0x30: {  	s3 =	sld [smem:$0x3FAD]  }
0x31: {  	[smem:$0x3FB6] =	sst s10  }
0x32: {  	s10 =	sld [smem:$0x3FB4];
	_ =	sdelay $0x3  }
0x33: {  	p0 =	seq.s32 s10, $0x1;
	s10 =	sld [smem:$0x3FB6];
	_ =	sdelay $0x3  }
0x34: {  	[smem:$0x3FB6] =	sst s10  }
0x35: {  	s10 =	sld [smem:$0x3FB5];
	_ =	sdelay $0x3  }
0x36: {  	p1 =	seq.s32 s10, $0x1;
	s10 =	sld [smem:$0x3FB6];
	_ =	sdelay $0x3  }
0x37: {  	[smem:$0x3FB6] =	sst s10  }
0x38: {  	s10 =	sld [smem:$0x3FB7]  }
0x39: {  	_ = 	snop;
	(pc) =	sbr.ind lr, $3  }
0x3a: {  	_ = 	snop  }
0x3b: {  	_ = 	snop  }
0x3c: {  	p2 =	seq.s32 s10, $0x1;
	s10 =	sld [smem:$0x3FB6]  }
0x3d: {  	_ =	shalt  }
0x3e: {  	_ =	shalt  }
0x3f: {  	_ =	shalt  }
0x40: {  	_ =	shalt  }
0x41: {  	_ =	shalt  }
0x42: {  	_ =	shalt  }
0x43: {  	_ =	shalt  }
0x44: {  	_ =	shalt  }
0x45: {  	_ =	shalt  }
0x46: {  	_ =	shalt  }
0x47: {  	_ =	shalt  }
0x48: {  	_ =	shalt  }
0x49: {  	_ =	shalt  }
0x4a: {  	_ =	shalt  }
0x4b: {  	_ =	shalt  }
0x4c: {  	_ =	shalt  }
0x4d: {  	_ =	shalt  }
0x4e: {  	_ =	shalt  }
0x4f: {  	_ =	shalt  }
0x50: {  	_ =	shalt  }
0x51: {  	_ =	shalt  }
0x52: {  	_ =	shalt  }
0x53: {  	_ =	shalt  }
0x54: {  	_ =	shalt  }
0x55: {  	_ =	shalt  }
0x56: {  	_ =	shalt  }
0x57: {  	_ =	shalt  }
0x58: {  	_ =	shalt  }
0x59: {  	_ =	shalt  }
0x5a: {  	_ =	shalt  }
0x5b: {  	_ =	shalt  }
0x5c: {  	_ =	shalt  }
0x5d: {  	_ =	shalt  }
0x5e: {  	_ =	shalt  }
0x5f: {  	_ =	shalt  }
0x60: {  	_ =	shalt  }
0x61: {  	_ =	shalt  }
0x62: {  	_ =	shalt  }
0x63: {  	_ =	shalt  }
0x64: {  	_ =	shalt  }
0x65: {  	_ =	shalt  }
0x66: {  	_ =	shalt  }
0x67: {  	_ =	shalt  }
0x68: {  	_ =	shalt  }
0x69: {  	_ =	shalt  }
0x6a: {  	_ =	shalt  }
0x6b: {  	_ =	shalt  }
0x6c: {  	_ =	shalt  }
0x6d: {  	_ =	shalt  }
0x6e: {  	_ =	shalt  }
0x6f: {  	_ =	shalt  }
0x70: {  	_ =	shalt  }
0x71: {  	_ =	shalt  }
0x72: {  	_ =	shalt  }
0x73: {  	_ =	shalt  }
0x74: {  	_ =	shalt  }
0x75: {  	_ =	shalt  }
0x76: {  	_ =	shalt  }
0x77: {  	_ =	shalt  }
0x78: {  	_ =	shalt  }
0x79: {  	_ =	shalt  }
0x7a: {  	_ =	shalt  }
0x7b: {  	_ =	shalt  }
0x7c: {  	_ =	shalt  }
0x7d: {  	_ =	shalt  }
0x7e: {  	_ =	shalt  }
0x7f: {  	_ =	shalt  }
0x80: {  	_ =	shalt  }
0x81: {  	_ =	shalt  }
0x82: {  	_ =	shalt  }
0x83: {  	_ =	shalt  }
0x84: {  	_ =	shalt  }
0x85: {  	_ =	shalt  }
0x86: {  	_ =	shalt  }
0x87: {  	_ =	shalt  }
.Lfunc_end0:
.L_simem_size_0:
called_computation_lowered:
.L_overlay_start_0:
0x88: {  	s2 =	sld [smem:$0x3FD9]  }
0x89: {  	s3 =	sld [smem:$0x3FFE];
	_ =	sdelay $0x1  }
0x8a: {  	s1 =	srdreg.scid  }
0x8b: {  	s0 =	sand.u32 $0x1, s1  }
0x8c: {  	s17 =	sshll.u32 s0, $0xA;
	s2 =	sadd.s32 s3, s2  }
0x8d: {  	s2 =	sadd.s32 s2, s17  }
0x8e: {  	[smem:$0x3FC2] =	sst s2  }
0x8f: {  	_ = 	snop  }
0x90: {  	s2 =	sld [smem:$0x3FD0];
	(tm) =	ssettm $0x1  }
0x91: {  	s18 =	sld [smem:$0x3FFB];
	_ =	sdelay $0x3  }
0x92: {  	_ =	strace s18  }
0x93: {  	s3 =	sld [smem:$0x3FFC];
	_ =	sdelay $0x3  }
0x94: {  	_ =	strace s3  }
0x95: {  	s3 =	sld [smem:$0x3FFD];
	_ =	sdelay $0x3  }
0x96: {  	_ =	strace s3  }
0x97: {  	_ =	strace $0x8FFFFFFF  }
0x98: {  	s19 =	sld [smem:$0x3FDB];
	_ =	sdelay $0x1  }
0x99: {  	s4 =	simm.s32 $_scs_section_size  }
0x9a: {  	s5 =	simm.s32 $_size__tile_overlayer_lowered;
	s6 =	simm.s32 $_tile_overlayer_lowered  }
0x9b: {  	s22 =	simm.s32 $0x1BFF;
	s21 =	sshll.u32 s6, $0x1;
	s3 =	sadd.s32 s4, s19  }
0x9c: {  	s7 =	simm.s32 $0x0;
	s20 =	sshll.u32 s5, $0x1;
	s5 =	sadd.s32 s21, s3  }
0x9d: {  	[timem:s7], [sflag:s22] =	dma.local [hbm:s5], s20  }
0x9e: {  	_ =	swait.ge [sflag:s22], s20  }
0x9f: {  	s4 =	ssub.s32 $0x0, s20;
	[sflag:s22] =	ssyncset.done $0x0  }
0xa0: {  	[sflag:s22] =	ssyncadd.s32 s4;
	_ =	sdelay $0x1  }
0xa1: {  	s23 =	simm.s32 $0x1B8B  }
0xa2: {  	_ =	swait.ge [sflag:s23], $0x1  }
0xa3: {  	[sflag:s23] =	ssyncset.done $0x0  }
0xa4: {  	s25 =	simm.s32 $0x1B8E;
	s24 =	sld [smem:$0x3FFE];
	[sflag:s23] =	ssyncadd.s32 $0xFFFFFFFF  }
0xa5: {  	s26 =	simm.s32 $execute0_lowered;
	[smem:$0x3FD2] =	sst s25  }
0xa6: {  	s5 =	sshll.u32 s26, $0x1;
	_ =	strace $0x80000046;
	[dreg:$0x1] =	wrdreg $0xFFFFFFFF  }
0xa7: {  	s28 =	simm.s32 $_size_execute0_lowered;
	s3 =	sadd.s32 s3, s5;
	[dreg:$0x0] =	wrdreg $0x0  }
0xa8: {  	s5 =	sshll.u32 s28, $0x1;
	[dreg:$0x2] =	wrdreg s3  }
0xa9: {  	[dreg:$0x3] =	wrdreg s5  }
0xaa: {  	[dreg:$0x4] =	wrdreg $0xC0  }
0xab: {  	_ =	task [dreg:s7], $0x5FFFF  }
0xac: {  	[dreg:$0x1] =	wrdreg $0xFFFFFFFF  }
0xad: {  	[dreg:$0x0] =	wrdreg $0x60  }
0xae: {  	[dreg:$0x2] =	wrdreg s2  }
0xaf: {  	[dreg:$0x3] =	wrdreg s24  }
0xb0: {  	[dreg:$0x4] =	wrdreg $0x104000  }
0xb1: {  	[dreg:$0x5] =	wrdreg $0x9  }
0xb2: {  	_ =	task.clear_ibuf [dreg:s7], $0x6FFFF;
	_ =	strace $0x90000046  }
0xb3: {  	s29 =	simm.s32 $0x9;
	_ =	strace $0x80000048  }
0xb4: {  	_ =	swait.ge [sflag:s29], $0x1  }
0xb5: {  	[sflag:s29] =	ssyncadd.s32 $0xFFFFFFFF  }
0xb6: {  	_ =	strace $0x90000048  }
0xb7: {  	_ =	sfence  }
0xb8: {  	s30 =	sld [smem:$0x0];
	_ =	sdelay $0x2  }
0xb9: {  	s31 =	sshll.u32 s1, $0xD;
	s1 =	sshrl.u32 s1, $0x2  }
0xba: {  	s3 =	sand.u32 $0x4000, s31;
	s1 =	sadd.s32 s1, s30  }
0xbb: {  	s0 =	sor.u32 s3, s0;
	s1 =	sshll.u32 s1, $0x11  }
0xbc: {  	s0 =	sor.u32 s1, s0  }
0xbd: {  	s0 =	sadd.s32 $0x8F2B, s0  }
0xbe: {  	[sflag:s0] =	ssyncadd.remote.s32 $0x1  }
0xbf: {  	_ =	sfence.sel $0xFFFF  }
0xc0: {  	[dreg:$0x0] =	wrdreg $0xFFFFFFFF;
	(pc) =	sbr.abs _section_cstart, $3  }
0xc1: {  	[dreg:$0x1] =	wrdreg $0xFFFFFFFF  }
0xc2: {  	_ =	task.clear_ibuf [dreg:s7], $0x2FFFF;
	_ =	strace $0x9FFFFFFF  }
0xc3: {  	(tm) =	ssettm $0x7FFFFFFF  }
tec
execute0_lowered:
.L_overlay_start_1:
0x0: {  	(tag) =	ssettag $0x1  }
0x1: {  	s1 =	rddreg [dreg:$0x0]  }
0x2: {  	s0 =	rddreg [dreg:$0x1];
	s2 =	srdreg.scid  }
0x3: {  	s9 =	stileid.u32;
	s3 =	rddreg [dreg:$0x2];
	s5 =	simm.s32 $0x0  }
0x4: {  	s28 =	simm.s32 $0x5;
	s30 =	simm.s32 $0x80;
	s31 =	simm.s32 $0xC400  }
0x5: {  	s2 =	sand.u32 $0x1, s2;
	s4 =	sshll.u32 s9, $0x1;
	s8 =	smul.u32 $0x18700, s9  }
0x6: {  	[smem:$0x7FF] =	sst s5;
	s5 =	sadd.s32 $0xD000, s0;
	s9 =	smul.u32 $0x61C0, s9  }
0x7: {  	s6 =	sadd.s32 $0xC00, s0;
	s4 =	sor.u32 s2, s4;
	s8 =	sshrl.u32 s8, $0x2  }
0x8: {  	_ =	strace $0x80000047;
	s21 =	sadd.s32 s9, s3;
	s10 =	sadd.s32 s8, s3  }
0x9: {  	s7 =	smul.u32 $0xC380, s2;
	[dreg:$0x4] =	wrdreg s21;
	s8 =	sadd.s32 $0x800, s10  }
0xa: {  	s2 =	ssub.s32 $0x2, s2;
	s11 =	sadd.s32 $0x1000, s10;
	[dreg:$0x5] =	wrdreg s8  }
0xb: {  	s4 =	smul.u32 $0xC350, s4;
	s12 =	sadd.s32 $0x1800, s10;
	[dreg:$0x6] =	wrdreg s11  }
0xc: {  	s29 =	sshrl.u32 s2, $0x1;
	s13 =	sadd.s32 $0x2000, s10;
	[dreg:$0x7] =	wrdreg s12  }
0xd: {  	s23 =	sshrl.u32 s9, $0x3;
	s14 =	sadd.s32 $0x2800, s10;
	[dreg:$0x8] =	wrdreg s13  }
0xe: {  	s9 =	simm.s32 $0xF400;
	s15 =	sadd.s32 $0x3000, s10;
	[dreg:$0x9] =	wrdreg s14  }
0xf: {  	s2 =	ssub.s32 s2, s29;
	s16 =	sadd.s32 $0x3800, s10;
	[dreg:$0xa] =	wrdreg s15  }
0x10: {  	s4 =	sshrl.u32 s4, $0x3;
	s17 =	sadd.s32 $0x4000, s10;
	[dreg:$0xb] =	wrdreg s16  }
0x11: {  	s18 =	sadd.s32 $0x4800, s10;
	s19 =	sadd.s32 $0x5000, s10;
	[dreg:$0xc] =	wrdreg s17  }
0x12: {  	s20 =	sadd.s32 $0x5800, s10;
	s29 =	smax.u32 s2, $0x1;
	[dreg:$0xd] =	wrdreg s18  }
0x13: {  	s2 =	simm.s32 $0xCC00;
	s4 =	sadd.s32 s4, s0;
	[dreg:$0xe] =	wrdreg s19  }
0x14: {  	s0 =	sadd.s32 s7, s0;
	[dreg:$0xf] =	wrdreg s20;
	s7 =	sadd.s32 $0x6000, s10  }
0x15: {  	[dreg:$0x16] =	wrdreg s29;
	s8 =	simm.s32 $0xE400;
	s10 =	simm.s32 $0xE800  }
0x16: {  	s11 =	simm.s32 $0xF000;
	s12 =	simm.s32 $0xF800;
	s13 =	simm.s32 $0x1  }
0x17: {  	s14 =	simm.s32 $0xE000;
	s15 =	simm.s32 $0x2;
	s16 =	simm.s32 $0xFC00  }
0x18: {  	s17 =	simm.s32 $0x10000;
	[dreg:$0x10] =	wrdreg s7;
	s22 =	sadd.s32 $0x4A140, s4  }
0x19: {  	s19 =	simm.s32 $0x4;
	s24 =	sadd.s32 $0x19400, s4;
	[dreg:$0x11] =	wrdreg s22  }
0x1a: {  	s20 =	simm.s32 $0x0;
	s25 =	sadd.s32 $0x4AD80, s4;
	[dreg:$0x12] =	wrdreg s24  }
0x1b: {  	v3 =	vlaneseq.u32;
	v2 =	vimm.f32 $0.0e+00;
	s0 =	sadd.s32 $0x7B000, s0;
	s26 =	sadd.s32 $0x1A040, s4;
	[dreg:$0x14] =	wrdreg s25  }
0x1c: {  	v4 =	vimm.s32 $0x0;
	v5 =	vimm.s32 $0xC350;
	v0 =	vshrl.u32 v3, $0x3;
	s4 =	simm.s32 $0xD400;
	s0 =	sadd.s32 s23, s0;
	[dreg:$0x15] =	wrdreg s26  }
0x1d: {  	v1 =	vand.u32 $0x7, v3;
	v3 =	vmul.u32 $0x8, v3;
	v0 =	vmul.u32 $0x8, v0;
	s26 =	simm.s32 $0xDC00;
	[dreg:$0x13] =	wrdreg s0;
	s0 =	simm.s32 $0xEC00  }
.LBB2_1:
0x1e: {  	s7 =	simm.s32 $0x0  }
0x1f: {  	v6 =	vmov s7  }
0x20: {  	v6 =	vshll.u32 v6, $0x3  }
0x21: {  	v6 =	vor.u32 v0, v6  }
0x22: {  	s7 =	simm.s32 $0x2;
	v6 =	vor.u32 v1, v6  }
.LBB2_2:
0x23: {  	p0 =	sne.s32 s7, $0xFE  }
.Ltmp0:
0x24: {  	_ = 	snop;
	(pc) =	sbr.rel @p0 .LBB2_2-.Ltmp0, $4  }
0x25: {  	v7 =	vmov s7  }
0x26: {  	v7 =	vshll.u32 v7, $0x3  }
0x27: {  	v7 =	vor.u32 v0, v7  }
0x28: {  	s7 =	sadd.s32 $0x2, s7;
	[tilespmem:v6+s26+$0x0] =	vst.idx.msk $0xffff, v2;
	v6 =	vor.u32 v1, v7  }
0x29: {  	_ =	sdelay $0x3  }
0x2a: {  	[tilespmem:v6+s26+$0x0] =	vst.idx.msk $0xffff, v2  }
0x2b: {  	[spmem:s21] =	stream.linear.scatter [tilespmem:s26], [sflag:$0x5], $0x800, $0x38;
	[tilespmem:$0x165C0] =	vst v63  }
0x2c: {  	_ =	swait.ge [sflag:s28], $0x800  }
0x2d: {  	[sflag:s28] =	ssyncset.done $0x0  }
0x2e: {  	s7 =	rddreg [dreg:$0x5];
	[sflag:s28] =	ssyncadd.s32 $0xFFFFF800  }
0x2f: {  	[spmem:s7] =	stream.linear.scatter [tilespmem:s26], [sflag:$0x5], $0x800, $0x38;
	[tilespmem:$0x165C0] =	vst v63  }
0x30: {  	_ =	swait.ge [sflag:s28], $0x800  }
0x31: {  	[sflag:s28] =	ssyncset.done $0x0  }
0x32: {  	s23 =	rddreg [dreg:$0x6];
	[sflag:s28] =	ssyncadd.s32 $0xFFFFF800  }
0x33: {  	[spmem:s23] =	stream.linear.scatter [tilespmem:s26], [sflag:$0x5], $0x800, $0x38;
	[tilespmem:$0x165C0] =	vst v63  }
0x34: {  	_ =	swait.ge [sflag:s28], $0x800  }
0x35: {  	[sflag:s28] =	ssyncset.done $0x0  }
0x36: {  	s24 =	rddreg [dreg:$0x7];
	[sflag:s28] =	ssyncadd.s32 $0xFFFFF800  }
0x37: {  	[spmem:s24] =	stream.linear.scatter [tilespmem:s26], [sflag:$0x5], $0x800, $0x38;
	[tilespmem:$0x165C0] =	vst v63  }
0x38: {  	_ =	swait.ge [sflag:s28], $0x800  }
0x39: {  	[sflag:s28] =	ssyncset.done $0x0  }
0x3a: {  	s25 =	rddreg [dreg:$0x8];
	[sflag:s28] =	ssyncadd.s32 $0xFFFFF800  }
0x3b: {  	[spmem:s25] =	stream.linear.scatter [tilespmem:s26], [sflag:$0x5], $0x800, $0x38;
	[tilespmem:$0x165C0] =	vst v63  }
0x3c: {  	_ =	swait.ge [sflag:s28], $0x800  }
0x3d: {  	[sflag:s28] =	ssyncset.done $0x0  }
0x3e: {  	s29 =	rddreg [dreg:$0x9];
	[sflag:s28] =	ssyncadd.s32 $0xFFFFF800  }
0x3f: {  	[spmem:s29] =	stream.linear.scatter [tilespmem:s26], [sflag:$0x5], $0x800, $0x38;
	[tilespmem:$0x165C0] =	vst v63  }
0x40: {  	_ =	swait.ge [sflag:s28], $0x800  }
0x41: {  	[sflag:s28] =	ssyncset.done $0x0  }
0x42: {  	s18 =	rddreg [dreg:$0xa];
	[sflag:s28] =	ssyncadd.s32 $0xFFFFF800  }
0x43: {  	[spmem:s18] =	stream.linear.scatter [tilespmem:s26], [sflag:$0x5], $0x800, $0x38;
	[tilespmem:$0x165C0] =	vst v63  }
0x44: {  	_ =	swait.ge [sflag:s28], $0x800  }
0x45: {  	[sflag:s28] =	ssyncset.done $0x0  }
0x46: {  	s21 =	rddreg [dreg:$0xb];
	[sflag:s28] =	ssyncadd.s32 $0xFFFFF800  }
0x47: {  	[spmem:s21] =	stream.linear.scatter [tilespmem:s26], [sflag:$0x5], $0x800, $0x38;
	[tilespmem:$0x165C0] =	vst v63  }
0x48: {  	_ =	swait.ge [sflag:s28], $0x800  }
0x49: {  	[sflag:s28] =	ssyncset.done $0x0  }
0x4a: {  	s22 =	rddreg [dreg:$0xc];
	[sflag:s28] =	ssyncadd.s32 $0xFFFFF800  }
0x4b: {  	[spmem:s22] =	stream.linear.scatter [tilespmem:s26], [sflag:$0x5], $0x800, $0x38;
	[tilespmem:$0x165C0] =	vst v63  }
0x4c: {  	_ =	swait.ge [sflag:s28], $0x800  }
0x4d: {  	[sflag:s28] =	ssyncset.done $0x0  }
0x4e: {  	s23 =	rddreg [dreg:$0xd];
	[sflag:s28] =	ssyncadd.s32 $0xFFFFF800  }
0x4f: {  	[spmem:s23] =	stream.linear.scatter [tilespmem:s26], [sflag:$0x5], $0x800, $0x38;
	[tilespmem:$0x165C0] =	vst v63  }
0x50: {  	_ =	swait.ge [sflag:s28], $0x800  }
0x51: {  	[sflag:s28] =	ssyncset.done $0x0  }
0x52: {  	s24 =	rddreg [dreg:$0xe];
	[sflag:s28] =	ssyncadd.s32 $0xFFFFF800  }
0x53: {  	[spmem:s24] =	stream.linear.scatter [tilespmem:s26], [sflag:$0x5], $0x800, $0x38;
	[tilespmem:$0x165C0] =	vst v63  }
0x54: {  	_ =	swait.ge [sflag:s28], $0x800  }
0x55: {  	[sflag:s28] =	ssyncset.done $0x0  }
0x56: {  	s25 =	rddreg [dreg:$0xf];
	[sflag:s28] =	ssyncadd.s32 $0xFFFFF800  }
0x57: {  	[spmem:s25] =	stream.linear.scatter [tilespmem:s26], [sflag:$0x5], $0x800, $0x38;
	[tilespmem:$0x165C0] =	vst v63  }
0x58: {  	_ =	swait.ge [sflag:s28], $0x800  }
0x59: {  	[sflag:s28] =	ssyncset.done $0x0  }
0x5a: {  	s29 =	rddreg [dreg:$0x10];
	[sflag:s28] =	ssyncadd.s32 $0xFFFFF800  }
0x5b: {  	[spmem:s29] =	stream.linear.scatter [tilespmem:s26], [sflag:$0x5], $0x1C0, $0x38;
	[tilespmem:$0x165C0] =	vst v63  }
0x5c: {  	_ =	swait.ge [sflag:s28], $0x1C0  }
0x5d: {  	[sflag:s28] =	ssyncset.done $0x0  }
0x5e: {  	[sflag:s28] =	ssyncadd.s32 $0xFFFFFE40  }
0x5f: {  	[bflag:$0x0] =	sbarrier.arrive $0xFFFF  }
0x60: {  	s21 =	simm.s32 $0x0;
	s18 =	rddreg [dreg:$0x11]  }
0x61: {  	[tilespmem:s21], [sflag:$0x5] =	stream.linear.gather [hbm4b:s18+s21], $0x6200, $0x38;
	[tilespmem:$0x165C0] =	vst v63  }
0x62: {  	_ =	swait.ge [sflag:s28], $0x6200  }
0x63: {  	[sflag:s28] =	ssyncset.done $0x0  }
0x64: {  	s18 =	simm.s32 $0x6200;
	s22 =	rddreg [dreg:$0x12];
	[sflag:s28] =	ssyncadd.s32 $0xFFFF9E00  }
0x65: {  	[tilespmem:s18], [sflag:$0x5] =	stream.linear.gather [hbm4b:s22+s21], $0x6200, $0x38;
	[tilespmem:$0x165C0] =	vst v63  }
0x66: {  	_ =	swait.ge [sflag:s28], $0x6200  }
0x67: {  	[sflag:s28] =	ssyncset.done $0x0  }
0x68: {  	[sflag:s28] =	ssyncadd.s32 $0xFFFF9E00  }
0x69: {  	[tilespmem:s31], [sflag:$0x1] =	stream.indirect.gather [hbm4b:s1+s30], $0x8, s21, s30, $0xb8;
	[tilespmem:$0x165C0] =	vst v63  }
0x6a: {  	_ = 	snop  }
0x6b: {  	[tilespmem:s2], [sflag:$0x1] =	stream.indirect.gather [hbm4b:s5+s30], $0x8, s21, s30, $0xb8;
	[tilespmem:$0x165C0] =	vst v63  }
0x6c: {  	_ = 	snop  }
0x6d: {  	[tilespmem:s4], [sflag:$0x1] =	stream.indirect.gather [hbm4b:s6+s30], $0x8, s18, s30, $0xb8;
	[tilespmem:$0x165C0] =	vst v63  }
0x6e: {  	s23 =	simm.s32 $0xC800  }
0x6f: {  	[tilespmem:s23], [sflag:$0x1] =	stream.indirect.gather [hbm4b:s1+s30], $0x8, s30, s30, $0xb8;
	[tilespmem:$0x165C0] =	vst v63  }
0x70: {  	s24 =	simm.s32 $0xD000  }
0x71: {  	[tilespmem:s24], [sflag:$0x1] =	stream.indirect.gather [hbm4b:s5+s30], $0x8, s30, s30, $0xb8;
	[tilespmem:$0x165C0] =	vst v63  }
0x72: {  	s25 =	simm.s32 $0x6280;
	s29 =	simm.s32 $0xD800;
	s22 =	simm.s32 $0x0  }
0x73: {  	[tilespmem:s29], [sflag:$0x1] =	stream.indirect.gather [hbm4b:s6+s30], $0x8, s25, s30, $0xb8;
	[tilespmem:$0x165C0] =	vst v63  }
.LBB2_4:
0x74: {  	s25 =	sshll.u32 s22, $0x9  }
0x75: {  	s23 =	sor.u32 $0x100, s25  }
0x76: {  	[tilespmem:s8], [sflag:$0x2] =	stream.indirect.gather [hbm4b:s1+s30], $0x8, s23, s30, $0xb8;
	[tilespmem:$0x165C0] =	vst v63  }
0x77: {  	_ = 	snop  }
0x78: {  	[tilespmem:s0], [sflag:$0x2] =	stream.indirect.gather [hbm4b:s5+s30], $0x8, s23, s30, $0xb8;
	[tilespmem:$0x165C0] =	vst v63  }
0x79: {  	s24 =	sadd.s32 $0x6300, s25  }
0x7a: {  	[tilespmem:s9], [sflag:$0x2] =	stream.indirect.gather [hbm4b:s6+s30], $0x8, s24, s30, $0xb8;
	[tilespmem:$0x165C0] =	vst v63  }
0x7b: {  	s7 =	sor.u32 $0x180, s25  }
0x7c: {  	[tilespmem:s10], [sflag:$0x2] =	stream.indirect.gather [hbm4b:s1+s30], $0x8, s7, s30, $0xb8;
	[tilespmem:$0x165C0] =	vst v63  }
0x7d: {  	_ = 	snop  }
0x7e: {  	[tilespmem:s11], [sflag:$0x2] =	stream.indirect.gather [hbm4b:s5+s30], $0x8, s7, s30, $0xb8;
	[tilespmem:$0x165C0] =	vst v63  }
0x7f: {  	s29 =	sadd.s32 $0x6380, s25  }
0x80: {  	[tilespmem:s12], [sflag:$0x2] =	stream.indirect.gather [hbm4b:s6+s30], $0x8, s29, s30, $0xb8;
	[tilespmem:$0x165C0] =	vst v63  }
0x81: {  	_ =	swait.ge [sflag:s13], $0x400  }
0x82: {  	[sflag:s13] =	ssyncset.done $0x0  }
0x83: {  	[sflag:s13] =	ssyncadd.s32 $0xFFFFFC00  }
0x84: {  	_ =	swait.ge [sflag:s13], $0x400  }
0x85: {  	[sflag:s13] =	ssyncset.done $0x0  }
0x86: {  	[sflag:s13] =	ssyncadd.s32 $0xFFFFFC00  }
0x87: {  	_ =	swait.ge [sflag:s13], $0x400  }
0x88: {  	[sflag:s13] =	ssyncset.done $0x0  }
0x89: {  	[sflag:s13] =	ssyncadd.s32 $0xFFFFFC00  }
0x8a: {  	_ =	swait.ge [sflag:s13], $0x400  }
0x8b: {  	[sflag:s13] =	ssyncset.done $0x0  }
0x8c: {  	[sflag:s13] =	ssyncadd.s32 $0xFFFFFC00  }
0x8d: {  	_ =	swait.ge [sflag:s13], $0x400  }
0x8e: {  	[sflag:s13] =	ssyncset.done $0x0  }
0x8f: {  	[sflag:s13] =	ssyncadd.s32 $0xFFFFFC00  }
0x90: {  	s18 =	simm.s32 $0x10;
	_ =	swait.ge [sflag:s13], $0x400  }
0x91: {  	p0 =	seq.s32 s22, $0x0;
	v6 =	vmov s18;
	[sflag:s13] =	ssyncset.done $0x0  }
0x92: {  	v6 =	vshll.u32 v6, $0x3;
	s7 =	simm.s32 @!p0 $0x3;
	[sflag:s13] =	ssyncadd.s32 $0xFFFFFC00  }
0x93: {  	v7 =	vmov s21;
	v6 =	vor.u32 v3, v6;
	_ =	swait.ge @!p0 [sflag:s7], $0x400  }
0x94: {  	v7 =	vshll.u32 v7, $0x3;
	v14 =	vor.u32 $0x2, v6;
	[sflag:s7] =	ssyncset.done @!p0 $0x0  }
0x95: {  	v15 =	vor.u32 v3, v7;
	[sflag:s7] =	ssyncadd.s32 @!p0 $0xFFFFFC00  }
0x96: {  	_ =	swait.ge @!p0 [sflag:s7], $0x400  }
0x97: {  	v16 =	vor.u32 $0x2, v15;
	[sflag:s7] =	ssyncset.done @!p0 $0x0  }
0x98: {  	v17 =	vor.u32 $0x1, v15;
	[sflag:s7] =	ssyncadd.s32 @!p0 $0xFFFFFC00  }
0x99: {  	v13 =	vld.idx.msk [tilespmem:v14+s4+$0x0], $0xffff  }
0x9a: {  	v8 =	vld.idx.msk [tilespmem:v15+s31+$0x0], $0xffff  }
0x9b: {  	v18 =	vor.u32 $0x3, v15;
	v9 =	vld.idx.msk [tilespmem:v15+s4+$0x0], $0xffff  }
0x9c: {  	v10 =	vld.idx.msk [tilespmem:v16+s4+$0x0], $0xffff  }
0x9d: {  	v19 =	vor.u32 $0x4, v15;
	v11 =	vld.idx.msk [tilespmem:v17+s31+$0x0], $0xffff  }
0x9e: {  	v12 =	vld.idx.msk [tilespmem:v16+s31+$0x0], $0xffff  }
0x9f: {  	v21 =	vor.u32 $0x1, v6;
	v20 =	vld.idx.msk [tilespmem:v17+s4+$0x0], $0xffff  }
0xa0: {  	v22 =	vld.idx.msk [tilespmem:v18+s31+$0x0], $0xffff  }
0xa1: {  	v23 =	vld.idx.msk [tilespmem:v14+s31+$0x0], $0xffff  }
0xa2: {  	v24 =	vld.idx.msk [tilespmem:v19+s31+$0x0], $0xffff  }
0xa3: {  	v25 =	vld.idx.msk [tilespmem:v19+s4+$0x0], $0xffff;
	v26 =	vmul.f32 v9, v8  }
0xa4: {  	v27 =	vld.idx.msk [tilespmem:v21+s4+$0x0], $0xffff;
	v9 =	vor.u32 $0x3, v6;
	v10 =	vmul.f32 v10, v12;
	v11 =	vmul.f32 v20, v11  }
0xa5: {  	v28 =	vld.idx.msk [tilespmem:v6+s4+$0x0], $0xffff;
	v8 =	vor.u32 $0x4, v6  }
0xa6: {  	v29 =	vld.idx.msk [tilespmem:v6+s31+$0x0], $0xffff;
	v22 =	vadd.f32 v22, v10;
	v26 =	vadd.f32 v11, v26  }
0xa7: {  	v20 =	vld.idx.msk [tilespmem:v21+s31+$0x0], $0xffff  }
0xa8: {  	v58 =	vld.idx.msk [tilespmem:v14+s2+$0x0], $0xffff;
	v24 =	vmul.f32 v25, v24;
	v22 =	vadd.f32 v22, v26  }
0xa9: {  	v51 =	vld.idx.msk [tilespmem:v9+s31+$0x0], $0xffff  }
0xaa: {  	v52 =	vld.idx.msk [tilespmem:v8+s4+$0x0], $0xffff;
	v22 =	vadd.f32 v24, v22  }
0xab: {  	v23 =	vmul.f32 v13, v23;
	v54 =	vmul.f32 v28, v29;
	v53 =	vld.idx.msk [tilespmem:v8+s31+$0x0], $0xffff  }
0xac: {  	v60 =	vld.idx.msk [tilespmem:v21+s2+$0x0], $0xffff;
	v20 =	vmul.f32 v27, v20;
	v22 =	vmul.f32 $1.442695020e+00, v22  }
0xad: {  	v31 =	vor.u32 $0x6, v15;
	v61 =	vld.idx.msk [tilespmem:v6+s2+$0x0], $0xffff  }
0xae: {  	v62 =	vld.idx.msk [tilespmem:v15+s2+$0x0], $0xffff;
	v20 =	vadd.f32 v20, v54;
	v23 =	vadd.f32 v51, v23;
	(erf) = vpow2.f32 v22  }
0xaf: {  	v33 =	vor.u32 $0x7, v15;
	v63 =	vld.idx.msk [tilespmem:v17+s2+$0x0], $0xffff  }
0xb0: {  	v7 =	vor.u32 $0x7, v6;
	v32 =	vld.idx.msk [tilespmem:v16+s2+$0x0], $0xffff;
	v59 =	vmul.f32 v52, v53;
	v20 =	vadd.f32 v23, v20  }
0xb1: {  	v34 =	vld.idx.msk [tilespmem:v18+s2+$0x0], $0xffff  }
0xb2: {  	v35 =	vld.idx.msk [tilespmem:v19+s2+$0x0], $0xffff;
	v20 =	vadd.f32 v59, v20  }
0xb3: {  	v30 =	vor.u32 $0x5, v15;
	v37 =	vld.idx.msk [tilespmem:v31+s2+$0x0], $0xffff  }
0xb4: {  	v38 =	vld.idx.msk [tilespmem:v33+s2+$0x0], $0xffff;
	v10 =	vor.u32 $0x6, v6;
	v20 =	vmul.f32 $1.442695020e+00, v20  }
0xb5: {  	v12 =	vld.idx.msk [tilespmem:v7+s2+$0x0], $0xffff;
	v11 =	vor.u32 $0x5, v6  }
0xb6: {  	v56 =	vld.idx.msk [tilespmem:v8+s2+$0x0], $0xffff;
	(erf) = vpow2.f32 v20  }
0xb7: {  	v57 =	vld.idx.msk [tilespmem:v9+s2+$0x0], $0xffff;
	v36 =	vpop (erf)  }
0xb8: {  	v20 =	vld.idx.msk [tilespmem:v30+s2+$0x0], $0xffff;
	v27 =	vmul.f32 v36, v62  }
0xb9: {  	v13 =	vld.idx.msk [tilespmem:v10+s2+$0x0], $0xffff;
	v23 =	vmul.f32 v36, v63  }
0xba: {  	v55 =	vld.idx.msk [tilespmem:v11+s2+$0x0], $0xffff;
	v32 =	vmul.f32 v36, v32;
	[tilespmem:v15+s26+$0x0] =	vst.idx.msk $0xffff, v27  }
0xbb: {  	v15 =	vmul.f32 v34, v36;
	[tilespmem:v17+s26+$0x0] =	vst.idx.msk $0xffff, v23  }
0xbc: {  	v17 =	vmul.f32 v35, v36;
	[tilespmem:v16+s26+$0x0] =	vst.idx.msk $0xffff, v32  }
0xbd: {  	v16 =	vmul.f32 v20, v36;
	[tilespmem:v18+s26+$0x0] =	vst.idx.msk $0xffff, v15  }
0xbe: {  	v18 =	vmul.f32 v37, v36;
	[tilespmem:v19+s26+$0x0] =	vst.idx.msk $0xffff, v17  }
0xbf: {  	v17 =	vmul.f32 v38, v36;
	[tilespmem:v30+s26+$0x0] =	vst.idx.msk $0xffff, v16;
	v15 =	vpop (erf)  }
0xc0: {  	v16 =	vmul.f32 v15, v61;
	[tilespmem:v31+s26+$0x0] =	vst.idx.msk $0xffff, v18  }
0xc1: {  	s29 =	simm.s32 $0x30;
	v18 =	vmul.f32 v15, v60;
	[tilespmem:v33+s26+$0x0] =	vst.idx.msk $0xffff, v17  }
0xc2: {  	v20 =	vmul.f32 v15, v58;
	v17 =	vmov s29;
	[tilespmem:v6+s26+$0x0] =	vst.idx.msk $0xffff, v16  }
0xc3: {  	s29 =	simm.s32 $0x20;
	v16 =	vmul.f32 v55, v15;
	v6 =	vshll.u32 v17, $0x3;
	v17 =	vmul.f32 v57, v15;
	[tilespmem:v21+s26+$0x0] =	vst.idx.msk $0xffff, v18  }
0xc4: {  	s7 =	simm.s32 $0x40;
	v19 =	vmov s29;
	v6 =	vor.u32 v3, v6;
	v18 =	vmul.f32 v56, v15;
	[tilespmem:v14+s26+$0x0] =	vst.idx.msk $0xffff, v20  }
.LBB2_5:
0xc5: {  	p1 =	sne.s32 s7, $0xE0;
	v19 =	vshll.u32 v19, $0x3;
	v14 =	vor.u32 $0x2, v6;
	[tilespmem:v9+s26+$0x0] =	vst.idx.msk $0xffff, v17;
	s29 =	smov.u32 s7;
	s7 =	sadd.s32 $0x20, s7  }
0xc6: {  	v9 =	vmul.f32 v13, v15;
	v17 =	vor.u32 v3, v19;
	[tilespmem:v8+s26+$0x0] =	vst.idx.msk $0xffff, v18  }
0xc7: {  	v8 =	vmul.f32 v12, v15;
	v18 =	vor.u32 $0x1, v17;
	v19 =	vor.u32 $0x2, v17;
	[tilespmem:v11+s26+$0x0] =	vst.idx.msk $0xffff, v16  }
0xc8: {  	[tilespmem:v10+s26+$0x0] =	vst.idx.msk $0xffff, v9  }
0xc9: {  	[tilespmem:v7+s26+$0x0] =	vst.idx.msk $0xffff, v8  }
0xca: {  	v10 =	vld.idx.msk [tilespmem:v14+s4+$0x0], $0xffff  }
0xcb: {  	v7 =	vld.idx.msk [tilespmem:v17+s31+$0x0], $0xffff  }
0xcc: {  	v15 =	vor.u32 $0x3, v17;
	v8 =	vld.idx.msk [tilespmem:v17+s4+$0x0], $0xffff  }
0xcd: {  	v9 =	vld.idx.msk [tilespmem:v19+s4+$0x0], $0xffff  }
0xce: {  	v16 =	vor.u32 $0x4, v17;
	v11 =	vld.idx.msk [tilespmem:v18+s31+$0x0], $0xffff  }
0xcf: {  	v12 =	vld.idx.msk [tilespmem:v19+s31+$0x0], $0xffff  }
0xd0: {  	v20 =	vor.u32 $0x1, v6;
	v13 =	vld.idx.msk [tilespmem:v18+s4+$0x0], $0xffff  }
0xd1: {  	v21 =	vld.idx.msk [tilespmem:v15+s31+$0x0], $0xffff  }
0xd2: {  	v22 =	vmul.f32 v8, v7;
	v23 =	vld.idx.msk [tilespmem:v14+s31+$0x0], $0xffff  }
0xd3: {  	v24 =	vld.idx.msk [tilespmem:v16+s31+$0x0], $0xffff  }
0xd4: {  	v7 =	vor.u32 $0x7, v6;
	v25 =	vld.idx.msk [tilespmem:v16+s4+$0x0], $0xffff  }
0xd5: {  	v12 =	vmul.f32 v9, v12;
	v9 =	vor.u32 $0x3, v6;
	v26 =	vld.idx.msk [tilespmem:v20+s4+$0x0], $0xffff  }
0xd6: {  	v8 =	vor.u32 $0x4, v6;
	v11 =	vmul.f32 v13, v11;
	v13 =	vld.idx.msk [tilespmem:v20+s31+$0x0], $0xffff  }
0xd7: {  	v21 =	vadd.f32 v21, v12;
	v27 =	vld.idx.msk [tilespmem:v6+s4+$0x0], $0xffff  }
0xd8: {  	v22 =	vadd.f32 v11, v22;
	v23 =	vmul.f32 v10, v23;
	v10 =	vor.u32 $0x6, v6;
	v28 =	vld.idx.msk [tilespmem:v6+s31+$0x0], $0xffff  }
0xd9: {  	v11 =	vor.u32 $0x5, v6;
	v12 =	vld.idx.msk [tilespmem:v7+s2+$0x0], $0xffff  }
0xda: {  	v21 =	vadd.f32 v21, v22;
	v22 =	vmul.f32 v25, v24;
	v24 =	vld.idx.msk [tilespmem:v9+s31+$0x0], $0xffff  }
0xdb: {  	v25 =	vld.idx.msk [tilespmem:v8+s4+$0x0], $0xffff  }
0xdc: {  	v21 =	vadd.f32 v22, v21;
	v22 =	vmul.f32 v26, v13;
	v26 =	vld.idx.msk [tilespmem:v8+s31+$0x0], $0xffff  }
0xdd: {  	v13 =	vld.idx.msk [tilespmem:v10+s2+$0x0], $0xffff  }
0xde: {  	v21 =	vmul.f32 $1.442695020e+00, v21;
	v27 =	vmul.f32 v27, v28;
	v28 =	vld.idx.msk [tilespmem:v11+s2+$0x0], $0xffff  }
0xdf: {  	v29 =	vld.idx.msk [tilespmem:v8+s2+$0x0], $0xffff  }
0xe0: {  	v22 =	vadd.f32 v22, v27;
	v23 =	vadd.f32 v24, v23;
	v24 =	vld.idx.msk [tilespmem:v9+s2+$0x0], $0xffff;
	(erf) = vpow2.f32 v21  }
0xe1: {  	v21 =	vld.idx.msk [tilespmem:v14+s2+$0x0], $0xffff  }
0xe2: {  	v22 =	vadd.f32 v23, v22;
	v23 =	vmul.f32 v25, v26;
	v25 =	vld.idx.msk [tilespmem:v20+s2+$0x0], $0xffff  }
0xe3: {  	v26 =	vld.idx.msk [tilespmem:v6+s2+$0x0], $0xffff  }
0xe4: {  	v30 =	vor.u32 $0x5, v17;
	v22 =	vadd.f32 v23, v22;
	v27 =	vld.idx.msk [tilespmem:v17+s2+$0x0], $0xffff  }
0xe5: {  	v31 =	vor.u32 $0x6, v17;
	v23 =	vld.idx.msk [tilespmem:v18+s2+$0x0], $0xffff  }
0xe6: {  	v33 =	vor.u32 $0x7, v17;
	v22 =	vmul.f32 $1.442695020e+00, v22;
	v32 =	vld.idx.msk [tilespmem:v19+s2+$0x0], $0xffff  }
0xe7: {  	v34 =	vld.idx.msk [tilespmem:v15+s2+$0x0], $0xffff  }
0xe8: {  	v35 =	vld.idx.msk [tilespmem:v16+s2+$0x0], $0xffff;
	(erf) = vpow2.f32 v22  }
0xe9: {  	v22 =	vld.idx.msk [tilespmem:v30+s2+$0x0], $0xffff;
	v36 =	vpop (erf)  }
0xea: {  	v27 =	vmul.f32 v36, v27;
	v37 =	vld.idx.msk [tilespmem:v31+s2+$0x0], $0xffff  }
0xeb: {  	v23 =	vmul.f32 v36, v23;
	v38 =	vld.idx.msk [tilespmem:v33+s2+$0x0], $0xffff  }
0xec: {  	v32 =	vmul.f32 v36, v32;
	[tilespmem:v17+s26+$0x0] =	vst.idx.msk $0xffff, v27  }
0xed: {  	v17 =	vmul.f32 v34, v36;
	[tilespmem:v18+s26+$0x0] =	vst.idx.msk $0xffff, v23  }
0xee: {  	v18 =	vmul.f32 v35, v36;
	[tilespmem:v19+s26+$0x0] =	vst.idx.msk $0xffff, v32  }
0xef: {  	v19 =	vmul.f32 v22, v36;
	[tilespmem:v15+s26+$0x0] =	vst.idx.msk $0xffff, v17  }
0xf0: {  	v17 =	vmul.f32 v37, v36;
	[tilespmem:v16+s26+$0x0] =	vst.idx.msk $0xffff, v18  }
0xf1: {  	v18 =	vmul.f32 v38, v36;
	[tilespmem:v30+s26+$0x0] =	vst.idx.msk $0xffff, v19;
	v15 =	vpop (erf)  }
.Ltmp1:
0xf2: {  	v19 =	vmul.f32 v15, v26;
	v16 =	vmul.f32 v28, v15;
	[tilespmem:v31+s26+$0x0] =	vst.idx.msk $0xffff, v17;
	(pc) =	sbr.rel @p1 .LBB2_5-.Ltmp1, $4  }
0xf3: {  	s18 =	sadd.s32 $0x10, s29;
	v22 =	vmul.f32 v15, v25;
	[tilespmem:v33+s26+$0x0] =	vst.idx.msk $0xffff, v18  }
0xf4: {  	v17 =	vmov s18;
	v21 =	vmul.f32 v15, v21;
	[tilespmem:v6+s26+$0x0] =	vst.idx.msk $0xffff, v19  }
0xf5: {  	v6 =	vshll.u32 v17, $0x3;
	v17 =	vmul.f32 v24, v15;
	[tilespmem:v20+s26+$0x0] =	vst.idx.msk $0xffff, v22  }
0xf6: {  	v18 =	vmul.f32 v29, v15;
	v19 =	vmov s29;
	v6 =	vor.u32 v3, v6;
	[tilespmem:v14+s26+$0x0] =	vst.idx.msk $0xffff, v21  }
0xf7: {  	_ =	sdelay $0x3  }
0xf8: {  	v14 =	vshll.u32 v19, $0x3;
	v19 =	vor.u32 $0x2, v6;
	[tilespmem:v9+s26+$0x0] =	vst.idx.msk $0xffff, v17  }
0xf9: {  	v13 =	vmul.f32 v13, v15;
	v9 =	vor.u32 v3, v14;
	[tilespmem:v8+s26+$0x0] =	vst.idx.msk $0xffff, v18  }
0xfa: {  	v8 =	vmul.f32 v12, v15;
	[tilespmem:v11+s26+$0x0] =	vst.idx.msk $0xffff, v16  }
0xfb: {  	v11 =	vor.u32 $0x2, v9;
	[tilespmem:v10+s26+$0x0] =	vst.idx.msk $0xffff, v13  }
0xfc: {  	[tilespmem:v7+s26+$0x0] =	vst.idx.msk $0xffff, v8  }
0xfd: {  	v10 =	vor.u32 $0x1, v9;
	v7 =	vld.idx.msk [tilespmem:v19+s4+$0x0], $0xffff  }
0xfe: {  	v8 =	vld.idx.msk [tilespmem:v9+s31+$0x0], $0xffff  }
0xff: {  	v12 =	vld.idx.msk [tilespmem:v9+s4+$0x0], $0xffff  }
0x100: {  	v13 =	vor.u32 $0x3, v9;
	v14 =	vld.idx.msk [tilespmem:v11+s4+$0x0], $0xffff  }
0x101: {  	v16 =	vor.u32 $0x4, v9;
	v17 =	vld.idx.msk [tilespmem:v11+s31+$0x0], $0xffff  }
0x102: {  	v15 =	vld.idx.msk [tilespmem:v10+s31+$0x0], $0xffff  }
0x103: {  	v18 =	vld.idx.msk [tilespmem:v10+s4+$0x0], $0xffff  }
0x104: {  	v20 =	vor.u32 $0x1, v6;
	v22 =	vld.idx.msk [tilespmem:v19+s31+$0x0], $0xffff  }
0x105: {  	v21 =	vld.idx.msk [tilespmem:v13+s31+$0x0], $0xffff  }
0x106: {  	v23 =	vld.idx.msk [tilespmem:v16+s31+$0x0], $0xffff  }
0x107: {  	v25 =	vor.u32 $0x7, v6;
	v24 =	vld.idx.msk [tilespmem:v16+s4+$0x0], $0xffff;
	v8 =	vmul.f32 v12, v8  }
0x108: {  	v26 =	vor.u32 $0x3, v6;
	v27 =	vld.idx.msk [tilespmem:v6+s4+$0x0], $0xffff;
	v14 =	vmul.f32 v14, v17;
	v15 =	vmul.f32 v18, v15  }
0x109: {  	v12 =	vld.idx.msk [tilespmem:v20+s4+$0x0], $0xffff;
	v18 =	vor.u32 $0x4, v6  }
0x10a: {  	v17 =	vld.idx.msk [tilespmem:v20+s31+$0x0], $0xffff;
	v14 =	vadd.f32 v21, v14;
	v8 =	vadd.f32 v15, v8  }
0x10b: {  	v28 =	vor.u32 $0x5, v6;
	v15 =	vld.idx.msk [tilespmem:v6+s31+$0x0], $0xffff  }
0x10c: {  	v29 =	vld.idx.msk [tilespmem:v25+s2+$0x0], $0xffff;
	v8 =	vadd.f32 v14, v8;
	v14 =	vmul.f32 v24, v23  }
0x10d: {  	v58 =	vld.idx.msk [tilespmem:v26+s31+$0x0], $0xffff  }
0x10e: {  	v59 =	vld.idx.msk [tilespmem:v18+s4+$0x0], $0xffff;
	v8 =	vadd.f32 v14, v8  }
0x10f: {  	v7 =	vmul.f32 v7, v22;
	v12 =	vmul.f32 v12, v17;
	v14 =	vld.idx.msk [tilespmem:v18+s31+$0x0], $0xffff  }
0x110: {  	v31 =	vor.u32 $0x6, v9;
	v60 =	vld.idx.msk [tilespmem:v28+s2+$0x0], $0xffff;
	v15 =	vmul.f32 v27, v15;
	v8 =	vmul.f32 $1.442695020e+00, v8  }
0x111: {  	v33 =	vor.u32 $0x7, v9;
	v62 =	vld.idx.msk [tilespmem:v6+s2+$0x0], $0xffff  }
0x112: {  	v63 =	vld.idx.msk [tilespmem:v9+s2+$0x0], $0xffff;
	v7 =	vadd.f32 v58, v7;
	v12 =	vadd.f32 v12, v15;
	(erf) = vpow2.f32 v8  }
0x113: {  	v32 =	vld.idx.msk [tilespmem:v11+s2+$0x0], $0xffff  }
0x114: {  	v57 =	vor.u32 $0x6, v6;
	v35 =	vld.idx.msk [tilespmem:v16+s2+$0x0], $0xffff;
	v7 =	vadd.f32 v7, v12;
	v12 =	vmul.f32 v59, v14  }
0x115: {  	v30 =	vor.u32 $0x5, v9;
	v37 =	vld.idx.msk [tilespmem:v31+s2+$0x0], $0xffff  }
0x116: {  	v38 =	vld.idx.msk [tilespmem:v33+s2+$0x0], $0xffff;
	v7 =	vadd.f32 v12, v7  }
0x117: {  	v34 =	vld.idx.msk [tilespmem:v13+s2+$0x0], $0xffff  }
0x118: {  	v12 =	vld.idx.msk [tilespmem:v10+s2+$0x0], $0xffff;
	v7 =	vmul.f32 $1.442695020e+00, v7  }
0x119: {  	v17 =	vld.idx.msk [tilespmem:v57+s2+$0x0], $0xffff  }
0x11a: {  	(erf) = vpow2.f32 v7;
	v7 =	vld.idx.msk [tilespmem:v30+s2+$0x0], $0xffff  }
0x11b: {  	v61 =	vld.idx.msk [tilespmem:v18+s2+$0x0], $0xffff;
	v36 =	vpop (erf)  }
0x11c: {  	v15 =	vld.idx.msk [tilespmem:v26+s2+$0x0], $0xffff;
	v24 =	vmul.f32 v36, v63  }
0x11d: {  	v8 =	vld.idx.msk [tilespmem:v19+s2+$0x0], $0xffff;
	v12 =	vmul.f32 v36, v12  }
0x11e: {  	v14 =	vld.idx.msk [tilespmem:v20+s2+$0x0], $0xffff;
	v32 =	vmul.f32 v36, v32;
	[tilespmem:v9+s26+$0x0] =	vst.idx.msk $0xffff, v24  }
0x11f: {  	v9 =	vmul.f32 v34, v36;
	v7 =	vmul.f32 v7, v36;
	[tilespmem:v10+s26+$0x0] =	vst.idx.msk $0xffff, v12  }
0x120: {  	v10 =	vmul.f32 v35, v36;
	[tilespmem:v11+s26+$0x0] =	vst.idx.msk $0xffff, v32  }
0x121: {  	[tilespmem:v13+s26+$0x0] =	vst.idx.msk $0xffff, v9  }
0x122: {  	v9 =	vmul.f32 v37, v36;
	[tilespmem:v16+s26+$0x0] =	vst.idx.msk $0xffff, v10  }
0x123: {  	v10 =	vmul.f32 v38, v36;
	[tilespmem:v30+s26+$0x0] =	vst.idx.msk $0xffff, v7;
	v7 =	vpop (erf)  }
0x124: {  	v11 =	vmul.f32 v7, v62;
	[tilespmem:v31+s26+$0x0] =	vst.idx.msk $0xffff, v9  }
0x125: {  	v9 =	vmul.f32 v7, v14;
	[tilespmem:v33+s26+$0x0] =	vst.idx.msk $0xffff, v10  }
0x126: {  	v8 =	vmul.f32 v7, v8;
	[tilespmem:v6+s26+$0x0] =	vst.idx.msk $0xffff, v11  }
0x127: {  	v6 =	vmul.f32 v15, v7;
	[tilespmem:v20+s26+$0x0] =	vst.idx.msk $0xffff, v9  }
0x128: {  	v9 =	vmul.f32 v61, v7;
	[tilespmem:v19+s26+$0x0] =	vst.idx.msk $0xffff, v8  }
0x129: {  	v8 =	vmul.f32 v60, v7;
	[tilespmem:v26+s26+$0x0] =	vst.idx.msk $0xffff, v6  }
0x12a: {  	v6 =	vmul.f32 v17, v7;
	[tilespmem:v18+s26+$0x0] =	vst.idx.msk $0xffff, v9  }
0x12b: {  	v7 =	vmul.f32 v29, v7;
	[tilespmem:v28+s26+$0x0] =	vst.idx.msk $0xffff, v8  }
0x12c: {  	[tilespmem:v57+s26+$0x0] =	vst.idx.msk $0xffff, v6  }
0x12d: {  	s7 =	sadd.s32 $0x6200, s25;
	[tilespmem:v25+s26+$0x0] =	vst.idx.msk $0xffff, v7  }
0x12e: {  	[spmem:s3] =	stream.indirect.scatter.add.f32 [tilespmem:s26], [sflag:$0x3], $0x8, s7, s30, $0xb8;
	[tilespmem:$0x165C0] =	vst v63  }
0x12f: {  	s18 =	sadd.s32 $0x6280, s25;
	p1 =	seq.s32 s22, $0x30  }
0x130: {  	[spmem:s3] =	stream.indirect.scatter.add.f32 [tilespmem:s14], [sflag:$0x3], $0x8, s18, s30, $0xb8;
	[tilespmem:$0x165C0] =	vst v63  }
0x131: {  	s29 =	simm.s32 @!p1 $0xC400;
	s7 =	sadd.s32 @!p1 $0x200, s25;
	s18 =	simm.s32 @!p1 $0x80  }
0x132: {  	[tilespmem:s29], [sflag:$0x1] =	stream.indirect.gather @!p1 [hbm4b:s1+s18], $0x8, s7, s18, $0xb8;
	[tilespmem:$0x165C0] =	vst v63  }
0x133: {  	s29 =	simm.s32 @!p1 $0xCC00  }
0x134: {  	[tilespmem:s29], [sflag:$0x1] =	stream.indirect.gather @!p1 [hbm4b:s5+s18], $0x8, s7, s18, $0xb8;
	[tilespmem:$0x165C0] =	vst v63  }
0x135: {  	s7 =	sadd.s32 @!p1 $0x6400, s25;
	s29 =	simm.s32 @!p1 $0xD400  }
0x136: {  	[tilespmem:s29], [sflag:$0x1] =	stream.indirect.gather @!p1 [hbm4b:s6+s18], $0x8, s7, s18, $0xb8;
	[tilespmem:$0x165C0] =	vst v63  }
0x137: {  	s7 =	sadd.s32 @!p1 $0x280, s25;
	s29 =	simm.s32 @!p1 $0xC800  }
0x138: {  	[tilespmem:s29], [sflag:$0x1] =	stream.indirect.gather @!p1 [hbm4b:s1+s18], $0x8, s7, s18, $0xb8;
	[tilespmem:$0x165C0] =	vst v63  }
0x139: {  	s29 =	simm.s32 @!p1 $0xD000  }
0x13a: {  	[tilespmem:s29], [sflag:$0x1] =	stream.indirect.gather @!p1 [hbm4b:s5+s18], $0x8, s7, s18, $0xb8;
	[tilespmem:$0x165C0] =	vst v63  }
0x13b: {  	s7 =	sadd.s32 @!p1 $0x6480, s25;
	s25 =	simm.s32 @!p1 $0xD800  }
0x13c: {  	[tilespmem:s25], [sflag:$0x1] =	stream.indirect.gather @!p1 [hbm4b:s6+s18], $0x8, s7, s18, $0xb8;
	[tilespmem:$0x165C0] =	vst v63  }
0x13d: {  	_ =	swait.ge [sflag:s15], $0x400  }
0x13e: {  	[sflag:s15] =	ssyncset.done $0x0  }
0x13f: {  	[sflag:s15] =	ssyncadd.s32 $0xFFFFFC00  }
0x140: {  	_ =	swait.ge [sflag:s15], $0x400  }
0x141: {  	[sflag:s15] =	ssyncset.done $0x0  }
0x142: {  	[sflag:s15] =	ssyncadd.s32 $0xFFFFFC00  }
0x143: {  	_ =	swait.ge [sflag:s15], $0x400  }
0x144: {  	[sflag:s15] =	ssyncset.done $0x0  }
0x145: {  	[sflag:s15] =	ssyncadd.s32 $0xFFFFFC00  }
0x146: {  	_ =	swait.ge [sflag:s15], $0x400  }
0x147: {  	[sflag:s15] =	ssyncset.done $0x0  }
0x148: {  	[sflag:s15] =	ssyncadd.s32 $0xFFFFFC00  }
0x149: {  	_ =	swait.ge [sflag:s15], $0x400  }
0x14a: {  	[sflag:s15] =	ssyncset.done $0x0  }
0x14b: {  	[sflag:s15] =	ssyncadd.s32 $0xFFFFFC00  }
0x14c: {  	s25 =	simm.s32 $0x10;
	_ =	swait.ge [sflag:s15], $0x400  }
0x14d: {  	v6 =	vmov s25;
	[sflag:s15] =	ssyncset.done $0x0  }
0x14e: {  	s29 =	simm.s32 $0x0;
	s7 =	simm.s32 @!p0 $0x4;
	v6 =	vshll.u32 v6, $0x3;
	[sflag:s15] =	ssyncadd.s32 $0xFFFFFC00  }
0x14f: {  	v7 =	vmov s29;
	v6 =	vor.u32 v3, v6;
	_ =	swait.ge @!p0 [sflag:s7], $0x400  }
0x150: {  	v7 =	vshll.u32 v7, $0x3;
	v14 =	vor.u32 $0x2, v6;
	[sflag:s7] =	ssyncset.done @!p0 $0x0  }
0x151: {  	v15 =	vor.u32 v3, v7;
	[sflag:s7] =	ssyncadd.s32 @!p0 $0xFFFFFC00  }
0x152: {  	_ =	swait.ge @!p0 [sflag:s7], $0x400  }
0x153: {  	v16 =	vor.u32 $0x2, v15;
	[sflag:s7] =	ssyncset.done @!p0 $0x0  }
0x154: {  	v17 =	vor.u32 $0x1, v15;
	[sflag:s7] =	ssyncadd.s32 @!p0 $0xFFFFFC00  }
0x155: {  	v13 =	vld.idx.msk [tilespmem:v14+s9+$0x0], $0xffff  }
0x156: {  	v8 =	vld.idx.msk [tilespmem:v15+s8+$0x0], $0xffff  }
0x157: {  	v18 =	vor.u32 $0x3, v15;
	v9 =	vld.idx.msk [tilespmem:v15+s9+$0x0], $0xffff  }
0x158: {  	v10 =	vld.idx.msk [tilespmem:v16+s9+$0x0], $0xffff  }
0x159: {  	v19 =	vor.u32 $0x4, v15;
	v11 =	vld.idx.msk [tilespmem:v17+s8+$0x0], $0xffff  }
0x15a: {  	v12 =	vld.idx.msk [tilespmem:v16+s8+$0x0], $0xffff  }
0x15b: {  	v21 =	vor.u32 $0x1, v6;
	v20 =	vld.idx.msk [tilespmem:v17+s9+$0x0], $0xffff  }
0x15c: {  	v34 =	vld.idx.msk [tilespmem:v18+s8+$0x0], $0xffff  }
0x15d: {  	v35 =	vld.idx.msk [tilespmem:v14+s8+$0x0], $0xffff  }
0x15e: {  	v36 =	vld.idx.msk [tilespmem:v19+s8+$0x0], $0xffff  }
0x15f: {  	v37 =	vld.idx.msk [tilespmem:v19+s9+$0x0], $0xffff;
	v38 =	vmul.f32 v9, v8  }
0x160: {  	v39 =	vld.idx.msk [tilespmem:v21+s9+$0x0], $0xffff;
	v9 =	vor.u32 $0x3, v6;
	v10 =	vmul.f32 v10, v12;
	v11 =	vmul.f32 v20, v11  }
0x161: {  	v40 =	vld.idx.msk [tilespmem:v6+s9+$0x0], $0xffff;
	v8 =	vor.u32 $0x4, v6  }
0x162: {  	v41 =	vld.idx.msk [tilespmem:v6+s8+$0x0], $0xffff;
	v22 =	vadd.f32 v34, v10;
	v26 =	vadd.f32 v11, v38  }
0x163: {  	v20 =	vld.idx.msk [tilespmem:v21+s8+$0x0], $0xffff  }
0x164: {  	v49 =	vld.idx.msk [tilespmem:v14+s0+$0x0], $0xffff;
	v24 =	vmul.f32 v37, v36;
	v22 =	vadd.f32 v22, v26  }
0x165: {  	v42 =	vld.idx.msk [tilespmem:v9+s8+$0x0], $0xffff  }
0x166: {  	v43 =	vld.idx.msk [tilespmem:v8+s9+$0x0], $0xffff;
	v22 =	vadd.f32 v24, v22  }
0x167: {  	v23 =	vmul.f32 v13, v35;
	v45 =	vmul.f32 v40, v41;
	v44 =	vld.idx.msk [tilespmem:v8+s8+$0x0], $0xffff  }
0x168: {  	v51 =	vld.idx.msk [tilespmem:v21+s0+$0x0], $0xffff;
	v20 =	vmul.f32 v39, v20;
	v22 =	vmul.f32 $1.442695020e+00, v22  }
0x169: {  	v56 =	vor.u32 $0x6, v15;
	v52 =	vld.idx.msk [tilespmem:v6+s0+$0x0], $0xffff  }
0x16a: {  	v53 =	vld.idx.msk [tilespmem:v15+s0+$0x0], $0xffff;
	v20 =	vadd.f32 v20, v45;
	v23 =	vadd.f32 v42, v23;
	(erf) = vpow2.f32 v22  }
0x16b: {  	v58 =	vor.u32 $0x7, v15;
	v55 =	vld.idx.msk [tilespmem:v17+s0+$0x0], $0xffff  }
0x16c: {  	v7 =	vor.u32 $0x7, v6;
	v57 =	vld.idx.msk [tilespmem:v16+s0+$0x0], $0xffff;
	v50 =	vmul.f32 v43, v44;
	v20 =	vadd.f32 v23, v20  }
0x16d: {  	v59 =	vld.idx.msk [tilespmem:v18+s0+$0x0], $0xffff  }
0x16e: {  	v60 =	vld.idx.msk [tilespmem:v19+s0+$0x0], $0xffff;
	v20 =	vadd.f32 v50, v20  }
0x16f: {  	v54 =	vor.u32 $0x5, v15;
	v62 =	vld.idx.msk [tilespmem:v56+s0+$0x0], $0xffff  }
0x170: {  	v63 =	vld.idx.msk [tilespmem:v58+s0+$0x0], $0xffff;
	v10 =	vor.u32 $0x6, v6;
	v20 =	vmul.f32 $1.442695020e+00, v20  }
0x171: {  	v12 =	vld.idx.msk [tilespmem:v7+s0+$0x0], $0xffff;
	v11 =	vor.u32 $0x5, v6  }
0x172: {  	v47 =	vld.idx.msk [tilespmem:v8+s0+$0x0], $0xffff;
	(erf) = vpow2.f32 v20  }
0x173: {  	v48 =	vld.idx.msk [tilespmem:v9+s0+$0x0], $0xffff;
	v61 =	vpop (erf)  }
0x174: {  	v20 =	vld.idx.msk [tilespmem:v54+s0+$0x0], $0xffff;
	v27 =	vmul.f32 v61, v53  }
0x175: {  	v13 =	vld.idx.msk [tilespmem:v10+s0+$0x0], $0xffff;
	v23 =	vmul.f32 v61, v55  }
0x176: {  	v46 =	vld.idx.msk [tilespmem:v11+s0+$0x0], $0xffff;
	v32 =	vmul.f32 v61, v57;
	[tilespmem:v15+s16+$0x0] =	vst.idx.msk $0xffff, v27  }
0x177: {  	v15 =	vmul.f32 v59, v61;
	[tilespmem:v17+s16+$0x0] =	vst.idx.msk $0xffff, v23  }
0x178: {  	v17 =	vmul.f32 v60, v61;
	[tilespmem:v16+s16+$0x0] =	vst.idx.msk $0xffff, v32  }
0x179: {  	v16 =	vmul.f32 v20, v61;
	[tilespmem:v18+s16+$0x0] =	vst.idx.msk $0xffff, v15  }
0x17a: {  	v18 =	vmul.f32 v62, v61;
	[tilespmem:v19+s16+$0x0] =	vst.idx.msk $0xffff, v17  }
0x17b: {  	v17 =	vmul.f32 v63, v61;
	[tilespmem:v54+s16+$0x0] =	vst.idx.msk $0xffff, v16;
	v15 =	vpop (erf)  }
0x17c: {  	v16 =	vmul.f32 v15, v52;
	[tilespmem:v56+s16+$0x0] =	vst.idx.msk $0xffff, v18  }
0x17d: {  	s25 =	simm.s32 $0x30;
	v18 =	vmul.f32 v15, v51;
	[tilespmem:v58+s16+$0x0] =	vst.idx.msk $0xffff, v17  }
0x17e: {  	v20 =	vmul.f32 v15, v49;
	v17 =	vmov s25;
	[tilespmem:v6+s16+$0x0] =	vst.idx.msk $0xffff, v16  }
0x17f: {  	s29 =	simm.s32 $0x20;
	v16 =	vmul.f32 v46, v15;
	v6 =	vshll.u32 v17, $0x3;
	v17 =	vmul.f32 v48, v15;
	[tilespmem:v21+s16+$0x0] =	vst.idx.msk $0xffff, v18  }
0x180: {  	s7 =	simm.s32 $0x40;
	v19 =	vmov s29;
	v6 =	vor.u32 v3, v6;
	v18 =	vmul.f32 v47, v15;
	[tilespmem:v14+s16+$0x0] =	vst.idx.msk $0xffff, v20  }
.LBB2_7:
0x181: {  	p0 =	sne.s32 s7, $0xE0;
	v19 =	vshll.u32 v19, $0x3;
	v14 =	vor.u32 $0x2, v6;
	[tilespmem:v9+s16+$0x0] =	vst.idx.msk $0xffff, v17;
	s25 =	smov.u32 s7;
	s7 =	sadd.s32 $0x20, s7  }
0x182: {  	v9 =	vmul.f32 v13, v15;
	v17 =	vor.u32 v3, v19;
	[tilespmem:v8+s16+$0x0] =	vst.idx.msk $0xffff, v18  }
0x183: {  	v8 =	vmul.f32 v12, v15;
	v18 =	vor.u32 $0x1, v17;
	v19 =	vor.u32 $0x2, v17;
	[tilespmem:v11+s16+$0x0] =	vst.idx.msk $0xffff, v16  }
0x184: {  	[tilespmem:v10+s16+$0x0] =	vst.idx.msk $0xffff, v9  }
0x185: {  	[tilespmem:v7+s16+$0x0] =	vst.idx.msk $0xffff, v8  }
0x186: {  	v10 =	vld.idx.msk [tilespmem:v14+s9+$0x0], $0xffff  }
0x187: {  	v7 =	vld.idx.msk [tilespmem:v17+s8+$0x0], $0xffff  }
0x188: {  	v15 =	vor.u32 $0x3, v17;
	v8 =	vld.idx.msk [tilespmem:v17+s9+$0x0], $0xffff  }
0x189: {  	v9 =	vld.idx.msk [tilespmem:v19+s9+$0x0], $0xffff  }
0x18a: {  	v16 =	vor.u32 $0x4, v17;
	v11 =	vld.idx.msk [tilespmem:v18+s8+$0x0], $0xffff  }
0x18b: {  	v12 =	vld.idx.msk [tilespmem:v19+s8+$0x0], $0xffff  }
0x18c: {  	v20 =	vor.u32 $0x1, v6;
	v13 =	vld.idx.msk [tilespmem:v18+s9+$0x0], $0xffff  }
0x18d: {  	v21 =	vld.idx.msk [tilespmem:v15+s8+$0x0], $0xffff  }
0x18e: {  	v22 =	vmul.f32 v8, v7;
	v23 =	vld.idx.msk [tilespmem:v14+s8+$0x0], $0xffff  }
0x18f: {  	v24 =	vld.idx.msk [tilespmem:v16+s8+$0x0], $0xffff  }
0x190: {  	v7 =	vor.u32 $0x7, v6;
	v25 =	vld.idx.msk [tilespmem:v16+s9+$0x0], $0xffff  }
0x191: {  	v12 =	vmul.f32 v9, v12;
	v9 =	vor.u32 $0x3, v6;
	v26 =	vld.idx.msk [tilespmem:v20+s9+$0x0], $0xffff  }
0x192: {  	v8 =	vor.u32 $0x4, v6;
	v11 =	vmul.f32 v13, v11;
	v13 =	vld.idx.msk [tilespmem:v20+s8+$0x0], $0xffff  }
0x193: {  	v21 =	vadd.f32 v21, v12;
	v27 =	vld.idx.msk [tilespmem:v6+s9+$0x0], $0xffff  }
0x194: {  	v22 =	vadd.f32 v11, v22;
	v23 =	vmul.f32 v10, v23;
	v10 =	vor.u32 $0x6, v6;
	v28 =	vld.idx.msk [tilespmem:v6+s8+$0x0], $0xffff  }
0x195: {  	v11 =	vor.u32 $0x5, v6;
	v12 =	vld.idx.msk [tilespmem:v7+s0+$0x0], $0xffff  }
0x196: {  	v21 =	vadd.f32 v21, v22;
	v22 =	vmul.f32 v25, v24;
	v24 =	vld.idx.msk [tilespmem:v9+s8+$0x0], $0xffff  }
0x197: {  	v25 =	vld.idx.msk [tilespmem:v8+s9+$0x0], $0xffff  }
0x198: {  	v21 =	vadd.f32 v22, v21;
	v22 =	vmul.f32 v26, v13;
	v26 =	vld.idx.msk [tilespmem:v8+s8+$0x0], $0xffff  }
0x199: {  	v13 =	vld.idx.msk [tilespmem:v10+s0+$0x0], $0xffff  }
0x19a: {  	v21 =	vmul.f32 $1.442695020e+00, v21;
	v27 =	vmul.f32 v27, v28;
	v28 =	vld.idx.msk [tilespmem:v11+s0+$0x0], $0xffff  }
0x19b: {  	v29 =	vld.idx.msk [tilespmem:v8+s0+$0x0], $0xffff  }
0x19c: {  	v22 =	vadd.f32 v22, v27;
	v23 =	vadd.f32 v24, v23;
	v24 =	vld.idx.msk [tilespmem:v9+s0+$0x0], $0xffff;
	(erf) = vpow2.f32 v21  }
0x19d: {  	v21 =	vld.idx.msk [tilespmem:v14+s0+$0x0], $0xffff  }
0x19e: {  	v22 =	vadd.f32 v23, v22;
	v23 =	vmul.f32 v25, v26;
	v25 =	vld.idx.msk [tilespmem:v20+s0+$0x0], $0xffff  }
0x19f: {  	v26 =	vld.idx.msk [tilespmem:v6+s0+$0x0], $0xffff  }
0x1a0: {  	v30 =	vor.u32 $0x5, v17;
	v22 =	vadd.f32 v23, v22;
	v27 =	vld.idx.msk [tilespmem:v17+s0+$0x0], $0xffff  }
0x1a1: {  	v31 =	vor.u32 $0x6, v17;
	v23 =	vld.idx.msk [tilespmem:v18+s0+$0x0], $0xffff  }
0x1a2: {  	v33 =	vor.u32 $0x7, v17;
	v22 =	vmul.f32 $1.442695020e+00, v22;
	v32 =	vld.idx.msk [tilespmem:v19+s0+$0x0], $0xffff  }
0x1a3: {  	v34 =	vld.idx.msk [tilespmem:v15+s0+$0x0], $0xffff  }
0x1a4: {  	v35 =	vld.idx.msk [tilespmem:v16+s0+$0x0], $0xffff;
	(erf) = vpow2.f32 v22  }
0x1a5: {  	v22 =	vld.idx.msk [tilespmem:v30+s0+$0x0], $0xffff;
	v36 =	vpop (erf)  }
0x1a6: {  	v27 =	vmul.f32 v36, v27;
	v37 =	vld.idx.msk [tilespmem:v31+s0+$0x0], $0xffff  }
0x1a7: {  	v23 =	vmul.f32 v36, v23;
	v38 =	vld.idx.msk [tilespmem:v33+s0+$0x0], $0xffff  }
0x1a8: {  	v32 =	vmul.f32 v36, v32;
	[tilespmem:v17+s16+$0x0] =	vst.idx.msk $0xffff, v27  }
0x1a9: {  	v17 =	vmul.f32 v34, v36;
	[tilespmem:v18+s16+$0x0] =	vst.idx.msk $0xffff, v23  }
0x1aa: {  	v18 =	vmul.f32 v35, v36;
	[tilespmem:v19+s16+$0x0] =	vst.idx.msk $0xffff, v32  }
0x1ab: {  	v19 =	vmul.f32 v22, v36;
	[tilespmem:v15+s16+$0x0] =	vst.idx.msk $0xffff, v17  }
0x1ac: {  	v17 =	vmul.f32 v37, v36;
	[tilespmem:v16+s16+$0x0] =	vst.idx.msk $0xffff, v18  }
0x1ad: {  	v18 =	vmul.f32 v38, v36;
	[tilespmem:v30+s16+$0x0] =	vst.idx.msk $0xffff, v19;
	v15 =	vpop (erf)  }
.Ltmp2:
0x1ae: {  	v19 =	vmul.f32 v15, v26;
	v16 =	vmul.f32 v28, v15;
	[tilespmem:v31+s16+$0x0] =	vst.idx.msk $0xffff, v17;
	(pc) =	sbr.rel @p0 .LBB2_7-.Ltmp2, $4  }
0x1af: {  	s18 =	sadd.s32 $0x10, s25;
	v22 =	vmul.f32 v15, v25;
	[tilespmem:v33+s16+$0x0] =	vst.idx.msk $0xffff, v18  }
0x1b0: {  	v17 =	vmov s18;
	v21 =	vmul.f32 v15, v21;
	[tilespmem:v6+s16+$0x0] =	vst.idx.msk $0xffff, v19  }
0x1b1: {  	v6 =	vshll.u32 v17, $0x3;
	v17 =	vmul.f32 v24, v15;
	[tilespmem:v20+s16+$0x0] =	vst.idx.msk $0xffff, v22  }
0x1b2: {  	v18 =	vmul.f32 v29, v15;
	v19 =	vmov s25;
	v6 =	vor.u32 v3, v6;
	[tilespmem:v14+s16+$0x0] =	vst.idx.msk $0xffff, v21  }
0x1b3: {  	_ =	sdelay $0x3  }
0x1b4: {  	v14 =	vshll.u32 v19, $0x3;
	v19 =	vor.u32 $0x2, v6;
	[tilespmem:v9+s16+$0x0] =	vst.idx.msk $0xffff, v17  }
0x1b5: {  	v13 =	vmul.f32 v13, v15;
	v56 =	vor.u32 v3, v14;
	[tilespmem:v8+s16+$0x0] =	vst.idx.msk $0xffff, v18  }
0x1b6: {  	v57 =	vmul.f32 v12, v15;
	[tilespmem:v11+s16+$0x0] =	vst.idx.msk $0xffff, v16  }
0x1b7: {  	v11 =	vor.u32 $0x2, v56;
	[tilespmem:v10+s16+$0x0] =	vst.idx.msk $0xffff, v13  }
0x1b8: {  	v58 =	vor.u32 $0x1, v56;
	[tilespmem:v7+s16+$0x0] =	vst.idx.msk $0xffff, v57  }
0x1b9: {  	v7 =	vld.idx.msk [tilespmem:v19+s9+$0x0], $0xffff  }
0x1ba: {  	v8 =	vld.idx.msk [tilespmem:v56+s8+$0x0], $0xffff  }
0x1bb: {  	v59 =	vld.idx.msk [tilespmem:v56+s9+$0x0], $0xffff  }
0x1bc: {  	v60 =	vor.u32 $0x3, v56;
	v61 =	vld.idx.msk [tilespmem:v11+s9+$0x0], $0xffff  }
0x1bd: {  	v63 =	vor.u32 $0x4, v56;
	v62 =	vld.idx.msk [tilespmem:v58+s8+$0x0], $0xffff  }
0x1be: {  	v17 =	vld.idx.msk [tilespmem:v11+s8+$0x0], $0xffff  }
0x1bf: {  	v20 =	vor.u32 $0x1, v6;
	v18 =	vld.idx.msk [tilespmem:v58+s9+$0x0], $0xffff  }
0x1c0: {  	v22 =	vld.idx.msk [tilespmem:v19+s8+$0x0], $0xffff  }
0x1c1: {  	v21 =	vld.idx.msk [tilespmem:v60+s8+$0x0], $0xffff  }
0x1c2: {  	v23 =	vld.idx.msk [tilespmem:v63+s8+$0x0], $0xffff  }
0x1c3: {  	v25 =	vor.u32 $0x7, v6;
	v24 =	vld.idx.msk [tilespmem:v63+s9+$0x0], $0xffff;
	v8 =	vmul.f32 v59, v8  }
0x1c4: {  	v26 =	vor.u32 $0x3, v6;
	v38 =	vld.idx.msk [tilespmem:v20+s9+$0x0], $0xffff;
	v14 =	vmul.f32 v61, v17;
	v15 =	vmul.f32 v18, v62  }
0x1c5: {  	v39 =	vld.idx.msk [tilespmem:v20+s8+$0x0], $0xffff;
	v18 =	vor.u32 $0x4, v6  }
0x1c6: {  	v27 =	vld.idx.msk [tilespmem:v6+s9+$0x0], $0xffff;
	v14 =	vadd.f32 v21, v14;
	v8 =	vadd.f32 v15, v8  }
0x1c7: {  	v41 =	vor.u32 $0x6, v6;
	v40 =	vld.idx.msk [tilespmem:v6+s8+$0x0], $0xffff  }
0x1c8: {  	v28 =	vor.u32 $0x5, v6;
	v29 =	vld.idx.msk [tilespmem:v25+s0+$0x0], $0xffff;
	v42 =	vmul.f32 v24, v23;
	v8 =	vadd.f32 v14, v8  }
0x1c9: {  	v43 =	vld.idx.msk [tilespmem:v26+s8+$0x0], $0xffff  }
0x1ca: {  	v44 =	vld.idx.msk [tilespmem:v18+s9+$0x0], $0xffff;
	v8 =	vadd.f32 v42, v8  }
0x1cb: {  	v7 =	vmul.f32 v7, v22;
	v12 =	vmul.f32 v38, v39;
	v45 =	vld.idx.msk [tilespmem:v18+s8+$0x0], $0xffff  }
0x1cc: {  	v46 =	vld.idx.msk [tilespmem:v41+s0+$0x0], $0xffff;
	v15 =	vmul.f32 v27, v40;
	v8 =	vmul.f32 $1.442695020e+00, v8  }
0x1cd: {  	v47 =	vld.idx.msk [tilespmem:v28+s0+$0x0], $0xffff  }
0x1ce: {  	v49 =	vld.idx.msk [tilespmem:v26+s0+$0x0], $0xffff;
	v7 =	vadd.f32 v43, v7;
	v12 =	vadd.f32 v12, v15;
	(erf) = vpow2.f32 v8  }
0x1cf: {  	v50 =	vld.idx.msk [tilespmem:v19+s0+$0x0], $0xffff  }
0x1d0: {  	v52 =	vld.idx.msk [tilespmem:v20+s0+$0x0], $0xffff;
	v7 =	vadd.f32 v7, v12;
	v51 =	vmul.f32 v44, v45  }
0x1d1: {  	v30 =	vor.u32 $0x5, v56;
	v53 =	vld.idx.msk [tilespmem:v6+s0+$0x0], $0xffff  }
0x1d2: {  	v54 =	vld.idx.msk [tilespmem:v56+s0+$0x0], $0xffff;
	v7 =	vadd.f32 v51, v7  }
0x1d3: {  	v31 =	vor.u32 $0x6, v56;
	v55 =	vld.idx.msk [tilespmem:v58+s0+$0x0], $0xffff  }
0x1d4: {  	v33 =	vor.u32 $0x7, v56;
	v32 =	vld.idx.msk [tilespmem:v11+s0+$0x0], $0xffff;
	v7 =	vmul.f32 $1.442695020e+00, v7  }
0x1d5: {  	v34 =	vld.idx.msk [tilespmem:v60+s0+$0x0], $0xffff  }
0x1d6: {  	(erf) = vpow2.f32 v7;
	v7 =	vld.idx.msk [tilespmem:v30+s0+$0x0], $0xffff  }
0x1d7: {  	v35 =	vld.idx.msk [tilespmem:v63+s0+$0x0], $0xffff;
	v36 =	vpop (erf)  }
0x1d8: {  	v37 =	vld.idx.msk [tilespmem:v31+s0+$0x0], $0xffff;
	v24 =	vmul.f32 v36, v54  }
0x1d9: {  	v38 =	vld.idx.msk [tilespmem:v33+s0+$0x0], $0xffff;
	v12 =	vmul.f32 v36, v55  }
0x1da: {  	v48 =	vld.idx.msk [tilespmem:v18+s0+$0x0], $0xffff;
	v32 =	vmul.f32 v36, v32;
	[tilespmem:v56+s16+$0x0] =	vst.idx.msk $0xffff, v24  }
0x1db: {  	v7 =	vmul.f32 v7, v36;
	v56 =	vmul.f32 v34, v36;
	[tilespmem:v58+s16+$0x0] =	vst.idx.msk $0xffff, v12  }
0x1dc: {  	v57 =	vmul.f32 v35, v36;
	[tilespmem:v11+s16+$0x0] =	vst.idx.msk $0xffff, v32  }
0x1dd: {  	[tilespmem:v60+s16+$0x0] =	vst.idx.msk $0xffff, v56  }
0x1de: {  	v58 =	vmul.f32 v37, v36;
	[tilespmem:v63+s16+$0x0] =	vst.idx.msk $0xffff, v57  }
0x1df: {  	v59 =	vmul.f32 v38, v36;
	[tilespmem:v30+s16+$0x0] =	vst.idx.msk $0xffff, v7;
	v7 =	vpop (erf)  }
0x1e0: {  	v60 =	vmul.f32 v7, v53;
	[tilespmem:v31+s16+$0x0] =	vst.idx.msk $0xffff, v58  }
0x1e1: {  	v61 =	vmul.f32 v7, v52;
	[tilespmem:v33+s16+$0x0] =	vst.idx.msk $0xffff, v59  }
0x1e2: {  	v8 =	vmul.f32 v7, v50;
	[tilespmem:v6+s16+$0x0] =	vst.idx.msk $0xffff, v60  }
0x1e3: {  	v6 =	vmul.f32 v49, v7;
	[tilespmem:v20+s16+$0x0] =	vst.idx.msk $0xffff, v61  }
0x1e4: {  	v62 =	vmul.f32 v48, v7;
	[tilespmem:v19+s16+$0x0] =	vst.idx.msk $0xffff, v8  }
0x1e5: {  	v63 =	vmul.f32 v47, v7;
	[tilespmem:v26+s16+$0x0] =	vst.idx.msk $0xffff, v6  }
0x1e6: {  	s22 =	sadd.s32 $0x1, s22;
	v6 =	vmul.f32 v46, v7;
	[tilespmem:v18+s16+$0x0] =	vst.idx.msk $0xffff, v62  }
0x1e7: {  	p0 =	sne.s32 s22, $0x31;
	v7 =	vmul.f32 v29, v7;
	[tilespmem:v28+s16+$0x0] =	vst.idx.msk $0xffff, v63  }
.Ltmp3:
0x1e8: {  	[tilespmem:v41+s16+$0x0] =	vst.idx.msk $0xffff, v6;
	(pc) =	sbr.rel @p0 .LBB2_4-.Ltmp3, $4  }
0x1e9: {  	[tilespmem:v25+s16+$0x0] =	vst.idx.msk $0xffff, v7  }
0x1ea: {  	[spmem:s3] =	stream.indirect.scatter.add.f32 [tilespmem:s16], [sflag:$0x4], $0x8, s24, s30, $0xb8;
	[tilespmem:$0x165C0] =	vst v63  }
0x1eb: {  	s7 =	sadd.s32 $0x6280, s23  }
0x1ec: {  	[spmem:s3] =	stream.indirect.scatter.add.f32 [tilespmem:s17], [sflag:$0x4], $0x8, s7, s30, $0xb8;
	[tilespmem:$0x165C0] =	vst v63  }
0x1ed: {  	s7 =	simm.s32 $0x3  }
0x1ee: {  	_ =	swait.ge [sflag:s7], $0x400  }
0x1ef: {  	[sflag:s7] =	ssyncset.done $0x0  }
0x1f0: {  	[sflag:s7] =	ssyncadd.s32 $0xFFFFFC00  }
0x1f1: {  	_ =	swait.ge [sflag:s7], $0x400  }
0x1f2: {  	[sflag:s7] =	ssyncset.done $0x0  }
0x1f3: {  	[sflag:s7] =	ssyncadd.s32 $0xFFFFFC00  }
0x1f4: {  	_ =	swait.ge [sflag:s19], $0x400  }
0x1f5: {  	[sflag:s19] =	ssyncset.done $0x0  }
0x1f6: {  	[sflag:s19] =	ssyncadd.s32 $0xFFFFFC00  }
0x1f7: {  	_ =	swait.ge [sflag:s19], $0x400  }
0x1f8: {  	[sflag:s19] =	ssyncset.done $0x0  }
0x1f9: {  	s21 =	simm.s32 $0x0;
	s18 =	rddreg [dreg:$0x14];
	[sflag:s19] =	ssyncadd.s32 $0xFFFFFC00  }
0x1fa: {  	[tilespmem:s21], [sflag:$0x5] =	stream.linear.gather [hbm4b:s18+s21], $0x6150, $0x38;
	[tilespmem:$0x165C0] =	vst v63  }
0x1fb: {  	_ =	swait.ge [sflag:s28], $0x6150  }
0x1fc: {  	[sflag:s28] =	ssyncset.done $0x0  }
0x1fd: {  	s18 =	simm.s32 $0x6200;
	s22 =	rddreg [dreg:$0x15];
	[sflag:s28] =	ssyncadd.s32 $0xFFFF9EB0  }
0x1fe: {  	[tilespmem:s18], [sflag:$0x5] =	stream.linear.gather [hbm4b:s22+s21], $0x6150, $0x38;
	[tilespmem:$0x165C0] =	vst v63  }
0x1ff: {  	_ =	swait.ge [sflag:s28], $0x6150  }
0x200: {  	[sflag:s28] =	ssyncset.done $0x0  }
0x201: {  	[sflag:s28] =	ssyncadd.s32 $0xFFFF9EB0  }
0x202: {  	[tilespmem:$0x6150] =	vst v4  }
0x203: {  	[tilespmem:$0xC350] =	vst v5  }
0x204: {  	[tilespmem:$0x6160] =	vst v4  }
0x205: {  	[tilespmem:$0xC360] =	vst v5  }
0x206: {  	[tilespmem:$0x6170] =	vst v4  }
0x207: {  	[tilespmem:$0xC370] =	vst v5  }
0x208: {  	[tilespmem:$0x6180] =	vst v4  }
0x209: {  	[tilespmem:$0xC380] =	vst v5  }
0x20a: {  	[tilespmem:$0x6190] =	vst v4  }
0x20b: {  	[tilespmem:$0xC390] =	vst v5  }
0x20c: {  	[tilespmem:$0x61A0] =	vst v4  }
0x20d: {  	[tilespmem:$0xC3A0] =	vst v5  }
0x20e: {  	[tilespmem:$0x61B0] =	vst v4  }
0x20f: {  	[tilespmem:$0xC3B0] =	vst v5  }
0x210: {  	[tilespmem:$0x61C0] =	vst v4  }
0x211: {  	[tilespmem:$0xC3C0] =	vst v5  }
0x212: {  	[tilespmem:$0x61D0] =	vst v4  }
0x213: {  	[tilespmem:$0xC3D0] =	vst v5  }
0x214: {  	[tilespmem:$0x61E0] =	vst v4  }
0x215: {  	[tilespmem:$0xC3E0] =	vst v5  }
0x216: {  	[tilespmem:$0x61F0] =	vst v4  }
0x217: {  	[tilespmem:$0xC3F0] =	vst v5  }
0x218: {  	[tilespmem:s31], [sflag:$0x1] =	stream.indirect.gather [hbm4b:s1+s30], $0x8, s21, s30, $0xb8;
	[tilespmem:$0x165C0] =	vst v63  }
0x219: {  	_ = 	snop  }
0x21a: {  	[tilespmem:s2], [sflag:$0x1] =	stream.indirect.gather [hbm4b:s5+s30], $0x8, s21, s30, $0xb8;
	[tilespmem:$0x165C0] =	vst v63  }
0x21b: {  	_ = 	snop  }
0x21c: {  	[tilespmem:s4], [sflag:$0x1] =	stream.indirect.gather [hbm4b:s6+s30], $0x8, s18, s30, $0xb8;
	[tilespmem:$0x165C0] =	vst v63  }
0x21d: {  	s23 =	simm.s32 $0xC800  }
0x21e: {  	[tilespmem:s23], [sflag:$0x1] =	stream.indirect.gather [hbm4b:s1+s30], $0x8, s30, s30, $0xb8;
	[tilespmem:$0x165C0] =	vst v63  }
0x21f: {  	s24 =	simm.s32 $0xD000  }
0x220: {  	[tilespmem:s24], [sflag:$0x1] =	stream.indirect.gather [hbm4b:s5+s30], $0x8, s30, s30, $0xb8;
	[tilespmem:$0x165C0] =	vst v63  }
0x221: {  	s25 =	simm.s32 $0x6280;
	s29 =	simm.s32 $0xD800;
	s22 =	simm.s32 $0x0  }
0x222: {  	[tilespmem:s29], [sflag:$0x1] =	stream.indirect.gather [hbm4b:s6+s30], $0x8, s25, s30, $0xb8;
	[tilespmem:$0x165C0] =	vst v63  }
.LBB2_10:
0x223: {  	s25 =	sshll.u32 s22, $0x9  }
0x224: {  	s23 =	sor.u32 $0x100, s25  }
0x225: {  	[tilespmem:s8], [sflag:$0x2] =	stream.indirect.gather [hbm4b:s1+s30], $0x8, s23, s30, $0xb8;
	[tilespmem:$0x165C0] =	vst v63  }
0x226: {  	_ = 	snop  }
0x227: {  	[tilespmem:s0], [sflag:$0x2] =	stream.indirect.gather [hbm4b:s5+s30], $0x8, s23, s30, $0xb8;
	[tilespmem:$0x165C0] =	vst v63  }
0x228: {  	s24 =	sadd.s32 $0x6300, s25  }
0x229: {  	[tilespmem:s9], [sflag:$0x2] =	stream.indirect.gather [hbm4b:s6+s30], $0x8, s24, s30, $0xb8;
	[tilespmem:$0x165C0] =	vst v63  }
0x22a: {  	s7 =	sor.u32 $0x180, s25  }
0x22b: {  	[tilespmem:s10], [sflag:$0x2] =	stream.indirect.gather [hbm4b:s1+s30], $0x8, s7, s30, $0xb8;
	[tilespmem:$0x165C0] =	vst v63  }
0x22c: {  	_ = 	snop  }
0x22d: {  	[tilespmem:s11], [sflag:$0x2] =	stream.indirect.gather [hbm4b:s5+s30], $0x8, s7, s30, $0xb8;
	[tilespmem:$0x165C0] =	vst v63  }
0x22e: {  	s29 =	sadd.s32 $0x6380, s25  }
0x22f: {  	[tilespmem:s12], [sflag:$0x2] =	stream.indirect.gather [hbm4b:s6+s30], $0x8, s29, s30, $0xb8;
	[tilespmem:$0x165C0] =	vst v63  }
0x230: {  	_ =	swait.ge [sflag:s13], $0x400  }
0x231: {  	[sflag:s13] =	ssyncset.done $0x0  }
0x232: {  	[sflag:s13] =	ssyncadd.s32 $0xFFFFFC00  }
0x233: {  	_ =	swait.ge [sflag:s13], $0x400  }
0x234: {  	[sflag:s13] =	ssyncset.done $0x0  }
0x235: {  	[sflag:s13] =	ssyncadd.s32 $0xFFFFFC00  }
0x236: {  	_ =	swait.ge [sflag:s13], $0x400  }
0x237: {  	[sflag:s13] =	ssyncset.done $0x0  }
0x238: {  	[sflag:s13] =	ssyncadd.s32 $0xFFFFFC00  }
0x239: {  	_ =	swait.ge [sflag:s13], $0x400  }
0x23a: {  	[sflag:s13] =	ssyncset.done $0x0  }
0x23b: {  	[sflag:s13] =	ssyncadd.s32 $0xFFFFFC00  }
0x23c: {  	_ =	swait.ge [sflag:s13], $0x400  }
0x23d: {  	[sflag:s13] =	ssyncset.done $0x0  }
0x23e: {  	[sflag:s13] =	ssyncadd.s32 $0xFFFFFC00  }
0x23f: {  	s18 =	simm.s32 $0x10;
	_ =	swait.ge [sflag:s13], $0x400  }
0x240: {  	p0 =	seq.s32 s22, $0x0;
	v6 =	vmov s18;
	[sflag:s13] =	ssyncset.done $0x0  }
0x241: {  	v6 =	vshll.u32 v6, $0x3;
	s7 =	simm.s32 @!p0 $0x3;
	[sflag:s13] =	ssyncadd.s32 $0xFFFFFC00  }
0x242: {  	v7 =	vmov s21;
	v6 =	vor.u32 v3, v6;
	_ =	swait.ge @!p0 [sflag:s7], $0x400  }
0x243: {  	v7 =	vshll.u32 v7, $0x3;
	v14 =	vor.u32 $0x2, v6;
	[sflag:s7] =	ssyncset.done @!p0 $0x0  }
0x244: {  	v15 =	vor.u32 v3, v7;
	[sflag:s7] =	ssyncadd.s32 @!p0 $0xFFFFFC00  }
0x245: {  	_ =	swait.ge @!p0 [sflag:s7], $0x400  }
0x246: {  	v16 =	vor.u32 $0x2, v15;
	[sflag:s7] =	ssyncset.done @!p0 $0x0  }
0x247: {  	v17 =	vor.u32 $0x1, v15;
	[sflag:s7] =	ssyncadd.s32 @!p0 $0xFFFFFC00  }
0x248: {  	v13 =	vld.idx.msk [tilespmem:v14+s4+$0x0], $0xffff  }
0x249: {  	v8 =	vld.idx.msk [tilespmem:v15+s31+$0x0], $0xffff  }
0x24a: {  	v18 =	vor.u32 $0x3, v15;
	v9 =	vld.idx.msk [tilespmem:v15+s4+$0x0], $0xffff  }
0x24b: {  	v10 =	vld.idx.msk [tilespmem:v16+s4+$0x0], $0xffff  }
0x24c: {  	v19 =	vor.u32 $0x4, v15;
	v11 =	vld.idx.msk [tilespmem:v17+s31+$0x0], $0xffff  }
0x24d: {  	v12 =	vld.idx.msk [tilespmem:v16+s31+$0x0], $0xffff  }
0x24e: {  	v21 =	vor.u32 $0x1, v6;
	v20 =	vld.idx.msk [tilespmem:v17+s4+$0x0], $0xffff  }
0x24f: {  	v22 =	vld.idx.msk [tilespmem:v18+s31+$0x0], $0xffff  }
0x250: {  	v23 =	vld.idx.msk [tilespmem:v14+s31+$0x0], $0xffff  }
0x251: {  	v24 =	vld.idx.msk [tilespmem:v19+s31+$0x0], $0xffff  }
0x252: {  	v25 =	vld.idx.msk [tilespmem:v19+s4+$0x0], $0xffff;
	v26 =	vmul.f32 v9, v8  }
0x253: {  	v27 =	vld.idx.msk [tilespmem:v21+s4+$0x0], $0xffff;
	v9 =	vor.u32 $0x3, v6;
	v10 =	vmul.f32 v10, v12;
	v11 =	vmul.f32 v20, v11  }
0x254: {  	v28 =	vld.idx.msk [tilespmem:v6+s4+$0x0], $0xffff;
	v8 =	vor.u32 $0x4, v6  }
0x255: {  	v29 =	vld.idx.msk [tilespmem:v6+s31+$0x0], $0xffff;
	v22 =	vadd.f32 v22, v10;
	v26 =	vadd.f32 v11, v26  }
0x256: {  	v20 =	vld.idx.msk [tilespmem:v21+s31+$0x0], $0xffff  }
0x257: {  	v58 =	vld.idx.msk [tilespmem:v14+s2+$0x0], $0xffff;
	v24 =	vmul.f32 v25, v24;
	v22 =	vadd.f32 v22, v26  }
0x258: {  	v51 =	vld.idx.msk [tilespmem:v9+s31+$0x0], $0xffff  }
0x259: {  	v52 =	vld.idx.msk [tilespmem:v8+s4+$0x0], $0xffff;
	v22 =	vadd.f32 v24, v22  }
0x25a: {  	v23 =	vmul.f32 v13, v23;
	v54 =	vmul.f32 v28, v29;
	v53 =	vld.idx.msk [tilespmem:v8+s31+$0x0], $0xffff  }
0x25b: {  	v60 =	vld.idx.msk [tilespmem:v21+s2+$0x0], $0xffff;
	v20 =	vmul.f32 v27, v20;
	v22 =	vmul.f32 $1.442695020e+00, v22  }
0x25c: {  	v31 =	vor.u32 $0x6, v15;
	v61 =	vld.idx.msk [tilespmem:v6+s2+$0x0], $0xffff  }
0x25d: {  	v62 =	vld.idx.msk [tilespmem:v15+s2+$0x0], $0xffff;
	v20 =	vadd.f32 v20, v54;
	v23 =	vadd.f32 v51, v23;
	(erf) = vpow2.f32 v22  }
0x25e: {  	v33 =	vor.u32 $0x7, v15;
	v63 =	vld.idx.msk [tilespmem:v17+s2+$0x0], $0xffff  }
0x25f: {  	v7 =	vor.u32 $0x7, v6;
	v32 =	vld.idx.msk [tilespmem:v16+s2+$0x0], $0xffff;
	v59 =	vmul.f32 v52, v53;
	v20 =	vadd.f32 v23, v20  }
0x260: {  	v34 =	vld.idx.msk [tilespmem:v18+s2+$0x0], $0xffff  }
0x261: {  	v35 =	vld.idx.msk [tilespmem:v19+s2+$0x0], $0xffff;
	v20 =	vadd.f32 v59, v20  }
0x262: {  	v30 =	vor.u32 $0x5, v15;
	v37 =	vld.idx.msk [tilespmem:v31+s2+$0x0], $0xffff  }
0x263: {  	v38 =	vld.idx.msk [tilespmem:v33+s2+$0x0], $0xffff;
	v10 =	vor.u32 $0x6, v6;
	v20 =	vmul.f32 $1.442695020e+00, v20  }
0x264: {  	v12 =	vld.idx.msk [tilespmem:v7+s2+$0x0], $0xffff;
	v11 =	vor.u32 $0x5, v6  }
0x265: {  	v56 =	vld.idx.msk [tilespmem:v8+s2+$0x0], $0xffff;
	(erf) = vpow2.f32 v20  }
0x266: {  	v57 =	vld.idx.msk [tilespmem:v9+s2+$0x0], $0xffff;
	v36 =	vpop (erf)  }
0x267: {  	v20 =	vld.idx.msk [tilespmem:v30+s2+$0x0], $0xffff;
	v27 =	vmul.f32 v36, v62  }
0x268: {  	v13 =	vld.idx.msk [tilespmem:v10+s2+$0x0], $0xffff;
	v23 =	vmul.f32 v36, v63  }
0x269: {  	v55 =	vld.idx.msk [tilespmem:v11+s2+$0x0], $0xffff;
	v32 =	vmul.f32 v36, v32;
	[tilespmem:v15+s26+$0x0] =	vst.idx.msk $0xffff, v27  }
0x26a: {  	v15 =	vmul.f32 v34, v36;
	[tilespmem:v17+s26+$0x0] =	vst.idx.msk $0xffff, v23  }
0x26b: {  	v17 =	vmul.f32 v35, v36;
	[tilespmem:v16+s26+$0x0] =	vst.idx.msk $0xffff, v32  }
0x26c: {  	v16 =	vmul.f32 v20, v36;
	[tilespmem:v18+s26+$0x0] =	vst.idx.msk $0xffff, v15  }
0x26d: {  	v18 =	vmul.f32 v37, v36;
	[tilespmem:v19+s26+$0x0] =	vst.idx.msk $0xffff, v17  }
0x26e: {  	v17 =	vmul.f32 v38, v36;
	[tilespmem:v30+s26+$0x0] =	vst.idx.msk $0xffff, v16;
	v15 =	vpop (erf)  }
0x26f: {  	v16 =	vmul.f32 v15, v61;
	[tilespmem:v31+s26+$0x0] =	vst.idx.msk $0xffff, v18  }
0x270: {  	s29 =	simm.s32 $0x30;
	v18 =	vmul.f32 v15, v60;
	[tilespmem:v33+s26+$0x0] =	vst.idx.msk $0xffff, v17  }
0x271: {  	v20 =	vmul.f32 v15, v58;
	v17 =	vmov s29;
	[tilespmem:v6+s26+$0x0] =	vst.idx.msk $0xffff, v16  }
0x272: {  	s18 =	simm.s32 $0x20;
	v16 =	vmul.f32 v55, v15;
	v6 =	vshll.u32 v17, $0x3;
	v17 =	vmul.f32 v57, v15;
	[tilespmem:v21+s26+$0x0] =	vst.idx.msk $0xffff, v18  }
0x273: {  	s7 =	simm.s32 $0x40;
	v19 =	vmov s18;
	v6 =	vor.u32 v3, v6;
	v18 =	vmul.f32 v56, v15;
	[tilespmem:v14+s26+$0x0] =	vst.idx.msk $0xffff, v20  }
.LBB2_11:
0x274: {  	p1 =	sne.s32 s7, $0xE0;
	v19 =	vshll.u32 v19, $0x3;
	v14 =	vor.u32 $0x2, v6;
	[tilespmem:v9+s26+$0x0] =	vst.idx.msk $0xffff, v17;
	s29 =	smov.u32 s7;
	s7 =	sadd.s32 $0x20, s7  }
0x275: {  	v9 =	vmul.f32 v13, v15;
	v17 =	vor.u32 v3, v19;
	[tilespmem:v8+s26+$0x0] =	vst.idx.msk $0xffff, v18  }
0x276: {  	v8 =	vmul.f32 v12, v15;
	v18 =	vor.u32 $0x1, v17;
	v19 =	vor.u32 $0x2, v17;
	[tilespmem:v11+s26+$0x0] =	vst.idx.msk $0xffff, v16  }
0x277: {  	[tilespmem:v10+s26+$0x0] =	vst.idx.msk $0xffff, v9  }
0x278: {  	[tilespmem:v7+s26+$0x0] =	vst.idx.msk $0xffff, v8  }
0x279: {  	v10 =	vld.idx.msk [tilespmem:v14+s4+$0x0], $0xffff  }
0x27a: {  	v7 =	vld.idx.msk [tilespmem:v17+s31+$0x0], $0xffff  }
0x27b: {  	v15 =	vor.u32 $0x3, v17;
	v8 =	vld.idx.msk [tilespmem:v17+s4+$0x0], $0xffff  }
0x27c: {  	v9 =	vld.idx.msk [tilespmem:v19+s4+$0x0], $0xffff  }
0x27d: {  	v16 =	vor.u32 $0x4, v17;
	v11 =	vld.idx.msk [tilespmem:v18+s31+$0x0], $0xffff  }
0x27e: {  	v12 =	vld.idx.msk [tilespmem:v19+s31+$0x0], $0xffff  }
0x27f: {  	v20 =	vor.u32 $0x1, v6;
	v13 =	vld.idx.msk [tilespmem:v18+s4+$0x0], $0xffff  }
0x280: {  	v21 =	vld.idx.msk [tilespmem:v15+s31+$0x0], $0xffff  }
0x281: {  	v22 =	vmul.f32 v8, v7;
	v23 =	vld.idx.msk [tilespmem:v14+s31+$0x0], $0xffff  }
0x282: {  	v24 =	vld.idx.msk [tilespmem:v16+s31+$0x0], $0xffff  }
0x283: {  	v7 =	vor.u32 $0x7, v6;
	v25 =	vld.idx.msk [tilespmem:v16+s4+$0x0], $0xffff  }
0x284: {  	v12 =	vmul.f32 v9, v12;
	v9 =	vor.u32 $0x3, v6;
	v26 =	vld.idx.msk [tilespmem:v20+s4+$0x0], $0xffff  }
0x285: {  	v8 =	vor.u32 $0x4, v6;
	v11 =	vmul.f32 v13, v11;
	v13 =	vld.idx.msk [tilespmem:v20+s31+$0x0], $0xffff  }
0x286: {  	v21 =	vadd.f32 v21, v12;
	v27 =	vld.idx.msk [tilespmem:v6+s4+$0x0], $0xffff  }
0x287: {  	v22 =	vadd.f32 v11, v22;
	v23 =	vmul.f32 v10, v23;
	v10 =	vor.u32 $0x6, v6;
	v28 =	vld.idx.msk [tilespmem:v6+s31+$0x0], $0xffff  }
0x288: {  	v11 =	vor.u32 $0x5, v6;
	v12 =	vld.idx.msk [tilespmem:v7+s2+$0x0], $0xffff  }
0x289: {  	v21 =	vadd.f32 v21, v22;
	v22 =	vmul.f32 v25, v24;
	v24 =	vld.idx.msk [tilespmem:v9+s31+$0x0], $0xffff  }
0x28a: {  	v25 =	vld.idx.msk [tilespmem:v8+s4+$0x0], $0xffff  }
0x28b: {  	v21 =	vadd.f32 v22, v21;
	v22 =	vmul.f32 v26, v13;
	v26 =	vld.idx.msk [tilespmem:v8+s31+$0x0], $0xffff  }
0x28c: {  	v13 =	vld.idx.msk [tilespmem:v10+s2+$0x0], $0xffff  }
0x28d: {  	v21 =	vmul.f32 $1.442695020e+00, v21;
	v27 =	vmul.f32 v27, v28;
	v28 =	vld.idx.msk [tilespmem:v11+s2+$0x0], $0xffff  }
0x28e: {  	v29 =	vld.idx.msk [tilespmem:v8+s2+$0x0], $0xffff  }
0x28f: {  	v22 =	vadd.f32 v22, v27;
	v23 =	vadd.f32 v24, v23;
	v24 =	vld.idx.msk [tilespmem:v9+s2+$0x0], $0xffff;
	(erf) = vpow2.f32 v21  }
0x290: {  	v21 =	vld.idx.msk [tilespmem:v14+s2+$0x0], $0xffff  }
0x291: {  	v22 =	vadd.f32 v23, v22;
	v23 =	vmul.f32 v25, v26;
	v25 =	vld.idx.msk [tilespmem:v20+s2+$0x0], $0xffff  }
0x292: {  	v26 =	vld.idx.msk [tilespmem:v6+s2+$0x0], $0xffff  }
0x293: {  	v30 =	vor.u32 $0x5, v17;
	v22 =	vadd.f32 v23, v22;
	v27 =	vld.idx.msk [tilespmem:v17+s2+$0x0], $0xffff  }
0x294: {  	v31 =	vor.u32 $0x6, v17;
	v23 =	vld.idx.msk [tilespmem:v18+s2+$0x0], $0xffff  }
0x295: {  	v33 =	vor.u32 $0x7, v17;
	v22 =	vmul.f32 $1.442695020e+00, v22;
	v32 =	vld.idx.msk [tilespmem:v19+s2+$0x0], $0xffff  }
0x296: {  	v34 =	vld.idx.msk [tilespmem:v15+s2+$0x0], $0xffff  }
0x297: {  	v35 =	vld.idx.msk [tilespmem:v16+s2+$0x0], $0xffff;
	(erf) = vpow2.f32 v22  }
0x298: {  	v22 =	vld.idx.msk [tilespmem:v30+s2+$0x0], $0xffff;
	v36 =	vpop (erf)  }
0x299: {  	v27 =	vmul.f32 v36, v27;
	v37 =	vld.idx.msk [tilespmem:v31+s2+$0x0], $0xffff  }
0x29a: {  	v23 =	vmul.f32 v36, v23;
	v38 =	vld.idx.msk [tilespmem:v33+s2+$0x0], $0xffff  }
0x29b: {  	v32 =	vmul.f32 v36, v32;
	[tilespmem:v17+s26+$0x0] =	vst.idx.msk $0xffff, v27  }
0x29c: {  	v17 =	vmul.f32 v34, v36;
	[tilespmem:v18+s26+$0x0] =	vst.idx.msk $0xffff, v23  }
0x29d: {  	v18 =	vmul.f32 v35, v36;
	[tilespmem:v19+s26+$0x0] =	vst.idx.msk $0xffff, v32  }
0x29e: {  	v19 =	vmul.f32 v22, v36;
	[tilespmem:v15+s26+$0x0] =	vst.idx.msk $0xffff, v17  }
0x29f: {  	v17 =	vmul.f32 v37, v36;
	[tilespmem:v16+s26+$0x0] =	vst.idx.msk $0xffff, v18  }
0x2a0: {  	v18 =	vmul.f32 v38, v36;
	[tilespmem:v30+s26+$0x0] =	vst.idx.msk $0xffff, v19;
	v15 =	vpop (erf)  }
.Ltmp4:
0x2a1: {  	v19 =	vmul.f32 v15, v26;
	v16 =	vmul.f32 v28, v15;
	[tilespmem:v31+s26+$0x0] =	vst.idx.msk $0xffff, v17;
	(pc) =	sbr.rel @p1 .LBB2_11-.Ltmp4, $4  }
0x2a2: {  	s18 =	sadd.s32 $0x10, s29;
	v22 =	vmul.f32 v15, v25;
	[tilespmem:v33+s26+$0x0] =	vst.idx.msk $0xffff, v18  }
0x2a3: {  	v17 =	vmov s18;
	v21 =	vmul.f32 v15, v21;
	[tilespmem:v6+s26+$0x0] =	vst.idx.msk $0xffff, v19  }
0x2a4: {  	v6 =	vshll.u32 v17, $0x3;
	v17 =	vmul.f32 v24, v15;
	[tilespmem:v20+s26+$0x0] =	vst.idx.msk $0xffff, v22  }
0x2a5: {  	v18 =	vmul.f32 v29, v15;
	v19 =	vmov s29;
	v6 =	vor.u32 v3, v6;
	[tilespmem:v14+s26+$0x0] =	vst.idx.msk $0xffff, v21  }
0x2a6: {  	_ =	sdelay $0x3  }
0x2a7: {  	v14 =	vshll.u32 v19, $0x3;
	v19 =	vor.u32 $0x2, v6;
	[tilespmem:v9+s26+$0x0] =	vst.idx.msk $0xffff, v17  }
0x2a8: {  	v13 =	vmul.f32 v13, v15;
	v9 =	vor.u32 v3, v14;
	[tilespmem:v8+s26+$0x0] =	vst.idx.msk $0xffff, v18  }
0x2a9: {  	v8 =	vmul.f32 v12, v15;
	[tilespmem:v11+s26+$0x0] =	vst.idx.msk $0xffff, v16  }
0x2aa: {  	v11 =	vor.u32 $0x2, v9;
	[tilespmem:v10+s26+$0x0] =	vst.idx.msk $0xffff, v13  }
0x2ab: {  	[tilespmem:v7+s26+$0x0] =	vst.idx.msk $0xffff, v8  }
0x2ac: {  	v10 =	vor.u32 $0x1, v9;
	v7 =	vld.idx.msk [tilespmem:v19+s4+$0x0], $0xffff  }
0x2ad: {  	v8 =	vld.idx.msk [tilespmem:v9+s31+$0x0], $0xffff  }
0x2ae: {  	v12 =	vld.idx.msk [tilespmem:v9+s4+$0x0], $0xffff  }
0x2af: {  	v13 =	vor.u32 $0x3, v9;
	v14 =	vld.idx.msk [tilespmem:v11+s4+$0x0], $0xffff  }
0x2b0: {  	v16 =	vor.u32 $0x4, v9;
	v17 =	vld.idx.msk [tilespmem:v11+s31+$0x0], $0xffff  }
0x2b1: {  	v15 =	vld.idx.msk [tilespmem:v10+s31+$0x0], $0xffff  }
0x2b2: {  	v18 =	vld.idx.msk [tilespmem:v10+s4+$0x0], $0xffff  }
0x2b3: {  	v20 =	vor.u32 $0x1, v6;
	v22 =	vld.idx.msk [tilespmem:v19+s31+$0x0], $0xffff  }
0x2b4: {  	v21 =	vld.idx.msk [tilespmem:v13+s31+$0x0], $0xffff  }
0x2b5: {  	v23 =	vld.idx.msk [tilespmem:v16+s31+$0x0], $0xffff  }
0x2b6: {  	v25 =	vor.u32 $0x7, v6;
	v24 =	vld.idx.msk [tilespmem:v16+s4+$0x0], $0xffff;
	v8 =	vmul.f32 v12, v8  }
0x2b7: {  	v26 =	vor.u32 $0x3, v6;
	v27 =	vld.idx.msk [tilespmem:v6+s4+$0x0], $0xffff;
	v14 =	vmul.f32 v14, v17;
	v15 =	vmul.f32 v18, v15  }
0x2b8: {  	v12 =	vld.idx.msk [tilespmem:v20+s4+$0x0], $0xffff;
	v18 =	vor.u32 $0x4, v6  }
0x2b9: {  	v17 =	vld.idx.msk [tilespmem:v20+s31+$0x0], $0xffff;
	v14 =	vadd.f32 v21, v14;
	v8 =	vadd.f32 v15, v8  }
0x2ba: {  	v28 =	vor.u32 $0x5, v6;
	v15 =	vld.idx.msk [tilespmem:v6+s31+$0x0], $0xffff  }
0x2bb: {  	v29 =	vld.idx.msk [tilespmem:v25+s2+$0x0], $0xffff;
	v8 =	vadd.f32 v14, v8;
	v14 =	vmul.f32 v24, v23  }
0x2bc: {  	v58 =	vld.idx.msk [tilespmem:v26+s31+$0x0], $0xffff  }
0x2bd: {  	v59 =	vld.idx.msk [tilespmem:v18+s4+$0x0], $0xffff;
	v8 =	vadd.f32 v14, v8  }
0x2be: {  	v7 =	vmul.f32 v7, v22;
	v12 =	vmul.f32 v12, v17;
	v14 =	vld.idx.msk [tilespmem:v18+s31+$0x0], $0xffff  }
0x2bf: {  	v31 =	vor.u32 $0x6, v9;
	v60 =	vld.idx.msk [tilespmem:v28+s2+$0x0], $0xffff;
	v15 =	vmul.f32 v27, v15;
	v8 =	vmul.f32 $1.442695020e+00, v8  }
0x2c0: {  	v33 =	vor.u32 $0x7, v9;
	v62 =	vld.idx.msk [tilespmem:v6+s2+$0x0], $0xffff  }
0x2c1: {  	v63 =	vld.idx.msk [tilespmem:v9+s2+$0x0], $0xffff;
	v7 =	vadd.f32 v58, v7;
	v12 =	vadd.f32 v12, v15;
	(erf) = vpow2.f32 v8  }
0x2c2: {  	v32 =	vld.idx.msk [tilespmem:v11+s2+$0x0], $0xffff  }
0x2c3: {  	v57 =	vor.u32 $0x6, v6;
	v35 =	vld.idx.msk [tilespmem:v16+s2+$0x0], $0xffff;
	v7 =	vadd.f32 v7, v12;
	v12 =	vmul.f32 v59, v14  }
0x2c4: {  	v30 =	vor.u32 $0x5, v9;
	v37 =	vld.idx.msk [tilespmem:v31+s2+$0x0], $0xffff  }
0x2c5: {  	v38 =	vld.idx.msk [tilespmem:v33+s2+$0x0], $0xffff;
	v7 =	vadd.f32 v12, v7  }
0x2c6: {  	v34 =	vld.idx.msk [tilespmem:v13+s2+$0x0], $0xffff  }
0x2c7: {  	v12 =	vld.idx.msk [tilespmem:v10+s2+$0x0], $0xffff;
	v7 =	vmul.f32 $1.442695020e+00, v7  }
0x2c8: {  	v17 =	vld.idx.msk [tilespmem:v57+s2+$0x0], $0xffff  }
0x2c9: {  	(erf) = vpow2.f32 v7;
	v7 =	vld.idx.msk [tilespmem:v30+s2+$0x0], $0xffff  }
0x2ca: {  	v61 =	vld.idx.msk [tilespmem:v18+s2+$0x0], $0xffff;
	v36 =	vpop (erf)  }
0x2cb: {  	v15 =	vld.idx.msk [tilespmem:v26+s2+$0x0], $0xffff;
	v24 =	vmul.f32 v36, v63  }
0x2cc: {  	v8 =	vld.idx.msk [tilespmem:v19+s2+$0x0], $0xffff;
	v12 =	vmul.f32 v36, v12  }
0x2cd: {  	v14 =	vld.idx.msk [tilespmem:v20+s2+$0x0], $0xffff;
	v32 =	vmul.f32 v36, v32;
	[tilespmem:v9+s26+$0x0] =	vst.idx.msk $0xffff, v24  }
0x2ce: {  	v9 =	vmul.f32 v34, v36;
	v7 =	vmul.f32 v7, v36;
	[tilespmem:v10+s26+$0x0] =	vst.idx.msk $0xffff, v12  }
0x2cf: {  	v10 =	vmul.f32 v35, v36;
	[tilespmem:v11+s26+$0x0] =	vst.idx.msk $0xffff, v32  }
0x2d0: {  	[tilespmem:v13+s26+$0x0] =	vst.idx.msk $0xffff, v9  }
0x2d1: {  	v9 =	vmul.f32 v37, v36;
	[tilespmem:v16+s26+$0x0] =	vst.idx.msk $0xffff, v10  }
0x2d2: {  	v10 =	vmul.f32 v38, v36;
	[tilespmem:v30+s26+$0x0] =	vst.idx.msk $0xffff, v7;
	v7 =	vpop (erf)  }
0x2d3: {  	v11 =	vmul.f32 v7, v62;
	[tilespmem:v31+s26+$0x0] =	vst.idx.msk $0xffff, v9  }
0x2d4: {  	v9 =	vmul.f32 v7, v14;
	[tilespmem:v33+s26+$0x0] =	vst.idx.msk $0xffff, v10  }
0x2d5: {  	v8 =	vmul.f32 v7, v8;
	[tilespmem:v6+s26+$0x0] =	vst.idx.msk $0xffff, v11  }
0x2d6: {  	v6 =	vmul.f32 v15, v7;
	[tilespmem:v20+s26+$0x0] =	vst.idx.msk $0xffff, v9  }
0x2d7: {  	v9 =	vmul.f32 v61, v7;
	[tilespmem:v19+s26+$0x0] =	vst.idx.msk $0xffff, v8  }
0x2d8: {  	v8 =	vmul.f32 v60, v7;
	[tilespmem:v26+s26+$0x0] =	vst.idx.msk $0xffff, v6  }
0x2d9: {  	v6 =	vmul.f32 v17, v7;
	[tilespmem:v18+s26+$0x0] =	vst.idx.msk $0xffff, v9  }
0x2da: {  	v7 =	vmul.f32 v29, v7;
	[tilespmem:v28+s26+$0x0] =	vst.idx.msk $0xffff, v8  }
0x2db: {  	[tilespmem:v57+s26+$0x0] =	vst.idx.msk $0xffff, v6  }
0x2dc: {  	s7 =	sadd.s32 $0x6200, s25;
	[tilespmem:v25+s26+$0x0] =	vst.idx.msk $0xffff, v7  }
0x2dd: {  	[spmem:s3] =	stream.indirect.scatter.add.f32 [tilespmem:s26], [sflag:$0x3], $0x8, s7, s30, $0xb8;
	[tilespmem:$0x165C0] =	vst v63  }
0x2de: {  	s18 =	sadd.s32 $0x6280, s25;
	p1 =	seq.s32 s22, $0x30  }
0x2df: {  	[spmem:s3] =	stream.indirect.scatter.add.f32 [tilespmem:s14], [sflag:$0x3], $0x8, s18, s30, $0xb8;
	[tilespmem:$0x165C0] =	vst v63  }
0x2e0: {  	s29 =	simm.s32 @!p1 $0xC400;
	s7 =	sadd.s32 @!p1 $0x200, s25;
	s18 =	simm.s32 @!p1 $0x80  }
0x2e1: {  	[tilespmem:s29], [sflag:$0x1] =	stream.indirect.gather @!p1 [hbm4b:s1+s18], $0x8, s7, s18, $0xb8;
	[tilespmem:$0x165C0] =	vst v63  }
0x2e2: {  	s29 =	simm.s32 @!p1 $0xCC00  }
0x2e3: {  	[tilespmem:s29], [sflag:$0x1] =	stream.indirect.gather @!p1 [hbm4b:s5+s18], $0x8, s7, s18, $0xb8;
	[tilespmem:$0x165C0] =	vst v63  }
0x2e4: {  	s7 =	sadd.s32 @!p1 $0x6400, s25;
	s29 =	simm.s32 @!p1 $0xD400  }
0x2e5: {  	[tilespmem:s29], [sflag:$0x1] =	stream.indirect.gather @!p1 [hbm4b:s6+s18], $0x8, s7, s18, $0xb8;
	[tilespmem:$0x165C0] =	vst v63  }
0x2e6: {  	s7 =	sadd.s32 @!p1 $0x280, s25;
	s29 =	simm.s32 @!p1 $0xC800  }
0x2e7: {  	[tilespmem:s29], [sflag:$0x1] =	stream.indirect.gather @!p1 [hbm4b:s1+s18], $0x8, s7, s18, $0xb8;
	[tilespmem:$0x165C0] =	vst v63  }
0x2e8: {  	s29 =	simm.s32 @!p1 $0xD000  }
0x2e9: {  	[tilespmem:s29], [sflag:$0x1] =	stream.indirect.gather @!p1 [hbm4b:s5+s18], $0x8, s7, s18, $0xb8;
	[tilespmem:$0x165C0] =	vst v63  }
0x2ea: {  	s7 =	sadd.s32 @!p1 $0x6480, s25;
	s25 =	simm.s32 @!p1 $0xD800  }
0x2eb: {  	[tilespmem:s25], [sflag:$0x1] =	stream.indirect.gather @!p1 [hbm4b:s6+s18], $0x8, s7, s18, $0xb8;
	[tilespmem:$0x165C0] =	vst v63  }
0x2ec: {  	_ =	swait.ge [sflag:s15], $0x400  }
0x2ed: {  	[sflag:s15] =	ssyncset.done $0x0  }
0x2ee: {  	[sflag:s15] =	ssyncadd.s32 $0xFFFFFC00  }
0x2ef: {  	_ =	swait.ge [sflag:s15], $0x400  }
0x2f0: {  	[sflag:s15] =	ssyncset.done $0x0  }
0x2f1: {  	[sflag:s15] =	ssyncadd.s32 $0xFFFFFC00  }
0x2f2: {  	_ =	swait.ge [sflag:s15], $0x400  }
0x2f3: {  	[sflag:s15] =	ssyncset.done $0x0  }
0x2f4: {  	[sflag:s15] =	ssyncadd.s32 $0xFFFFFC00  }
0x2f5: {  	_ =	swait.ge [sflag:s15], $0x400  }
0x2f6: {  	[sflag:s15] =	ssyncset.done $0x0  }
0x2f7: {  	[sflag:s15] =	ssyncadd.s32 $0xFFFFFC00  }
0x2f8: {  	_ =	swait.ge [sflag:s15], $0x400  }
0x2f9: {  	[sflag:s15] =	ssyncset.done $0x0  }
0x2fa: {  	[sflag:s15] =	ssyncadd.s32 $0xFFFFFC00  }
0x2fb: {  	s25 =	simm.s32 $0x10;
	_ =	swait.ge [sflag:s15], $0x400  }
0x2fc: {  	v6 =	vmov s25;
	[sflag:s15] =	ssyncset.done $0x0  }
0x2fd: {  	s29 =	simm.s32 $0x0;
	s7 =	simm.s32 @!p0 $0x4;
	v6 =	vshll.u32 v6, $0x3;
	[sflag:s15] =	ssyncadd.s32 $0xFFFFFC00  }
0x2fe: {  	v7 =	vmov s29;
	v6 =	vor.u32 v3, v6;
	_ =	swait.ge @!p0 [sflag:s7], $0x400  }
0x2ff: {  	v7 =	vshll.u32 v7, $0x3;
	v14 =	vor.u32 $0x2, v6;
	[sflag:s7] =	ssyncset.done @!p0 $0x0  }
0x300: {  	v15 =	vor.u32 v3, v7;
	[sflag:s7] =	ssyncadd.s32 @!p0 $0xFFFFFC00  }
0x301: {  	_ =	swait.ge @!p0 [sflag:s7], $0x400  }
0x302: {  	v16 =	vor.u32 $0x2, v15;
	[sflag:s7] =	ssyncset.done @!p0 $0x0  }
0x303: {  	v17 =	vor.u32 $0x1, v15;
	[sflag:s7] =	ssyncadd.s32 @!p0 $0xFFFFFC00  }
0x304: {  	v13 =	vld.idx.msk [tilespmem:v14+s9+$0x0], $0xffff  }
0x305: {  	v8 =	vld.idx.msk [tilespmem:v15+s8+$0x0], $0xffff  }
0x306: {  	v18 =	vor.u32 $0x3, v15;
	v9 =	vld.idx.msk [tilespmem:v15+s9+$0x0], $0xffff  }
0x307: {  	v10 =	vld.idx.msk [tilespmem:v16+s9+$0x0], $0xffff  }
0x308: {  	v19 =	vor.u32 $0x4, v15;
	v11 =	vld.idx.msk [tilespmem:v17+s8+$0x0], $0xffff  }
0x309: {  	v12 =	vld.idx.msk [tilespmem:v16+s8+$0x0], $0xffff  }
0x30a: {  	v21 =	vor.u32 $0x1, v6;
	v20 =	vld.idx.msk [tilespmem:v17+s9+$0x0], $0xffff  }
0x30b: {  	v34 =	vld.idx.msk [tilespmem:v18+s8+$0x0], $0xffff  }
0x30c: {  	v35 =	vld.idx.msk [tilespmem:v14+s8+$0x0], $0xffff  }
0x30d: {  	v36 =	vld.idx.msk [tilespmem:v19+s8+$0x0], $0xffff  }
0x30e: {  	v37 =	vld.idx.msk [tilespmem:v19+s9+$0x0], $0xffff;
	v38 =	vmul.f32 v9, v8  }
0x30f: {  	v39 =	vld.idx.msk [tilespmem:v21+s9+$0x0], $0xffff;
	v9 =	vor.u32 $0x3, v6;
	v10 =	vmul.f32 v10, v12;
	v11 =	vmul.f32 v20, v11  }
0x310: {  	v40 =	vld.idx.msk [tilespmem:v6+s9+$0x0], $0xffff;
	v8 =	vor.u32 $0x4, v6  }
0x311: {  	v41 =	vld.idx.msk [tilespmem:v6+s8+$0x0], $0xffff;
	v22 =	vadd.f32 v34, v10;
	v26 =	vadd.f32 v11, v38  }
0x312: {  	v20 =	vld.idx.msk [tilespmem:v21+s8+$0x0], $0xffff  }
0x313: {  	v49 =	vld.idx.msk [tilespmem:v14+s0+$0x0], $0xffff;
	v24 =	vmul.f32 v37, v36;
	v22 =	vadd.f32 v22, v26  }
0x314: {  	v42 =	vld.idx.msk [tilespmem:v9+s8+$0x0], $0xffff  }
0x315: {  	v43 =	vld.idx.msk [tilespmem:v8+s9+$0x0], $0xffff;
	v22 =	vadd.f32 v24, v22  }
0x316: {  	v23 =	vmul.f32 v13, v35;
	v45 =	vmul.f32 v40, v41;
	v44 =	vld.idx.msk [tilespmem:v8+s8+$0x0], $0xffff  }
0x317: {  	v51 =	vld.idx.msk [tilespmem:v21+s0+$0x0], $0xffff;
	v20 =	vmul.f32 v39, v20;
	v22 =	vmul.f32 $1.442695020e+00, v22  }
0x318: {  	v56 =	vor.u32 $0x6, v15;
	v52 =	vld.idx.msk [tilespmem:v6+s0+$0x0], $0xffff  }
0x319: {  	v53 =	vld.idx.msk [tilespmem:v15+s0+$0x0], $0xffff;
	v20 =	vadd.f32 v20, v45;
	v23 =	vadd.f32 v42, v23;
	(erf) = vpow2.f32 v22  }
0x31a: {  	v58 =	vor.u32 $0x7, v15;
	v55 =	vld.idx.msk [tilespmem:v17+s0+$0x0], $0xffff  }
0x31b: {  	v7 =	vor.u32 $0x7, v6;
	v57 =	vld.idx.msk [tilespmem:v16+s0+$0x0], $0xffff;
	v50 =	vmul.f32 v43, v44;
	v20 =	vadd.f32 v23, v20  }
0x31c: {  	v59 =	vld.idx.msk [tilespmem:v18+s0+$0x0], $0xffff  }
0x31d: {  	v60 =	vld.idx.msk [tilespmem:v19+s0+$0x0], $0xffff;
	v20 =	vadd.f32 v50, v20  }
0x31e: {  	v54 =	vor.u32 $0x5, v15;
	v62 =	vld.idx.msk [tilespmem:v56+s0+$0x0], $0xffff  }
0x31f: {  	v63 =	vld.idx.msk [tilespmem:v58+s0+$0x0], $0xffff;
	v10 =	vor.u32 $0x6, v6;
	v20 =	vmul.f32 $1.442695020e+00, v20  }
0x320: {  	v12 =	vld.idx.msk [tilespmem:v7+s0+$0x0], $0xffff;
	v11 =	vor.u32 $0x5, v6  }
0x321: {  	v47 =	vld.idx.msk [tilespmem:v8+s0+$0x0], $0xffff;
	(erf) = vpow2.f32 v20  }
0x322: {  	v48 =	vld.idx.msk [tilespmem:v9+s0+$0x0], $0xffff;
	v61 =	vpop (erf)  }
0x323: {  	v20 =	vld.idx.msk [tilespmem:v54+s0+$0x0], $0xffff;
	v27 =	vmul.f32 v61, v53  }
0x324: {  	v13 =	vld.idx.msk [tilespmem:v10+s0+$0x0], $0xffff;
	v23 =	vmul.f32 v61, v55  }
0x325: {  	v46 =	vld.idx.msk [tilespmem:v11+s0+$0x0], $0xffff;
	v32 =	vmul.f32 v61, v57;
	[tilespmem:v15+s16+$0x0] =	vst.idx.msk $0xffff, v27  }
0x326: {  	v15 =	vmul.f32 v59, v61;
	[tilespmem:v17+s16+$0x0] =	vst.idx.msk $0xffff, v23  }
0x327: {  	v17 =	vmul.f32 v60, v61;
	[tilespmem:v16+s16+$0x0] =	vst.idx.msk $0xffff, v32  }
0x328: {  	v16 =	vmul.f32 v20, v61;
	[tilespmem:v18+s16+$0x0] =	vst.idx.msk $0xffff, v15  }
0x329: {  	v18 =	vmul.f32 v62, v61;
	[tilespmem:v19+s16+$0x0] =	vst.idx.msk $0xffff, v17  }
0x32a: {  	v17 =	vmul.f32 v63, v61;
	[tilespmem:v54+s16+$0x0] =	vst.idx.msk $0xffff, v16;
	v15 =	vpop (erf)  }
0x32b: {  	v16 =	vmul.f32 v15, v52;
	[tilespmem:v56+s16+$0x0] =	vst.idx.msk $0xffff, v18  }
0x32c: {  	s25 =	simm.s32 $0x30;
	v18 =	vmul.f32 v15, v51;
	[tilespmem:v58+s16+$0x0] =	vst.idx.msk $0xffff, v17  }
0x32d: {  	v20 =	vmul.f32 v15, v49;
	v17 =	vmov s25;
	[tilespmem:v6+s16+$0x0] =	vst.idx.msk $0xffff, v16  }
0x32e: {  	s29 =	simm.s32 $0x20;
	v16 =	vmul.f32 v46, v15;
	v6 =	vshll.u32 v17, $0x3;
	v17 =	vmul.f32 v48, v15;
	[tilespmem:v21+s16+$0x0] =	vst.idx.msk $0xffff, v18  }
0x32f: {  	s7 =	simm.s32 $0x40;
	v19 =	vmov s29;
	v6 =	vor.u32 v3, v6;
	v18 =	vmul.f32 v47, v15;
	[tilespmem:v14+s16+$0x0] =	vst.idx.msk $0xffff, v20  }
.LBB2_13:
0x330: {  	p0 =	sne.s32 s7, $0xE0;
	v19 =	vshll.u32 v19, $0x3;
	v14 =	vor.u32 $0x2, v6;
	[tilespmem:v9+s16+$0x0] =	vst.idx.msk $0xffff, v17;
	s25 =	smov.u32 s7;
	s7 =	sadd.s32 $0x20, s7  }
0x331: {  	v9 =	vmul.f32 v13, v15;
	v17 =	vor.u32 v3, v19;
	[tilespmem:v8+s16+$0x0] =	vst.idx.msk $0xffff, v18  }
0x332: {  	v8 =	vmul.f32 v12, v15;
	v18 =	vor.u32 $0x1, v17;
	v19 =	vor.u32 $0x2, v17;
	[tilespmem:v11+s16+$0x0] =	vst.idx.msk $0xffff, v16  }
0x333: {  	[tilespmem:v10+s16+$0x0] =	vst.idx.msk $0xffff, v9  }
0x334: {  	[tilespmem:v7+s16+$0x0] =	vst.idx.msk $0xffff, v8  }
0x335: {  	v10 =	vld.idx.msk [tilespmem:v14+s9+$0x0], $0xffff  }
0x336: {  	v7 =	vld.idx.msk [tilespmem:v17+s8+$0x0], $0xffff  }
0x337: {  	v15 =	vor.u32 $0x3, v17;
	v8 =	vld.idx.msk [tilespmem:v17+s9+$0x0], $0xffff  }
0x338: {  	v9 =	vld.idx.msk [tilespmem:v19+s9+$0x0], $0xffff  }
0x339: {  	v16 =	vor.u32 $0x4, v17;
	v11 =	vld.idx.msk [tilespmem:v18+s8+$0x0], $0xffff  }
0x33a: {  	v12 =	vld.idx.msk [tilespmem:v19+s8+$0x0], $0xffff  }
0x33b: {  	v20 =	vor.u32 $0x1, v6;
	v13 =	vld.idx.msk [tilespmem:v18+s9+$0x0], $0xffff  }
0x33c: {  	v21 =	vld.idx.msk [tilespmem:v15+s8+$0x0], $0xffff  }
0x33d: {  	v22 =	vmul.f32 v8, v7;
	v23 =	vld.idx.msk [tilespmem:v14+s8+$0x0], $0xffff  }
0x33e: {  	v24 =	vld.idx.msk [tilespmem:v16+s8+$0x0], $0xffff  }
0x33f: {  	v7 =	vor.u32 $0x7, v6;
	v25 =	vld.idx.msk [tilespmem:v16+s9+$0x0], $0xffff  }
0x340: {  	v12 =	vmul.f32 v9, v12;
	v9 =	vor.u32 $0x3, v6;
	v26 =	vld.idx.msk [tilespmem:v20+s9+$0x0], $0xffff  }
0x341: {  	v8 =	vor.u32 $0x4, v6;
	v11 =	vmul.f32 v13, v11;
	v13 =	vld.idx.msk [tilespmem:v20+s8+$0x0], $0xffff  }
0x342: {  	v21 =	vadd.f32 v21, v12;
	v27 =	vld.idx.msk [tilespmem:v6+s9+$0x0], $0xffff  }
0x343: {  	v22 =	vadd.f32 v11, v22;
	v23 =	vmul.f32 v10, v23;
	v10 =	vor.u32 $0x6, v6;
	v28 =	vld.idx.msk [tilespmem:v6+s8+$0x0], $0xffff  }
0x344: {  	v11 =	vor.u32 $0x5, v6;
	v12 =	vld.idx.msk [tilespmem:v7+s0+$0x0], $0xffff  }
0x345: {  	v21 =	vadd.f32 v21, v22;
	v22 =	vmul.f32 v25, v24;
	v24 =	vld.idx.msk [tilespmem:v9+s8+$0x0], $0xffff  }
0x346: {  	v25 =	vld.idx.msk [tilespmem:v8+s9+$0x0], $0xffff  }
0x347: {  	v21 =	vadd.f32 v22, v21;
	v22 =	vmul.f32 v26, v13;
	v26 =	vld.idx.msk [tilespmem:v8+s8+$0x0], $0xffff  }
0x348: {  	v13 =	vld.idx.msk [tilespmem:v10+s0+$0x0], $0xffff  }
0x349: {  	v21 =	vmul.f32 $1.442695020e+00, v21;
	v27 =	vmul.f32 v27, v28;
	v28 =	vld.idx.msk [tilespmem:v11+s0+$0x0], $0xffff  }
0x34a: {  	v29 =	vld.idx.msk [tilespmem:v8+s0+$0x0], $0xffff  }
0x34b: {  	v22 =	vadd.f32 v22, v27;
	v23 =	vadd.f32 v24, v23;
	v24 =	vld.idx.msk [tilespmem:v9+s0+$0x0], $0xffff;
	(erf) = vpow2.f32 v21  }
0x34c: {  	v21 =	vld.idx.msk [tilespmem:v14+s0+$0x0], $0xffff  }
0x34d: {  	v22 =	vadd.f32 v23, v22;
	v23 =	vmul.f32 v25, v26;
	v25 =	vld.idx.msk [tilespmem:v20+s0+$0x0], $0xffff  }
0x34e: {  	v26 =	vld.idx.msk [tilespmem:v6+s0+$0x0], $0xffff  }
0x34f: {  	v30 =	vor.u32 $0x5, v17;
	v22 =	vadd.f32 v23, v22;
	v27 =	vld.idx.msk [tilespmem:v17+s0+$0x0], $0xffff  }
0x350: {  	v31 =	vor.u32 $0x6, v17;
	v23 =	vld.idx.msk [tilespmem:v18+s0+$0x0], $0xffff  }
0x351: {  	v33 =	vor.u32 $0x7, v17;
	v22 =	vmul.f32 $1.442695020e+00, v22;
	v32 =	vld.idx.msk [tilespmem:v19+s0+$0x0], $0xffff  }
0x352: {  	v34 =	vld.idx.msk [tilespmem:v15+s0+$0x0], $0xffff  }
0x353: {  	v35 =	vld.idx.msk [tilespmem:v16+s0+$0x0], $0xffff;
	(erf) = vpow2.f32 v22  }
0x354: {  	v22 =	vld.idx.msk [tilespmem:v30+s0+$0x0], $0xffff;
	v36 =	vpop (erf)  }
0x355: {  	v27 =	vmul.f32 v36, v27;
	v37 =	vld.idx.msk [tilespmem:v31+s0+$0x0], $0xffff  }
0x356: {  	v23 =	vmul.f32 v36, v23;
	v38 =	vld.idx.msk [tilespmem:v33+s0+$0x0], $0xffff  }
0x357: {  	v32 =	vmul.f32 v36, v32;
	[tilespmem:v17+s16+$0x0] =	vst.idx.msk $0xffff, v27  }
0x358: {  	v17 =	vmul.f32 v34, v36;
	[tilespmem:v18+s16+$0x0] =	vst.idx.msk $0xffff, v23  }
0x359: {  	v18 =	vmul.f32 v35, v36;
	[tilespmem:v19+s16+$0x0] =	vst.idx.msk $0xffff, v32  }
0x35a: {  	v19 =	vmul.f32 v22, v36;
	[tilespmem:v15+s16+$0x0] =	vst.idx.msk $0xffff, v17  }
0x35b: {  	v17 =	vmul.f32 v37, v36;
	[tilespmem:v16+s16+$0x0] =	vst.idx.msk $0xffff, v18  }
0x35c: {  	v18 =	vmul.f32 v38, v36;
	[tilespmem:v30+s16+$0x0] =	vst.idx.msk $0xffff, v19;
	v15 =	vpop (erf)  }
.Ltmp5:
0x35d: {  	v19 =	vmul.f32 v15, v26;
	v16 =	vmul.f32 v28, v15;
	[tilespmem:v31+s16+$0x0] =	vst.idx.msk $0xffff, v17;
	(pc) =	sbr.rel @p0 .LBB2_13-.Ltmp5, $4  }
0x35e: {  	s18 =	sadd.s32 $0x10, s25;
	v22 =	vmul.f32 v15, v25;
	[tilespmem:v33+s16+$0x0] =	vst.idx.msk $0xffff, v18  }
0x35f: {  	v17 =	vmov s18;
	v21 =	vmul.f32 v15, v21;
	[tilespmem:v6+s16+$0x0] =	vst.idx.msk $0xffff, v19  }
0x360: {  	v6 =	vshll.u32 v17, $0x3;
	v17 =	vmul.f32 v24, v15;
	[tilespmem:v20+s16+$0x0] =	vst.idx.msk $0xffff, v22  }
0x361: {  	v18 =	vmul.f32 v29, v15;
	v19 =	vmov s25;
	v6 =	vor.u32 v3, v6;
	[tilespmem:v14+s16+$0x0] =	vst.idx.msk $0xffff, v21  }
0x362: {  	_ =	sdelay $0x3  }
0x363: {  	v14 =	vshll.u32 v19, $0x3;
	v19 =	vor.u32 $0x2, v6;
	[tilespmem:v9+s16+$0x0] =	vst.idx.msk $0xffff, v17  }
0x364: {  	v13 =	vmul.f32 v13, v15;
	v56 =	vor.u32 v3, v14;
	[tilespmem:v8+s16+$0x0] =	vst.idx.msk $0xffff, v18  }
0x365: {  	v57 =	vmul.f32 v12, v15;
	[tilespmem:v11+s16+$0x0] =	vst.idx.msk $0xffff, v16  }
0x366: {  	v11 =	vor.u32 $0x2, v56;
	[tilespmem:v10+s16+$0x0] =	vst.idx.msk $0xffff, v13  }
0x367: {  	v58 =	vor.u32 $0x1, v56;
	[tilespmem:v7+s16+$0x0] =	vst.idx.msk $0xffff, v57  }
0x368: {  	v7 =	vld.idx.msk [tilespmem:v19+s9+$0x0], $0xffff  }
0x369: {  	v8 =	vld.idx.msk [tilespmem:v56+s8+$0x0], $0xffff  }
0x36a: {  	v59 =	vld.idx.msk [tilespmem:v56+s9+$0x0], $0xffff  }
0x36b: {  	v60 =	vor.u32 $0x3, v56;
	v61 =	vld.idx.msk [tilespmem:v11+s9+$0x0], $0xffff  }
0x36c: {  	v63 =	vor.u32 $0x4, v56;
	v62 =	vld.idx.msk [tilespmem:v58+s8+$0x0], $0xffff  }
0x36d: {  	v17 =	vld.idx.msk [tilespmem:v11+s8+$0x0], $0xffff  }
0x36e: {  	v20 =	vor.u32 $0x1, v6;
	v18 =	vld.idx.msk [tilespmem:v58+s9+$0x0], $0xffff  }
0x36f: {  	v22 =	vld.idx.msk [tilespmem:v19+s8+$0x0], $0xffff  }
0x370: {  	v21 =	vld.idx.msk [tilespmem:v60+s8+$0x0], $0xffff  }
0x371: {  	v23 =	vld.idx.msk [tilespmem:v63+s8+$0x0], $0xffff  }
0x372: {  	v25 =	vor.u32 $0x7, v6;
	v24 =	vld.idx.msk [tilespmem:v63+s9+$0x0], $0xffff;
	v8 =	vmul.f32 v59, v8  }
0x373: {  	v26 =	vor.u32 $0x3, v6;
	v38 =	vld.idx.msk [tilespmem:v20+s9+$0x0], $0xffff;
	v14 =	vmul.f32 v61, v17;
	v15 =	vmul.f32 v18, v62  }
0x374: {  	v39 =	vld.idx.msk [tilespmem:v20+s8+$0x0], $0xffff;
	v18 =	vor.u32 $0x4, v6  }
0x375: {  	v27 =	vld.idx.msk [tilespmem:v6+s9+$0x0], $0xffff;
	v14 =	vadd.f32 v21, v14;
	v8 =	vadd.f32 v15, v8  }
0x376: {  	v41 =	vor.u32 $0x6, v6;
	v40 =	vld.idx.msk [tilespmem:v6+s8+$0x0], $0xffff  }
0x377: {  	v28 =	vor.u32 $0x5, v6;
	v29 =	vld.idx.msk [tilespmem:v25+s0+$0x0], $0xffff;
	v42 =	vmul.f32 v24, v23;
	v8 =	vadd.f32 v14, v8  }
0x378: {  	v43 =	vld.idx.msk [tilespmem:v26+s8+$0x0], $0xffff  }
0x379: {  	v44 =	vld.idx.msk [tilespmem:v18+s9+$0x0], $0xffff;
	v8 =	vadd.f32 v42, v8  }
0x37a: {  	v7 =	vmul.f32 v7, v22;
	v12 =	vmul.f32 v38, v39;
	v45 =	vld.idx.msk [tilespmem:v18+s8+$0x0], $0xffff  }
0x37b: {  	v46 =	vld.idx.msk [tilespmem:v41+s0+$0x0], $0xffff;
	v15 =	vmul.f32 v27, v40;
	v8 =	vmul.f32 $1.442695020e+00, v8  }
0x37c: {  	v47 =	vld.idx.msk [tilespmem:v28+s0+$0x0], $0xffff  }
0x37d: {  	v49 =	vld.idx.msk [tilespmem:v26+s0+$0x0], $0xffff;
	v7 =	vadd.f32 v43, v7;
	v12 =	vadd.f32 v12, v15;
	(erf) = vpow2.f32 v8  }
0x37e: {  	v50 =	vld.idx.msk [tilespmem:v19+s0+$0x0], $0xffff  }
0x37f: {  	v52 =	vld.idx.msk [tilespmem:v20+s0+$0x0], $0xffff;
	v7 =	vadd.f32 v7, v12;
	v51 =	vmul.f32 v44, v45  }
0x380: {  	v30 =	vor.u32 $0x5, v56;
	v53 =	vld.idx.msk [tilespmem:v6+s0+$0x0], $0xffff  }
0x381: {  	v54 =	vld.idx.msk [tilespmem:v56+s0+$0x0], $0xffff;
	v7 =	vadd.f32 v51, v7  }
0x382: {  	v31 =	vor.u32 $0x6, v56;
	v55 =	vld.idx.msk [tilespmem:v58+s0+$0x0], $0xffff  }
0x383: {  	v33 =	vor.u32 $0x7, v56;
	v32 =	vld.idx.msk [tilespmem:v11+s0+$0x0], $0xffff;
	v7 =	vmul.f32 $1.442695020e+00, v7  }
0x384: {  	v34 =	vld.idx.msk [tilespmem:v60+s0+$0x0], $0xffff  }
0x385: {  	(erf) = vpow2.f32 v7;
	v7 =	vld.idx.msk [tilespmem:v30+s0+$0x0], $0xffff  }
0x386: {  	v35 =	vld.idx.msk [tilespmem:v63+s0+$0x0], $0xffff;
	v36 =	vpop (erf)  }
0x387: {  	v37 =	vld.idx.msk [tilespmem:v31+s0+$0x0], $0xffff;
	v24 =	vmul.f32 v36, v54  }
0x388: {  	v38 =	vld.idx.msk [tilespmem:v33+s0+$0x0], $0xffff;
	v12 =	vmul.f32 v36, v55  }
0x389: {  	v48 =	vld.idx.msk [tilespmem:v18+s0+$0x0], $0xffff;
	v32 =	vmul.f32 v36, v32;
	[tilespmem:v56+s16+$0x0] =	vst.idx.msk $0xffff, v24  }
0x38a: {  	v7 =	vmul.f32 v7, v36;
	v56 =	vmul.f32 v34, v36;
	[tilespmem:v58+s16+$0x0] =	vst.idx.msk $0xffff, v12  }
0x38b: {  	v57 =	vmul.f32 v35, v36;
	[tilespmem:v11+s16+$0x0] =	vst.idx.msk $0xffff, v32  }
0x38c: {  	[tilespmem:v60+s16+$0x0] =	vst.idx.msk $0xffff, v56  }
0x38d: {  	v58 =	vmul.f32 v37, v36;
	[tilespmem:v63+s16+$0x0] =	vst.idx.msk $0xffff, v57  }
0x38e: {  	v59 =	vmul.f32 v38, v36;
	[tilespmem:v30+s16+$0x0] =	vst.idx.msk $0xffff, v7;
	v7 =	vpop (erf)  }
0x38f: {  	v60 =	vmul.f32 v7, v53;
	[tilespmem:v31+s16+$0x0] =	vst.idx.msk $0xffff, v58  }
0x390: {  	v61 =	vmul.f32 v7, v52;
	[tilespmem:v33+s16+$0x0] =	vst.idx.msk $0xffff, v59  }
0x391: {  	v8 =	vmul.f32 v7, v50;
	[tilespmem:v6+s16+$0x0] =	vst.idx.msk $0xffff, v60  }
0x392: {  	v6 =	vmul.f32 v49, v7;
	[tilespmem:v20+s16+$0x0] =	vst.idx.msk $0xffff, v61  }
0x393: {  	v62 =	vmul.f32 v48, v7;
	[tilespmem:v19+s16+$0x0] =	vst.idx.msk $0xffff, v8  }
0x394: {  	v63 =	vmul.f32 v47, v7;
	[tilespmem:v26+s16+$0x0] =	vst.idx.msk $0xffff, v6  }
0x395: {  	s22 =	sadd.s32 $0x1, s22;
	v6 =	vmul.f32 v46, v7;
	[tilespmem:v18+s16+$0x0] =	vst.idx.msk $0xffff, v62  }
0x396: {  	p0 =	sne.s32 s22, $0x31;
	v7 =	vmul.f32 v29, v7;
	[tilespmem:v28+s16+$0x0] =	vst.idx.msk $0xffff, v63  }
.Ltmp6:
0x397: {  	[tilespmem:v41+s16+$0x0] =	vst.idx.msk $0xffff, v6;
	(pc) =	sbr.rel @p0 .LBB2_10-.Ltmp6, $4  }
0x398: {  	[tilespmem:v25+s16+$0x0] =	vst.idx.msk $0xffff, v7  }
0x399: {  	[spmem:s3] =	stream.indirect.scatter.add.f32 [tilespmem:s16], [sflag:$0x4], $0x8, s24, s30, $0xb8;
	[tilespmem:$0x165C0] =	vst v63  }
0x39a: {  	s7 =	sadd.s32 $0x6280, s23  }
0x39b: {  	[spmem:s3] =	stream.indirect.scatter.add.f32 [tilespmem:s17], [sflag:$0x4], $0x8, s7, s30, $0xb8;
	[tilespmem:$0x165C0] =	vst v63  }
0x39c: {  	s7 =	simm.s32 $0x3  }
0x39d: {  	_ =	swait.ge [sflag:s7], $0x400  }
0x39e: {  	[sflag:s7] =	ssyncset.done $0x0  }
0x39f: {  	[sflag:s7] =	ssyncadd.s32 $0xFFFFFC00  }
0x3a0: {  	_ =	swait.ge [sflag:s7], $0x400  }
0x3a1: {  	[sflag:s7] =	ssyncset.done $0x0  }
0x3a2: {  	[sflag:s7] =	ssyncadd.s32 $0xFFFFFC00  }
0x3a3: {  	_ =	swait.ge [sflag:s19], $0x400  }
0x3a4: {  	[sflag:s19] =	ssyncset.done $0x0  }
0x3a5: {  	[sflag:s19] =	ssyncadd.s32 $0xFFFFFC00  }
0x3a6: {  	_ =	swait.ge [sflag:s19], $0x400  }
0x3a7: {  	[sflag:s19] =	ssyncset.done $0x0  }
0x3a8: {  	[sflag:s19] =	ssyncadd.s32 $0xFFFFFC00  }
0x3a9: {  	s25 =	stileid.u32;
	[bflag:$0x0] =	sbarrier.arrive $0xFFFF  }
0x3aa: {  	s7 =	sshll.u32 s25, $0x6;
	s21 =	rddreg [dreg:$0x4]  }
0x3ab: {  	s7 =	sor.u32 $0x1C05, s7;
	s22 =	rddreg [dreg:$0x13];
	s18 =	sshrl.u32 s21, $0x3  }
0x3ac: {  	[hbm:s22], [sflag:s7] =	dma.local [spmem:s18], $0xC38  }
0x3ad: {  	_ =	swait.ge [sflag:s28], $0xC38  }
0x3ae: {  	s20 =	sadd.s32 $0x1, s20;
	s29 =	rddreg [dreg:$0x16]  }
0x3af: {  	p0 =	sne.s32 s20, s29  }
.Ltmp7:
0x3b0: {  	_ = 	snop;
	(pc) =	sbr.rel @p0 .LBB2_1-.Ltmp7, $3  }
0x3b1: {  	_ =	sdelay $0x1  }
0x3b2: {  	[sflag:s28] =	ssyncset.done $0x0  }
0x3b3: {  	[sflag:s28] =	ssyncadd.s32 $0xFFFFF3C8  }
0x3b4: {  	_ =	sfence.sel $0x180000  }
0x3b5: {  	[bflag:$0x0] =	sbarrier.arrive $0xFFFF  }
0x3b6: {  	_ =	strace $0x90000047  }
0x3b7: {  	s0 =	stileid.u32;
	[bflag:$0x2] =	sbarrier.arrive $0xFFFF  }
0x3b8: {  	p0 =	sne.s32 s0, $0x0;
	s0 =	rddreg [dreg:$0x3]  }
0x3b9: {  	s0 =	sadd.s32 @!p0 $0x100000, s0  }
0x3ba: {  	[sflag:s0] =	ssyncadd.tile.s32 @!p0 $0x1;
	_ =	shalt  }
.Lfunc_end2:
_tile_overlayer_lowered:
.L_overlay_start_2:
0x3bb: {  	(tag) =	ssettag $0x2  }
0x3bc: {  	s0 =	rddreg [dreg:$0x0];
	s2 =	stileid.u32  }
0x3bd: {  	s1 =	rddreg [dreg:$0x1];
	p0 =	sne.s32 s2, $0x0  }
0x3be: {  	s3 =	rddreg [dreg:$0x2];
	[bflag:$0x3] =	sbarrier.arrive $0xFFFF;
	s2 =	simm.s32 @!p0 $0x1C05  }
0x3bf: {  	[timem:s3], [sflag:s2] =	dma.local @!p0 [hbm:s0], s1  }
0x3c0: {  	s0 =	simm.s32 @!p0 $0x5  }
0x3c1: {  	_ =	swait.ge @!p0 [sflag:s0], s1  }
0x3c2: {  	s1 =	ssub.s32 @!p0 $0x0, s1;
	[sflag:s0] =	ssyncset.done @!p0 $0x0  }
0x3c3: {  	[sflag:s0] =	ssyncadd.s32 @!p0 s1  }
0x3c4: {  	[bflag:$0x3] =	sbarrier.arrive $0xFFFF  }
0x3c5: {  	_ =	shalt  }

</sc_bundles>
